<compile_context>
chip_gen: v7x
topology: tpu7x:2x2x1
jax: 0.10.2.dev20260603
libtpu: 0.0.44.dev20260713+nightly
codegen_flags: <defaults>
</compile_context>

<pallas_src>
import functools

import numpy as _np

import jax
import jax.numpy as jnp
from jax import lax
from jax.experimental import pallas as pl
from jax.experimental.pallas import tpu as pltpu
from jax.experimental.pallas import tpu_sc as plsc

NC = 2
NS = 16
NW = NC * NS
CHUNK = 128
GROUP = 8
F = 16
FD = 8


def _edge_pass(n_pad, e_chunks, f):
    cpw = e_chunks // NW
    ngroups = cpw // GROUP
    rpt = n_pad // NS
    mesh = plsc.VectorSubcoreMesh(core_axis_name="c", subcore_axis_name="s")

    assert ngroups % 2 == 0

    @functools.partial(
        pl.kernel,
        out_type=jax.ShapeDtypeStruct((NC, n_pad, f), jnp.float32),
        mesh=mesh,
        scratch_types=[
            pltpu.VMEM((2, GROUP, CHUNK), jnp.int32),
            pltpu.VMEM((2, GROUP, CHUNK), jnp.int32),
            pltpu.VMEM((2, GROUP * CHUNK, f), jnp.float32),
            pltpu.VMEM_SHARED((n_pad, f), jnp.float32),
            pltpu.VMEM_SHARED((n_pad, f), jnp.float32),
            pltpu.SemaphoreType.DMA,
        ],
        compiler_params=pltpu.CompilerParams(use_tc_tiling_on_sc=False),
    )
    def ek(ei_hbm, hs_hbm, zeros_hbm, out_hbm, src_v, dst_v, rows_v,
           accum_sh, hs_sh, sem):
        c = lax.axis_index("c")
        s = lax.axis_index("s")
        wid = s * NC + c
        base = wid * cpw

        def fetch(g, buf):
            pltpu.sync_copy(ei_hbm.at[0].at[pl.ds(base + g * GROUP, GROUP)],
                            src_v.at[buf])
            pltpu.sync_copy(ei_hbm.at[1].at[pl.ds(base + g * GROUP, GROUP)],
                            dst_v.at[buf])
            for j in range(GROUP):
                pltpu.async_copy(hs_sh.at[src_v.at[buf].at[j]],
                                 rows_v.at[buf].at[pl.ds(j * CHUNK, CHUNK)],
                                 sem)

        def drain(buf):
            pltpu.make_async_copy(zeros_hbm.at[pl.ds(0, GROUP * CHUNK)],
                                  rows_v.at[buf], sem).wait()

        def scatter(buf):
            for j in range(GROUP):
                pltpu.sync_copy(rows_v.at[buf].at[pl.ds(j * CHUNK, CHUNK)],
                                accum_sh.at[dst_v.at[buf].at[j]], add=True)

        pltpu.sync_copy(hs_hbm.at[pl.ds(s * rpt, rpt)],
                        hs_sh.at[pl.ds(s * rpt, rpt)])
        pltpu.sync_copy(zeros_hbm.at[pl.ds(s * rpt, rpt)],
                        accum_sh.at[pl.ds(s * rpt, rpt)])
        plsc.subcore_barrier()
        fetch(0, 0)

        def pair_body(t, carry):
            g = 2 * t
            fetch(g + 1, 1)
            drain(0)
            scatter(0)
            fetch(g + 2, 0)
            drain(1)
            scatter(1)
            return carry

        lax.fori_loop(0, ngroups // 2, pair_body, 0)
        drain(0)
        plsc.subcore_barrier()
        pltpu.sync_copy(accum_sh.at[pl.ds(s * rpt, rpt)],
                        out_hbm.at[c].at[pl.ds(s * rpt, rpt)])

    return ek


def _deg_pass(n_pad, e_chunks, f):
    cpw = e_chunks // NW
    ngroups = cpw // GROUP
    rpt = n_pad // NS
    mesh = plsc.VectorSubcoreMesh(core_axis_name="c", subcore_axis_name="s")

    @functools.partial(
        pl.kernel,
        out_type=jax.ShapeDtypeStruct((NC, n_pad, f), jnp.float32),
        mesh=mesh,
        scratch_types=[
            pltpu.VMEM((GROUP, CHUNK), jnp.int32),
            pltpu.VMEM((CHUNK, f), jnp.float32),
            pltpu.VMEM_SHARED((n_pad, f), jnp.float32),
        ],
        compiler_params=pltpu.CompilerParams(use_tc_tiling_on_sc=False),
    )
    def dk(ei_hbm, ones_hbm, zeros_hbm, out_hbm, dst_v, ones_v, accum_sh):
        c = lax.axis_index("c")
        s = lax.axis_index("s")
        wid = s * NC + c
        pltpu.sync_copy(ones_hbm, ones_v)
        pltpu.sync_copy(zeros_hbm.at[pl.ds(s * rpt, rpt)],
                        accum_sh.at[pl.ds(s * rpt, rpt)])
        plsc.subcore_barrier()

        def group_body(g, carry):
            row0 = wid * cpw + g * GROUP
            pltpu.sync_copy(ei_hbm.at[1].at[pl.ds(row0, GROUP)], dst_v)
            for j in range(GROUP):
                pltpu.sync_copy(ones_v, accum_sh.at[dst_v.at[j]], add=True)
            return carry

        lax.fori_loop(0, ngroups, group_body, 0)
        plsc.subcore_barrier()
        pltpu.sync_copy(accum_sh.at[pl.ds(s * rpt, rpt)],
                        out_hbm.at[c].at[pl.ds(s * rpt, rpt)])

    return dk


def _tc_stage1(n_pad, n, d):
    mw = n_pad * F // 128
    mn = n * F // 128
    mw8 = n_pad * FD // 128

    def body(degp_ref, x8_ref, w1b_ref, sel_ref, hs_ref, dis_ref, dis8_ref):
        dw = degp_ref[0] + degp_ref[1] + 1.0
        dis8 = lax.rsqrt(dw)
        dis_w = jnp.dot(dis8, sel_ref[...],
                        preferred_element_type=jnp.float32,
                        precision=lax.Precision.HIGHEST).reshape(mw, 128)
        dis_ref[...] = dis_w
        dis8_ref[...] = dis8
        h_w = jnp.dot(x8_ref[...], w1b_ref[...],
                      preferred_element_type=jnp.float32)
        hs_ref[:mn] = h_w * dis_w[:mn]
        hs_ref[mn:] = jnp.zeros((mw - mn, 128), jnp.float32)

    return pl.pallas_call(
        body,
        out_shape=[
            jax.ShapeDtypeStruct((mw, 128), jnp.float32),
            jax.ShapeDtypeStruct((mw, 128), jnp.float32),
            jax.ShapeDtypeStruct((mw8, 128), jnp.float32),
        ],
    )


def _tc_stage2(n_pad):
    mw = n_pad * F // 128
    mw8 = n_pad * FD // 128

    def body(accp_ref, hs1_ref, dis_ref, dis8_ref, w2b_ref, b1_ref, perm_ref,
             hs2_ref):
        a = accp_ref[0] + accp_ref[1] + hs1_ref[...]
        out1 = dis_ref[...] * a + b1_ref[...]
        r = jnp.maximum(out1, 0.0)
        h2 = jnp.dot(r, w2b_ref[...],
                     preferred_element_type=jnp.float32,
                     precision=lax.Precision.HIGHEST)
        h2_8 = jnp.dot(h2.reshape(mw8, 256), perm_ref[...],
                       preferred_element_type=jnp.float32,
                       precision=lax.Precision.HIGHEST)
        hs2_ref[...] = h2_8 * dis8_ref[...]

    return pl.pallas_call(
        body,
        out_shape=jax.ShapeDtypeStruct((mw8, 128), jnp.float32),
    )


def _tc_stage3(n_pad, c_out):

    def body(accp_ref, hs2_ref, dis8_ref, b2_ref, cmask_ref, gsum_ref,
             out_ref):
        v = (dis8_ref[...] * (accp_ref[0] + accp_ref[1] + hs2_ref[...])
             + b2_ref[...])
        e = jnp.exp(v) * cmask_ref[...]
        ssum = jnp.dot(e, gsum_ref[...],
                       preferred_element_type=jnp.float32,
                       precision=lax.Precision.HIGHEST)
        out_ref[...] = v - jnp.log(ssum)

    mw8 = n_pad * FD // 128
    return pl.pallas_call(
        body,
        out_shape=jax.ShapeDtypeStruct((mw8, 128), jnp.float32),
    )


def kernel(x, edge_index, W1, b1, W2, b2):
    n, d = x.shape
    h_dim = W1.shape[1]
    c_out = W2.shape[1]
    e = edge_index.shape[1]
    assert h_dim == F and c_out <= F and n % 8 == 0

    n_pad = ((n + 1 + NS * 8 - 1) // (NS * 8)) * (NS * 8)
    step = NW * CHUNK * GROUP
    e_pad = ((e + step - 1) // step) * step
    e_chunks = e_pad // CHUNK
    mw = n_pad * F // 128

    assert e % CHUNK == 0
    ei_pad = jnp.pad(edge_index.reshape(2, e // CHUNK, CHUNK),
                     ((0, 0), (0, e_chunks + GROUP - e // CHUNK), (0, 0)),
                     constant_values=n)

    zeros16 = jnp.asarray(_np.zeros((n_pad, F), _np.float32))
    zeros8 = jnp.asarray(_np.zeros((n_pad, FD), _np.float32))
    ones_chunk = jnp.asarray(_np.ones((CHUNK, FD), _np.float32))
    sel_np = _np.zeros((128, 256), _np.float32)
    for a in range(16):
        sel_np[8 * a, 16 * a:16 * (a + 1)] = 1.0
    sel = jnp.asarray(sel_np)

    x8 = x.reshape(n // 8, 8 * d)
    w1big = jnp.zeros((8 * d, 128), jnp.float32)
    for a in range(8):
        w1big = w1big.at[a * d:(a + 1) * d, a * F:(a + 1) * F].set(W1)
    w2p = jnp.zeros((F, F), jnp.float32).at[:, :c_out].set(W2)
    w2big = jnp.zeros((128, 128), jnp.float32)
    for a in range(8):
        w2big = w2big.at[a * F:(a + 1) * F, a * F:(a + 1) * F].set(w2p)
    b1_w = jnp.tile(b1, 8).reshape(1, 128)
    b2p = jnp.zeros((FD,), jnp.float32).at[:c_out].set(b2)
    b2_w = jnp.tile(b2p, 128 // FD).reshape(1, 128)
    lane = _np.arange(128)
    cmask_w = jnp.asarray(
        (lane % FD < c_out).astype(_np.float32).reshape(1, 128))
    gsum = jnp.asarray(
        (lane[:, None] // FD == lane[None, :] // FD).astype(_np.float32))
    perm_np = _np.zeros((256, 128), _np.float32)
    for b in range(2):
        for a in range(8):
            for j in range(FD):
                perm_np[128 * b + 16 * a + j, 64 * b + 8 * a + j] = 1.0
    perm = jnp.asarray(perm_np)

    degp = _deg_pass(n_pad, e_chunks, FD)(ei_pad, ones_chunk, zeros8)
    degp_w = degp.reshape(NC, n_pad * FD // 128, 128)
    hs1_w, dis_w, dis8_w = _tc_stage1(n_pad, n, d)(degp_w, x8, w1big, sel)
    hs1 = hs1_w.reshape(n_pad, F)
    accp1 = _edge_pass(n_pad, e_chunks, F)(ei_pad, hs1, zeros16)
    accp1_w = accp1.reshape(NC, mw, 128)
    hs2_w = _tc_stage2(n_pad)(accp1_w, hs1_w, dis_w, dis8_w, w2big, b1_w, perm)
    hs2 = hs2_w.reshape(n_pad, FD)
    accp2 = _edge_pass(n_pad, e_chunks, FD)(ei_pad, hs2, zeros8)
    accp2_w = accp2.reshape(NC, n_pad * FD // 128, 128)
    out_w = _tc_stage3(n_pad, c_out)(accp2_w, hs2_w, dis8_w, b2_w, cmask_w,
                                     gsum)
    return out_w.reshape(n_pad, FD)[:n, :c_out]

# --- scband reference (transcript-rebuilt; emitter-appended) ---
"""Pipeline reference for scband-gcn-66511863546049 (READ-ONLY COPY).

The authoritative reference and input builder live on the scoring server;
editing this copy changes nothing except your own understanding.
"""

import jax, jax.numpy as jnp
import numpy as np

N = 10000
E = 320000
D = 128
H = 16
C = 7


def gcn_conv(x, edge_index, W, b):
    n = x.shape[0]
    src = edge_index[0]
    dst = edge_index[1]
    # add self-loops (PyG GCNConv default add_self_loops=True)
    loop = jnp.arange(n, dtype=src.dtype)
    src = jnp.concatenate([src, loop])
    dst = jnp.concatenate([dst, loop])
    ew = jnp.ones(src.shape[0], dtype=x.dtype)
    # symmetric normalization: deg computed on destination (col) index
    deg = jnp.zeros(n, dtype=x.dtype).at[dst].add(ew)
    deg_inv_sqrt = jnp.where(deg > 0, deg ** -0.5, 0.0)
    norm = deg_inv_sqrt[src] * ew * deg_inv_sqrt[dst]
    h = x @ W
    msg = h[src] * norm[:, None]
    out = jnp.zeros((n, h.shape[1]), dtype=x.dtype).at[dst].add(msg)
    return out + b


def setup_inputs(seed: int = 0) -> dict:
    key = jax.random.key(seed)
    k1, k2, k3, k4, k5, k6 = jax.random.split(key, 6)
    x = jax.random.normal(k1, (N, D), dtype=jnp.float32)
    edge_index = jax.random.randint(k2, (2, E), 0, N, dtype=jnp.int32)
    W1 = jax.random.normal(k3, (D, H), dtype=jnp.float32) * (1.0 / np.sqrt(D))
    b1 = jnp.zeros((H,), dtype=jnp.float32)
    W2 = jax.random.normal(k4, (H, C), dtype=jnp.float32) * (1.0 / np.sqrt(H))
    b2 = jnp.zeros((C,), dtype=jnp.float32)
    return {"x": x, "edge_index": edge_index, "W1": W1, "b1": b1, "W2": W2, "b2": b2}


def reference(x, edge_index, W1, b1, W2, b2):
    h = gcn_conv(x, edge_index, W1, b1)
    h = jax.nn.relu(h)
    # F.dropout in eval mode -> identity (deterministic reference)
    out = gcn_conv(h, edge_index, W2, b2)
    return jax.nn.log_softmax(out, axis=1)

if __name__ == "__main__":
    import jax
    _d = setup_inputs()
    print(jax.jit(kernel)(*tuple(_d.values())))

</pallas_src>

<mosaic_0001>
#map = affine_map<(d0, d1) -> (0, 0, 0)>
#map1 = affine_map<(d0, d1) -> (0, 0)>
module attributes {stable_mosaic.version = 14 : i64} {
  func.func @dk(%arg0: i32, %arg1: i32, %arg2: memref<2x2568x128xi32, #tpu.memory_space<hbm>>, %arg3: memref<128x8xf32, #tpu.memory_space<hbm>>, %arg4: memref<10112x8xf32, #tpu.memory_space<hbm>>, %arg5: memref<2x10112x8xf32, #tpu.memory_space<hbm>>, %arg6: memref<8x128xi32, #tpu.memory_space<vmem>>, %arg7: memref<128x8xf32, #tpu.memory_space<vmem>>, %arg8: memref<10112x8xf32, #tpu.memory_space<vmem_shared>>) attributes {dimension_semantics = [#tpu.dimension_semantics<core_parallel>, #tpu.dimension_semantics<subcore_parallel>], iteration_bounds = array<i64: 2, 16>, scalar_prefetch = 0 : i64, scratch_operands = 3 : i64, tpu.core_type = #tpu.core_type<sc_vector_subcore>, window_params = [{transform_indices = #map}, {transform_indices = #map1}, {transform_indices = #map1}, {transform_indices = #map}]} {
    %mul3A = arith.constant 2 : i32
    %mul3A_0 = arith.muli %arg1, %mul3A : i32
    %add3A = arith.addi %mul3A_0, %arg0 : i32
    "tpu.region"() ({
      %run_scoped3A = tpu.sem_alloc : memref<!tpu.dma_semaphore, #tpu.memory_space<semaphore_mem>>
      tpu.enqueue_dma source(%arg3 : memref<128x8xf32, #tpu.memory_space<hbm>>) target(%arg7 : memref<128x8xf32, #tpu.memory_space<vmem>>) target_semaphore(%run_scoped3A : memref<!tpu.dma_semaphore, #tpu.memory_space<semaphore_mem>>)
      tpu.wait_dma2 semaphore(%run_scoped3A : memref<!tpu.dma_semaphore, #tpu.memory_space<semaphore_mem>>) src(%arg3 : memref<128x8xf32, #tpu.memory_space<hbm>>) dst(%arg7 : memref<128x8xf32, #tpu.memory_space<vmem>>)
      tpu.yield
    }) : () -> ()
    %mul3A_1 = arith.constant 632 : i32
    %mul3A_2 = arith.muli %arg1, %mul3A_1 : i32
    %mul3A_3 = arith.constant 632 : i32
    %mul3A_4 = arith.muli %arg1, %mul3A_3 : i32
    "tpu.region"() ({
      %run_scoped3A = tpu.sem_alloc : memref<!tpu.dma_semaphore, #tpu.memory_space<semaphore_mem>>
      %dma_start3A = arith.constant 0 : i32
      %dma_start3A_15 = tpu.memref_slice %arg8[%mul3A_4, %dma_start3A] : memref<10112x8xf32, #tpu.memory_space<vmem_shared>> -> memref<632x8xf32, #tpu.memory_space<vmem_shared>>
      %dma_start3A_16 = arith.constant 0 : i32
      %dma_start3A_17 = tpu.memref_slice %arg4[%mul3A_2, %dma_start3A_16] : memref<10112x8xf32, #tpu.memory_space<hbm>> -> memref<632x8xf32, #tpu.memory_space<hbm>>
      tpu.enqueue_dma source(%dma_start3A_17 : memref<632x8xf32, #tpu.memory_space<hbm>>) target(%dma_start3A_15 : memref<632x8xf32, #tpu.memory_space<vmem_shared>>) target_semaphore(%run_scoped3A : memref<!tpu.dma_semaphore, #tpu.memory_space<semaphore_mem>>)
      %dma_wait3A = arith.constant 0 : i32
      %dma_wait3A_18 = tpu.memref_slice %arg8[%mul3A_4, %dma_wait3A] : memref<10112x8xf32, #tpu.memory_space<vmem_shared>> -> memref<632x8xf32, #tpu.memory_space<vmem_shared>>
      %dma_wait3A_19 = arith.constant 0 : i32
      %dma_wait3A_20 = tpu.memref_slice %arg4[%mul3A_2, %dma_wait3A_19] : memref<10112x8xf32, #tpu.memory_space<hbm>> -> memref<632x8xf32, #tpu.memory_space<hbm>>
      tpu.wait_dma2 semaphore(%run_scoped3A : memref<!tpu.dma_semaphore, #tpu.memory_space<semaphore_mem>>) src(%dma_wait3A_20 : memref<632x8xf32, #tpu.memory_space<hbm>>) dst(%dma_wait3A_18 : memref<632x8xf32, #tpu.memory_space<vmem_shared>>)
      tpu.yield
    }) : () -> ()
    %barrier3A = arith.constant 0 : index
    tpu.barrier barrier_id(%barrier3A)
    %scan3A = arith.constant 0 : i32
    %scan3A_5 = arith.constant 0 : i32
    %scan3A_6 = arith.constant 10 : i32
    %scan3A_7 = arith.addi %scan3A_5, %scan3A_6 : i32
    %scan3A_8 = arith.constant 1 : i32
    scf.for %scan3A_15 = %scan3A_5 to %scan3A_7 step %scan3A_8  : i32 {
      %mul3A_16 = arith.constant 80 : i32
      %mul3A_17 = arith.muli %add3A, %mul3A_16 : i32
      %mul3A_18 = arith.constant 8 : i32
      %mul3A_19 = arith.muli %scan3A_15, %mul3A_18 : i32
      %add3A_20 = arith.addi %mul3A_17, %mul3A_19 : i32
      %run_scoped3A = arith.constant 1 : i32
      "tpu.region"() ({
        %run_scoped3A_29 = tpu.sem_alloc : memref<!tpu.dma_semaphore, #tpu.memory_space<semaphore_mem>>
        %dma_start3A = arith.constant 0 : i32
        %dma_start3A_30 = arith.constant 0 : i32
        %dma_start3A_31 = tpu.memref_slice %arg2[%run_scoped3A, %dma_start3A, %dma_start3A_30] : memref<2x2568x128xi32, #tpu.memory_space<hbm>> -> memref<1x2568x128xi32, #tpu.memory_space<hbm>>
        %dma_start3A_32 = tpu.memref_squeeze %dma_start3A_31 : memref<1x2568x128xi32, #tpu.memory_space<hbm>> -> memref<2568x128xi32, #tpu.memory_space<hbm>>
        %dma_start3A_33 = arith.constant 0 : i32
        %dma_start3A_34 = tpu.memref_slice %dma_start3A_32[%add3A_20, %dma_start3A_33] : memref<2568x128xi32, #tpu.memory_space<hbm>> -> memref<8x128xi32, #tpu.memory_space<hbm>>
        %dma_start3A_35 = arith.constant 0 : i32
        %dma_start3A_36 = arith.constant 0 : i32
        %dma_start3A_37 = tpu.memref_slice %arg2[%run_scoped3A, %dma_start3A_35, %dma_start3A_36] : memref<2x2568x128xi32, #tpu.memory_space<hbm>> -> memref<1x2568x128xi32, #tpu.memory_space<hbm>>
        %dma_start3A_38 = tpu.memref_squeeze %dma_start3A_37 : memref<1x2568x128xi32, #tpu.memory_space<hbm>> -> memref<2568x128xi32, #tpu.memory_space<hbm>>
        %dma_start3A_39 = arith.constant 0 : i32
        %dma_start3A_40 = tpu.memref_slice %dma_start3A_38[%add3A_20, %dma_start3A_39] : memref<2568x128xi32, #tpu.memory_space<hbm>> -> memref<8x128xi32, #tpu.memory_space<hbm>>
        tpu.enqueue_dma source(%dma_start3A_40 : memref<8x128xi32, #tpu.memory_space<hbm>>) target(%arg6 : memref<8x128xi32, #tpu.memory_space<vmem>>) target_semaphore(%run_scoped3A_29 : memref<!tpu.dma_semaphore, #tpu.memory_space<semaphore_mem>>)
        %dma_wait3A = arith.constant 0 : i32
        %dma_wait3A_41 = arith.constant 0 : i32
        %dma_wait3A_42 = tpu.memref_slice %arg2[%run_scoped3A, %dma_wait3A, %dma_wait3A_41] : memref<2x2568x128xi32, #tpu.memory_space<hbm>> -> memref<1x2568x128xi32, #tpu.memory_space<hbm>>
        %dma_wait3A_43 = tpu.memref_squeeze %dma_wait3A_42 : memref<1x2568x128xi32, #tpu.memory_space<hbm>> -> memref<2568x128xi32, #tpu.memory_space<hbm>>
        %dma_wait3A_44 = arith.constant 0 : i32
        %dma_wait3A_45 = tpu.memref_slice %dma_wait3A_43[%add3A_20, %dma_wait3A_44] : memref<2568x128xi32, #tpu.memory_space<hbm>> -> memref<8x128xi32, #tpu.memory_space<hbm>>
        %dma_wait3A_46 = arith.constant 0 : i32
        %dma_wait3A_47 = arith.constant 0 : i32
        %dma_wait3A_48 = tpu.memref_slice %arg2[%run_scoped3A, %dma_wait3A_46, %dma_wait3A_47] : memref<2x2568x128xi32, #tpu.memory_space<hbm>> -> memref<1x2568x128xi32, #tpu.memory_space<hbm>>
        %dma_wait3A_49 = tpu.memref_squeeze %dma_wait3A_48 : memref<1x2568x128xi32, #tpu.memory_space<hbm>> -> memref<2568x128xi32, #tpu.memory_space<hbm>>
        %dma_wait3A_50 = arith.constant 0 : i32
        %dma_wait3A_51 = tpu.memref_slice %dma_wait3A_49[%add3A_20, %dma_wait3A_50] : memref<2568x128xi32, #tpu.memory_space<hbm>> -> memref<8x128xi32, #tpu.memory_space<hbm>>
        tpu.wait_dma2 semaphore(%run_scoped3A_29 : memref<!tpu.dma_semaphore, #tpu.memory_space<semaphore_mem>>) src(%dma_wait3A_51 : memref<8x128xi32, #tpu.memory_space<hbm>>) dst(%arg6 : memref<8x128xi32, #tpu.memory_space<vmem>>)
        tpu.yield
      }) : () -> ()
      %run_scoped3A_21 = arith.constant 0 : i32
      "tpu.region"() ({
        %run_scoped3A_29 = tpu.sem_alloc : memref<!tpu.dma_semaphore, #tpu.memory_space<semaphore_mem>>
        %dma_start3A = arith.constant 0 : i32
        %dma_start3A_30 = tpu.memref_slice %arg6[%run_scoped3A_21, %dma_start3A] : memref<8x128xi32, #tpu.memory_space<vmem>> -> memref<1x128xi32, #tpu.memory_space<vmem>>
        %dma_start3A_31 = tpu.memref_squeeze %dma_start3A_30 : memref<1x128xi32, #tpu.memory_space<vmem>> -> memref<128xi32, #tpu.memory_space<vmem>>
        %dma_start3A_32 = arith.constant 0 : i32
        %dma_start3A_33 = arith.constant 0 : i32
        %dma_start3A_34 = tpu.memref_slice %arg8[%dma_start3A_32, %dma_start3A_33] : memref<10112x8xf32, #tpu.memory_space<vmem_shared>> -> memref<10112x8xf32, #tpu.memory_space<vmem_shared>>
        tpu.enqueue_indirect_dma source(%arg7 : memref<128x8xf32, #tpu.memory_space<vmem>>) target(%dma_start3A_34 : memref<10112x8xf32, #tpu.memory_space<vmem_shared>>) offsets(%dma_start3A_31 : memref<128xi32, #tpu.memory_space<vmem>>) semaphore(%run_scoped3A_29 : memref<!tpu.dma_semaphore, #tpu.memory_space<semaphore_mem>>) {add = true}
        %dma_wait3A = arith.constant 0 : i32
        %dma_wait3A_35 = tpu.memref_slice %arg6[%run_scoped3A_21, %dma_wait3A] : memref<8x128xi32, #tpu.memory_space<vmem>> -> memref<1x128xi32, #tpu.memory_space<vmem>>
        %dma_wait3A_36 = tpu.memref_squeeze %dma_wait3A_35 : memref<1x128xi32, #tpu.memory_space<vmem>> -> memref<128xi32, #tpu.memory_space<vmem>>
        %dma_wait3A_37 = arith.constant 0 : i32
        %dma_wait3A_38 = arith.constant 0 : i32
        %dma_wait3A_39 = tpu.memref_slice %arg8[%dma_wait3A_37, %dma_wait3A_38] : memref<10112x8xf32, #tpu.memory_space<vmem_shared>> -> memref<10112x8xf32, #tpu.memory_space<vmem_shared>>
        tpu.wait_indirect_dma semaphore(%run_scoped3A_29 : memref<!tpu.dma_semaphore, #tpu.memory_space<semaphore_mem>>) src(%arg7 : memref<128x8xf32, #tpu.memory_space<vmem>>) dst(%dma_wait3A_39 : memref<10112x8xf32, #tpu.memory_space<vmem_shared>>)
        tpu.yield
      }) : () -> ()
      %run_scoped3A_22 = arith.constant 1 : i32
      "tpu.region"() ({
        %run_scoped3A_29 = tpu.sem_alloc : memref<!tpu.dma_semaphore, #tpu.memory_space<semaphore_mem>>
        %dma_start3A = arith.constant 0 : i32
        %dma_start3A_30 = tpu.memref_slice %arg6[%run_scoped3A_22, %dma_start3A] : memref<8x128xi32, #tpu.memory_space<vmem>> -> memref<1x128xi32, #tpu.memory_space<vmem>>
        %dma_start3A_31 = tpu.memref_squeeze %dma_start3A_30 : memref<1x128xi32, #tpu.memory_space<vmem>> -> memref<128xi32, #tpu.memory_space<vmem>>
        %dma_start3A_32 = arith.constant 0 : i32
        %dma_start3A_33 = arith.constant 0 : i32
        %dma_start3A_34 = tpu.memref_slice %arg8[%dma_start3A_32, %dma_start3A_33] : memref<10112x8xf32, #tpu.memory_space<vmem_shared>> -> memref<10112x8xf32, #tpu.memory_space<vmem_shared>>
        tpu.enqueue_indirect_dma source(%arg7 : memref<128x8xf32, #tpu.memory_space<vmem>>) target(%dma_start3A_34 : memref<10112x8xf32, #tpu.memory_space<vmem_shared>>) offsets(%dma_start3A_31 : memref<128xi32, #tpu.memory_space<vmem>>) semaphore(%run_scoped3A_29 : memref<!tpu.dma_semaphore, #tpu.memory_space<semaphore_mem>>) {add = true}
        %dma_wait3A = arith.constant 0 : i32
        %dma_wait3A_35 = tpu.memref_slice %arg6[%run_scoped3A_22, %dma_wait3A] : memref<8x128xi32, #tpu.memory_space<vmem>> -> memref<1x128xi32, #tpu.memory_space<vmem>>
        %dma_wait3A_36 = tpu.memref_squeeze %dma_wait3A_35 : memref<1x128xi32, #tpu.memory_space<vmem>> -> memref<128xi32, #tpu.memory_space<vmem>>
        %dma_wait3A_37 = arith.constant 0 : i32
        %dma_wait3A_38 = arith.constant 0 : i32
        %dma_wait3A_39 = tpu.memref_slice %arg8[%dma_wait3A_37, %dma_wait3A_38] : memref<10112x8xf32, #tpu.memory_space<vmem_shared>> -> memref<10112x8xf32, #tpu.memory_space<vmem_shared>>
        tpu.wait_indirect_dma semaphore(%run_scoped3A_29 : memref<!tpu.dma_semaphore, #tpu.memory_space<semaphore_mem>>) src(%arg7 : memref<128x8xf32, #tpu.memory_space<vmem>>) dst(%dma_wait3A_39 : memref<10112x8xf32, #tpu.memory_space<vmem_shared>>)
        tpu.yield
      }) : () -> ()
      %run_scoped3A_23 = arith.constant 2 : i32
      "tpu.region"() ({
        %run_scoped3A_29 = tpu.sem_alloc : memref<!tpu.dma_semaphore, #tpu.memory_space<semaphore_mem>>
        %dma_start3A = arith.constant 0 : i32
        %dma_start3A_30 = tpu.memref_slice %arg6[%run_scoped3A_23, %dma_start3A] : memref<8x128xi32, #tpu.memory_space<vmem>> -> memref<1x128xi32, #tpu.memory_space<vmem>>
        %dma_start3A_31 = tpu.memref_squeeze %dma_start3A_30 : memref<1x128xi32, #tpu.memory_space<vmem>> -> memref<128xi32, #tpu.memory_space<vmem>>
        %dma_start3A_32 = arith.constant 0 : i32
        %dma_start3A_33 = arith.constant 0 : i32
        %dma_start3A_34 = tpu.memref_slice %arg8[%dma_start3A_32, %dma_start3A_33] : memref<10112x8xf32, #tpu.memory_space<vmem_shared>> -> memref<10112x8xf32, #tpu.memory_space<vmem_shared>>
        tpu.enqueue_indirect_dma source(%arg7 : memref<128x8xf32, #tpu.memory_space<vmem>>) target(%dma_start3A_34 : memref<10112x8xf32, #tpu.memory_space<vmem_shared>>) offsets(%dma_start3A_31 : memref<128xi32, #tpu.memory_space<vmem>>) semaphore(%run_scoped3A_29 : memref<!tpu.dma_semaphore, #tpu.memory_space<semaphore_mem>>) {add = true}
        %dma_wait3A = arith.constant 0 : i32
        %dma_wait3A_35 = tpu.memref_slice %arg6[%run_scoped3A_23, %dma_wait3A] : memref<8x128xi32, #tpu.memory_space<vmem>> -> memref<1x128xi32, #tpu.memory_space<vmem>>
        %dma_wait3A_36 = tpu.memref_squeeze %dma_wait3A_35 : memref<1x128xi32, #tpu.memory_space<vmem>> -> memref<128xi32, #tpu.memory_space<vmem>>
        %dma_wait3A_37 = arith.constant 0 : i32
        %dma_wait3A_38 = arith.constant 0 : i32
        %dma_wait3A_39 = tpu.memref_slice %arg8[%dma_wait3A_37, %dma_wait3A_38] : memref<10112x8xf32, #tpu.memory_space<vmem_shared>> -> memref<10112x8xf32, #tpu.memory_space<vmem_shared>>
        tpu.wait_indirect_dma semaphore(%run_scoped3A_29 : memref<!tpu.dma_semaphore, #tpu.memory_space<semaphore_mem>>) src(%arg7 : memref<128x8xf32, #tpu.memory_space<vmem>>) dst(%dma_wait3A_39 : memref<10112x8xf32, #tpu.memory_space<vmem_shared>>)
        tpu.yield
      }) : () -> ()
      %run_scoped3A_24 = arith.constant 3 : i32
      "tpu.region"() ({
        %run_scoped3A_29 = tpu.sem_alloc : memref<!tpu.dma_semaphore, #tpu.memory_space<semaphore_mem>>
        %dma_start3A = arith.constant 0 : i32
        %dma_start3A_30 = tpu.memref_slice %arg6[%run_scoped3A_24, %dma_start3A] : memref<8x128xi32, #tpu.memory_space<vmem>> -> memref<1x128xi32, #tpu.memory_space<vmem>>
        %dma_start3A_31 = tpu.memref_squeeze %dma_start3A_30 : memref<1x128xi32, #tpu.memory_space<vmem>> -> memref<128xi32, #tpu.memory_space<vmem>>
        %dma_start3A_32 = arith.constant 0 : i32
        %dma_start3A_33 = arith.constant 0 : i32
        %dma_start3A_34 = tpu.memref_slice %arg8[%dma_start3A_32, %dma_start3A_33] : memref<10112x8xf32, #tpu.memory_space<vmem_shared>> -> memref<10112x8xf32, #tpu.memory_space<vmem_shared>>
        tpu.enqueue_indirect_dma source(%arg7 : memref<128x8xf32, #tpu.memory_space<vmem>>) target(%dma_start3A_34 : memref<10112x8xf32, #tpu.memory_space<vmem_shared>>) offsets(%dma_start3A_31 : memref<128xi32, #tpu.memory_space<vmem>>) semaphore(%run_scoped3A_29 : memref<!tpu.dma_semaphore, #tpu.memory_space<semaphore_mem>>) {add = true}
        %dma_wait3A = arith.constant 0 : i32
        %dma_wait3A_35 = tpu.memref_slice %arg6[%run_scoped3A_24, %dma_wait3A] : memref<8x128xi32, #tpu.memory_space<vmem>> -> memref<1x128xi32, #tpu.memory_space<vmem>>
        %dma_wait3A_36 = tpu.memref_squeeze %dma_wait3A_35 : memref<1x128xi32, #tpu.memory_space<vmem>> -> memref<128xi32, #tpu.memory_space<vmem>>
        %dma_wait3A_37 = arith.constant 0 : i32
        %dma_wait3A_38 = arith.constant 0 : i32
        %dma_wait3A_39 = tpu.memref_slice %arg8[%dma_wait3A_37, %dma_wait3A_38] : memref<10112x8xf32, #tpu.memory_space<vmem_shared>> -> memref<10112x8xf32, #tpu.memory_space<vmem_shared>>
        tpu.wait_indirect_dma semaphore(%run_scoped3A_29 : memref<!tpu.dma_semaphore, #tpu.memory_space<semaphore_mem>>) src(%arg7 : memref<128x8xf32, #tpu.memory_space<vmem>>) dst(%dma_wait3A_39 : memref<10112x8xf32, #tpu.memory_space<vmem_shared>>)
        tpu.yield
      }) : () -> ()
      %run_scoped3A_25 = arith.constant 4 : i32
      "tpu.region"() ({
        %run_scoped3A_29 = tpu.sem_alloc : memref<!tpu.dma_semaphore, #tpu.memory_space<semaphore_mem>>
        %dma_start3A = arith.constant 0 : i32
        %dma_start3A_30 = tpu.memref_slice %arg6[%run_scoped3A_25, %dma_start3A] : memref<8x128xi32, #tpu.memory_space<vmem>> -> memref<1x128xi32, #tpu.memory_space<vmem>>
        %dma_start3A_31 = tpu.memref_squeeze %dma_start3A_30 : memref<1x128xi32, #tpu.memory_space<vmem>> -> memref<128xi32, #tpu.memory_space<vmem>>
        %dma_start3A_32 = arith.constant 0 : i32
        %dma_start3A_33 = arith.constant 0 : i32
        %dma_start3A_34 = tpu.memref_slice %arg8[%dma_start3A_32, %dma_start3A_33] : memref<10112x8xf32, #tpu.memory_space<vmem_shared>> -> memref<10112x8xf32, #tpu.memory_space<vmem_shared>>
        tpu.enqueue_indirect_dma source(%arg7 : memref<128x8xf32, #tpu.memory_space<vmem>>) target(%dma_start3A_34 : memref<10112x8xf32, #tpu.memory_space<vmem_shared>>) offsets(%dma_start3A_31 : memref<128xi32, #tpu.memory_space<vmem>>) semaphore(%run_scoped3A_29 : memref<!tpu.dma_semaphore, #tpu.memory_space<semaphore_mem>>) {add = true}
        %dma_wait3A = arith.constant 0 : i32
        %dma_wait3A_35 = tpu.memref_slice %arg6[%run_scoped3A_25, %dma_wait3A] : memref<8x128xi32, #tpu.memory_space<vmem>> -> memref<1x128xi32, #tpu.memory_space<vmem>>
        %dma_wait3A_36 = tpu.memref_squeeze %dma_wait3A_35 : memref<1x128xi32, #tpu.memory_space<vmem>> -> memref<128xi32, #tpu.memory_space<vmem>>
        %dma_wait3A_37 = arith.constant 0 : i32
        %dma_wait3A_38 = arith.constant 0 : i32
        %dma_wait3A_39 = tpu.memref_slice %arg8[%dma_wait3A_37, %dma_wait3A_38] : memref<10112x8xf32, #tpu.memory_space<vmem_shared>> -> memref<10112x8xf32, #tpu.memory_space<vmem_shared>>
        tpu.wait_indirect_dma semaphore(%run_scoped3A_29 : memref<!tpu.dma_semaphore, #tpu.memory_space<semaphore_mem>>) src(%arg7 : memref<128x8xf32, #tpu.memory_space<vmem>>) dst(%dma_wait3A_39 : memref<10112x8xf32, #tpu.memory_space<vmem_shared>>)
        tpu.yield
      }) : () -> ()
      %run_scoped3A_26 = arith.constant 5 : i32
      "tpu.region"() ({
        %run_scoped3A_29 = tpu.sem_alloc : memref<!tpu.dma_semaphore, #tpu.memory_space<semaphore_mem>>
        %dma_start3A = arith.constant 0 : i32
        %dma_start3A_30 = tpu.memref_slice %arg6[%run_scoped3A_26, %dma_start3A] : memref<8x128xi32, #tpu.memory_space<vmem>> -> memref<1x128xi32, #tpu.memory_space<vmem>>
        %dma_start3A_31 = tpu.memref_squeeze %dma_start3A_30 : memref<1x128xi32, #tpu.memory_space<vmem>> -> memref<128xi32, #tpu.memory_space<vmem>>
        %dma_start3A_32 = arith.constant 0 : i32
        %dma_start3A_33 = arith.constant 0 : i32
        %dma_start3A_34 = tpu.memref_slice %arg8[%dma_start3A_32, %dma_start3A_33] : memref<10112x8xf32, #tpu.memory_space<vmem_shared>> -> memref<10112x8xf32, #tpu.memory_space<vmem_shared>>
        tpu.enqueue_indirect_dma source(%arg7 : memref<128x8xf32, #tpu.memory_space<vmem>>) target(%dma_start3A_34 : memref<10112x8xf32, #tpu.memory_space<vmem_shared>>) offsets(%dma_start3A_31 : memref<128xi32, #tpu.memory_space<vmem>>) semaphore(%run_scoped3A_29 : memref<!tpu.dma_semaphore, #tpu.memory_space<semaphore_mem>>) {add = true}
        %dma_wait3A = arith.constant 0 : i32
        %dma_wait3A_35 = tpu.memref_slice %arg6[%run_scoped3A_26, %dma_wait3A] : memref<8x128xi32, #tpu.memory_space<vmem>> -> memref<1x128xi32, #tpu.memory_space<vmem>>
        %dma_wait3A_36 = tpu.memref_squeeze %dma_wait3A_35 : memref<1x128xi32, #tpu.memory_space<vmem>> -> memref<128xi32, #tpu.memory_space<vmem>>
        %dma_wait3A_37 = arith.constant 0 : i32
        %dma_wait3A_38 = arith.constant 0 : i32
        %dma_wait3A_39 = tpu.memref_slice %arg8[%dma_wait3A_37, %dma_wait3A_38] : memref<10112x8xf32, #tpu.memory_space<vmem_shared>> -> memref<10112x8xf32, #tpu.memory_space<vmem_shared>>
        tpu.wait_indirect_dma semaphore(%run_scoped3A_29 : memref<!tpu.dma_semaphore, #tpu.memory_space<semaphore_mem>>) src(%arg7 : memref<128x8xf32, #tpu.memory_space<vmem>>) dst(%dma_wait3A_39 : memref<10112x8xf32, #tpu.memory_space<vmem_shared>>)
        tpu.yield
      }) : () -> ()
      %run_scoped3A_27 = arith.constant 6 : i32
      "tpu.region"() ({
        %run_scoped3A_29 = tpu.sem_alloc : memref<!tpu.dma_semaphore, #tpu.memory_space<semaphore_mem>>
        %dma_start3A = arith.constant 0 : i32
        %dma_start3A_30 = tpu.memref_slice %arg6[%run_scoped3A_27, %dma_start3A] : memref<8x128xi32, #tpu.memory_space<vmem>> -> memref<1x128xi32, #tpu.memory_space<vmem>>
        %dma_start3A_31 = tpu.memref_squeeze %dma_start3A_30 : memref<1x128xi32, #tpu.memory_space<vmem>> -> memref<128xi32, #tpu.memory_space<vmem>>
        %dma_start3A_32 = arith.constant 0 : i32
        %dma_start3A_33 = arith.constant 0 : i32
        %dma_start3A_34 = tpu.memref_slice %arg8[%dma_start3A_32, %dma_start3A_33] : memref<10112x8xf32, #tpu.memory_space<vmem_shared>> -> memref<10112x8xf32, #tpu.memory_space<vmem_shared>>
        tpu.enqueue_indirect_dma source(%arg7 : memref<128x8xf32, #tpu.memory_space<vmem>>) target(%dma_start3A_34 : memref<10112x8xf32, #tpu.memory_space<vmem_shared>>) offsets(%dma_start3A_31 : memref<128xi32, #tpu.memory_space<vmem>>) semaphore(%run_scoped3A_29 : memref<!tpu.dma_semaphore, #tpu.memory_space<semaphore_mem>>) {add = true}
        %dma_wait3A = arith.constant 0 : i32
        %dma_wait3A_35 = tpu.memref_slice %arg6[%run_scoped3A_27, %dma_wait3A] : memref<8x128xi32, #tpu.memory_space<vmem>> -> memref<1x128xi32, #tpu.memory_space<vmem>>
        %dma_wait3A_36 = tpu.memref_squeeze %dma_wait3A_35 : memref<1x128xi32, #tpu.memory_space<vmem>> -> memref<128xi32, #tpu.memory_space<vmem>>
        %dma_wait3A_37 = arith.constant 0 : i32
        %dma_wait3A_38 = arith.constant 0 : i32
        %dma_wait3A_39 = tpu.memref_slice %arg8[%dma_wait3A_37, %dma_wait3A_38] : memref<10112x8xf32, #tpu.memory_space<vmem_shared>> -> memref<10112x8xf32, #tpu.memory_space<vmem_shared>>
        tpu.wait_indirect_dma semaphore(%run_scoped3A_29 : memref<!tpu.dma_semaphore, #tpu.memory_space<semaphore_mem>>) src(%arg7 : memref<128x8xf32, #tpu.memory_space<vmem>>) dst(%dma_wait3A_39 : memref<10112x8xf32, #tpu.memory_space<vmem_shared>>)
        tpu.yield
      }) : () -> ()
      %run_scoped3A_28 = arith.constant 7 : i32
      "tpu.region"() ({
        %run_scoped3A_29 = tpu.sem_alloc : memref<!tpu.dma_semaphore, #tpu.memory_space<semaphore_mem>>
        %dma_start3A = arith.constant 0 : i32
        %dma_start3A_30 = tpu.memref_slice %arg6[%run_scoped3A_28, %dma_start3A] : memref<8x128xi32, #tpu.memory_space<vmem>> -> memref<1x128xi32, #tpu.memory_space<vmem>>
        %dma_start3A_31 = tpu.memref_squeeze %dma_start3A_30 : memref<1x128xi32, #tpu.memory_space<vmem>> -> memref<128xi32, #tpu.memory_space<vmem>>
        %dma_start3A_32 = arith.constant 0 : i32
        %dma_start3A_33 = arith.constant 0 : i32
        %dma_start3A_34 = tpu.memref_slice %arg8[%dma_start3A_32, %dma_start3A_33] : memref<10112x8xf32, #tpu.memory_space<vmem_shared>> -> memref<10112x8xf32, #tpu.memory_space<vmem_shared>>
        tpu.enqueue_indirect_dma source(%arg7 : memref<128x8xf32, #tpu.memory_space<vmem>>) target(%dma_start3A_34 : memref<10112x8xf32, #tpu.memory_space<vmem_shared>>) offsets(%dma_start3A_31 : memref<128xi32, #tpu.memory_space<vmem>>) semaphore(%run_scoped3A_29 : memref<!tpu.dma_semaphore, #tpu.memory_space<semaphore_mem>>) {add = true}
        %dma_wait3A = arith.constant 0 : i32
        %dma_wait3A_35 = tpu.memref_slice %arg6[%run_scoped3A_28, %dma_wait3A] : memref<8x128xi32, #tpu.memory_space<vmem>> -> memref<1x128xi32, #tpu.memory_space<vmem>>
        %dma_wait3A_36 = tpu.memref_squeeze %dma_wait3A_35 : memref<1x128xi32, #tpu.memory_space<vmem>> -> memref<128xi32, #tpu.memory_space<vmem>>
        %dma_wait3A_37 = arith.constant 0 : i32
        %dma_wait3A_38 = arith.constant 0 : i32
        %dma_wait3A_39 = tpu.memref_slice %arg8[%dma_wait3A_37, %dma_wait3A_38] : memref<10112x8xf32, #tpu.memory_space<vmem_shared>> -> memref<10112x8xf32, #tpu.memory_space<vmem_shared>>
        tpu.wait_indirect_dma semaphore(%run_scoped3A_29 : memref<!tpu.dma_semaphore, #tpu.memory_space<semaphore_mem>>) src(%arg7 : memref<128x8xf32, #tpu.memory_space<vmem>>) dst(%dma_wait3A_39 : memref<10112x8xf32, #tpu.memory_space<vmem_shared>>)
        tpu.yield
      }) : () -> ()
    }
    %scan3A_9 = arith.constant 10 : i32
    %barrier3A_10 = arith.constant 0 : index
    tpu.barrier barrier_id(%barrier3A_10)
    %mul3A_11 = arith.constant 632 : i32
    %mul3A_12 = arith.muli %arg1, %mul3A_11 : i32
    %mul3A_13 = arith.constant 632 : i32
    %mul3A_14 = arith.muli %arg1, %mul3A_13 : i32
    "tpu.region"() ({
      %run_scoped3A = tpu.sem_alloc : memref<!tpu.dma_semaphore, #tpu.memory_space<semaphore_mem>>
      %dma_start3A = arith.constant 0 : i32
      %dma_start3A_15 = arith.constant 0 : i32
      %dma_start3A_16 = tpu.memref_slice %arg5[%arg0, %dma_start3A, %dma_start3A_15] : memref<2x10112x8xf32, #tpu.memory_space<hbm>> -> memref<1x10112x8xf32, #tpu.memory_space<hbm>>
      %dma_start3A_17 = tpu.memref_squeeze %dma_start3A_16 : memref<1x10112x8xf32, #tpu.memory_space<hbm>> -> memref<10112x8xf32, #tpu.memory_space<hbm>>
      %dma_start3A_18 = arith.constant 0 : i32
      %dma_start3A_19 = tpu.memref_slice %dma_start3A_17[%mul3A_14, %dma_start3A_18] : memref<10112x8xf32, #tpu.memory_space<hbm>> -> memref<632x8xf32, #tpu.memory_space<hbm>>
      %dma_start3A_20 = arith.constant 0 : i32
      %dma_start3A_21 = tpu.memref_slice %arg8[%mul3A_12, %dma_start3A_20] : memref<10112x8xf32, #tpu.memory_space<vmem_shared>> -> memref<632x8xf32, #tpu.memory_space<vmem_shared>>
      tpu.enqueue_dma source(%dma_start3A_21 : memref<632x8xf32, #tpu.memory_space<vmem_shared>>) target(%dma_start3A_19 : memref<632x8xf32, #tpu.memory_space<hbm>>) target_semaphore(%run_scoped3A : memref<!tpu.dma_semaphore, #tpu.memory_space<semaphore_mem>>)
      %dma_wait3A = arith.constant 0 : i32
      %dma_wait3A_22 = arith.constant 0 : i32
      %dma_wait3A_23 = tpu.memref_slice %arg5[%arg0, %dma_wait3A, %dma_wait3A_22] : memref<2x10112x8xf32, #tpu.memory_space<hbm>> -> memref<1x10112x8xf32, #tpu.memory_space<hbm>>
      %dma_wait3A_24 = tpu.memref_squeeze %dma_wait3A_23 : memref<1x10112x8xf32, #tpu.memory_space<hbm>> -> memref<10112x8xf32, #tpu.memory_space<hbm>>
      %dma_wait3A_25 = arith.constant 0 : i32
      %dma_wait3A_26 = tpu.memref_slice %dma_wait3A_24[%mul3A_14, %dma_wait3A_25] : memref<10112x8xf32, #tpu.memory_space<hbm>> -> memref<632x8xf32, #tpu.memory_space<hbm>>
      %dma_wait3A_27 = arith.constant 0 : i32
      %dma_wait3A_28 = tpu.memref_slice %arg8[%mul3A_12, %dma_wait3A_27] : memref<10112x8xf32, #tpu.memory_space<vmem_shared>> -> memref<632x8xf32, #tpu.memory_space<vmem_shared>>
      tpu.wait_dma2 semaphore(%run_scoped3A : memref<!tpu.dma_semaphore, #tpu.memory_space<semaphore_mem>>) src(%dma_wait3A_28 : memref<632x8xf32, #tpu.memory_space<vmem_shared>>) dst(%dma_wait3A_26 : memref<632x8xf32, #tpu.memory_space<hbm>>)
      tpu.yield
    }) : () -> ()
    return
  }
}

#map = affine_map<(d0, d1) -> (0, 0, 0)>
#map1 = affine_map<(d0, d1) -> (0, 0)>
module attributes {stable_mosaic.version = 14 : i64} {
  func.func @ek(%arg0: i32, %arg1: i32, %arg2: memref<2x2568x128xi32, #tpu.memory_space<hbm>>, %arg3: memref<10112x16xf32, #tpu.memory_space<hbm>>, %arg4: memref<10112x16xf32, #tpu.memory_space<hbm>>, %arg5: memref<2x10112x16xf32, #tpu.memory_space<hbm>>, %arg6: memref<2x8x128xi32, #tpu.memory_space<vmem>>, %arg7: memref<2x8x128xi32, #tpu.memory_space<vmem>>, %arg8: memref<2x1024x16xf32, #tpu.memory_space<vmem>>, %arg9: memref<10112x16xf32, #tpu.memory_space<vmem_shared>>, %arg10: memref<10112x16xf32, #tpu.memory_space<vmem_shared>>, %arg11: memref<!tpu.dma_semaphore, #tpu.memory_space<semaphore_mem>>) attributes {dimension_semantics = [#tpu.dimension_semantics<core_parallel>, #tpu.dimension_semantics<subcore_parallel>], iteration_bounds = array<i64: 2, 16>, scalar_prefetch = 0 : i64, scratch_operands = 6 : i64, tpu.core_type = #tpu.core_type<sc_vector_subcore>, window_params = [{transform_indices = #map}, {transform_indices = #map1}, {transform_indices = #map1}, {transform_indices = #map}]} {
    %mul3A = arith.constant 2 : i32
    %mul3A_0 = arith.muli %arg1, %mul3A : i32
    %add3A = arith.addi %mul3A_0, %arg0 : i32
    %mul3A_1 = arith.constant 80 : i32
    %mul3A_2 = arith.muli %add3A, %mul3A_1 : i32
    %mul3A_3 = arith.constant 632 : i32
    %mul3A_4 = arith.muli %arg1, %mul3A_3 : i32
    %mul3A_5 = arith.constant 632 : i32
    %mul3A_6 = arith.muli %arg1, %mul3A_5 : i32
    "tpu.region"() ({
      %run_scoped3A_201 = tpu.sem_alloc : memref<!tpu.dma_semaphore, #tpu.memory_space<semaphore_mem>>
      %dma_start3A_202 = arith.constant 0 : i32
      %dma_start3A_203 = tpu.memref_slice %arg10[%mul3A_6, %dma_start3A_202] : memref<10112x16xf32, #tpu.memory_space<vmem_shared>> -> memref<632x16xf32, #tpu.memory_space<vmem_shared>>
      %dma_start3A_204 = arith.constant 0 : i32
      %dma_start3A_205 = tpu.memref_slice %arg3[%mul3A_4, %dma_start3A_204] : memref<10112x16xf32, #tpu.memory_space<hbm>> -> memref<632x16xf32, #tpu.memory_space<hbm>>
      tpu.enqueue_dma source(%dma_start3A_205 : memref<632x16xf32, #tpu.memory_space<hbm>>) target(%dma_start3A_203 : memref<632x16xf32, #tpu.memory_space<vmem_shared>>) target_semaphore(%run_scoped3A_201 : memref<!tpu.dma_semaphore, #tpu.memory_space<semaphore_mem>>)
      %dma_wait3A_206 = arith.constant 0 : i32
      %dma_wait3A_207 = tpu.memref_slice %arg10[%mul3A_6, %dma_wait3A_206] : memref<10112x16xf32, #tpu.memory_space<vmem_shared>> -> memref<632x16xf32, #tpu.memory_space<vmem_shared>>
      %dma_wait3A_208 = arith.constant 0 : i32
      %dma_wait3A_209 = tpu.memref_slice %arg3[%mul3A_4, %dma_wait3A_208] : memref<10112x16xf32, #tpu.memory_space<hbm>> -> memref<632x16xf32, #tpu.memory_space<hbm>>
      tpu.wait_dma2 semaphore(%run_scoped3A_201 : memref<!tpu.dma_semaphore, #tpu.memory_space<semaphore_mem>>) src(%dma_wait3A_209 : memref<632x16xf32, #tpu.memory_space<hbm>>) dst(%dma_wait3A_207 : memref<632x16xf32, #tpu.memory_space<vmem_shared>>)
      tpu.yield
    }) : () -> ()
    %mul3A_7 = arith.constant 632 : i32
    %mul3A_8 = arith.muli %arg1, %mul3A_7 : i32
    %mul3A_9 = arith.constant 632 : i32
    %mul3A_10 = arith.muli %arg1, %mul3A_9 : i32
    "tpu.region"() ({
      %run_scoped3A_201 = tpu.sem_alloc : memref<!tpu.dma_semaphore, #tpu.memory_space<semaphore_mem>>
      %dma_start3A_202 = arith.constant 0 : i32
      %dma_start3A_203 = tpu.memref_slice %arg9[%mul3A_10, %dma_start3A_202] : memref<10112x16xf32, #tpu.memory_space<vmem_shared>> -> memref<632x16xf32, #tpu.memory_space<vmem_shared>>
      %dma_start3A_204 = arith.constant 0 : i32
      %dma_start3A_205 = tpu.memref_slice %arg4[%mul3A_8, %dma_start3A_204] : memref<10112x16xf32, #tpu.memory_space<hbm>> -> memref<632x16xf32, #tpu.memory_space<hbm>>
      tpu.enqueue_dma source(%dma_start3A_205 : memref<632x16xf32, #tpu.memory_space<hbm>>) target(%dma_start3A_203 : memref<632x16xf32, #tpu.memory_space<vmem_shared>>) target_semaphore(%run_scoped3A_201 : memref<!tpu.dma_semaphore, #tpu.memory_space<semaphore_mem>>)
      %dma_wait3A_206 = arith.constant 0 : i32
      %dma_wait3A_207 = tpu.memref_slice %arg9[%mul3A_10, %dma_wait3A_206] : memref<10112x16xf32, #tpu.memory_space<vmem_shared>> -> memref<632x16xf32, #tpu.memory_space<vmem_shared>>
      %dma_wait3A_208 = arith.constant 0 : i32
      %dma_wait3A_209 = tpu.memref_slice %arg4[%mul3A_8, %dma_wait3A_208] : memref<10112x16xf32, #tpu.memory_space<hbm>> -> memref<632x16xf32, #tpu.memory_space<hbm>>
      tpu.wait_dma2 semaphore(%run_scoped3A_201 : memref<!tpu.dma_semaphore, #tpu.memory_space<semaphore_mem>>) src(%dma_wait3A_209 : memref<632x16xf32, #tpu.memory_space<hbm>>) dst(%dma_wait3A_207 : memref<632x16xf32, #tpu.memory_space<vmem_shared>>)
      tpu.yield
    }) : () -> ()
    %barrier3A = arith.constant 0 : index
    tpu.barrier barrier_id(%barrier3A)
    %add3A_11 = arith.constant 0 : i32
    %add3A_12 = arith.addi %mul3A_2, %add3A_11 : i32
    %run_scoped3A = arith.constant 0 : i32
    %run_scoped3A_13 = arith.constant 0 : i32
    "tpu.region"() ({
      %run_scoped3A_201 = tpu.sem_alloc : memref<!tpu.dma_semaphore, #tpu.memory_space<semaphore_mem>>
      %dma_start3A_202 = arith.constant 0 : i32
      %dma_start3A_203 = arith.constant 0 : i32
      %dma_start3A_204 = tpu.memref_slice %arg6[%run_scoped3A_13, %dma_start3A_202, %dma_start3A_203] : memref<2x8x128xi32, #tpu.memory_space<vmem>> -> memref<1x8x128xi32, #tpu.memory_space<vmem>>
      %dma_start3A_205 = tpu.memref_squeeze %dma_start3A_204 : memref<1x8x128xi32, #tpu.memory_space<vmem>> -> memref<8x128xi32, #tpu.memory_space<vmem>>
      %dma_start3A_206 = arith.constant 0 : i32
      %dma_start3A_207 = arith.constant 0 : i32
      %dma_start3A_208 = tpu.memref_slice %arg2[%run_scoped3A, %dma_start3A_206, %dma_start3A_207] : memref<2x2568x128xi32, #tpu.memory_space<hbm>> -> memref<1x2568x128xi32, #tpu.memory_space<hbm>>
      %dma_start3A_209 = tpu.memref_squeeze %dma_start3A_208 : memref<1x2568x128xi32, #tpu.memory_space<hbm>> -> memref<2568x128xi32, #tpu.memory_space<hbm>>
      %dma_start3A_210 = arith.constant 0 : i32
      %dma_start3A_211 = tpu.memref_slice %dma_start3A_209[%add3A_12, %dma_start3A_210] : memref<2568x128xi32, #tpu.memory_space<hbm>> -> memref<8x128xi32, #tpu.memory_space<hbm>>
      %dma_start3A_212 = arith.constant 0 : i32
      %dma_start3A_213 = arith.constant 0 : i32
      %dma_start3A_214 = tpu.memref_slice %arg6[%run_scoped3A_13, %dma_start3A_212, %dma_start3A_213] : memref<2x8x128xi32, #tpu.memory_space<vmem>> -> memref<1x8x128xi32, #tpu.memory_space<vmem>>
      %dma_start3A_215 = tpu.memref_squeeze %dma_start3A_214 : memref<1x8x128xi32, #tpu.memory_space<vmem>> -> memref<8x128xi32, #tpu.memory_space<vmem>>
      %dma_start3A_216 = arith.constant 0 : i32
      %dma_start3A_217 = arith.constant 0 : i32
      %dma_start3A_218 = tpu.memref_slice %arg2[%run_scoped3A, %dma_start3A_216, %dma_start3A_217] : memref<2x2568x128xi32, #tpu.memory_space<hbm>> -> memref<1x2568x128xi32, #tpu.memory_space<hbm>>
      %dma_start3A_219 = tpu.memref_squeeze %dma_start3A_218 : memref<1x2568x128xi32, #tpu.memory_space<hbm>> -> memref<2568x128xi32, #tpu.memory_space<hbm>>
      %dma_start3A_220 = arith.constant 0 : i32
      %dma_start3A_221 = tpu.memref_slice %dma_start3A_219[%add3A_12, %dma_start3A_220] : memref<2568x128xi32, #tpu.memory_space<hbm>> -> memref<8x128xi32, #tpu.memory_space<hbm>>
      tpu.enqueue_dma source(%dma_start3A_221 : memref<8x128xi32, #tpu.memory_space<hbm>>) target(%dma_start3A_215 : memref<8x128xi32, #tpu.memory_space<vmem>>) target_semaphore(%run_scoped3A_201 : memref<!tpu.dma_semaphore, #tpu.memory_space<semaphore_mem>>)
      %dma_wait3A_222 = arith.constant 0 : i32
      %dma_wait3A_223 = arith.constant 0 : i32
      %dma_wait3A_224 = tpu.memref_slice %arg6[%run_scoped3A_13, %dma_wait3A_222, %dma_wait3A_223] : memref<2x8x128xi32, #tpu.memory_space<vmem>> -> memref<1x8x128xi32, #tpu.memory_space<vmem>>
      %dma_wait3A_225 = tpu.memref_squeeze %dma_wait3A_224 : memref<1x8x128xi32, #tpu.memory_space<vmem>> -> memref<8x128xi32, #tpu.memory_space<vmem>>
      %dma_wait3A_226 = arith.constant 0 : i32
      %dma_wait3A_227 = arith.constant 0 : i32
      %dma_wait3A_228 = tpu.memref_slice %arg2[%run_scoped3A, %dma_wait3A_226, %dma_wait3A_227] : memref<2x2568x128xi32, #tpu.memory_space<hbm>> -> memref<1x2568x128xi32, #tpu.memory_space<hbm>>
      %dma_wait3A_229 = tpu.memref_squeeze %dma_wait3A_228 : memref<1x2568x128xi32, #tpu.memory_space<hbm>> -> memref<2568x128xi32, #tpu.memory_space<hbm>>
      %dma_wait3A_230 = arith.constant 0 : i32
      %dma_wait3A_231 = tpu.memref_slice %dma_wait3A_229[%add3A_12, %dma_wait3A_230] : memref<2568x128xi32, #tpu.memory_space<hbm>> -> memref<8x128xi32, #tpu.memory_space<hbm>>
      %dma_wait3A_232 = arith.constant 0 : i32
      %dma_wait3A_233 = arith.constant 0 : i32
      %dma_wait3A_234 = tpu.memref_slice %arg6[%run_scoped3A_13, %dma_wait3A_232, %dma_wait3A_233] : memref<2x8x128xi32, #tpu.memory_space<vmem>> -> memref<1x8x128xi32, #tpu.memory_space<vmem>>
      %dma_wait3A_235 = tpu.memref_squeeze %dma_wait3A_234 : memref<1x8x128xi32, #tpu.memory_space<vmem>> -> memref<8x128xi32, #tpu.memory_space<vmem>>
      %dma_wait3A_236 = arith.constant 0 : i32
      %dma_wait3A_237 = arith.constant 0 : i32
      %dma_wait3A_238 = tpu.memref_slice %arg2[%run_scoped3A, %dma_wait3A_236, %dma_wait3A_237] : memref<2x2568x128xi32, #tpu.memory_space<hbm>> -> memref<1x2568x128xi32, #tpu.memory_space<hbm>>
      %dma_wait3A_239 = tpu.memref_squeeze %dma_wait3A_238 : memref<1x2568x128xi32, #tpu.memory_space<hbm>> -> memref<2568x128xi32, #tpu.memory_space<hbm>>
      %dma_wait3A_240 = arith.constant 0 : i32
      %dma_wait3A_241 = tpu.memref_slice %dma_wait3A_239[%add3A_12, %dma_wait3A_240] : memref<2568x128xi32, #tpu.memory_space<hbm>> -> memref<8x128xi32, #tpu.memory_space<hbm>>
      tpu.wait_dma2 semaphore(%run_scoped3A_201 : memref<!tpu.dma_semaphore, #tpu.memory_space<semaphore_mem>>) src(%dma_wait3A_241 : memref<8x128xi32, #tpu.memory_space<hbm>>) dst(%dma_wait3A_235 : memref<8x128xi32, #tpu.memory_space<vmem>>)
      tpu.yield
    }) : () -> ()
    %add3A_14 = arith.constant 0 : i32
    %add3A_15 = arith.addi %mul3A_2, %add3A_14 : i32
    %run_scoped3A_16 = arith.constant 1 : i32
    %run_scoped3A_17 = arith.constant 0 : i32
    "tpu.region"() ({
      %run_scoped3A_201 = tpu.sem_alloc : memref<!tpu.dma_semaphore, #tpu.memory_space<semaphore_mem>>
      %dma_start3A_202 = arith.constant 0 : i32
      %dma_start3A_203 = arith.constant 0 : i32
      %dma_start3A_204 = tpu.memref_slice %arg7[%run_scoped3A_17, %dma_start3A_202, %dma_start3A_203] : memref<2x8x128xi32, #tpu.memory_space<vmem>> -> memref<1x8x128xi32, #tpu.memory_space<vmem>>
      %dma_start3A_205 = tpu.memref_squeeze %dma_start3A_204 : memref<1x8x128xi32, #tpu.memory_space<vmem>> -> memref<8x128xi32, #tpu.memory_space<vmem>>
      %dma_start3A_206 = arith.constant 0 : i32
      %dma_start3A_207 = arith.constant 0 : i32
      %dma_start3A_208 = tpu.memref_slice %arg2[%run_scoped3A_16, %dma_start3A_206, %dma_start3A_207] : memref<2x2568x128xi32, #tpu.memory_space<hbm>> -> memref<1x2568x128xi32, #tpu.memory_space<hbm>>
      %dma_start3A_209 = tpu.memref_squeeze %dma_start3A_208 : memref<1x2568x128xi32, #tpu.memory_space<hbm>> -> memref<2568x128xi32, #tpu.memory_space<hbm>>
      %dma_start3A_210 = arith.constant 0 : i32
      %dma_start3A_211 = tpu.memref_slice %dma_start3A_209[%add3A_15, %dma_start3A_210] : memref<2568x128xi32, #tpu.memory_space<hbm>> -> memref<8x128xi32, #tpu.memory_space<hbm>>
      %dma_start3A_212 = arith.constant 0 : i32
      %dma_start3A_213 = arith.constant 0 : i32
      %dma_start3A_214 = tpu.memref_slice %arg7[%run_scoped3A_17, %dma_start3A_212, %dma_start3A_213] : memref<2x8x128xi32, #tpu.memory_space<vmem>> -> memref<1x8x128xi32, #tpu.memory_space<vmem>>
      %dma_start3A_215 = tpu.memref_squeeze %dma_start3A_214 : memref<1x8x128xi32, #tpu.memory_space<vmem>> -> memref<8x128xi32, #tpu.memory_space<vmem>>
      %dma_start3A_216 = arith.constant 0 : i32
      %dma_start3A_217 = arith.constant 0 : i32
      %dma_start3A_218 = tpu.memref_slice %arg2[%run_scoped3A_16, %dma_start3A_216, %dma_start3A_217] : memref<2x2568x128xi32, #tpu.memory_space<hbm>> -> memref<1x2568x128xi32, #tpu.memory_space<hbm>>
      %dma_start3A_219 = tpu.memref_squeeze %dma_start3A_218 : memref<1x2568x128xi32, #tpu.memory_space<hbm>> -> memref<2568x128xi32, #tpu.memory_space<hbm>>
      %dma_start3A_220 = arith.constant 0 : i32
      %dma_start3A_221 = tpu.memref_slice %dma_start3A_219[%add3A_15, %dma_start3A_220] : memref<2568x128xi32, #tpu.memory_space<hbm>> -> memref<8x128xi32, #tpu.memory_space<hbm>>
      tpu.enqueue_dma source(%dma_start3A_221 : memref<8x128xi32, #tpu.memory_space<hbm>>) target(%dma_start3A_215 : memref<8x128xi32, #tpu.memory_space<vmem>>) target_semaphore(%run_scoped3A_201 : memref<!tpu.dma_semaphore, #tpu.memory_space<semaphore_mem>>)
      %dma_wait3A_222 = arith.constant 0 : i32
      %dma_wait3A_223 = arith.constant 0 : i32
      %dma_wait3A_224 = tpu.memref_slice %arg7[%run_scoped3A_17, %dma_wait3A_222, %dma_wait3A_223] : memref<2x8x128xi32, #tpu.memory_space<vmem>> -> memref<1x8x128xi32, #tpu.memory_space<vmem>>
      %dma_wait3A_225 = tpu.memref_squeeze %dma_wait3A_224 : memref<1x8x128xi32, #tpu.memory_space<vmem>> -> memref<8x128xi32, #tpu.memory_space<vmem>>
      %dma_wait3A_226 = arith.constant 0 : i32
      %dma_wait3A_227 = arith.constant 0 : i32
      %dma_wait3A_228 = tpu.memref_slice %arg2[%run_scoped3A_16, %dma_wait3A_226, %dma_wait3A_227] : memref<2x2568x128xi32, #tpu.memory_space<hbm>> -> memref<1x2568x128xi32, #tpu.memory_space<hbm>>
      %dma_wait3A_229 = tpu.memref_squeeze %dma_wait3A_228 : memref<1x2568x128xi32, #tpu.memory_space<hbm>> -> memref<2568x128xi32, #tpu.memory_space<hbm>>
      %dma_wait3A_230 = arith.constant 0 : i32
      %dma_wait3A_231 = tpu.memref_slice %dma_wait3A_229[%add3A_15, %dma_wait3A_230] : memref<2568x128xi32, #tpu.memory_space<hbm>> -> memref<8x128xi32, #tpu.memory_space<hbm>>
      %dma_wait3A_232 = arith.constant 0 : i32
      %dma_wait3A_233 = arith.constant 0 : i32
      %dma_wait3A_234 = tpu.memref_slice %arg7[%run_scoped3A_17, %dma_wait3A_232, %dma_wait3A_233] : memref<2x8x128xi32, #tpu.memory_space<vmem>> -> memref<1x8x128xi32, #tpu.memory_space<vmem>>
      %dma_wait3A_235 = tpu.memref_squeeze %dma_wait3A_234 : memref<1x8x128xi32, #tpu.memory_space<vmem>> -> memref<8x128xi32, #tpu.memory_space<vmem>>
      %dma_wait3A_236 = arith.constant 0 : i32
      %dma_wait3A_237 = arith.constant 0 : i32
      %dma_wait3A_238 = tpu.memref_slice %arg2[%run_scoped3A_16, %dma_wait3A_236, %dma_wait3A_237] : memref<2x2568x128xi32, #tpu.memory_space<hbm>> -> memref<1x2568x128xi32, #tpu.memory_space<hbm>>
      %dma_wait3A_239 = tpu.memref_squeeze %dma_wait3A_238 : memref<1x2568x128xi32, #tpu.memory_space<hbm>> -> memref<2568x128xi32, #tpu.memory_space<hbm>>
      %dma_wait3A_240 = arith.constant 0 : i32
      %dma_wait3A_241 = tpu.memref_slice %dma_wait3A_239[%add3A_15, %dma_wait3A_240] : memref<2568x128xi32, #tpu.memory_space<hbm>> -> memref<8x128xi32, #tpu.memory_space<hbm>>
      tpu.wait_dma2 semaphore(%run_scoped3A_201 : memref<!tpu.dma_semaphore, #tpu.memory_space<semaphore_mem>>) src(%dma_wait3A_241 : memref<8x128xi32, #tpu.memory_space<hbm>>) dst(%dma_wait3A_235 : memref<8x128xi32, #tpu.memory_space<vmem>>)
      tpu.yield
    }) : () -> ()
    %dma_start3A = arith.constant 0 : i32
    %dma_start3A_18 = arith.constant 0 : i32
    %dma_start3A_19 = arith.constant 0 : i32
    %dma_start3A_20 = arith.constant 0 : i32
    %dma_start3A_21 = arith.constant 0 : i32
    %dma_start3A_22 = tpu.memref_slice %arg8[%dma_start3A_19, %dma_start3A_20, %dma_start3A_21] : memref<2x1024x16xf32, #tpu.memory_space<vmem>> -> memref<1x1024x16xf32, #tpu.memory_space<vmem>>
    %dma_start3A_23 = tpu.memref_squeeze %dma_start3A_22 : memref<1x1024x16xf32, #tpu.memory_space<vmem>> -> memref<1024x16xf32, #tpu.memory_space<vmem>>
    %dma_start3A_24 = arith.constant 0 : i32
    %dma_start3A_25 = arith.constant 0 : i32
    %dma_start3A_26 = tpu.memref_slice %dma_start3A_23[%dma_start3A_24, %dma_start3A_25] : memref<1024x16xf32, #tpu.memory_space<vmem>> -> memref<128x16xf32, #tpu.memory_space<vmem>>
    %dma_start3A_27 = arith.constant 0 : i32
    %dma_start3A_28 = arith.constant 0 : i32
    %dma_start3A_29 = tpu.memref_slice %arg6[%dma_start3A, %dma_start3A_27, %dma_start3A_28] : memref<2x8x128xi32, #tpu.memory_space<vmem>> -> memref<1x8x128xi32, #tpu.memory_space<vmem>>
    %dma_start3A_30 = tpu.memref_squeeze %dma_start3A_29 : memref<1x8x128xi32, #tpu.memory_space<vmem>> -> memref<8x128xi32, #tpu.memory_space<vmem>>
    %dma_start3A_31 = arith.constant 0 : i32
    %dma_start3A_32 = tpu.memref_slice %dma_start3A_30[%dma_start3A_18, %dma_start3A_31] : memref<8x128xi32, #tpu.memory_space<vmem>> -> memref<1x128xi32, #tpu.memory_space<vmem>>
    %dma_start3A_33 = tpu.memref_squeeze %dma_start3A_32 : memref<1x128xi32, #tpu.memory_space<vmem>> -> memref<128xi32, #tpu.memory_space<vmem>>
    %dma_start3A_34 = arith.constant 0 : i32
    %dma_start3A_35 = arith.constant 0 : i32
    %dma_start3A_36 = tpu.memref_slice %arg10[%dma_start3A_34, %dma_start3A_35] : memref<10112x16xf32, #tpu.memory_space<vmem_shared>> -> memref<10112x16xf32, #tpu.memory_space<vmem_shared>>
    tpu.enqueue_indirect_dma source(%dma_start3A_36 : memref<10112x16xf32, #tpu.memory_space<vmem_shared>>) target(%dma_start3A_26 : memref<128x16xf32, #tpu.memory_space<vmem>>) offsets(%dma_start3A_33 : memref<128xi32, #tpu.memory_space<vmem>>) semaphore(%arg11 : memref<!tpu.dma_semaphore, #tpu.memory_space<semaphore_mem>>)
    %dma_start3A_37 = arith.constant 0 : i32
    %dma_start3A_38 = arith.constant 1 : i32
    %dma_start3A_39 = arith.constant 0 : i32
    %dma_start3A_40 = arith.constant 0 : i32
    %dma_start3A_41 = arith.constant 0 : i32
    %dma_start3A_42 = tpu.memref_slice %arg8[%dma_start3A_39, %dma_start3A_40, %dma_start3A_41] : memref<2x1024x16xf32, #tpu.memory_space<vmem>> -> memref<1x1024x16xf32, #tpu.memory_space<vmem>>
    %dma_start3A_43 = tpu.memref_squeeze %dma_start3A_42 : memref<1x1024x16xf32, #tpu.memory_space<vmem>> -> memref<1024x16xf32, #tpu.memory_space<vmem>>
    %dma_start3A_44 = arith.constant 128 : i32
    %dma_start3A_45 = arith.constant 0 : i32
    %dma_start3A_46 = tpu.memref_slice %dma_start3A_43[%dma_start3A_44, %dma_start3A_45] : memref<1024x16xf32, #tpu.memory_space<vmem>> -> memref<128x16xf32, #tpu.memory_space<vmem>>
    %dma_start3A_47 = arith.constant 0 : i32
    %dma_start3A_48 = arith.constant 0 : i32
    %dma_start3A_49 = tpu.memref_slice %arg6[%dma_start3A_37, %dma_start3A_47, %dma_start3A_48] : memref<2x8x128xi32, #tpu.memory_space<vmem>> -> memref<1x8x128xi32, #tpu.memory_space<vmem>>
    %dma_start3A_50 = tpu.memref_squeeze %dma_start3A_49 : memref<1x8x128xi32, #tpu.memory_space<vmem>> -> memref<8x128xi32, #tpu.memory_space<vmem>>
    %dma_start3A_51 = arith.constant 0 : i32
    %dma_start3A_52 = tpu.memref_slice %dma_start3A_50[%dma_start3A_38, %dma_start3A_51] : memref<8x128xi32, #tpu.memory_space<vmem>> -> memref<1x128xi32, #tpu.memory_space<vmem>>
    %dma_start3A_53 = tpu.memref_squeeze %dma_start3A_52 : memref<1x128xi32, #tpu.memory_space<vmem>> -> memref<128xi32, #tpu.memory_space<vmem>>
    %dma_start3A_54 = arith.constant 0 : i32
    %dma_start3A_55 = arith.constant 0 : i32
    %dma_start3A_56 = tpu.memref_slice %arg10[%dma_start3A_54, %dma_start3A_55] : memref<10112x16xf32, #tpu.memory_space<vmem_shared>> -> memref<10112x16xf32, #tpu.memory_space<vmem_shared>>
    tpu.enqueue_indirect_dma source(%dma_start3A_56 : memref<10112x16xf32, #tpu.memory_space<vmem_shared>>) target(%dma_start3A_46 : memref<128x16xf32, #tpu.memory_space<vmem>>) offsets(%dma_start3A_53 : memref<128xi32, #tpu.memory_space<vmem>>) semaphore(%arg11 : memref<!tpu.dma_semaphore, #tpu.memory_space<semaphore_mem>>)
    %dma_start3A_57 = arith.constant 0 : i32
    %dma_start3A_58 = arith.constant 2 : i32
    %dma_start3A_59 = arith.constant 0 : i32
    %dma_start3A_60 = arith.constant 0 : i32
    %dma_start3A_61 = arith.constant 0 : i32
    %dma_start3A_62 = tpu.memref_slice %arg8[%dma_start3A_59, %dma_start3A_60, %dma_start3A_61] : memref<2x1024x16xf32, #tpu.memory_space<vmem>> -> memref<1x1024x16xf32, #tpu.memory_space<vmem>>
    %dma_start3A_63 = tpu.memref_squeeze %dma_start3A_62 : memref<1x1024x16xf32, #tpu.memory_space<vmem>> -> memref<1024x16xf32, #tpu.memory_space<vmem>>
    %dma_start3A_64 = arith.constant 256 : i32
    %dma_start3A_65 = arith.constant 0 : i32
    %dma_start3A_66 = tpu.memref_slice %dma_start3A_63[%dma_start3A_64, %dma_start3A_65] : memref<1024x16xf32, #tpu.memory_space<vmem>> -> memref<128x16xf32, #tpu.memory_space<vmem>>
    %dma_start3A_67 = arith.constant 0 : i32
    %dma_start3A_68 = arith.constant 0 : i32
    %dma_start3A_69 = tpu.memref_slice %arg6[%dma_start3A_57, %dma_start3A_67, %dma_start3A_68] : memref<2x8x128xi32, #tpu.memory_space<vmem>> -> memref<1x8x128xi32, #tpu.memory_space<vmem>>
    %dma_start3A_70 = tpu.memref_squeeze %dma_start3A_69 : memref<1x8x128xi32, #tpu.memory_space<vmem>> -> memref<8x128xi32, #tpu.memory_space<vmem>>
    %dma_start3A_71 = arith.constant 0 : i32
    %dma_start3A_72 = tpu.memref_slice %dma_start3A_70[%dma_start3A_58, %dma_start3A_71] : memref<8x128xi32, #tpu.memory_space<vmem>> -> memref<1x128xi32, #tpu.memory_space<vmem>>
    %dma_start3A_73 = tpu.memref_squeeze %dma_start3A_72 : memref<1x128xi32, #tpu.memory_space<vmem>> -> memref<128xi32, #tpu.memory_space<vmem>>
    %dma_start3A_74 = arith.constant 0 : i32
    %dma_start3A_75 = arith.constant 0 : i32
    %dma_start3A_76 = tpu.memref_slice %arg10[%dma_start3A_74, %dma_start3A_75] : memref<10112x16xf32, #tpu.memory_space<vmem_shared>> -> memref<10112x16xf32, #tpu.memory_space<vmem_shared>>
    tpu.enqueue_indirect_dma source(%dma_start3A_76 : memref<10112x16xf32, #tpu.memory_space<vmem_shared>>) target(%dma_start3A_66 : memref<128x16xf32, #tpu.memory_space<vmem>>) offsets(%dma_start3A_73 : memref<128xi32, #tpu.memory_space<vmem>>) semaphore(%arg11 : memref<!tpu.dma_semaphore, #tpu.memory_space<semaphore_mem>>)
    %dma_start3A_77 = arith.constant 0 : i32
    %dma_start3A_78 = arith.constant 3 : i32
    %dma_start3A_79 = arith.constant 0 : i32
    %dma_start3A_80 = arith.constant 0 : i32
    %dma_start3A_81 = arith.constant 0 : i32
    %dma_start3A_82 = tpu.memref_slice %arg8[%dma_start3A_79, %dma_start3A_80, %dma_start3A_81] : memref<2x1024x16xf32, #tpu.memory_space<vmem>> -> memref<1x1024x16xf32, #tpu.memory_space<vmem>>
    %dma_start3A_83 = tpu.memref_squeeze %dma_start3A_82 : memref<1x1024x16xf32, #tpu.memory_space<vmem>> -> memref<1024x16xf32, #tpu.memory_space<vmem>>
    %dma_start3A_84 = arith.constant 384 : i32
    %dma_start3A_85 = arith.constant 0 : i32
    %dma_start3A_86 = tpu.memref_slice %dma_start3A_83[%dma_start3A_84, %dma_start3A_85] : memref<1024x16xf32, #tpu.memory_space<vmem>> -> memref<128x16xf32, #tpu.memory_space<vmem>>
    %dma_start3A_87 = arith.constant 0 : i32
    %dma_start3A_88 = arith.constant 0 : i32
    %dma_start3A_89 = tpu.memref_slice %arg6[%dma_start3A_77, %dma_start3A_87, %dma_start3A_88] : memref<2x8x128xi32, #tpu.memory_space<vmem>> -> memref<1x8x128xi32, #tpu.memory_space<vmem>>
    %dma_start3A_90 = tpu.memref_squeeze %dma_start3A_89 : memref<1x8x128xi32, #tpu.memory_space<vmem>> -> memref<8x128xi32, #tpu.memory_space<vmem>>
    %dma_start3A_91 = arith.constant 0 : i32
    %dma_start3A_92 = tpu.memref_slice %dma_start3A_90[%dma_start3A_78, %dma_start3A_91] : memref<8x128xi32, #tpu.memory_space<vmem>> -> memref<1x128xi32, #tpu.memory_space<vmem>>
    %dma_start3A_93 = tpu.memref_squeeze %dma_start3A_92 : memref<1x128xi32, #tpu.memory_space<vmem>> -> memref<128xi32, #tpu.memory_space<vmem>>
    %dma_start3A_94 = arith.constant 0 : i32
    %dma_start3A_95 = arith.constant 0 : i32
    %dma_start3A_96 = tpu.memref_slice %arg10[%dma_start3A_94, %dma_start3A_95] : memref<10112x16xf32, #tpu.memory_space<vmem_shared>> -> memref<10112x16xf32, #tpu.memory_space<vmem_shared>>
    tpu.enqueue_indirect_dma source(%dma_start3A_96 : memref<10112x16xf32, #tpu.memory_space<vmem_shared>>) target(%dma_start3A_86 : memref<128x16xf32, #tpu.memory_space<vmem>>) offsets(%dma_start3A_93 : memref<128xi32, #tpu.memory_space<vmem>>) semaphore(%arg11 : memref<!tpu.dma_semaphore, #tpu.memory_space<semaphore_mem>>)
    %dma_start3A_97 = arith.constant 0 : i32
    %dma_start3A_98 = arith.constant 4 : i32
    %dma_start3A_99 = arith.constant 0 : i32
    %dma_start3A_100 = arith.constant 0 : i32
    %dma_start3A_101 = arith.constant 0 : i32
    %dma_start3A_102 = tpu.memref_slice %arg8[%dma_start3A_99, %dma_start3A_100, %dma_start3A_101] : memref<2x1024x16xf32, #tpu.memory_space<vmem>> -> memref<1x1024x16xf32, #tpu.memory_space<vmem>>
    %dma_start3A_103 = tpu.memref_squeeze %dma_start3A_102 : memref<1x1024x16xf32, #tpu.memory_space<vmem>> -> memref<1024x16xf32, #tpu.memory_space<vmem>>
    %dma_start3A_104 = arith.constant 512 : i32
    %dma_start3A_105 = arith.constant 0 : i32
    %dma_start3A_106 = tpu.memref_slice %dma_start3A_103[%dma_start3A_104, %dma_start3A_105] : memref<1024x16xf32, #tpu.memory_space<vmem>> -> memref<128x16xf32, #tpu.memory_space<vmem>>
    %dma_start3A_107 = arith.constant 0 : i32
    %dma_start3A_108 = arith.constant 0 : i32
    %dma_start3A_109 = tpu.memref_slice %arg6[%dma_start3A_97, %dma_start3A_107, %dma_start3A_108] : memref<2x8x128xi32, #tpu.memory_space<vmem>> -> memref<1x8x128xi32, #tpu.memory_space<vmem>>
    %dma_start3A_110 = tpu.memref_squeeze %dma_start3A_109 : memref<1x8x128xi32, #tpu.memory_space<vmem>> -> memref<8x128xi32, #tpu.memory_space<vmem>>
    %dma_start3A_111 = arith.constant 0 : i32
    %dma_start3A_112 = tpu.memref_slice %dma_start3A_110[%dma_start3A_98, %dma_start3A_111] : memref<8x128xi32, #tpu.memory_space<vmem>> -> memref<1x128xi32, #tpu.memory_space<vmem>>
    %dma_start3A_113 = tpu.memref_squeeze %dma_start3A_112 : memref<1x128xi32, #tpu.memory_space<vmem>> -> memref<128xi32, #tpu.memory_space<vmem>>
    %dma_start3A_114 = arith.constant 0 : i32
    %dma_start3A_115 = arith.constant 0 : i32
    %dma_start3A_116 = tpu.memref_slice %arg10[%dma_start3A_114, %dma_start3A_115] : memref<10112x16xf32, #tpu.memory_space<vmem_shared>> -> memref<10112x16xf32, #tpu.memory_space<vmem_shared>>
    tpu.enqueue_indirect_dma source(%dma_start3A_116 : memref<10112x16xf32, #tpu.memory_space<vmem_shared>>) target(%dma_start3A_106 : memref<128x16xf32, #tpu.memory_space<vmem>>) offsets(%dma_start3A_113 : memref<128xi32, #tpu.memory_space<vmem>>) semaphore(%arg11 : memref<!tpu.dma_semaphore, #tpu.memory_space<semaphore_mem>>)
    %dma_start3A_117 = arith.constant 0 : i32
    %dma_start3A_118 = arith.constant 5 : i32
    %dma_start3A_119 = arith.constant 0 : i32
    %dma_start3A_120 = arith.constant 0 : i32
    %dma_start3A_121 = arith.constant 0 : i32
    %dma_start3A_122 = tpu.memref_slice %arg8[%dma_start3A_119, %dma_start3A_120, %dma_start3A_121] : memref<2x1024x16xf32, #tpu.memory_space<vmem>> -> memref<1x1024x16xf32, #tpu.memory_space<vmem>>
    %dma_start3A_123 = tpu.memref_squeeze %dma_start3A_122 : memref<1x1024x16xf32, #tpu.memory_space<vmem>> -> memref<1024x16xf32, #tpu.memory_space<vmem>>
    %dma_start3A_124 = arith.constant 640 : i32
    %dma_start3A_125 = arith.constant 0 : i32
    %dma_start3A_126 = tpu.memref_slice %dma_start3A_123[%dma_start3A_124, %dma_start3A_125] : memref<1024x16xf32, #tpu.memory_space<vmem>> -> memref<128x16xf32, #tpu.memory_space<vmem>>
    %dma_start3A_127 = arith.constant 0 : i32
    %dma_start3A_128 = arith.constant 0 : i32
    %dma_start3A_129 = tpu.memref_slice %arg6[%dma_start3A_117, %dma_start3A_127, %dma_start3A_128] : memref<2x8x128xi32, #tpu.memory_space<vmem>> -> memref<1x8x128xi32, #tpu.memory_space<vmem>>
    %dma_start3A_130 = tpu.memref_squeeze %dma_start3A_129 : memref<1x8x128xi32, #tpu.memory_space<vmem>> -> memref<8x128xi32, #tpu.memory_space<vmem>>
    %dma_start3A_131 = arith.constant 0 : i32
    %dma_start3A_132 = tpu.memref_slice %dma_start3A_130[%dma_start3A_118, %dma_start3A_131] : memref<8x128xi32, #tpu.memory_space<vmem>> -> memref<1x128xi32, #tpu.memory_space<vmem>>
    %dma_start3A_133 = tpu.memref_squeeze %dma_start3A_132 : memref<1x128xi32, #tpu.memory_space<vmem>> -> memref<128xi32, #tpu.memory_space<vmem>>
    %dma_start3A_134 = arith.constant 0 : i32
    %dma_start3A_135 = arith.constant 0 : i32
    %dma_start3A_136 = tpu.memref_slice %arg10[%dma_start3A_134, %dma_start3A_135] : memref<10112x16xf32, #tpu.memory_space<vmem_shared>> -> memref<10112x16xf32, #tpu.memory_space<vmem_shared>>
    tpu.enqueue_indirect_dma source(%dma_start3A_136 : memref<10112x16xf32, #tpu.memory_space<vmem_shared>>) target(%dma_start3A_126 : memref<128x16xf32, #tpu.memory_space<vmem>>) offsets(%dma_start3A_133 : memref<128xi32, #tpu.memory_space<vmem>>) semaphore(%arg11 : memref<!tpu.dma_semaphore, #tpu.memory_space<semaphore_mem>>)
    %dma_start3A_137 = arith.constant 0 : i32
    %dma_start3A_138 = arith.constant 6 : i32
    %dma_start3A_139 = arith.constant 0 : i32
    %dma_start3A_140 = arith.constant 0 : i32
    %dma_start3A_141 = arith.constant 0 : i32
    %dma_start3A_142 = tpu.memref_slice %arg8[%dma_start3A_139, %dma_start3A_140, %dma_start3A_141] : memref<2x1024x16xf32, #tpu.memory_space<vmem>> -> memref<1x1024x16xf32, #tpu.memory_space<vmem>>
    %dma_start3A_143 = tpu.memref_squeeze %dma_start3A_142 : memref<1x1024x16xf32, #tpu.memory_space<vmem>> -> memref<1024x16xf32, #tpu.memory_space<vmem>>
    %dma_start3A_144 = arith.constant 768 : i32
    %dma_start3A_145 = arith.constant 0 : i32
    %dma_start3A_146 = tpu.memref_slice %dma_start3A_143[%dma_start3A_144, %dma_start3A_145] : memref<1024x16xf32, #tpu.memory_space<vmem>> -> memref<128x16xf32, #tpu.memory_space<vmem>>
    %dma_start3A_147 = arith.constant 0 : i32
    %dma_start3A_148 = arith.constant 0 : i32
    %dma_start3A_149 = tpu.memref_slice %arg6[%dma_start3A_137, %dma_start3A_147, %dma_start3A_148] : memref<2x8x128xi32, #tpu.memory_space<vmem>> -> memref<1x8x128xi32, #tpu.memory_space<vmem>>
    %dma_start3A_150 = tpu.memref_squeeze %dma_start3A_149 : memref<1x8x128xi32, #tpu.memory_space<vmem>> -> memref<8x128xi32, #tpu.memory_space<vmem>>
    %dma_start3A_151 = arith.constant 0 : i32
    %dma_start3A_152 = tpu.memref_slice %dma_start3A_150[%dma_start3A_138, %dma_start3A_151] : memref<8x128xi32, #tpu.memory_space<vmem>> -> memref<1x128xi32, #tpu.memory_space<vmem>>
    %dma_start3A_153 = tpu.memref_squeeze %dma_start3A_152 : memref<1x128xi32, #tpu.memory_space<vmem>> -> memref<128xi32, #tpu.memory_space<vmem>>
    %dma_start3A_154 = arith.constant 0 : i32
    %dma_start3A_155 = arith.constant 0 : i32
    %dma_start3A_156 = tpu.memref_slice %arg10[%dma_start3A_154, %dma_start3A_155] : memref<10112x16xf32, #tpu.memory_space<vmem_shared>> -> memref<10112x16xf32, #tpu.memory_space<vmem_shared>>
    tpu.enqueue_indirect_dma source(%dma_start3A_156 : memref<10112x16xf32, #tpu.memory_space<vmem_shared>>) target(%dma_start3A_146 : memref<128x16xf32, #tpu.memory_space<vmem>>) offsets(%dma_start3A_153 : memref<128xi32, #tpu.memory_space<vmem>>) semaphore(%arg11 : memref<!tpu.dma_semaphore, #tpu.memory_space<semaphore_mem>>)
    %dma_start3A_157 = arith.constant 0 : i32
    %dma_start3A_158 = arith.constant 7 : i32
    %dma_start3A_159 = arith.constant 0 : i32
    %dma_start3A_160 = arith.constant 0 : i32
    %dma_start3A_161 = arith.constant 0 : i32
    %dma_start3A_162 = tpu.memref_slice %arg8[%dma_start3A_159, %dma_start3A_160, %dma_start3A_161] : memref<2x1024x16xf32, #tpu.memory_space<vmem>> -> memref<1x1024x16xf32, #tpu.memory_space<vmem>>
    %dma_start3A_163 = tpu.memref_squeeze %dma_start3A_162 : memref<1x1024x16xf32, #tpu.memory_space<vmem>> -> memref<1024x16xf32, #tpu.memory_space<vmem>>
    %dma_start3A_164 = arith.constant 896 : i32
    %dma_start3A_165 = arith.constant 0 : i32
    %dma_start3A_166 = tpu.memref_slice %dma_start3A_163[%dma_start3A_164, %dma_start3A_165] : memref<1024x16xf32, #tpu.memory_space<vmem>> -> memref<128x16xf32, #tpu.memory_space<vmem>>
    %dma_start3A_167 = arith.constant 0 : i32
    %dma_start3A_168 = arith.constant 0 : i32
    %dma_start3A_169 = tpu.memref_slice %arg6[%dma_start3A_157, %dma_start3A_167, %dma_start3A_168] : memref<2x8x128xi32, #tpu.memory_space<vmem>> -> memref<1x8x128xi32, #tpu.memory_space<vmem>>
    %dma_start3A_170 = tpu.memref_squeeze %dma_start3A_169 : memref<1x8x128xi32, #tpu.memory_space<vmem>> -> memref<8x128xi32, #tpu.memory_space<vmem>>
    %dma_start3A_171 = arith.constant 0 : i32
    %dma_start3A_172 = tpu.memref_slice %dma_start3A_170[%dma_start3A_158, %dma_start3A_171] : memref<8x128xi32, #tpu.memory_space<vmem>> -> memref<1x128xi32, #tpu.memory_space<vmem>>
    %dma_start3A_173 = tpu.memref_squeeze %dma_start3A_172 : memref<1x128xi32, #tpu.memory_space<vmem>> -> memref<128xi32, #tpu.memory_space<vmem>>
    %dma_start3A_174 = arith.constant 0 : i32
    %dma_start3A_175 = arith.constant 0 : i32
    %dma_start3A_176 = tpu.memref_slice %arg10[%dma_start3A_174, %dma_start3A_175] : memref<10112x16xf32, #tpu.memory_space<vmem_shared>> -> memref<10112x16xf32, #tpu.memory_space<vmem_shared>>
    tpu.enqueue_indirect_dma source(%dma_start3A_176 : memref<10112x16xf32, #tpu.memory_space<vmem_shared>>) target(%dma_start3A_166 : memref<128x16xf32, #tpu.memory_space<vmem>>) offsets(%dma_start3A_173 : memref<128xi32, #tpu.memory_space<vmem>>) semaphore(%arg11 : memref<!tpu.dma_semaphore, #tpu.memory_space<semaphore_mem>>)
    %scan3A = arith.constant 0 : i32
    %scan3A_177 = arith.constant 0 : i32
    %scan3A_178 = arith.constant 5 : i32
    %scan3A_179 = arith.addi %scan3A_177, %scan3A_178 : i32
    %scan3A_180 = arith.constant 1 : i32
    scf.for %scan3A_201 = %scan3A_177 to %scan3A_179 step %scan3A_180  : i32 {
      %mul3A_202 = arith.constant 2 : i32
      %mul3A_203 = arith.muli %mul3A_202, %scan3A_201 : i32
      %add3A_204 = arith.constant 1 : i32
      %add3A_205 = arith.addi %mul3A_203, %add3A_204 : i32
      %mul3A_206 = arith.constant 8 : i32
      %mul3A_207 = arith.muli %add3A_205, %mul3A_206 : i32
      %add3A_208 = arith.addi %mul3A_2, %mul3A_207 : i32
      %run_scoped3A_209 = arith.constant 0 : i32
      %run_scoped3A_210 = arith.constant 1 : i32
      "tpu.region"() ({
        %run_scoped3A_626 = tpu.sem_alloc : memref<!tpu.dma_semaphore, #tpu.memory_space<semaphore_mem>>
        %dma_start3A_627 = arith.constant 0 : i32
        %dma_start3A_628 = arith.constant 0 : i32
        %dma_start3A_629 = tpu.memref_slice %arg6[%run_scoped3A_210, %dma_start3A_627, %dma_start3A_628] : memref<2x8x128xi32, #tpu.memory_space<vmem>> -> memref<1x8x128xi32, #tpu.memory_space<vmem>>
        %dma_start3A_630 = tpu.memref_squeeze %dma_start3A_629 : memref<1x8x128xi32, #tpu.memory_space<vmem>> -> memref<8x128xi32, #tpu.memory_space<vmem>>
        %dma_start3A_631 = arith.constant 0 : i32
        %dma_start3A_632 = arith.constant 0 : i32
        %dma_start3A_633 = tpu.memref_slice %arg2[%run_scoped3A_209, %dma_start3A_631, %dma_start3A_632] : memref<2x2568x128xi32, #tpu.memory_space<hbm>> -> memref<1x2568x128xi32, #tpu.memory_space<hbm>>
        %dma_start3A_634 = tpu.memref_squeeze %dma_start3A_633 : memref<1x2568x128xi32, #tpu.memory_space<hbm>> -> memref<2568x128xi32, #tpu.memory_space<hbm>>
        %dma_start3A_635 = arith.constant 0 : i32
        %dma_start3A_636 = tpu.memref_slice %dma_start3A_634[%add3A_208, %dma_start3A_635] : memref<2568x128xi32, #tpu.memory_space<hbm>> -> memref<8x128xi32, #tpu.memory_space<hbm>>
        %dma_start3A_637 = arith.constant 0 : i32
        %dma_start3A_638 = arith.constant 0 : i32
        %dma_start3A_639 = tpu.memref_slice %arg6[%run_scoped3A_210, %dma_start3A_637, %dma_start3A_638] : memref<2x8x128xi32, #tpu.memory_space<vmem>> -> memref<1x8x128xi32, #tpu.memory_space<vmem>>
        %dma_start3A_640 = tpu.memref_squeeze %dma_start3A_639 : memref<1x8x128xi32, #tpu.memory_space<vmem>> -> memref<8x128xi32, #tpu.memory_space<vmem>>
        %dma_start3A_641 = arith.constant 0 : i32
        %dma_start3A_642 = arith.constant 0 : i32
        %dma_start3A_643 = tpu.memref_slice %arg2[%run_scoped3A_209, %dma_start3A_641, %dma_start3A_642] : memref<2x2568x128xi32, #tpu.memory_space<hbm>> -> memref<1x2568x128xi32, #tpu.memory_space<hbm>>
        %dma_start3A_644 = tpu.memref_squeeze %dma_start3A_643 : memref<1x2568x128xi32, #tpu.memory_space<hbm>> -> memref<2568x128xi32, #tpu.memory_space<hbm>>
        %dma_start3A_645 = arith.constant 0 : i32
        %dma_start3A_646 = tpu.memref_slice %dma_start3A_644[%add3A_208, %dma_start3A_645] : memref<2568x128xi32, #tpu.memory_space<hbm>> -> memref<8x128xi32, #tpu.memory_space<hbm>>
        tpu.enqueue_dma source(%dma_start3A_646 : memref<8x128xi32, #tpu.memory_space<hbm>>) target(%dma_start3A_640 : memref<8x128xi32, #tpu.memory_space<vmem>>) target_semaphore(%run_scoped3A_626 : memref<!tpu.dma_semaphore, #tpu.memory_space<semaphore_mem>>)
        %dma_wait3A_647 = arith.constant 0 : i32
        %dma_wait3A_648 = arith.constant 0 : i32
        %dma_wait3A_649 = tpu.memref_slice %arg6[%run_scoped3A_210, %dma_wait3A_647, %dma_wait3A_648] : memref<2x8x128xi32, #tpu.memory_space<vmem>> -> memref<1x8x128xi32, #tpu.memory_space<vmem>>
        %dma_wait3A_650 = tpu.memref_squeeze %dma_wait3A_649 : memref<1x8x128xi32, #tpu.memory_space<vmem>> -> memref<8x128xi32, #tpu.memory_space<vmem>>
        %dma_wait3A_651 = arith.constant 0 : i32
        %dma_wait3A_652 = arith.constant 0 : i32
        %dma_wait3A_653 = tpu.memref_slice %arg2[%run_scoped3A_209, %dma_wait3A_651, %dma_wait3A_652] : memref<2x2568x128xi32, #tpu.memory_space<hbm>> -> memref<1x2568x128xi32, #tpu.memory_space<hbm>>
        %dma_wait3A_654 = tpu.memref_squeeze %dma_wait3A_653 : memref<1x2568x128xi32, #tpu.memory_space<hbm>> -> memref<2568x128xi32, #tpu.memory_space<hbm>>
        %dma_wait3A_655 = arith.constant 0 : i32
        %dma_wait3A_656 = tpu.memref_slice %dma_wait3A_654[%add3A_208, %dma_wait3A_655] : memref<2568x128xi32, #tpu.memory_space<hbm>> -> memref<8x128xi32, #tpu.memory_space<hbm>>
        %dma_wait3A_657 = arith.constant 0 : i32
        %dma_wait3A_658 = arith.constant 0 : i32
        %dma_wait3A_659 = tpu.memref_slice %arg6[%run_scoped3A_210, %dma_wait3A_657, %dma_wait3A_658] : memref<2x8x128xi32, #tpu.memory_space<vmem>> -> memref<1x8x128xi32, #tpu.memory_space<vmem>>
        %dma_wait3A_660 = tpu.memref_squeeze %dma_wait3A_659 : memref<1x8x128xi32, #tpu.memory_space<vmem>> -> memref<8x128xi32, #tpu.memory_space<vmem>>
        %dma_wait3A_661 = arith.constant 0 : i32
        %dma_wait3A_662 = arith.constant 0 : i32
        %dma_wait3A_663 = tpu.memref_slice %arg2[%run_scoped3A_209, %dma_wait3A_661, %dma_wait3A_662] : memref<2x2568x128xi32, #tpu.memory_space<hbm>> -> memref<1x2568x128xi32, #tpu.memory_space<hbm>>
        %dma_wait3A_664 = tpu.memref_squeeze %dma_wait3A_663 : memref<1x2568x128xi32, #tpu.memory_space<hbm>> -> memref<2568x128xi32, #tpu.memory_space<hbm>>
        %dma_wait3A_665 = arith.constant 0 : i32
        %dma_wait3A_666 = tpu.memref_slice %dma_wait3A_664[%add3A_208, %dma_wait3A_665] : memref<2568x128xi32, #tpu.memory_space<hbm>> -> memref<8x128xi32, #tpu.memory_space<hbm>>
        tpu.wait_dma2 semaphore(%run_scoped3A_626 : memref<!tpu.dma_semaphore, #tpu.memory_space<semaphore_mem>>) src(%dma_wait3A_666 : memref<8x128xi32, #tpu.memory_space<hbm>>) dst(%dma_wait3A_660 : memref<8x128xi32, #tpu.memory_space<vmem>>)
        tpu.yield
      }) : () -> ()
      %mul3A_211 = arith.constant 8 : i32
      %mul3A_212 = arith.muli %add3A_205, %mul3A_211 : i32
      %add3A_213 = arith.addi %mul3A_2, %mul3A_212 : i32
      %run_scoped3A_214 = arith.constant 1 : i32
      %run_scoped3A_215 = arith.constant 1 : i32
      "tpu.region"() ({
        %run_scoped3A_626 = tpu.sem_alloc : memref<!tpu.dma_semaphore, #tpu.memory_space<semaphore_mem>>
        %dma_start3A_627 = arith.constant 0 : i32
        %dma_start3A_628 = arith.constant 0 : i32
        %dma_start3A_629 = tpu.memref_slice %arg7[%run_scoped3A_215, %dma_start3A_627, %dma_start3A_628] : memref<2x8x128xi32, #tpu.memory_space<vmem>> -> memref<1x8x128xi32, #tpu.memory_space<vmem>>
        %dma_start3A_630 = tpu.memref_squeeze %dma_start3A_629 : memref<1x8x128xi32, #tpu.memory_space<vmem>> -> memref<8x128xi32, #tpu.memory_space<vmem>>
        %dma_start3A_631 = arith.constant 0 : i32
        %dma_start3A_632 = arith.constant 0 : i32
        %dma_start3A_633 = tpu.memref_slice %arg2[%run_scoped3A_214, %dma_start3A_631, %dma_start3A_632] : memref<2x2568x128xi32, #tpu.memory_space<hbm>> -> memref<1x2568x128xi32, #tpu.memory_space<hbm>>
        %dma_start3A_634 = tpu.memref_squeeze %dma_start3A_633 : memref<1x2568x128xi32, #tpu.memory_space<hbm>> -> memref<2568x128xi32, #tpu.memory_space<hbm>>
        %dma_start3A_635 = arith.constant 0 : i32
        %dma_start3A_636 = tpu.memref_slice %dma_start3A_634[%add3A_213, %dma_start3A_635] : memref<2568x128xi32, #tpu.memory_space<hbm>> -> memref<8x128xi32, #tpu.memory_space<hbm>>
        %dma_start3A_637 = arith.constant 0 : i32
        %dma_start3A_638 = arith.constant 0 : i32
        %dma_start3A_639 = tpu.memref_slice %arg7[%run_scoped3A_215, %dma_start3A_637, %dma_start3A_638] : memref<2x8x128xi32, #tpu.memory_space<vmem>> -> memref<1x8x128xi32, #tpu.memory_space<vmem>>
        %dma_start3A_640 = tpu.memref_squeeze %dma_start3A_639 : memref<1x8x128xi32, #tpu.memory_space<vmem>> -> memref<8x128xi32, #tpu.memory_space<vmem>>
        %dma_start3A_641 = arith.constant 0 : i32
        %dma_start3A_642 = arith.constant 0 : i32
        %dma_start3A_643 = tpu.memref_slice %arg2[%run_scoped3A_214, %dma_start3A_641, %dma_start3A_642] : memref<2x2568x128xi32, #tpu.memory_space<hbm>> -> memref<1x2568x128xi32, #tpu.memory_space<hbm>>
        %dma_start3A_644 = tpu.memref_squeeze %dma_start3A_643 : memref<1x2568x128xi32, #tpu.memory_space<hbm>> -> memref<2568x128xi32, #tpu.memory_space<hbm>>
        %dma_start3A_645 = arith.constant 0 : i32
        %dma_start3A_646 = tpu.memref_slice %dma_start3A_644[%add3A_213, %dma_start3A_645] : memref<2568x128xi32, #tpu.memory_space<hbm>> -> memref<8x128xi32, #tpu.memory_space<hbm>>
        tpu.enqueue_dma source(%dma_start3A_646 : memref<8x128xi32, #tpu.memory_space<hbm>>) target(%dma_start3A_640 : memref<8x128xi32, #tpu.memory_space<vmem>>) target_semaphore(%run_scoped3A_626 : memref<!tpu.dma_semaphore, #tpu.memory_space<semaphore_mem>>)
        %dma_wait3A_647 = arith.constant 0 : i32
        %dma_wait3A_648 = arith.constant 0 : i32
        %dma_wait3A_649 = tpu.memref_slice %arg7[%run_scoped3A_215, %dma_wait3A_647, %dma_wait3A_648] : memref<2x8x128xi32, #tpu.memory_space<vmem>> -> memref<1x8x128xi32, #tpu.memory_space<vmem>>
        %dma_wait3A_650 = tpu.memref_squeeze %dma_wait3A_649 : memref<1x8x128xi32, #tpu.memory_space<vmem>> -> memref<8x128xi32, #tpu.memory_space<vmem>>
        %dma_wait3A_651 = arith.constant 0 : i32
        %dma_wait3A_652 = arith.constant 0 : i32
        %dma_wait3A_653 = tpu.memref_slice %arg2[%run_scoped3A_214, %dma_wait3A_651, %dma_wait3A_652] : memref<2x2568x128xi32, #tpu.memory_space<hbm>> -> memref<1x2568x128xi32, #tpu.memory_space<hbm>>
        %dma_wait3A_654 = tpu.memref_squeeze %dma_wait3A_653 : memref<1x2568x128xi32, #tpu.memory_space<hbm>> -> memref<2568x128xi32, #tpu.memory_space<hbm>>
        %dma_wait3A_655 = arith.constant 0 : i32
        %dma_wait3A_656 = tpu.memref_slice %dma_wait3A_654[%add3A_213, %dma_wait3A_655] : memref<2568x128xi32, #tpu.memory_space<hbm>> -> memref<8x128xi32, #tpu.memory_space<hbm>>
        %dma_wait3A_657 = arith.constant 0 : i32
        %dma_wait3A_658 = arith.constant 0 : i32
        %dma_wait3A_659 = tpu.memref_slice %arg7[%run_scoped3A_215, %dma_wait3A_657, %dma_wait3A_658] : memref<2x8x128xi32, #tpu.memory_space<vmem>> -> memref<1x8x128xi32, #tpu.memory_space<vmem>>
        %dma_wait3A_660 = tpu.memref_squeeze %dma_wait3A_659 : memref<1x8x128xi32, #tpu.memory_space<vmem>> -> memref<8x128xi32, #tpu.memory_space<vmem>>
        %dma_wait3A_661 = arith.constant 0 : i32
        %dma_wait3A_662 = arith.constant 0 : i32
        %dma_wait3A_663 = tpu.memref_slice %arg2[%run_scoped3A_214, %dma_wait3A_661, %dma_wait3A_662] : memref<2x2568x128xi32, #tpu.memory_space<hbm>> -> memref<1x2568x128xi32, #tpu.memory_space<hbm>>
        %dma_wait3A_664 = tpu.memref_squeeze %dma_wait3A_663 : memref<1x2568x128xi32, #tpu.memory_space<hbm>> -> memref<2568x128xi32, #tpu.memory_space<hbm>>
        %dma_wait3A_665 = arith.constant 0 : i32
        %dma_wait3A_666 = tpu.memref_slice %dma_wait3A_664[%add3A_213, %dma_wait3A_665] : memref<2568x128xi32, #tpu.memory_space<hbm>> -> memref<8x128xi32, #tpu.memory_space<hbm>>
        tpu.wait_dma2 semaphore(%run_scoped3A_626 : memref<!tpu.dma_semaphore, #tpu.memory_space<semaphore_mem>>) src(%dma_wait3A_666 : memref<8x128xi32, #tpu.memory_space<hbm>>) dst(%dma_wait3A_660 : memref<8x128xi32, #tpu.memory_space<vmem>>)
        tpu.yield
      }) : () -> ()
      %dma_start3A_216 = arith.constant 1 : i32
      %dma_start3A_217 = arith.constant 0 : i32
      %dma_start3A_218 = arith.constant 1 : i32
      %dma_start3A_219 = arith.constant 0 : i32
      %dma_start3A_220 = arith.constant 0 : i32
      %dma_start3A_221 = tpu.memref_slice %arg8[%dma_start3A_218, %dma_start3A_219, %dma_start3A_220] : memref<2x1024x16xf32, #tpu.memory_space<vmem>> -> memref<1x1024x16xf32, #tpu.memory_space<vmem>>
      %dma_start3A_222 = tpu.memref_squeeze %dma_start3A_221 : memref<1x1024x16xf32, #tpu.memory_space<vmem>> -> memref<1024x16xf32, #tpu.memory_space<vmem>>
      %dma_start3A_223 = arith.constant 0 : i32
      %dma_start3A_224 = arith.constant 0 : i32
      %dma_start3A_225 = tpu.memref_slice %dma_start3A_222[%dma_start3A_223, %dma_start3A_224] : memref<1024x16xf32, #tpu.memory_space<vmem>> -> memref<128x16xf32, #tpu.memory_space<vmem>>
      %dma_start3A_226 = arith.constant 0 : i32
      %dma_start3A_227 = arith.constant 0 : i32
      %dma_start3A_228 = tpu.memref_slice %arg6[%dma_start3A_216, %dma_start3A_226, %dma_start3A_227] : memref<2x8x128xi32, #tpu.memory_space<vmem>> -> memref<1x8x128xi32, #tpu.memory_space<vmem>>
      %dma_start3A_229 = tpu.memref_squeeze %dma_start3A_228 : memref<1x8x128xi32, #tpu.memory_space<vmem>> -> memref<8x128xi32, #tpu.memory_space<vmem>>
      %dma_start3A_230 = arith.constant 0 : i32
      %dma_start3A_231 = tpu.memref_slice %dma_start3A_229[%dma_start3A_217, %dma_start3A_230] : memref<8x128xi32, #tpu.memory_space<vmem>> -> memref<1x128xi32, #tpu.memory_space<vmem>>
      %dma_start3A_232 = tpu.memref_squeeze %dma_start3A_231 : memref<1x128xi32, #tpu.memory_space<vmem>> -> memref<128xi32, #tpu.memory_space<vmem>>
      %dma_start3A_233 = arith.constant 0 : i32
      %dma_start3A_234 = arith.constant 0 : i32
      %dma_start3A_235 = tpu.memref_slice %arg10[%dma_start3A_233, %dma_start3A_234] : memref<10112x16xf32, #tpu.memory_space<vmem_shared>> -> memref<10112x16xf32, #tpu.memory_space<vmem_shared>>
      tpu.enqueue_indirect_dma source(%dma_start3A_235 : memref<10112x16xf32, #tpu.memory_space<vmem_shared>>) target(%dma_start3A_225 : memref<128x16xf32, #tpu.memory_space<vmem>>) offsets(%dma_start3A_232 : memref<128xi32, #tpu.memory_space<vmem>>) semaphore(%arg11 : memref<!tpu.dma_semaphore, #tpu.memory_space<semaphore_mem>>)
      %dma_start3A_236 = arith.constant 1 : i32
      %dma_start3A_237 = arith.constant 1 : i32
      %dma_start3A_238 = arith.constant 1 : i32
      %dma_start3A_239 = arith.constant 0 : i32
      %dma_start3A_240 = arith.constant 0 : i32
      %dma_start3A_241 = tpu.memref_slice %arg8[%dma_start3A_238, %dma_start3A_239, %dma_start3A_240] : memref<2x1024x16xf32, #tpu.memory_space<vmem>> -> memref<1x1024x16xf32, #tpu.memory_space<vmem>>
      %dma_start3A_242 = tpu.memref_squeeze %dma_start3A_241 : memref<1x1024x16xf32, #tpu.memory_space<vmem>> -> memref<1024x16xf32, #tpu.memory_space<vmem>>
      %dma_start3A_243 = arith.constant 128 : i32
      %dma_start3A_244 = arith.constant 0 : i32
      %dma_start3A_245 = tpu.memref_slice %dma_start3A_242[%dma_start3A_243, %dma_start3A_244] : memref<1024x16xf32, #tpu.memory_space<vmem>> -> memref<128x16xf32, #tpu.memory_space<vmem>>
      %dma_start3A_246 = arith.constant 0 : i32
      %dma_start3A_247 = arith.constant 0 : i32
      %dma_start3A_248 = tpu.memref_slice %arg6[%dma_start3A_236, %dma_start3A_246, %dma_start3A_247] : memref<2x8x128xi32, #tpu.memory_space<vmem>> -> memref<1x8x128xi32, #tpu.memory_space<vmem>>
      %dma_start3A_249 = tpu.memref_squeeze %dma_start3A_248 : memref<1x8x128xi32, #tpu.memory_space<vmem>> -> memref<8x128xi32, #tpu.memory_space<vmem>>
      %dma_start3A_250 = arith.constant 0 : i32
      %dma_start3A_251 = tpu.memref_slice %dma_start3A_249[%dma_start3A_237, %dma_start3A_250] : memref<8x128xi32, #tpu.memory_space<vmem>> -> memref<1x128xi32, #tpu.memory_space<vmem>>
      %dma_start3A_252 = tpu.memref_squeeze %dma_start3A_251 : memref<1x128xi32, #tpu.memory_space<vmem>> -> memref<128xi32, #tpu.memory_space<vmem>>
      %dma_start3A_253 = arith.constant 0 : i32
      %dma_start3A_254 = arith.constant 0 : i32
      %dma_start3A_255 = tpu.memref_slice %arg10[%dma_start3A_253, %dma_start3A_254] : memref<10112x16xf32, #tpu.memory_space<vmem_shared>> -> memref<10112x16xf32, #tpu.memory_space<vmem_shared>>
      tpu.enqueue_indirect_dma source(%dma_start3A_255 : memref<10112x16xf32, #tpu.memory_space<vmem_shared>>) target(%dma_start3A_245 : memref<128x16xf32, #tpu.memory_space<vmem>>) offsets(%dma_start3A_252 : memref<128xi32, #tpu.memory_space<vmem>>) semaphore(%arg11 : memref<!tpu.dma_semaphore, #tpu.memory_space<semaphore_mem>>)
      %dma_start3A_256 = arith.constant 1 : i32
      %dma_start3A_257 = arith.constant 2 : i32
      %dma_start3A_258 = arith.constant 1 : i32
      %dma_start3A_259 = arith.constant 0 : i32
      %dma_start3A_260 = arith.constant 0 : i32
      %dma_start3A_261 = tpu.memref_slice %arg8[%dma_start3A_258, %dma_start3A_259, %dma_start3A_260] : memref<2x1024x16xf32, #tpu.memory_space<vmem>> -> memref<1x1024x16xf32, #tpu.memory_space<vmem>>
      %dma_start3A_262 = tpu.memref_squeeze %dma_start3A_261 : memref<1x1024x16xf32, #tpu.memory_space<vmem>> -> memref<1024x16xf32, #tpu.memory_space<vmem>>
      %dma_start3A_263 = arith.constant 256 : i32
      %dma_start3A_264 = arith.constant 0 : i32
      %dma_start3A_265 = tpu.memref_slice %dma_start3A_262[%dma_start3A_263, %dma_start3A_264] : memref<1024x16xf32, #tpu.memory_space<vmem>> -> memref<128x16xf32, #tpu.memory_space<vmem>>
      %dma_start3A_266 = arith.constant 0 : i32
      %dma_start3A_267 = arith.constant 0 : i32
      %dma_start3A_268 = tpu.memref_slice %arg6[%dma_start3A_256, %dma_start3A_266, %dma_start3A_267] : memref<2x8x128xi32, #tpu.memory_space<vmem>> -> memref<1x8x128xi32, #tpu.memory_space<vmem>>
      %dma_start3A_269 = tpu.memref_squeeze %dma_start3A_268 : memref<1x8x128xi32, #tpu.memory_space<vmem>> -> memref<8x128xi32, #tpu.memory_space<vmem>>
      %dma_start3A_270 = arith.constant 0 : i32
      %dma_start3A_271 = tpu.memref_slice %dma_start3A_269[%dma_start3A_257, %dma_start3A_270] : memref<8x128xi32, #tpu.memory_space<vmem>> -> memref<1x128xi32, #tpu.memory_space<vmem>>
      %dma_start3A_272 = tpu.memref_squeeze %dma_start3A_271 : memref<1x128xi32, #tpu.memory_space<vmem>> -> memref<128xi32, #tpu.memory_space<vmem>>
      %dma_start3A_273 = arith.constant 0 : i32
      %dma_start3A_274 = arith.constant 0 : i32
      %dma_start3A_275 = tpu.memref_slice %arg10[%dma_start3A_273, %dma_start3A_274] : memref<10112x16xf32, #tpu.memory_space<vmem_shared>> -> memref<10112x16xf32, #tpu.memory_space<vmem_shared>>
      tpu.enqueue_indirect_dma source(%dma_start3A_275 : memref<10112x16xf32, #tpu.memory_space<vmem_shared>>) target(%dma_start3A_265 : memref<128x16xf32, #tpu.memory_space<vmem>>) offsets(%dma_start3A_272 : memref<128xi32, #tpu.memory_space<vmem>>) semaphore(%arg11 : memref<!tpu.dma_semaphore, #tpu.memory_space<semaphore_mem>>)
      %dma_start3A_276 = arith.constant 1 : i32
      %dma_start3A_277 = arith.constant 3 : i32
      %dma_start3A_278 = arith.constant 1 : i32
      %dma_start3A_279 = arith.constant 0 : i32
      %dma_start3A_280 = arith.constant 0 : i32
      %dma_start3A_281 = tpu.memref_slice %arg8[%dma_start3A_278, %dma_start3A_279, %dma_start3A_280] : memref<2x1024x16xf32, #tpu.memory_space<vmem>> -> memref<1x1024x16xf32, #tpu.memory_space<vmem>>
      %dma_start3A_282 = tpu.memref_squeeze %dma_start3A_281 : memref<1x1024x16xf32, #tpu.memory_space<vmem>> -> memref<1024x16xf32, #tpu.memory_space<vmem>>
      %dma_start3A_283 = arith.constant 384 : i32
      %dma_start3A_284 = arith.constant 0 : i32
      %dma_start3A_285 = tpu.memref_slice %dma_start3A_282[%dma_start3A_283, %dma_start3A_284] : memref<1024x16xf32, #tpu.memory_space<vmem>> -> memref<128x16xf32, #tpu.memory_space<vmem>>
      %dma_start3A_286 = arith.constant 0 : i32
      %dma_start3A_287 = arith.constant 0 : i32
      %dma_start3A_288 = tpu.memref_slice %arg6[%dma_start3A_276, %dma_start3A_286, %dma_start3A_287] : memref<2x8x128xi32, #tpu.memory_space<vmem>> -> memref<1x8x128xi32, #tpu.memory_space<vmem>>
      %dma_start3A_289 = tpu.memref_squeeze %dma_start3A_288 : memref<1x8x128xi32, #tpu.memory_space<vmem>> -> memref<8x128xi32, #tpu.memory_space<vmem>>
      %dma_start3A_290 = arith.constant 0 : i32
      %dma_start3A_291 = tpu.memref_slice %dma_start3A_289[%dma_start3A_277, %dma_start3A_290] : memref<8x128xi32, #tpu.memory_space<vmem>> -> memref<1x128xi32, #tpu.memory_space<vmem>>
      %dma_start3A_292 = tpu.memref_squeeze %dma_start3A_291 : memref<1x128xi32, #tpu.memory_space<vmem>> -> memref<128xi32, #tpu.memory_space<vmem>>
      %dma_start3A_293 = arith.constant 0 : i32
      %dma_start3A_294 = arith.constant 0 : i32
      %dma_start3A_295 = tpu.memref_slice %arg10[%dma_start3A_293, %dma_start3A_294] : memref<10112x16xf32, #tpu.memory_space<vmem_shared>> -> memref<10112x16xf32, #tpu.memory_space<vmem_shared>>
      tpu.enqueue_indirect_dma source(%dma_start3A_295 : memref<10112x16xf32, #tpu.memory_space<vmem_shared>>) target(%dma_start3A_285 : memref<128x16xf32, #tpu.memory_space<vmem>>) offsets(%dma_start3A_292 : memref<128xi32, #tpu.memory_space<vmem>>) semaphore(%arg11 : memref<!tpu.dma_semaphore, #tpu.memory_space<semaphore_mem>>)
      %dma_start3A_296 = arith.constant 1 : i32
      %dma_start3A_297 = arith.constant 4 : i32
      %dma_start3A_298 = arith.constant 1 : i32
      %dma_start3A_299 = arith.constant 0 : i32
      %dma_start3A_300 = arith.constant 0 : i32
      %dma_start3A_301 = tpu.memref_slice %arg8[%dma_start3A_298, %dma_start3A_299, %dma_start3A_300] : memref<2x1024x16xf32, #tpu.memory_space<vmem>> -> memref<1x1024x16xf32, #tpu.memory_space<vmem>>
      %dma_start3A_302 = tpu.memref_squeeze %dma_start3A_301 : memref<1x1024x16xf32, #tpu.memory_space<vmem>> -> memref<1024x16xf32, #tpu.memory_space<vmem>>
      %dma_start3A_303 = arith.constant 512 : i32
      %dma_start3A_304 = arith.constant 0 : i32
      %dma_start3A_305 = tpu.memref_slice %dma_start3A_302[%dma_start3A_303, %dma_start3A_304] : memref<1024x16xf32, #tpu.memory_space<vmem>> -> memref<128x16xf32, #tpu.memory_space<vmem>>
      %dma_start3A_306 = arith.constant 0 : i32
      %dma_start3A_307 = arith.constant 0 : i32
      %dma_start3A_308 = tpu.memref_slice %arg6[%dma_start3A_296, %dma_start3A_306, %dma_start3A_307] : memref<2x8x128xi32, #tpu.memory_space<vmem>> -> memref<1x8x128xi32, #tpu.memory_space<vmem>>
      %dma_start3A_309 = tpu.memref_squeeze %dma_start3A_308 : memref<1x8x128xi32, #tpu.memory_space<vmem>> -> memref<8x128xi32, #tpu.memory_space<vmem>>
      %dma_start3A_310 = arith.constant 0 : i32
      %dma_start3A_311 = tpu.memref_slice %dma_start3A_309[%dma_start3A_297, %dma_start3A_310] : memref<8x128xi32, #tpu.memory_space<vmem>> -> memref<1x128xi32, #tpu.memory_space<vmem>>
      %dma_start3A_312 = tpu.memref_squeeze %dma_start3A_311 : memref<1x128xi32, #tpu.memory_space<vmem>> -> memref<128xi32, #tpu.memory_space<vmem>>
      %dma_start3A_313 = arith.constant 0 : i32
      %dma_start3A_314 = arith.constant 0 : i32
      %dma_start3A_315 = tpu.memref_slice %arg10[%dma_start3A_313, %dma_start3A_314] : memref<10112x16xf32, #tpu.memory_space<vmem_shared>> -> memref<10112x16xf32, #tpu.memory_space<vmem_shared>>
      tpu.enqueue_indirect_dma source(%dma_start3A_315 : memref<10112x16xf32, #tpu.memory_space<vmem_shared>>) target(%dma_start3A_305 : memref<128x16xf32, #tpu.memory_space<vmem>>) offsets(%dma_start3A_312 : memref<128xi32, #tpu.memory_space<vmem>>) semaphore(%arg11 : memref<!tpu.dma_semaphore, #tpu.memory_space<semaphore_mem>>)
      %dma_start3A_316 = arith.constant 1 : i32
      %dma_start3A_317 = arith.constant 5 : i32
      %dma_start3A_318 = arith.constant 1 : i32
      %dma_start3A_319 = arith.constant 0 : i32
      %dma_start3A_320 = arith.constant 0 : i32
      %dma_start3A_321 = tpu.memref_slice %arg8[%dma_start3A_318, %dma_start3A_319, %dma_start3A_320] : memref<2x1024x16xf32, #tpu.memory_space<vmem>> -> memref<1x1024x16xf32, #tpu.memory_space<vmem>>
      %dma_start3A_322 = tpu.memref_squeeze %dma_start3A_321 : memref<1x1024x16xf32, #tpu.memory_space<vmem>> -> memref<1024x16xf32, #tpu.memory_space<vmem>>
      %dma_start3A_323 = arith.constant 640 : i32
      %dma_start3A_324 = arith.constant 0 : i32
      %dma_start3A_325 = tpu.memref_slice %dma_start3A_322[%dma_start3A_323, %dma_start3A_324] : memref<1024x16xf32, #tpu.memory_space<vmem>> -> memref<128x16xf32, #tpu.memory_space<vmem>>
      %dma_start3A_326 = arith.constant 0 : i32
      %dma_start3A_327 = arith.constant 0 : i32
      %dma_start3A_328 = tpu.memref_slice %arg6[%dma_start3A_316, %dma_start3A_326, %dma_start3A_327] : memref<2x8x128xi32, #tpu.memory_space<vmem>> -> memref<1x8x128xi32, #tpu.memory_space<vmem>>
      %dma_start3A_329 = tpu.memref_squeeze %dma_start3A_328 : memref<1x8x128xi32, #tpu.memory_space<vmem>> -> memref<8x128xi32, #tpu.memory_space<vmem>>
      %dma_start3A_330 = arith.constant 0 : i32
      %dma_start3A_331 = tpu.memref_slice %dma_start3A_329[%dma_start3A_317, %dma_start3A_330] : memref<8x128xi32, #tpu.memory_space<vmem>> -> memref<1x128xi32, #tpu.memory_space<vmem>>
      %dma_start3A_332 = tpu.memref_squeeze %dma_start3A_331 : memref<1x128xi32, #tpu.memory_space<vmem>> -> memref<128xi32, #tpu.memory_space<vmem>>
      %dma_start3A_333 = arith.constant 0 : i32
      %dma_start3A_334 = arith.constant 0 : i32
      %dma_start3A_335 = tpu.memref_slice %arg10[%dma_start3A_333, %dma_start3A_334] : memref<10112x16xf32, #tpu.memory_space<vmem_shared>> -> memref<10112x16xf32, #tpu.memory_space<vmem_shared>>
      tpu.enqueue_indirect_dma source(%dma_start3A_335 : memref<10112x16xf32, #tpu.memory_space<vmem_shared>>) target(%dma_start3A_325 : memref<128x16xf32, #tpu.memory_space<vmem>>) offsets(%dma_start3A_332 : memref<128xi32, #tpu.memory_space<vmem>>) semaphore(%arg11 : memref<!tpu.dma_semaphore, #tpu.memory_space<semaphore_mem>>)
      %dma_start3A_336 = arith.constant 1 : i32
      %dma_start3A_337 = arith.constant 6 : i32
      %dma_start3A_338 = arith.constant 1 : i32
      %dma_start3A_339 = arith.constant 0 : i32
      %dma_start3A_340 = arith.constant 0 : i32
      %dma_start3A_341 = tpu.memref_slice %arg8[%dma_start3A_338, %dma_start3A_339, %dma_start3A_340] : memref<2x1024x16xf32, #tpu.memory_space<vmem>> -> memref<1x1024x16xf32, #tpu.memory_space<vmem>>
      %dma_start3A_342 = tpu.memref_squeeze %dma_start3A_341 : memref<1x1024x16xf32, #tpu.memory_space<vmem>> -> memref<1024x16xf32, #tpu.memory_space<vmem>>
      %dma_start3A_343 = arith.constant 768 : i32
      %dma_start3A_344 = arith.constant 0 : i32
      %dma_start3A_345 = tpu.memref_slice %dma_start3A_342[%dma_start3A_343, %dma_start3A_344] : memref<1024x16xf32, #tpu.memory_space<vmem>> -> memref<128x16xf32, #tpu.memory_space<vmem>>
      %dma_start3A_346 = arith.constant 0 : i32
      %dma_start3A_347 = arith.constant 0 : i32
      %dma_start3A_348 = tpu.memref_slice %arg6[%dma_start3A_336, %dma_start3A_346, %dma_start3A_347] : memref<2x8x128xi32, #tpu.memory_space<vmem>> -> memref<1x8x128xi32, #tpu.memory_space<vmem>>
      %dma_start3A_349 = tpu.memref_squeeze %dma_start3A_348 : memref<1x8x128xi32, #tpu.memory_space<vmem>> -> memref<8x128xi32, #tpu.memory_space<vmem>>
      %dma_start3A_350 = arith.constant 0 : i32
      %dma_start3A_351 = tpu.memref_slice %dma_start3A_349[%dma_start3A_337, %dma_start3A_350] : memref<8x128xi32, #tpu.memory_space<vmem>> -> memref<1x128xi32, #tpu.memory_space<vmem>>
      %dma_start3A_352 = tpu.memref_squeeze %dma_start3A_351 : memref<1x128xi32, #tpu.memory_space<vmem>> -> memref<128xi32, #tpu.memory_space<vmem>>
      %dma_start3A_353 = arith.constant 0 : i32
      %dma_start3A_354 = arith.constant 0 : i32
      %dma_start3A_355 = tpu.memref_slice %arg10[%dma_start3A_353, %dma_start3A_354] : memref<10112x16xf32, #tpu.memory_space<vmem_shared>> -> memref<10112x16xf32, #tpu.memory_space<vmem_shared>>
      tpu.enqueue_indirect_dma source(%dma_start3A_355 : memref<10112x16xf32, #tpu.memory_space<vmem_shared>>) target(%dma_start3A_345 : memref<128x16xf32, #tpu.memory_space<vmem>>) offsets(%dma_start3A_352 : memref<128xi32, #tpu.memory_space<vmem>>) semaphore(%arg11 : memref<!tpu.dma_semaphore, #tpu.memory_space<semaphore_mem>>)
      %dma_start3A_356 = arith.constant 1 : i32
      %dma_start3A_357 = arith.constant 7 : i32
      %dma_start3A_358 = arith.constant 1 : i32
      %dma_start3A_359 = arith.constant 0 : i32
      %dma_start3A_360 = arith.constant 0 : i32
      %dma_start3A_361 = tpu.memref_slice %arg8[%dma_start3A_358, %dma_start3A_359, %dma_start3A_360] : memref<2x1024x16xf32, #tpu.memory_space<vmem>> -> memref<1x1024x16xf32, #tpu.memory_space<vmem>>
      %dma_start3A_362 = tpu.memref_squeeze %dma_start3A_361 : memref<1x1024x16xf32, #tpu.memory_space<vmem>> -> memref<1024x16xf32, #tpu.memory_space<vmem>>
      %dma_start3A_363 = arith.constant 896 : i32
      %dma_start3A_364 = arith.constant 0 : i32
      %dma_start3A_365 = tpu.memref_slice %dma_start3A_362[%dma_start3A_363, %dma_start3A_364] : memref<1024x16xf32, #tpu.memory_space<vmem>> -> memref<128x16xf32, #tpu.memory_space<vmem>>
      %dma_start3A_366 = arith.constant 0 : i32
      %dma_start3A_367 = arith.constant 0 : i32
      %dma_start3A_368 = tpu.memref_slice %arg6[%dma_start3A_356, %dma_start3A_366, %dma_start3A_367] : memref<2x8x128xi32, #tpu.memory_space<vmem>> -> memref<1x8x128xi32, #tpu.memory_space<vmem>>
      %dma_start3A_369 = tpu.memref_squeeze %dma_start3A_368 : memref<1x8x128xi32, #tpu.memory_space<vmem>> -> memref<8x128xi32, #tpu.memory_space<vmem>>
      %dma_start3A_370 = arith.constant 0 : i32
      %dma_start3A_371 = tpu.memref_slice %dma_start3A_369[%dma_start3A_357, %dma_start3A_370] : memref<8x128xi32, #tpu.memory_space<vmem>> -> memref<1x128xi32, #tpu.memory_space<vmem>>
      %dma_start3A_372 = tpu.memref_squeeze %dma_start3A_371 : memref<1x128xi32, #tpu.memory_space<vmem>> -> memref<128xi32, #tpu.memory_space<vmem>>
      %dma_start3A_373 = arith.constant 0 : i32
      %dma_start3A_374 = arith.constant 0 : i32
      %dma_start3A_375 = tpu.memref_slice %arg10[%dma_start3A_373, %dma_start3A_374] : memref<10112x16xf32, #tpu.memory_space<vmem_shared>> -> memref<10112x16xf32, #tpu.memory_space<vmem_shared>>
      tpu.enqueue_indirect_dma source(%dma_start3A_375 : memref<10112x16xf32, #tpu.memory_space<vmem_shared>>) target(%dma_start3A_365 : memref<128x16xf32, #tpu.memory_space<vmem>>) offsets(%dma_start3A_372 : memref<128xi32, #tpu.memory_space<vmem>>) semaphore(%arg11 : memref<!tpu.dma_semaphore, #tpu.memory_space<semaphore_mem>>)
      %dma_wait3A_376 = arith.constant 0 : i32
      %dma_wait3A_377 = arith.constant 0 : i32
      %dma_wait3A_378 = arith.constant 0 : i32
      %dma_wait3A_379 = tpu.memref_slice %arg8[%dma_wait3A_376, %dma_wait3A_377, %dma_wait3A_378] : memref<2x1024x16xf32, #tpu.memory_space<vmem>> -> memref<1x1024x16xf32, #tpu.memory_space<vmem>>
      %dma_wait3A_380 = tpu.memref_squeeze %dma_wait3A_379 : memref<1x1024x16xf32, #tpu.memory_space<vmem>> -> memref<1024x16xf32, #tpu.memory_space<vmem>>
      %dma_wait3A_381 = arith.constant 0 : i32
      %dma_wait3A_382 = arith.constant 0 : i32
      %dma_wait3A_383 = tpu.memref_slice %arg4[%dma_wait3A_381, %dma_wait3A_382] : memref<10112x16xf32, #tpu.memory_space<hbm>> -> memref<1024x16xf32, #tpu.memory_space<hbm>>
      %dma_wait3A_384 = arith.constant 0 : i32
      %dma_wait3A_385 = arith.constant 0 : i32
      %dma_wait3A_386 = tpu.memref_slice %arg8[%dma_wait3A_376, %dma_wait3A_384, %dma_wait3A_385] : memref<2x1024x16xf32, #tpu.memory_space<vmem>> -> memref<1x1024x16xf32, #tpu.memory_space<vmem>>
      %dma_wait3A_387 = tpu.memref_squeeze %dma_wait3A_386 : memref<1x1024x16xf32, #tpu.memory_space<vmem>> -> memref<1024x16xf32, #tpu.memory_space<vmem>>
      %dma_wait3A_388 = arith.constant 0 : i32
      %dma_wait3A_389 = arith.constant 0 : i32
      %dma_wait3A_390 = tpu.memref_slice %arg4[%dma_wait3A_388, %dma_wait3A_389] : memref<10112x16xf32, #tpu.memory_space<hbm>> -> memref<1024x16xf32, #tpu.memory_space<hbm>>
      tpu.wait_dma2 semaphore(%arg11 : memref<!tpu.dma_semaphore, #tpu.memory_space<semaphore_mem>>) src(%dma_wait3A_390 : memref<1024x16xf32, #tpu.memory_space<hbm>>) dst(%dma_wait3A_387 : memref<1024x16xf32, #tpu.memory_space<vmem>>)
      %run_scoped3A_391 = arith.constant 0 : i32
      %run_scoped3A_392 = arith.constant 0 : i32
      %run_scoped3A_393 = arith.constant 0 : i32
      "tpu.region"() ({
        %run_scoped3A_626 = tpu.sem_alloc : memref<!tpu.dma_semaphore, #tpu.memory_space<semaphore_mem>>
        %dma_start3A_627 = arith.constant 0 : i32
        %dma_start3A_628 = arith.constant 0 : i32
        %dma_start3A_629 = tpu.memref_slice %arg8[%run_scoped3A_391, %dma_start3A_627, %dma_start3A_628] : memref<2x1024x16xf32, #tpu.memory_space<vmem>> -> memref<1x1024x16xf32, #tpu.memory_space<vmem>>
        %dma_start3A_630 = tpu.memref_squeeze %dma_start3A_629 : memref<1x1024x16xf32, #tpu.memory_space<vmem>> -> memref<1024x16xf32, #tpu.memory_space<vmem>>
        %dma_start3A_631 = arith.constant 0 : i32
        %dma_start3A_632 = arith.constant 0 : i32
        %dma_start3A_633 = tpu.memref_slice %dma_start3A_630[%dma_start3A_631, %dma_start3A_632] : memref<1024x16xf32, #tpu.memory_space<vmem>> -> memref<128x16xf32, #tpu.memory_space<vmem>>
        %dma_start3A_634 = arith.constant 0 : i32
        %dma_start3A_635 = arith.constant 0 : i32
        %dma_start3A_636 = tpu.memref_slice %arg7[%run_scoped3A_392, %dma_start3A_634, %dma_start3A_635] : memref<2x8x128xi32, #tpu.memory_space<vmem>> -> memref<1x8x128xi32, #tpu.memory_space<vmem>>
        %dma_start3A_637 = tpu.memref_squeeze %dma_start3A_636 : memref<1x8x128xi32, #tpu.memory_space<vmem>> -> memref<8x128xi32, #tpu.memory_space<vmem>>
        %dma_start3A_638 = arith.constant 0 : i32
        %dma_start3A_639 = tpu.memref_slice %dma_start3A_637[%run_scoped3A_393, %dma_start3A_638] : memref<8x128xi32, #tpu.memory_space<vmem>> -> memref<1x128xi32, #tpu.memory_space<vmem>>
        %dma_start3A_640 = tpu.memref_squeeze %dma_start3A_639 : memref<1x128xi32, #tpu.memory_space<vmem>> -> memref<128xi32, #tpu.memory_space<vmem>>
        %dma_start3A_641 = arith.constant 0 : i32
        %dma_start3A_642 = arith.constant 0 : i32
        %dma_start3A_643 = tpu.memref_slice %arg9[%dma_start3A_641, %dma_start3A_642] : memref<10112x16xf32, #tpu.memory_space<vmem_shared>> -> memref<10112x16xf32, #tpu.memory_space<vmem_shared>>
        tpu.enqueue_indirect_dma source(%dma_start3A_633 : memref<128x16xf32, #tpu.memory_space<vmem>>) target(%dma_start3A_643 : memref<10112x16xf32, #tpu.memory_space<vmem_shared>>) offsets(%dma_start3A_640 : memref<128xi32, #tpu.memory_space<vmem>>) semaphore(%run_scoped3A_626 : memref<!tpu.dma_semaphore, #tpu.memory_space<semaphore_mem>>) {add = true}
        %dma_wait3A_644 = arith.constant 0 : i32
        %dma_wait3A_645 = arith.constant 0 : i32
        %dma_wait3A_646 = tpu.memref_slice %arg8[%run_scoped3A_391, %dma_wait3A_644, %dma_wait3A_645] : memref<2x1024x16xf32, #tpu.memory_space<vmem>> -> memref<1x1024x16xf32, #tpu.memory_space<vmem>>
        %dma_wait3A_647 = tpu.memref_squeeze %dma_wait3A_646 : memref<1x1024x16xf32, #tpu.memory_space<vmem>> -> memref<1024x16xf32, #tpu.memory_space<vmem>>
        %dma_wait3A_648 = arith.constant 0 : i32
        %dma_wait3A_649 = arith.constant 0 : i32
        %dma_wait3A_650 = tpu.memref_slice %dma_wait3A_647[%dma_wait3A_648, %dma_wait3A_649] : memref<1024x16xf32, #tpu.memory_space<vmem>> -> memref<128x16xf32, #tpu.memory_space<vmem>>
        %dma_wait3A_651 = arith.constant 0 : i32
        %dma_wait3A_652 = arith.constant 0 : i32
        %dma_wait3A_653 = tpu.memref_slice %arg7[%run_scoped3A_392, %dma_wait3A_651, %dma_wait3A_652] : memref<2x8x128xi32, #tpu.memory_space<vmem>> -> memref<1x8x128xi32, #tpu.memory_space<vmem>>
        %dma_wait3A_654 = tpu.memref_squeeze %dma_wait3A_653 : memref<1x8x128xi32, #tpu.memory_space<vmem>> -> memref<8x128xi32, #tpu.memory_space<vmem>>
        %dma_wait3A_655 = arith.constant 0 : i32
        %dma_wait3A_656 = tpu.memref_slice %dma_wait3A_654[%run_scoped3A_393, %dma_wait3A_655] : memref<8x128xi32, #tpu.memory_space<vmem>> -> memref<1x128xi32, #tpu.memory_space<vmem>>
        %dma_wait3A_657 = tpu.memref_squeeze %dma_wait3A_656 : memref<1x128xi32, #tpu.memory_space<vmem>> -> memref<128xi32, #tpu.memory_space<vmem>>
        %dma_wait3A_658 = arith.constant 0 : i32
        %dma_wait3A_659 = arith.constant 0 : i32
        %dma_wait3A_660 = tpu.memref_slice %arg9[%dma_wait3A_658, %dma_wait3A_659] : memref<10112x16xf32, #tpu.memory_space<vmem_shared>> -> memref<10112x16xf32, #tpu.memory_space<vmem_shared>>
        tpu.wait_indirect_dma semaphore(%run_scoped3A_626 : memref<!tpu.dma_semaphore, #tpu.memory_space<semaphore_mem>>) src(%dma_wait3A_650 : memref<128x16xf32, #tpu.memory_space<vmem>>) dst(%dma_wait3A_660 : memref<10112x16xf32, #tpu.memory_space<vmem_shared>>)
        tpu.yield
      }) : () -> ()
      %run_scoped3A_394 = arith.constant 0 : i32
      %run_scoped3A_395 = arith.constant 0 : i32
      %run_scoped3A_396 = arith.constant 1 : i32
      "tpu.region"() ({
        %run_scoped3A_626 = tpu.sem_alloc : memref<!tpu.dma_semaphore, #tpu.memory_space<semaphore_mem>>
        %dma_start3A_627 = arith.constant 0 : i32
        %dma_start3A_628 = arith.constant 0 : i32
        %dma_start3A_629 = tpu.memref_slice %arg8[%run_scoped3A_394, %dma_start3A_627, %dma_start3A_628] : memref<2x1024x16xf32, #tpu.memory_space<vmem>> -> memref<1x1024x16xf32, #tpu.memory_space<vmem>>
        %dma_start3A_630 = tpu.memref_squeeze %dma_start3A_629 : memref<1x1024x16xf32, #tpu.memory_space<vmem>> -> memref<1024x16xf32, #tpu.memory_space<vmem>>
        %dma_start3A_631 = arith.constant 128 : i32
        %dma_start3A_632 = arith.constant 0 : i32
        %dma_start3A_633 = tpu.memref_slice %dma_start3A_630[%dma_start3A_631, %dma_start3A_632] : memref<1024x16xf32, #tpu.memory_space<vmem>> -> memref<128x16xf32, #tpu.memory_space<vmem>>
        %dma_start3A_634 = arith.constant 0 : i32
        %dma_start3A_635 = arith.constant 0 : i32
        %dma_start3A_636 = tpu.memref_slice %arg7[%run_scoped3A_395, %dma_start3A_634, %dma_start3A_635] : memref<2x8x128xi32, #tpu.memory_space<vmem>> -> memref<1x8x128xi32, #tpu.memory_space<vmem>>
        %dma_start3A_637 = tpu.memref_squeeze %dma_start3A_636 : memref<1x8x128xi32, #tpu.memory_space<vmem>> -> memref<8x128xi32, #tpu.memory_space<vmem>>
        %dma_start3A_638 = arith.constant 0 : i32
        %dma_start3A_639 = tpu.memref_slice %dma_start3A_637[%run_scoped3A_396, %dma_start3A_638] : memref<8x128xi32, #tpu.memory_space<vmem>> -> memref<1x128xi32, #tpu.memory_space<vmem>>
        %dma_start3A_640 = tpu.memref_squeeze %dma_start3A_639 : memref<1x128xi32, #tpu.memory_space<vmem>> -> memref<128xi32, #tpu.memory_space<vmem>>
        %dma_start3A_641 = arith.constant 0 : i32
        %dma_start3A_642 = arith.constant 0 : i32
        %dma_start3A_643 = tpu.memref_slice %arg9[%dma_start3A_641, %dma_start3A_642] : memref<10112x16xf32, #tpu.memory_space<vmem_shared>> -> memref<10112x16xf32, #tpu.memory_space<vmem_shared>>
        tpu.enqueue_indirect_dma source(%dma_start3A_633 : memref<128x16xf32, #tpu.memory_space<vmem>>) target(%dma_start3A_643 : memref<10112x16xf32, #tpu.memory_space<vmem_shared>>) offsets(%dma_start3A_640 : memref<128xi32, #tpu.memory_space<vmem>>) semaphore(%run_scoped3A_626 : memref<!tpu.dma_semaphore, #tpu.memory_space<semaphore_mem>>) {add = true}
        %dma_wait3A_644 = arith.constant 0 : i32
        %dma_wait3A_645 = arith.constant 0 : i32
        %dma_wait3A_646 = tpu.memref_slice %arg8[%run_scoped3A_394, %dma_wait3A_644, %dma_wait3A_645] : memref<2x1024x16xf32, #tpu.memory_space<vmem>> -> memref<1x1024x16xf32, #tpu.memory_space<vmem>>
        %dma_wait3A_647 = tpu.memref_squeeze %dma_wait3A_646 : memref<1x1024x16xf32, #tpu.memory_space<vmem>> -> memref<1024x16xf32, #tpu.memory_space<vmem>>
        %dma_wait3A_648 = arith.constant 128 : i32
        %dma_wait3A_649 = arith.constant 0 : i32
        %dma_wait3A_650 = tpu.memref_slice %dma_wait3A_647[%dma_wait3A_648, %dma_wait3A_649] : memref<1024x16xf32, #tpu.memory_space<vmem>> -> memref<128x16xf32, #tpu.memory_space<vmem>>
        %dma_wait3A_651 = arith.constant 0 : i32
        %dma_wait3A_652 = arith.constant 0 : i32
        %dma_wait3A_653 = tpu.memref_slice %arg7[%run_scoped3A_395, %dma_wait3A_651, %dma_wait3A_652] : memref<2x8x128xi32, #tpu.memory_space<vmem>> -> memref<1x8x128xi32, #tpu.memory_space<vmem>>
        %dma_wait3A_654 = tpu.memref_squeeze %dma_wait3A_653 : memref<1x8x128xi32, #tpu.memory_space<vmem>> -> memref<8x128xi32, #tpu.memory_space<vmem>>
        %dma_wait3A_655 = arith.constant 0 : i32
        %dma_wait3A_656 = tpu.memref_slice %dma_wait3A_654[%run_scoped3A_396, %dma_wait3A_655] : memref<8x128xi32, #tpu.memory_space<vmem>> -> memref<1x128xi32, #tpu.memory_space<vmem>>
        %dma_wait3A_657 = tpu.memref_squeeze %dma_wait3A_656 : memref<1x128xi32, #tpu.memory_space<vmem>> -> memref<128xi32, #tpu.memory_space<vmem>>
        %dma_wait3A_658 = arith.constant 0 : i32
        %dma_wait3A_659 = arith.constant 0 : i32
        %dma_wait3A_660 = tpu.memref_slice %arg9[%dma_wait3A_658, %dma_wait3A_659] : memref<10112x16xf32, #tpu.memory_space<vmem_shared>> -> memref<10112x16xf32, #tpu.memory_space<vmem_shared>>
        tpu.wait_indirect_dma semaphore(%run_scoped3A_626 : memref<!tpu.dma_semaphore, #tpu.memory_space<semaphore_mem>>) src(%dma_wait3A_650 : memref<128x16xf32, #tpu.memory_space<vmem>>) dst(%dma_wait3A_660 : memref<10112x16xf32, #tpu.memory_space<vmem_shared>>)
        tpu.yield
      }) : () -> ()
      %run_scoped3A_397 = arith.constant 0 : i32
      %run_scoped3A_398 = arith.constant 0 : i32
      %run_scoped3A_399 = arith.constant 2 : i32
      "tpu.region"() ({
        %run_scoped3A_626 = tpu.sem_alloc : memref<!tpu.dma_semaphore, #tpu.memory_space<semaphore_mem>>
        %dma_start3A_627 = arith.constant 0 : i32
        %dma_start3A_628 = arith.constant 0 : i32
        %dma_start3A_629 = tpu.memref_slice %arg8[%run_scoped3A_397, %dma_start3A_627, %dma_start3A_628] : memref<2x1024x16xf32, #tpu.memory_space<vmem>> -> memref<1x1024x16xf32, #tpu.memory_space<vmem>>
        %dma_start3A_630 = tpu.memref_squeeze %dma_start3A_629 : memref<1x1024x16xf32, #tpu.memory_space<vmem>> -> memref<1024x16xf32, #tpu.memory_space<vmem>>
        %dma_start3A_631 = arith.constant 256 : i32
        %dma_start3A_632 = arith.constant 0 : i32
        %dma_start3A_633 = tpu.memref_slice %dma_start3A_630[%dma_start3A_631, %dma_start3A_632] : memref<1024x16xf32, #tpu.memory_space<vmem>> -> memref<128x16xf32, #tpu.memory_space<vmem>>
        %dma_start3A_634 = arith.constant 0 : i32
        %dma_start3A_635 = arith.constant 0 : i32
        %dma_start3A_636 = tpu.memref_slice %arg7[%run_scoped3A_398, %dma_start3A_634, %dma_start3A_635] : memref<2x8x128xi32, #tpu.memory_space<vmem>> -> memref<1x8x128xi32, #tpu.memory_space<vmem>>
        %dma_start3A_637 = tpu.memref_squeeze %dma_start3A_636 : memref<1x8x128xi32, #tpu.memory_space<vmem>> -> memref<8x128xi32, #tpu.memory_space<vmem>>
        %dma_start3A_638 = arith.constant 0 : i32
        %dma_start3A_639 = tpu.memref_slice %dma_start3A_637[%run_scoped3A_399, %dma_start3A_638] : memref<8x128xi32, #tpu.memory_space<vmem>> -> memref<1x128xi32, #tpu.memory_space<vmem>>
        %dma_start3A_640 = tpu.memref_squeeze %dma_start3A_639 : memref<1x128xi32, #tpu.memory_space<vmem>> -> memref<128xi32, #tpu.memory_space<vmem>>
        %dma_start3A_641 = arith.constant 0 : i32
        %dma_start3A_642 = arith.constant 0 : i32
        %dma_start3A_643 = tpu.memref_slice %arg9[%dma_start3A_641, %dma_start3A_642] : memref<10112x16xf32, #tpu.memory_space<vmem_shared>> -> memref<10112x16xf32, #tpu.memory_space<vmem_shared>>
        tpu.enqueue_indirect_dma source(%dma_start3A_633 : memref<128x16xf32, #tpu.memory_space<vmem>>) target(%dma_start3A_643 : memref<10112x16xf32, #tpu.memory_space<vmem_shared>>) offsets(%dma_start3A_640 : memref<128xi32, #tpu.memory_space<vmem>>) semaphore(%run_scoped3A_626 : memref<!tpu.dma_semaphore, #tpu.memory_space<semaphore_mem>>) {add = true}
        %dma_wait3A_644 = arith.constant 0 : i32
        %dma_wait3A_645 = arith.constant 0 : i32
        %dma_wait3A_646 = tpu.memref_slice %arg8[%run_scoped3A_397, %dma_wait3A_644, %dma_wait3A_645] : memref<2x1024x16xf32, #tpu.memory_space<vmem>> -> memref<1x1024x16xf32, #tpu.memory_space<vmem>>
        %dma_wait3A_647 = tpu.memref_squeeze %dma_wait3A_646 : memref<1x1024x16xf32, #tpu.memory_space<vmem>> -> memref<1024x16xf32, #tpu.memory_space<vmem>>
        %dma_wait3A_648 = arith.constant 256 : i32
        %dma_wait3A_649 = arith.constant 0 : i32
        %dma_wait3A_650 = tpu.memref_slice %dma_wait3A_647[%dma_wait3A_648, %dma_wait3A_649] : memref<1024x16xf32, #tpu.memory_space<vmem>> -> memref<128x16xf32, #tpu.memory_space<vmem>>
        %dma_wait3A_651 = arith.constant 0 : i32
        %dma_wait3A_652 = arith.constant 0 : i32
        %dma_wait3A_653 = tpu.memref_slice %arg7[%run_scoped3A_398, %dma_wait3A_651, %dma_wait3A_652] : memref<2x8x128xi32, #tpu.memory_space<vmem>> -> memref<1x8x128xi32, #tpu.memory_space<vmem>>
        %dma_wait3A_654 = tpu.memref_squeeze %dma_wait3A_653 : memref<1x8x128xi32, #tpu.memory_space<vmem>> -> memref<8x128xi32, #tpu.memory_space<vmem>>
        %dma_wait3A_655 = arith.constant 0 : i32
        %dma_wait3A_656 = tpu.memref_slice %dma_wait3A_654[%run_scoped3A_399, %dma_wait3A_655] : memref<8x128xi32, #tpu.memory_space<vmem>> -> memref<1x128xi32, #tpu.memory_space<vmem>>
        %dma_wait3A_657 = tpu.memref_squeeze %dma_wait3A_656 : memref<1x128xi32, #tpu.memory_space<vmem>> -> memref<128xi32, #tpu.memory_space<vmem>>
        %dma_wait3A_658 = arith.constant 0 : i32
        %dma_wait3A_659 = arith.constant 0 : i32
        %dma_wait3A_660 = tpu.memref_slice %arg9[%dma_wait3A_658, %dma_wait3A_659] : memref<10112x16xf32, #tpu.memory_space<vmem_shared>> -> memref<10112x16xf32, #tpu.memory_space<vmem_shared>>
        tpu.wait_indirect_dma semaphore(%run_scoped3A_626 : memref<!tpu.dma_semaphore, #tpu.memory_space<semaphore_mem>>) src(%dma_wait3A_650 : memref<128x16xf32, #tpu.memory_space<vmem>>) dst(%dma_wait3A_660 : memref<10112x16xf32, #tpu.memory_space<vmem_shared>>)
        tpu.yield
      }) : () -> ()
      %run_scoped3A_400 = arith.constant 0 : i32
      %run_scoped3A_401 = arith.constant 0 : i32
      %run_scoped3A_402 = arith.constant 3 : i32
      "tpu.region"() ({
        %run_scoped3A_626 = tpu.sem_alloc : memref<!tpu.dma_semaphore, #tpu.memory_space<semaphore_mem>>
        %dma_start3A_627 = arith.constant 0 : i32
        %dma_start3A_628 = arith.constant 0 : i32
        %dma_start3A_629 = tpu.memref_slice %arg8[%run_scoped3A_400, %dma_start3A_627, %dma_start3A_628] : memref<2x1024x16xf32, #tpu.memory_space<vmem>> -> memref<1x1024x16xf32, #tpu.memory_space<vmem>>
        %dma_start3A_630 = tpu.memref_squeeze %dma_start3A_629 : memref<1x1024x16xf32, #tpu.memory_space<vmem>> -> memref<1024x16xf32, #tpu.memory_space<vmem>>
        %dma_start3A_631 = arith.constant 384 : i32
        %dma_start3A_632 = arith.constant 0 : i32
        %dma_start3A_633 = tpu.memref_slice %dma_start3A_630[%dma_start3A_631, %dma_start3A_632] : memref<1024x16xf32, #tpu.memory_space<vmem>> -> memref<128x16xf32, #tpu.memory_space<vmem>>
        %dma_start3A_634 = arith.constant 0 : i32
        %dma_start3A_635 = arith.constant 0 : i32
        %dma_start3A_636 = tpu.memref_slice %arg7[%run_scoped3A_401, %dma_start3A_634, %dma_start3A_635] : memref<2x8x128xi32, #tpu.memory_space<vmem>> -> memref<1x8x128xi32, #tpu.memory_space<vmem>>
        %dma_start3A_637 = tpu.memref_squeeze %dma_start3A_636 : memref<1x8x128xi32, #tpu.memory_space<vmem>> -> memref<8x128xi32, #tpu.memory_space<vmem>>
        %dma_start3A_638 = arith.constant 0 : i32
        %dma_start3A_639 = tpu.memref_slice %dma_start3A_637[%run_scoped3A_402, %dma_start3A_638] : memref<8x128xi32, #tpu.memory_space<vmem>> -> memref<1x128xi32, #tpu.memory_space<vmem>>
        %dma_start3A_640 = tpu.memref_squeeze %dma_start3A_639 : memref<1x128xi32, #tpu.memory_space<vmem>> -> memref<128xi32, #tpu.memory_space<vmem>>
        %dma_start3A_641 = arith.constant 0 : i32
        %dma_start3A_642 = arith.constant 0 : i32
        %dma_start3A_643 = tpu.memref_slice %arg9[%dma_start3A_641, %dma_start3A_642] : memref<10112x16xf32, #tpu.memory_space<vmem_shared>> -> memref<10112x16xf32, #tpu.memory_space<vmem_shared>>
        tpu.enqueue_indirect_dma source(%dma_start3A_633 : memref<128x16xf32, #tpu.memory_space<vmem>>) target(%dma_start3A_643 : memref<10112x16xf32, #tpu.memory_space<vmem_shared>>) offsets(%dma_start3A_640 : memref<128xi32, #tpu.memory_space<vmem>>) semaphore(%run_scoped3A_626 : memref<!tpu.dma_semaphore, #tpu.memory_space<semaphore_mem>>) {add = true}
        %dma_wait3A_644 = arith.constant 0 : i32
        %dma_wait3A_645 = arith.constant 0 : i32
        %dma_wait3A_646 = tpu.memref_slice %arg8[%run_scoped3A_400, %dma_wait3A_644, %dma_wait3A_645] : memref<2x1024x16xf32, #tpu.memory_space<vmem>> -> memref<1x1024x16xf32, #tpu.memory_space<vmem>>
        %dma_wait3A_647 = tpu.memref_squeeze %dma_wait3A_646 : memref<1x1024x16xf32, #tpu.memory_space<vmem>> -> memref<1024x16xf32, #tpu.memory_space<vmem>>
        %dma_wait3A_648 = arith.constant 384 : i32
        %dma_wait3A_649 = arith.constant 0 : i32
        %dma_wait3A_650 = tpu.memref_slice %dma_wait3A_647[%dma_wait3A_648, %dma_wait3A_649] : memref<1024x16xf32, #tpu.memory_space<vmem>> -> memref<128x16xf32, #tpu.memory_space<vmem>>
        %dma_wait3A_651 = arith.constant 0 : i32
        %dma_wait3A_652 = arith.constant 0 : i32
        %dma_wait3A_653 = tpu.memref_slice %arg7[%run_scoped3A_401, %dma_wait3A_651, %dma_wait3A_652] : memref<2x8x128xi32, #tpu.memory_space<vmem>> -> memref<1x8x128xi32, #tpu.memory_space<vmem>>
        %dma_wait3A_654 = tpu.memref_squeeze %dma_wait3A_653 : memref<1x8x128xi32, #tpu.memory_space<vmem>> -> memref<8x128xi32, #tpu.memory_space<vmem>>
        %dma_wait3A_655 = arith.constant 0 : i32
        %dma_wait3A_656 = tpu.memref_slice %dma_wait3A_654[%run_scoped3A_402, %dma_wait3A_655] : memref<8x128xi32, #tpu.memory_space<vmem>> -> memref<1x128xi32, #tpu.memory_space<vmem>>
        %dma_wait3A_657 = tpu.memref_squeeze %dma_wait3A_656 : memref<1x128xi32, #tpu.memory_space<vmem>> -> memref<128xi32, #tpu.memory_space<vmem>>
        %dma_wait3A_658 = arith.constant 0 : i32
        %dma_wait3A_659 = arith.constant 0 : i32
        %dma_wait3A_660 = tpu.memref_slice %arg9[%dma_wait3A_658, %dma_wait3A_659] : memref<10112x16xf32, #tpu.memory_space<vmem_shared>> -> memref<10112x16xf32, #tpu.memory_space<vmem_shared>>
        tpu.wait_indirect_dma semaphore(%run_scoped3A_626 : memref<!tpu.dma_semaphore, #tpu.memory_space<semaphore_mem>>) src(%dma_wait3A_650 : memref<128x16xf32, #tpu.memory_space<vmem>>) dst(%dma_wait3A_660 : memref<10112x16xf32, #tpu.memory_space<vmem_shared>>)
        tpu.yield
      }) : () -> ()
      %run_scoped3A_403 = arith.constant 0 : i32
      %run_scoped3A_404 = arith.constant 0 : i32
      %run_scoped3A_405 = arith.constant 4 : i32
      "tpu.region"() ({
        %run_scoped3A_626 = tpu.sem_alloc : memref<!tpu.dma_semaphore, #tpu.memory_space<semaphore_mem>>
        %dma_start3A_627 = arith.constant 0 : i32
        %dma_start3A_628 = arith.constant 0 : i32
        %dma_start3A_629 = tpu.memref_slice %arg8[%run_scoped3A_403, %dma_start3A_627, %dma_start3A_628] : memref<2x1024x16xf32, #tpu.memory_space<vmem>> -> memref<1x1024x16xf32, #tpu.memory_space<vmem>>
        %dma_start3A_630 = tpu.memref_squeeze %dma_start3A_629 : memref<1x1024x16xf32, #tpu.memory_space<vmem>> -> memref<1024x16xf32, #tpu.memory_space<vmem>>
        %dma_start3A_631 = arith.constant 512 : i32
        %dma_start3A_632 = arith.constant 0 : i32
        %dma_start3A_633 = tpu.memref_slice %dma_start3A_630[%dma_start3A_631, %dma_start3A_632] : memref<1024x16xf32, #tpu.memory_space<vmem>> -> memref<128x16xf32, #tpu.memory_space<vmem>>
        %dma_start3A_634 = arith.constant 0 : i32
        %dma_start3A_635 = arith.constant 0 : i32
        %dma_start3A_636 = tpu.memref_slice %arg7[%run_scoped3A_404, %dma_start3A_634, %dma_start3A_635] : memref<2x8x128xi32, #tpu.memory_space<vmem>> -> memref<1x8x128xi32, #tpu.memory_space<vmem>>
        %dma_start3A_637 = tpu.memref_squeeze %dma_start3A_636 : memref<1x8x128xi32, #tpu.memory_space<vmem>> -> memref<8x128xi32, #tpu.memory_space<vmem>>
        %dma_start3A_638 = arith.constant 0 : i32
        %dma_start3A_639 = tpu.memref_slice %dma_start3A_637[%run_scoped3A_405, %dma_start3A_638] : memref<8x128xi32, #tpu.memory_space<vmem>> -> memref<1x128xi32, #tpu.memory_space<vmem>>
        %dma_start3A_640 = tpu.memref_squeeze %dma_start3A_639 : memref<1x128xi32, #tpu.memory_space<vmem>> -> memref<128xi32, #tpu.memory_space<vmem>>
        %dma_start3A_641 = arith.constant 0 : i32
        %dma_start3A_642 = arith.constant 0 : i32
        %dma_start3A_643 = tpu.memref_slice %arg9[%dma_start3A_641, %dma_start3A_642] : memref<10112x16xf32, #tpu.memory_space<vmem_shared>> -> memref<10112x16xf32, #tpu.memory_space<vmem_shared>>
        tpu.enqueue_indirect_dma source(%dma_start3A_633 : memref<128x16xf32, #tpu.memory_space<vmem>>) target(%dma_start3A_643 : memref<10112x16xf32, #tpu.memory_space<vmem_shared>>) offsets(%dma_start3A_640 : memref<128xi32, #tpu.memory_space<vmem>>) semaphore(%run_scoped3A_626 : memref<!tpu.dma_semaphore, #tpu.memory_space<semaphore_mem>>) {add = true}
        %dma_wait3A_644 = arith.constant 0 : i32
        %dma_wait3A_645 = arith.constant 0 : i32
        %dma_wait3A_646 = tpu.memref_slice %arg8[%run_scoped3A_403, %dma_wait3A_644, %dma_wait3A_645] : memref<2x1024x16xf32, #tpu.memory_space<vmem>> -> memref<1x1024x16xf32, #tpu.memory_space<vmem>>
        %dma_wait3A_647 = tpu.memref_squeeze %dma_wait3A_646 : memref<1x1024x16xf32, #tpu.memory_space<vmem>> -> memref<1024x16xf32, #tpu.memory_space<vmem>>
        %dma_wait3A_648 = arith.constant 512 : i32
        %dma_wait3A_649 = arith.constant 0 : i32
        %dma_wait3A_650 = tpu.memref_slice %dma_wait3A_647[%dma_wait3A_648, %dma_wait3A_649] : memref<1024x16xf32, #tpu.memory_space<vmem>> -> memref<128x16xf32, #tpu.memory_space<vmem>>
        %dma_wait3A_651 = arith.constant 0 : i32
        %dma_wait3A_652 = arith.constant 0 : i32
        %dma_wait3A_653 = tpu.memref_slice %arg7[%run_scoped3A_404, %dma_wait3A_651, %dma_wait3A_652] : memref<2x8x128xi32, #tpu.memory_space<vmem>> -> memref<1x8x128xi32, #tpu.memory_space<vmem>>
        %dma_wait3A_654 = tpu.memref_squeeze %dma_wait3A_653 : memref<1x8x128xi32, #tpu.memory_space<vmem>> -> memref<8x128xi32, #tpu.memory_space<vmem>>
        %dma_wait3A_655 = arith.constant 0 : i32
        %dma_wait3A_656 = tpu.memref_slice %dma_wait3A_654[%run_scoped3A_405, %dma_wait3A_655] : memref<8x128xi32, #tpu.memory_space<vmem>> -> memref<1x128xi32, #tpu.memory_space<vmem>>
        %dma_wait3A_657 = tpu.memref_squeeze %dma_wait3A_656 : memref<1x128xi32, #tpu.memory_space<vmem>> -> memref<128xi32, #tpu.memory_space<vmem>>
        %dma_wait3A_658 = arith.constant 0 : i32
        %dma_wait3A_659 = arith.constant 0 : i32
        %dma_wait3A_660 = tpu.memref_slice %arg9[%dma_wait3A_658, %dma_wait3A_659] : memref<10112x16xf32, #tpu.memory_space<vmem_shared>> -> memref<10112x16xf32, #tpu.memory_space<vmem_shared>>
        tpu.wait_indirect_dma semaphore(%run_scoped3A_626 : memref<!tpu.dma_semaphore, #tpu.memory_space<semaphore_mem>>) src(%dma_wait3A_650 : memref<128x16xf32, #tpu.memory_space<vmem>>) dst(%dma_wait3A_660 : memref<10112x16xf32, #tpu.memory_space<vmem_shared>>)
        tpu.yield
      }) : () -> ()
      %run_scoped3A_406 = arith.constant 0 : i32
      %run_scoped3A_407 = arith.constant 0 : i32
      %run_scoped3A_408 = arith.constant 5 : i32
      "tpu.region"() ({
        %run_scoped3A_626 = tpu.sem_alloc : memref<!tpu.dma_semaphore, #tpu.memory_space<semaphore_mem>>
        %dma_start3A_627 = arith.constant 0 : i32
        %dma_start3A_628 = arith.constant 0 : i32
        %dma_start3A_629 = tpu.memref_slice %arg8[%run_scoped3A_406, %dma_start3A_627, %dma_start3A_628] : memref<2x1024x16xf32, #tpu.memory_space<vmem>> -> memref<1x1024x16xf32, #tpu.memory_space<vmem>>
        %dma_start3A_630 = tpu.memref_squeeze %dma_start3A_629 : memref<1x1024x16xf32, #tpu.memory_space<vmem>> -> memref<1024x16xf32, #tpu.memory_space<vmem>>
        %dma_start3A_631 = arith.constant 640 : i32
        %dma_start3A_632 = arith.constant 0 : i32
        %dma_start3A_633 = tpu.memref_slice %dma_start3A_630[%dma_start3A_631, %dma_start3A_632] : memref<1024x16xf32, #tpu.memory_space<vmem>> -> memref<128x16xf32, #tpu.memory_space<vmem>>
        %dma_start3A_634 = arith.constant 0 : i32
        %dma_start3A_635 = arith.constant 0 : i32
        %dma_start3A_636 = tpu.memref_slice %arg7[%run_scoped3A_407, %dma_start3A_634, %dma_start3A_635] : memref<2x8x128xi32, #tpu.memory_space<vmem>> -> memref<1x8x128xi32, #tpu.memory_space<vmem>>
        %dma_start3A_637 = tpu.memref_squeeze %dma_start3A_636 : memref<1x8x128xi32, #tpu.memory_space<vmem>> -> memref<8x128xi32, #tpu.memory_space<vmem>>
        %dma_start3A_638 = arith.constant 0 : i32
        %dma_start3A_639 = tpu.memref_slice %dma_start3A_637[%run_scoped3A_408, %dma_start3A_638] : memref<8x128xi32, #tpu.memory_space<vmem>> -> memref<1x128xi32, #tpu.memory_space<vmem>>
        %dma_start3A_640 = tpu.memref_squeeze %dma_start3A_639 : memref<1x128xi32, #tpu.memory_space<vmem>> -> memref<128xi32, #tpu.memory_space<vmem>>
        %dma_start3A_641 = arith.constant 0 : i32
        %dma_start3A_642 = arith.constant 0 : i32
        %dma_start3A_643 = tpu.memref_slice %arg9[%dma_start3A_641, %dma_start3A_642] : memref<10112x16xf32, #tpu.memory_space<vmem_shared>> -> memref<10112x16xf32, #tpu.memory_space<vmem_shared>>
        tpu.enqueue_indirect_dma source(%dma_start3A_633 : memref<128x16xf32, #tpu.memory_space<vmem>>) target(%dma_start3A_643 : memref<10112x16xf32, #tpu.memory_space<vmem_shared>>) offsets(%dma_start3A_640 : memref<128xi32, #tpu.memory_space<vmem>>) semaphore(%run_scoped3A_626 : memref<!tpu.dma_semaphore, #tpu.memory_space<semaphore_mem>>) {add = true}
        %dma_wait3A_644 = arith.constant 0 : i32
        %dma_wait3A_645 = arith.constant 0 : i32
        %dma_wait3A_646 = tpu.memref_slice %arg8[%run_scoped3A_406, %dma_wait3A_644, %dma_wait3A_645] : memref<2x1024x16xf32, #tpu.memory_space<vmem>> -> memref<1x1024x16xf32, #tpu.memory_space<vmem>>
        %dma_wait3A_647 = tpu.memref_squeeze %dma_wait3A_646 : memref<1x1024x16xf32, #tpu.memory_space<vmem>> -> memref<1024x16xf32, #tpu.memory_space<vmem>>
        %dma_wait3A_648 = arith.constant 640 : i32
        %dma_wait3A_649 = arith.constant 0 : i32
        %dma_wait3A_650 = tpu.memref_slice %dma_wait3A_647[%dma_wait3A_648, %dma_wait3A_649] : memref<1024x16xf32, #tpu.memory_space<vmem>> -> memref<128x16xf32, #tpu.memory_space<vmem>>
        %dma_wait3A_651 = arith.constant 0 : i32
        %dma_wait3A_652 = arith.constant 0 : i32
        %dma_wait3A_653 = tpu.memref_slice %arg7[%run_scoped3A_407, %dma_wait3A_651, %dma_wait3A_652] : memref<2x8x128xi32, #tpu.memory_space<vmem>> -> memref<1x8x128xi32, #tpu.memory_space<vmem>>
        %dma_wait3A_654 = tpu.memref_squeeze %dma_wait3A_653 : memref<1x8x128xi32, #tpu.memory_space<vmem>> -> memref<8x128xi32, #tpu.memory_space<vmem>>
        %dma_wait3A_655 = arith.constant 0 : i32
        %dma_wait3A_656 = tpu.memref_slice %dma_wait3A_654[%run_scoped3A_408, %dma_wait3A_655] : memref<8x128xi32, #tpu.memory_space<vmem>> -> memref<1x128xi32, #tpu.memory_space<vmem>>
        %dma_wait3A_657 = tpu.memref_squeeze %dma_wait3A_656 : memref<1x128xi32, #tpu.memory_space<vmem>> -> memref<128xi32, #tpu.memory_space<vmem>>
        %dma_wait3A_658 = arith.constant 0 : i32
        %dma_wait3A_659 = arith.constant 0 : i32
        %dma_wait3A_660 = tpu.memref_slice %arg9[%dma_wait3A_658, %dma_wait3A_659] : memref<10112x16xf32, #tpu.memory_space<vmem_shared>> -> memref<10112x16xf32, #tpu.memory_space<vmem_shared>>
        tpu.wait_indirect_dma semaphore(%run_scoped3A_626 : memref<!tpu.dma_semaphore, #tpu.memory_space<semaphore_mem>>) src(%dma_wait3A_650 : memref<128x16xf32, #tpu.memory_space<vmem>>) dst(%dma_wait3A_660 : memref<10112x16xf32, #tpu.memory_space<vmem_shared>>)
        tpu.yield
      }) : () -> ()
      %run_scoped3A_409 = arith.constant 0 : i32
      %run_scoped3A_410 = arith.constant 0 : i32
      %run_scoped3A_411 = arith.constant 6 : i32
      "tpu.region"() ({
        %run_scoped3A_626 = tpu.sem_alloc : memref<!tpu.dma_semaphore, #tpu.memory_space<semaphore_mem>>
        %dma_start3A_627 = arith.constant 0 : i32
        %dma_start3A_628 = arith.constant 0 : i32
        %dma_start3A_629 = tpu.memref_slice %arg8[%run_scoped3A_409, %dma_start3A_627, %dma_start3A_628] : memref<2x1024x16xf32, #tpu.memory_space<vmem>> -> memref<1x1024x16xf32, #tpu.memory_space<vmem>>
        %dma_start3A_630 = tpu.memref_squeeze %dma_start3A_629 : memref<1x1024x16xf32, #tpu.memory_space<vmem>> -> memref<1024x16xf32, #tpu.memory_space<vmem>>
        %dma_start3A_631 = arith.constant 768 : i32
        %dma_start3A_632 = arith.constant 0 : i32
        %dma_start3A_633 = tpu.memref_slice %dma_start3A_630[%dma_start3A_631, %dma_start3A_632] : memref<1024x16xf32, #tpu.memory_space<vmem>> -> memref<128x16xf32, #tpu.memory_space<vmem>>
        %dma_start3A_634 = arith.constant 0 : i32
        %dma_start3A_635 = arith.constant 0 : i32
        %dma_start3A_636 = tpu.memref_slice %arg7[%run_scoped3A_410, %dma_start3A_634, %dma_start3A_635] : memref<2x8x128xi32, #tpu.memory_space<vmem>> -> memref<1x8x128xi32, #tpu.memory_space<vmem>>
        %dma_start3A_637 = tpu.memref_squeeze %dma_start3A_636 : memref<1x8x128xi32, #tpu.memory_space<vmem>> -> memref<8x128xi32, #tpu.memory_space<vmem>>
        %dma_start3A_638 = arith.constant 0 : i32
        %dma_start3A_639 = tpu.memref_slice %dma_start3A_637[%run_scoped3A_411, %dma_start3A_638] : memref<8x128xi32, #tpu.memory_space<vmem>> -> memref<1x128xi32, #tpu.memory_space<vmem>>
        %dma_start3A_640 = tpu.memref_squeeze %dma_start3A_639 : memref<1x128xi32, #tpu.memory_space<vmem>> -> memref<128xi32, #tpu.memory_space<vmem>>
        %dma_start3A_641 = arith.constant 0 : i32
        %dma_start3A_642 = arith.constant 0 : i32
        %dma_start3A_643 = tpu.memref_slice %arg9[%dma_start3A_641, %dma_start3A_642] : memref<10112x16xf32, #tpu.memory_space<vmem_shared>> -> memref<10112x16xf32, #tpu.memory_space<vmem_shared>>
        tpu.enqueue_indirect_dma source(%dma_start3A_633 : memref<128x16xf32, #tpu.memory_space<vmem>>) target(%dma_start3A_643 : memref<10112x16xf32, #tpu.memory_space<vmem_shared>>) offsets(%dma_start3A_640 : memref<128xi32, #tpu.memory_space<vmem>>) semaphore(%run_scoped3A_626 : memref<!tpu.dma_semaphore, #tpu.memory_space<semaphore_mem>>) {add = true}
        %dma_wait3A_644 = arith.constant 0 : i32
        %dma_wait3A_645 = arith.constant 0 : i32
        %dma_wait3A_646 = tpu.memref_slice %arg8[%run_scoped3A_409, %dma_wait3A_644, %dma_wait3A_645] : memref<2x1024x16xf32, #tpu.memory_space<vmem>> -> memref<1x1024x16xf32, #tpu.memory_space<vmem>>
        %dma_wait3A_647 = tpu.memref_squeeze %dma_wait3A_646 : memref<1x1024x16xf32, #tpu.memory_space<vmem>> -> memref<1024x16xf32, #tpu.memory_space<vmem>>
        %dma_wait3A_648 = arith.constant 768 : i32
        %dma_wait3A_649 = arith.constant 0 : i32
        %dma_wait3A_650 = tpu.memref_slice %dma_wait3A_647[%dma_wait3A_648, %dma_wait3A_649] : memref<1024x16xf32, #tpu.memory_space<vmem>> -> memref<128x16xf32, #tpu.memory_space<vmem>>
        %dma_wait3A_651 = arith.constant 0 : i32
        %dma_wait3A_652 = arith.constant 0 : i32
        %dma_wait3A_653 = tpu.memref_slice %arg7[%run_scoped3A_410, %dma_wait3A_651, %dma_wait3A_652] : memref<2x8x128xi32, #tpu.memory_space<vmem>> -> memref<1x8x128xi32, #tpu.memory_space<vmem>>
        %dma_wait3A_654 = tpu.memref_squeeze %dma_wait3A_653 : memref<1x8x128xi32, #tpu.memory_space<vmem>> -> memref<8x128xi32, #tpu.memory_space<vmem>>
        %dma_wait3A_655 = arith.constant 0 : i32
        %dma_wait3A_656 = tpu.memref_slice %dma_wait3A_654[%run_scoped3A_411, %dma_wait3A_655] : memref<8x128xi32, #tpu.memory_space<vmem>> -> memref<1x128xi32, #tpu.memory_space<vmem>>
        %dma_wait3A_657 = tpu.memref_squeeze %dma_wait3A_656 : memref<1x128xi32, #tpu.memory_space<vmem>> -> memref<128xi32, #tpu.memory_space<vmem>>
        %dma_wait3A_658 = arith.constant 0 : i32
        %dma_wait3A_659 = arith.constant 0 : i32
        %dma_wait3A_660 = tpu.memref_slice %arg9[%dma_wait3A_658, %dma_wait3A_659] : memref<10112x16xf32, #tpu.memory_space<vmem_shared>> -> memref<10112x16xf32, #tpu.memory_space<vmem_shared>>
        tpu.wait_indirect_dma semaphore(%run_scoped3A_626 : memref<!tpu.dma_semaphore, #tpu.memory_space<semaphore_mem>>) src(%dma_wait3A_650 : memref<128x16xf32, #tpu.memory_space<vmem>>) dst(%dma_wait3A_660 : memref<10112x16xf32, #tpu.memory_space<vmem_shared>>)
        tpu.yield
      }) : () -> ()
      %run_scoped3A_412 = arith.constant 0 : i32
      %run_scoped3A_413 = arith.constant 0 : i32
      %run_scoped3A_414 = arith.constant 7 : i32
      "tpu.region"() ({
        %run_scoped3A_626 = tpu.sem_alloc : memref<!tpu.dma_semaphore, #tpu.memory_space<semaphore_mem>>
        %dma_start3A_627 = arith.constant 0 : i32
        %dma_start3A_628 = arith.constant 0 : i32
        %dma_start3A_629 = tpu.memref_slice %arg8[%run_scoped3A_412, %dma_start3A_627, %dma_start3A_628] : memref<2x1024x16xf32, #tpu.memory_space<vmem>> -> memref<1x1024x16xf32, #tpu.memory_space<vmem>>
        %dma_start3A_630 = tpu.memref_squeeze %dma_start3A_629 : memref<1x1024x16xf32, #tpu.memory_space<vmem>> -> memref<1024x16xf32, #tpu.memory_space<vmem>>
        %dma_start3A_631 = arith.constant 896 : i32
        %dma_start3A_632 = arith.constant 0 : i32
        %dma_start3A_633 = tpu.memref_slice %dma_start3A_630[%dma_start3A_631, %dma_start3A_632] : memref<1024x16xf32, #tpu.memory_space<vmem>> -> memref<128x16xf32, #tpu.memory_space<vmem>>
        %dma_start3A_634 = arith.constant 0 : i32
        %dma_start3A_635 = arith.constant 0 : i32
        %dma_start3A_636 = tpu.memref_slice %arg7[%run_scoped3A_413, %dma_start3A_634, %dma_start3A_635] : memref<2x8x128xi32, #tpu.memory_space<vmem>> -> memref<1x8x128xi32, #tpu.memory_space<vmem>>
        %dma_start3A_637 = tpu.memref_squeeze %dma_start3A_636 : memref<1x8x128xi32, #tpu.memory_space<vmem>> -> memref<8x128xi32, #tpu.memory_space<vmem>>
        %dma_start3A_638 = arith.constant 0 : i32
        %dma_start3A_639 = tpu.memref_slice %dma_start3A_637[%run_scoped3A_414, %dma_start3A_638] : memref<8x128xi32, #tpu.memory_space<vmem>> -> memref<1x128xi32, #tpu.memory_space<vmem>>
        %dma_start3A_640 = tpu.memref_squeeze %dma_start3A_639 : memref<1x128xi32, #tpu.memory_space<vmem>> -> memref<128xi32, #tpu.memory_space<vmem>>
        %dma_start3A_641 = arith.constant 0 : i32
        %dma_start3A_642 = arith.constant 0 : i32
        %dma_start3A_643 = tpu.memref_slice %arg9[%dma_start3A_641, %dma_start3A_642] : memref<10112x16xf32, #tpu.memory_space<vmem_shared>> -> memref<10112x16xf32, #tpu.memory_space<vmem_shared>>
        tpu.enqueue_indirect_dma source(%dma_start3A_633 : memref<128x16xf32, #tpu.memory_space<vmem>>) target(%dma_start3A_643 : memref<10112x16xf32, #tpu.memory_space<vmem_shared>>) offsets(%dma_start3A_640 : memref<128xi32, #tpu.memory_space<vmem>>) semaphore(%run_scoped3A_626 : memref<!tpu.dma_semaphore, #tpu.memory_space<semaphore_mem>>) {add = true}
        %dma_wait3A_644 = arith.constant 0 : i32
        %dma_wait3A_645 = arith.constant 0 : i32
        %dma_wait3A_646 = tpu.memref_slice %arg8[%run_scoped3A_412, %dma_wait3A_644, %dma_wait3A_645] : memref<2x1024x16xf32, #tpu.memory_space<vmem>> -> memref<1x1024x16xf32, #tpu.memory_space<vmem>>
        %dma_wait3A_647 = tpu.memref_squeeze %dma_wait3A_646 : memref<1x1024x16xf32, #tpu.memory_space<vmem>> -> memref<1024x16xf32, #tpu.memory_space<vmem>>
        %dma_wait3A_648 = arith.constant 896 : i32
        %dma_wait3A_649 = arith.constant 0 : i32
        %dma_wait3A_650 = tpu.memref_slice %dma_wait3A_647[%dma_wait3A_648, %dma_wait3A_649] : memref<1024x16xf32, #tpu.memory_space<vmem>> -> memref<128x16xf32, #tpu.memory_space<vmem>>
        %dma_wait3A_651 = arith.constant 0 : i32
        %dma_wait3A_652 = arith.constant 0 : i32
        %dma_wait3A_653 = tpu.memref_slice %arg7[%run_scoped3A_413, %dma_wait3A_651, %dma_wait3A_652] : memref<2x8x128xi32, #tpu.memory_space<vmem>> -> memref<1x8x128xi32, #tpu.memory_space<vmem>>
        %dma_wait3A_654 = tpu.memref_squeeze %dma_wait3A_653 : memref<1x8x128xi32, #tpu.memory_space<vmem>> -> memref<8x128xi32, #tpu.memory_space<vmem>>
        %dma_wait3A_655 = arith.constant 0 : i32
        %dma_wait3A_656 = tpu.memref_slice %dma_wait3A_654[%run_scoped3A_414, %dma_wait3A_655] : memref<8x128xi32, #tpu.memory_space<vmem>> -> memref<1x128xi32, #tpu.memory_space<vmem>>
        %dma_wait3A_657 = tpu.memref_squeeze %dma_wait3A_656 : memref<1x128xi32, #tpu.memory_space<vmem>> -> memref<128xi32, #tpu.memory_space<vmem>>
        %dma_wait3A_658 = arith.constant 0 : i32
        %dma_wait3A_659 = arith.constant 0 : i32
        %dma_wait3A_660 = tpu.memref_slice %arg9[%dma_wait3A_658, %dma_wait3A_659] : memref<10112x16xf32, #tpu.memory_space<vmem_shared>> -> memref<10112x16xf32, #tpu.memory_space<vmem_shared>>
        tpu.wait_indirect_dma semaphore(%run_scoped3A_626 : memref<!tpu.dma_semaphore, #tpu.memory_space<semaphore_mem>>) src(%dma_wait3A_650 : memref<128x16xf32, #tpu.memory_space<vmem>>) dst(%dma_wait3A_660 : memref<10112x16xf32, #tpu.memory_space<vmem_shared>>)
        tpu.yield
      }) : () -> ()
      %add3A_415 = arith.constant 2 : i32
      %add3A_416 = arith.addi %mul3A_203, %add3A_415 : i32
      %mul3A_417 = arith.constant 8 : i32
      %mul3A_418 = arith.muli %add3A_416, %mul3A_417 : i32
      %add3A_419 = arith.addi %mul3A_2, %mul3A_418 : i32
      %run_scoped3A_420 = arith.constant 0 : i32
      %run_scoped3A_421 = arith.constant 0 : i32
      "tpu.region"() ({
        %run_scoped3A_626 = tpu.sem_alloc : memref<!tpu.dma_semaphore, #tpu.memory_space<semaphore_mem>>
        %dma_start3A_627 = arith.constant 0 : i32
        %dma_start3A_628 = arith.constant 0 : i32
        %dma_start3A_629 = tpu.memref_slice %arg6[%run_scoped3A_421, %dma_start3A_627, %dma_start3A_628] : memref<2x8x128xi32, #tpu.memory_space<vmem>> -> memref<1x8x128xi32, #tpu.memory_space<vmem>>
        %dma_start3A_630 = tpu.memref_squeeze %dma_start3A_629 : memref<1x8x128xi32, #tpu.memory_space<vmem>> -> memref<8x128xi32, #tpu.memory_space<vmem>>
        %dma_start3A_631 = arith.constant 0 : i32
        %dma_start3A_632 = arith.constant 0 : i32
        %dma_start3A_633 = tpu.memref_slice %arg2[%run_scoped3A_420, %dma_start3A_631, %dma_start3A_632] : memref<2x2568x128xi32, #tpu.memory_space<hbm>> -> memref<1x2568x128xi32, #tpu.memory_space<hbm>>
        %dma_start3A_634 = tpu.memref_squeeze %dma_start3A_633 : memref<1x2568x128xi32, #tpu.memory_space<hbm>> -> memref<2568x128xi32, #tpu.memory_space<hbm>>
        %dma_start3A_635 = arith.constant 0 : i32
        %dma_start3A_636 = tpu.memref_slice %dma_start3A_634[%add3A_419, %dma_start3A_635] : memref<2568x128xi32, #tpu.memory_space<hbm>> -> memref<8x128xi32, #tpu.memory_space<hbm>>
        %dma_start3A_637 = arith.constant 0 : i32
        %dma_start3A_638 = arith.constant 0 : i32
        %dma_start3A_639 = tpu.memref_slice %arg6[%run_scoped3A_421, %dma_start3A_637, %dma_start3A_638] : memref<2x8x128xi32, #tpu.memory_space<vmem>> -> memref<1x8x128xi32, #tpu.memory_space<vmem>>
        %dma_start3A_640 = tpu.memref_squeeze %dma_start3A_639 : memref<1x8x128xi32, #tpu.memory_space<vmem>> -> memref<8x128xi32, #tpu.memory_space<vmem>>
        %dma_start3A_641 = arith.constant 0 : i32
        %dma_start3A_642 = arith.constant 0 : i32
        %dma_start3A_643 = tpu.memref_slice %arg2[%run_scoped3A_420, %dma_start3A_641, %dma_start3A_642] : memref<2x2568x128xi32, #tpu.memory_space<hbm>> -> memref<1x2568x128xi32, #tpu.memory_space<hbm>>
        %dma_start3A_644 = tpu.memref_squeeze %dma_start3A_643 : memref<1x2568x128xi32, #tpu.memory_space<hbm>> -> memref<2568x128xi32, #tpu.memory_space<hbm>>
        %dma_start3A_645 = arith.constant 0 : i32
        %dma_start3A_646 = tpu.memref_slice %dma_start3A_644[%add3A_419, %dma_start3A_645] : memref<2568x128xi32, #tpu.memory_space<hbm>> -> memref<8x128xi32, #tpu.memory_space<hbm>>
        tpu.enqueue_dma source(%dma_start3A_646 : memref<8x128xi32, #tpu.memory_space<hbm>>) target(%dma_start3A_640 : memref<8x128xi32, #tpu.memory_space<vmem>>) target_semaphore(%run_scoped3A_626 : memref<!tpu.dma_semaphore, #tpu.memory_space<semaphore_mem>>)
        %dma_wait3A_647 = arith.constant 0 : i32
        %dma_wait3A_648 = arith.constant 0 : i32
        %dma_wait3A_649 = tpu.memref_slice %arg6[%run_scoped3A_421, %dma_wait3A_647, %dma_wait3A_648] : memref<2x8x128xi32, #tpu.memory_space<vmem>> -> memref<1x8x128xi32, #tpu.memory_space<vmem>>
        %dma_wait3A_650 = tpu.memref_squeeze %dma_wait3A_649 : memref<1x8x128xi32, #tpu.memory_space<vmem>> -> memref<8x128xi32, #tpu.memory_space<vmem>>
        %dma_wait3A_651 = arith.constant 0 : i32
        %dma_wait3A_652 = arith.constant 0 : i32
        %dma_wait3A_653 = tpu.memref_slice %arg2[%run_scoped3A_420, %dma_wait3A_651, %dma_wait3A_652] : memref<2x2568x128xi32, #tpu.memory_space<hbm>> -> memref<1x2568x128xi32, #tpu.memory_space<hbm>>
        %dma_wait3A_654 = tpu.memref_squeeze %dma_wait3A_653 : memref<1x2568x128xi32, #tpu.memory_space<hbm>> -> memref<2568x128xi32, #tpu.memory_space<hbm>>
        %dma_wait3A_655 = arith.constant 0 : i32
        %dma_wait3A_656 = tpu.memref_slice %dma_wait3A_654[%add3A_419, %dma_wait3A_655] : memref<2568x128xi32, #tpu.memory_space<hbm>> -> memref<8x128xi32, #tpu.memory_space<hbm>>
        %dma_wait3A_657 = arith.constant 0 : i32
        %dma_wait3A_658 = arith.constant 0 : i32
        %dma_wait3A_659 = tpu.memref_slice %arg6[%run_scoped3A_421, %dma_wait3A_657, %dma_wait3A_658] : memref<2x8x128xi32, #tpu.memory_space<vmem>> -> memref<1x8x128xi32, #tpu.memory_space<vmem>>
        %dma_wait3A_660 = tpu.memref_squeeze %dma_wait3A_659 : memref<1x8x128xi32, #tpu.memory_space<vmem>> -> memref<8x128xi32, #tpu.memory_space<vmem>>
        %dma_wait3A_661 = arith.constant 0 : i32
        %dma_wait3A_662 = arith.constant 0 : i32
        %dma_wait3A_663 = tpu.memref_slice %arg2[%run_scoped3A_420, %dma_wait3A_661, %dma_wait3A_662] : memref<2x2568x128xi32, #tpu.memory_space<hbm>> -> memref<1x2568x128xi32, #tpu.memory_space<hbm>>
        %dma_wait3A_664 = tpu.memref_squeeze %dma_wait3A_663 : memref<1x2568x128xi32, #tpu.memory_space<hbm>> -> memref<2568x128xi32, #tpu.memory_space<hbm>>
        %dma_wait3A_665 = arith.constant 0 : i32
        %dma_wait3A_666 = tpu.memref_slice %dma_wait3A_664[%add3A_419, %dma_wait3A_665] : memref<2568x128xi32, #tpu.memory_space<hbm>> -> memref<8x128xi32, #tpu.memory_space<hbm>>
        tpu.wait_dma2 semaphore(%run_scoped3A_626 : memref<!tpu.dma_semaphore, #tpu.memory_space<semaphore_mem>>) src(%dma_wait3A_666 : memref<8x128xi32, #tpu.memory_space<hbm>>) dst(%dma_wait3A_660 : memref<8x128xi32, #tpu.memory_space<vmem>>)
        tpu.yield
      }) : () -> ()
      %mul3A_422 = arith.constant 8 : i32
      %mul3A_423 = arith.muli %add3A_416, %mul3A_422 : i32
      %add3A_424 = arith.addi %mul3A_2, %mul3A_423 : i32
      %run_scoped3A_425 = arith.constant 1 : i32
      %run_scoped3A_426 = arith.constant 0 : i32
      "tpu.region"() ({
        %run_scoped3A_626 = tpu.sem_alloc : memref<!tpu.dma_semaphore, #tpu.memory_space<semaphore_mem>>
        %dma_start3A_627 = arith.constant 0 : i32
        %dma_start3A_628 = arith.constant 0 : i32
        %dma_start3A_629 = tpu.memref_slice %arg7[%run_scoped3A_426, %dma_start3A_627, %dma_start3A_628] : memref<2x8x128xi32, #tpu.memory_space<vmem>> -> memref<1x8x128xi32, #tpu.memory_space<vmem>>
        %dma_start3A_630 = tpu.memref_squeeze %dma_start3A_629 : memref<1x8x128xi32, #tpu.memory_space<vmem>> -> memref<8x128xi32, #tpu.memory_space<vmem>>
        %dma_start3A_631 = arith.constant 0 : i32
        %dma_start3A_632 = arith.constant 0 : i32
        %dma_start3A_633 = tpu.memref_slice %arg2[%run_scoped3A_425, %dma_start3A_631, %dma_start3A_632] : memref<2x2568x128xi32, #tpu.memory_space<hbm>> -> memref<1x2568x128xi32, #tpu.memory_space<hbm>>
        %dma_start3A_634 = tpu.memref_squeeze %dma_start3A_633 : memref<1x2568x128xi32, #tpu.memory_space<hbm>> -> memref<2568x128xi32, #tpu.memory_space<hbm>>
        %dma_start3A_635 = arith.constant 0 : i32
        %dma_start3A_636 = tpu.memref_slice %dma_start3A_634[%add3A_424, %dma_start3A_635] : memref<2568x128xi32, #tpu.memory_space<hbm>> -> memref<8x128xi32, #tpu.memory_space<hbm>>
        %dma_start3A_637 = arith.constant 0 : i32
        %dma_start3A_638 = arith.constant 0 : i32
        %dma_start3A_639 = tpu.memref_slice %arg7[%run_scoped3A_426, %dma_start3A_637, %dma_start3A_638] : memref<2x8x128xi32, #tpu.memory_space<vmem>> -> memref<1x8x128xi32, #tpu.memory_space<vmem>>
        %dma_start3A_640 = tpu.memref_squeeze %dma_start3A_639 : memref<1x8x128xi32, #tpu.memory_space<vmem>> -> memref<8x128xi32, #tpu.memory_space<vmem>>
        %dma_start3A_641 = arith.constant 0 : i32
        %dma_start3A_642 = arith.constant 0 : i32
        %dma_start3A_643 = tpu.memref_slice %arg2[%run_scoped3A_425, %dma_start3A_641, %dma_start3A_642] : memref<2x2568x128xi32, #tpu.memory_space<hbm>> -> memref<1x2568x128xi32, #tpu.memory_space<hbm>>
        %dma_start3A_644 = tpu.memref_squeeze %dma_start3A_643 : memref<1x2568x128xi32, #tpu.memory_space<hbm>> -> memref<2568x128xi32, #tpu.memory_space<hbm>>
        %dma_start3A_645 = arith.constant 0 : i32
        %dma_start3A_646 = tpu.memref_slice %dma_start3A_644[%add3A_424, %dma_start3A_645] : memref<2568x128xi32, #tpu.memory_space<hbm>> -> memref<8x128xi32, #tpu.memory_space<hbm>>
        tpu.enqueue_dma source(%dma_start3A_646 : memref<8x128xi32, #tpu.memory_space<hbm>>) target(%dma_start3A_640 : memref<8x128xi32, #tpu.memory_space<vmem>>) target_semaphore(%run_scoped3A_626 : memref<!tpu.dma_semaphore, #tpu.memory_space<semaphore_mem>>)
        %dma_wait3A_647 = arith.constant 0 : i32
        %dma_wait3A_648 = arith.constant 0 : i32
        %dma_wait3A_649 = tpu.memref_slice %arg7[%run_scoped3A_426, %dma_wait3A_647, %dma_wait3A_648] : memref<2x8x128xi32, #tpu.memory_space<vmem>> -> memref<1x8x128xi32, #tpu.memory_space<vmem>>
        %dma_wait3A_650 = tpu.memref_squeeze %dma_wait3A_649 : memref<1x8x128xi32, #tpu.memory_space<vmem>> -> memref<8x128xi32, #tpu.memory_space<vmem>>
        %dma_wait3A_651 = arith.constant 0 : i32
        %dma_wait3A_652 = arith.constant 0 : i32
        %dma_wait3A_653 = tpu.memref_slice %arg2[%run_scoped3A_425, %dma_wait3A_651, %dma_wait3A_652] : memref<2x2568x128xi32, #tpu.memory_space<hbm>> -> memref<1x2568x128xi32, #tpu.memory_space<hbm>>
        %dma_wait3A_654 = tpu.memref_squeeze %dma_wait3A_653 : memref<1x2568x128xi32, #tpu.memory_space<hbm>> -> memref<2568x128xi32, #tpu.memory_space<hbm>>
        %dma_wait3A_655 = arith.constant 0 : i32
        %dma_wait3A_656 = tpu.memref_slice %dma_wait3A_654[%add3A_424, %dma_wait3A_655] : memref<2568x128xi32, #tpu.memory_space<hbm>> -> memref<8x128xi32, #tpu.memory_space<hbm>>
        %dma_wait3A_657 = arith.constant 0 : i32
        %dma_wait3A_658 = arith.constant 0 : i32
        %dma_wait3A_659 = tpu.memref_slice %arg7[%run_scoped3A_426, %dma_wait3A_657, %dma_wait3A_658] : memref<2x8x128xi32, #tpu.memory_space<vmem>> -> memref<1x8x128xi32, #tpu.memory_space<vmem>>
        %dma_wait3A_660 = tpu.memref_squeeze %dma_wait3A_659 : memref<1x8x128xi32, #tpu.memory_space<vmem>> -> memref<8x128xi32, #tpu.memory_space<vmem>>
        %dma_wait3A_661 = arith.constant 0 : i32
        %dma_wait3A_662 = arith.constant 0 : i32
        %dma_wait3A_663 = tpu.memref_slice %arg2[%run_scoped3A_425, %dma_wait3A_661, %dma_wait3A_662] : memref<2x2568x128xi32, #tpu.memory_space<hbm>> -> memref<1x2568x128xi32, #tpu.memory_space<hbm>>
        %dma_wait3A_664 = tpu.memref_squeeze %dma_wait3A_663 : memref<1x2568x128xi32, #tpu.memory_space<hbm>> -> memref<2568x128xi32, #tpu.memory_space<hbm>>
        %dma_wait3A_665 = arith.constant 0 : i32
        %dma_wait3A_666 = tpu.memref_slice %dma_wait3A_664[%add3A_424, %dma_wait3A_665] : memref<2568x128xi32, #tpu.memory_space<hbm>> -> memref<8x128xi32, #tpu.memory_space<hbm>>
        tpu.wait_dma2 semaphore(%run_scoped3A_626 : memref<!tpu.dma_semaphore, #tpu.memory_space<semaphore_mem>>) src(%dma_wait3A_666 : memref<8x128xi32, #tpu.memory_space<hbm>>) dst(%dma_wait3A_660 : memref<8x128xi32, #tpu.memory_space<vmem>>)
        tpu.yield
      }) : () -> ()
      %dma_start3A_427 = arith.constant 0 : i32
      %dma_start3A_428 = arith.constant 0 : i32
      %dma_start3A_429 = arith.constant 0 : i32
      %dma_start3A_430 = arith.constant 0 : i32
      %dma_start3A_431 = arith.constant 0 : i32
      %dma_start3A_432 = tpu.memref_slice %arg8[%dma_start3A_429, %dma_start3A_430, %dma_start3A_431] : memref<2x1024x16xf32, #tpu.memory_space<vmem>> -> memref<1x1024x16xf32, #tpu.memory_space<vmem>>
      %dma_start3A_433 = tpu.memref_squeeze %dma_start3A_432 : memref<1x1024x16xf32, #tpu.memory_space<vmem>> -> memref<1024x16xf32, #tpu.memory_space<vmem>>
      %dma_start3A_434 = arith.constant 0 : i32
      %dma_start3A_435 = arith.constant 0 : i32
      %dma_start3A_436 = tpu.memref_slice %dma_start3A_433[%dma_start3A_434, %dma_start3A_435] : memref<1024x16xf32, #tpu.memory_space<vmem>> -> memref<128x16xf32, #tpu.memory_space<vmem>>
      %dma_start3A_437 = arith.constant 0 : i32
      %dma_start3A_438 = arith.constant 0 : i32
      %dma_start3A_439 = tpu.memref_slice %arg6[%dma_start3A_427, %dma_start3A_437, %dma_start3A_438] : memref<2x8x128xi32, #tpu.memory_space<vmem>> -> memref<1x8x128xi32, #tpu.memory_space<vmem>>
      %dma_start3A_440 = tpu.memref_squeeze %dma_start3A_439 : memref<1x8x128xi32, #tpu.memory_space<vmem>> -> memref<8x128xi32, #tpu.memory_space<vmem>>
      %dma_start3A_441 = arith.constant 0 : i32
      %dma_start3A_442 = tpu.memref_slice %dma_start3A_440[%dma_start3A_428, %dma_start3A_441] : memref<8x128xi32, #tpu.memory_space<vmem>> -> memref<1x128xi32, #tpu.memory_space<vmem>>
      %dma_start3A_443 = tpu.memref_squeeze %dma_start3A_442 : memref<1x128xi32, #tpu.memory_space<vmem>> -> memref<128xi32, #tpu.memory_space<vmem>>
      %dma_start3A_444 = arith.constant 0 : i32
      %dma_start3A_445 = arith.constant 0 : i32
      %dma_start3A_446 = tpu.memref_slice %arg10[%dma_start3A_444, %dma_start3A_445] : memref<10112x16xf32, #tpu.memory_space<vmem_shared>> -> memref<10112x16xf32, #tpu.memory_space<vmem_shared>>
      tpu.enqueue_indirect_dma source(%dma_start3A_446 : memref<10112x16xf32, #tpu.memory_space<vmem_shared>>) target(%dma_start3A_436 : memref<128x16xf32, #tpu.memory_space<vmem>>) offsets(%dma_start3A_443 : memref<128xi32, #tpu.memory_space<vmem>>) semaphore(%arg11 : memref<!tpu.dma_semaphore, #tpu.memory_space<semaphore_mem>>)
      %dma_start3A_447 = arith.constant 0 : i32
      %dma_start3A_448 = arith.constant 1 : i32
      %dma_start3A_449 = arith.constant 0 : i32
      %dma_start3A_450 = arith.constant 0 : i32
      %dma_start3A_451 = arith.constant 0 : i32
      %dma_start3A_452 = tpu.memref_slice %arg8[%dma_start3A_449, %dma_start3A_450, %dma_start3A_451] : memref<2x1024x16xf32, #tpu.memory_space<vmem>> -> memref<1x1024x16xf32, #tpu.memory_space<vmem>>
      %dma_start3A_453 = tpu.memref_squeeze %dma_start3A_452 : memref<1x1024x16xf32, #tpu.memory_space<vmem>> -> memref<1024x16xf32, #tpu.memory_space<vmem>>
      %dma_start3A_454 = arith.constant 128 : i32
      %dma_start3A_455 = arith.constant 0 : i32
      %dma_start3A_456 = tpu.memref_slice %dma_start3A_453[%dma_start3A_454, %dma_start3A_455] : memref<1024x16xf32, #tpu.memory_space<vmem>> -> memref<128x16xf32, #tpu.memory_space<vmem>>
      %dma_start3A_457 = arith.constant 0 : i32
      %dma_start3A_458 = arith.constant 0 : i32
      %dma_start3A_459 = tpu.memref_slice %arg6[%dma_start3A_447, %dma_start3A_457, %dma_start3A_458] : memref<2x8x128xi32, #tpu.memory_space<vmem>> -> memref<1x8x128xi32, #tpu.memory_space<vmem>>
      %dma_start3A_460 = tpu.memref_squeeze %dma_start3A_459 : memref<1x8x128xi32, #tpu.memory_space<vmem>> -> memref<8x128xi32, #tpu.memory_space<vmem>>
      %dma_start3A_461 = arith.constant 0 : i32
      %dma_start3A_462 = tpu.memref_slice %dma_start3A_460[%dma_start3A_448, %dma_start3A_461] : memref<8x128xi32, #tpu.memory_space<vmem>> -> memref<1x128xi32, #tpu.memory_space<vmem>>
      %dma_start3A_463 = tpu.memref_squeeze %dma_start3A_462 : memref<1x128xi32, #tpu.memory_space<vmem>> -> memref<128xi32, #tpu.memory_space<vmem>>
      %dma_start3A_464 = arith.constant 0 : i32
      %dma_start3A_465 = arith.constant 0 : i32
      %dma_start3A_466 = tpu.memref_slice %arg10[%dma_start3A_464, %dma_start3A_465] : memref<10112x16xf32, #tpu.memory_space<vmem_shared>> -> memref<10112x16xf32, #tpu.memory_space<vmem_shared>>
      tpu.enqueue_indirect_dma source(%dma_start3A_466 : memref<10112x16xf32, #tpu.memory_space<vmem_shared>>) target(%dma_start3A_456 : memref<128x16xf32, #tpu.memory_space<vmem>>) offsets(%dma_start3A_463 : memref<128xi32, #tpu.memory_space<vmem>>) semaphore(%arg11 : memref<!tpu.dma_semaphore, #tpu.memory_space<semaphore_mem>>)
      %dma_start3A_467 = arith.constant 0 : i32
      %dma_start3A_468 = arith.constant 2 : i32
      %dma_start3A_469 = arith.constant 0 : i32
      %dma_start3A_470 = arith.constant 0 : i32
      %dma_start3A_471 = arith.constant 0 : i32
      %dma_start3A_472 = tpu.memref_slice %arg8[%dma_start3A_469, %dma_start3A_470, %dma_start3A_471] : memref<2x1024x16xf32, #tpu.memory_space<vmem>> -> memref<1x1024x16xf32, #tpu.memory_space<vmem>>
      %dma_start3A_473 = tpu.memref_squeeze %dma_start3A_472 : memref<1x1024x16xf32, #tpu.memory_space<vmem>> -> memref<1024x16xf32, #tpu.memory_space<vmem>>
      %dma_start3A_474 = arith.constant 256 : i32
      %dma_start3A_475 = arith.constant 0 : i32
      %dma_start3A_476 = tpu.memref_slice %dma_start3A_473[%dma_start3A_474, %dma_start3A_475] : memref<1024x16xf32, #tpu.memory_space<vmem>> -> memref<128x16xf32, #tpu.memory_space<vmem>>
      %dma_start3A_477 = arith.constant 0 : i32
      %dma_start3A_478 = arith.constant 0 : i32
      %dma_start3A_479 = tpu.memref_slice %arg6[%dma_start3A_467, %dma_start3A_477, %dma_start3A_478] : memref<2x8x128xi32, #tpu.memory_space<vmem>> -> memref<1x8x128xi32, #tpu.memory_space<vmem>>
      %dma_start3A_480 = tpu.memref_squeeze %dma_start3A_479 : memref<1x8x128xi32, #tpu.memory_space<vmem>> -> memref<8x128xi32, #tpu.memory_space<vmem>>
      %dma_start3A_481 = arith.constant 0 : i32
      %dma_start3A_482 = tpu.memref_slice %dma_start3A_480[%dma_start3A_468, %dma_start3A_481] : memref<8x128xi32, #tpu.memory_space<vmem>> -> memref<1x128xi32, #tpu.memory_space<vmem>>
      %dma_start3A_483 = tpu.memref_squeeze %dma_start3A_482 : memref<1x128xi32, #tpu.memory_space<vmem>> -> memref<128xi32, #tpu.memory_space<vmem>>
      %dma_start3A_484 = arith.constant 0 : i32
      %dma_start3A_485 = arith.constant 0 : i32
      %dma_start3A_486 = tpu.memref_slice %arg10[%dma_start3A_484, %dma_start3A_485] : memref<10112x16xf32, #tpu.memory_space<vmem_shared>> -> memref<10112x16xf32, #tpu.memory_space<vmem_shared>>
      tpu.enqueue_indirect_dma source(%dma_start3A_486 : memref<10112x16xf32, #tpu.memory_space<vmem_shared>>) target(%dma_start3A_476 : memref<128x16xf32, #tpu.memory_space<vmem>>) offsets(%dma_start3A_483 : memref<128xi32, #tpu.memory_space<vmem>>) semaphore(%arg11 : memref<!tpu.dma_semaphore, #tpu.memory_space<semaphore_mem>>)
      %dma_start3A_487 = arith.constant 0 : i32
      %dma_start3A_488 = arith.constant 3 : i32
      %dma_start3A_489 = arith.constant 0 : i32
      %dma_start3A_490 = arith.constant 0 : i32
      %dma_start3A_491 = arith.constant 0 : i32
      %dma_start3A_492 = tpu.memref_slice %arg8[%dma_start3A_489, %dma_start3A_490, %dma_start3A_491] : memref<2x1024x16xf32, #tpu.memory_space<vmem>> -> memref<1x1024x16xf32, #tpu.memory_space<vmem>>
      %dma_start3A_493 = tpu.memref_squeeze %dma_start3A_492 : memref<1x1024x16xf32, #tpu.memory_space<vmem>> -> memref<1024x16xf32, #tpu.memory_space<vmem>>
      %dma_start3A_494 = arith.constant 384 : i32
      %dma_start3A_495 = arith.constant 0 : i32
      %dma_start3A_496 = tpu.memref_slice %dma_start3A_493[%dma_start3A_494, %dma_start3A_495] : memref<1024x16xf32, #tpu.memory_space<vmem>> -> memref<128x16xf32, #tpu.memory_space<vmem>>
      %dma_start3A_497 = arith.constant 0 : i32
      %dma_start3A_498 = arith.constant 0 : i32
      %dma_start3A_499 = tpu.memref_slice %arg6[%dma_start3A_487, %dma_start3A_497, %dma_start3A_498] : memref<2x8x128xi32, #tpu.memory_space<vmem>> -> memref<1x8x128xi32, #tpu.memory_space<vmem>>
      %dma_start3A_500 = tpu.memref_squeeze %dma_start3A_499 : memref<1x8x128xi32, #tpu.memory_space<vmem>> -> memref<8x128xi32, #tpu.memory_space<vmem>>
      %dma_start3A_501 = arith.constant 0 : i32
      %dma_start3A_502 = tpu.memref_slice %dma_start3A_500[%dma_start3A_488, %dma_start3A_501] : memref<8x128xi32, #tpu.memory_space<vmem>> -> memref<1x128xi32, #tpu.memory_space<vmem>>
      %dma_start3A_503 = tpu.memref_squeeze %dma_start3A_502 : memref<1x128xi32, #tpu.memory_space<vmem>> -> memref<128xi32, #tpu.memory_space<vmem>>
      %dma_start3A_504 = arith.constant 0 : i32
      %dma_start3A_505 = arith.constant 0 : i32
      %dma_start3A_506 = tpu.memref_slice %arg10[%dma_start3A_504, %dma_start3A_505] : memref<10112x16xf32, #tpu.memory_space<vmem_shared>> -> memref<10112x16xf32, #tpu.memory_space<vmem_shared>>
      tpu.enqueue_indirect_dma source(%dma_start3A_506 : memref<10112x16xf32, #tpu.memory_space<vmem_shared>>) target(%dma_start3A_496 : memref<128x16xf32, #tpu.memory_space<vmem>>) offsets(%dma_start3A_503 : memref<128xi32, #tpu.memory_space<vmem>>) semaphore(%arg11 : memref<!tpu.dma_semaphore, #tpu.memory_space<semaphore_mem>>)
      %dma_start3A_507 = arith.constant 0 : i32
      %dma_start3A_508 = arith.constant 4 : i32
      %dma_start3A_509 = arith.constant 0 : i32
      %dma_start3A_510 = arith.constant 0 : i32
      %dma_start3A_511 = arith.constant 0 : i32
      %dma_start3A_512 = tpu.memref_slice %arg8[%dma_start3A_509, %dma_start3A_510, %dma_start3A_511] : memref<2x1024x16xf32, #tpu.memory_space<vmem>> -> memref<1x1024x16xf32, #tpu.memory_space<vmem>>
      %dma_start3A_513 = tpu.memref_squeeze %dma_start3A_512 : memref<1x1024x16xf32, #tpu.memory_space<vmem>> -> memref<1024x16xf32, #tpu.memory_space<vmem>>
      %dma_start3A_514 = arith.constant 512 : i32
      %dma_start3A_515 = arith.constant 0 : i32
      %dma_start3A_516 = tpu.memref_slice %dma_start3A_513[%dma_start3A_514, %dma_start3A_515] : memref<1024x16xf32, #tpu.memory_space<vmem>> -> memref<128x16xf32, #tpu.memory_space<vmem>>
      %dma_start3A_517 = arith.constant 0 : i32
      %dma_start3A_518 = arith.constant 0 : i32
      %dma_start3A_519 = tpu.memref_slice %arg6[%dma_start3A_507, %dma_start3A_517, %dma_start3A_518] : memref<2x8x128xi32, #tpu.memory_space<vmem>> -> memref<1x8x128xi32, #tpu.memory_space<vmem>>
      %dma_start3A_520 = tpu.memref_squeeze %dma_start3A_519 : memref<1x8x128xi32, #tpu.memory_space<vmem>> -> memref<8x128xi32, #tpu.memory_space<vmem>>
      %dma_start3A_521 = arith.constant 0 : i32
      %dma_start3A_522 = tpu.memref_slice %dma_start3A_520[%dma_start3A_508, %dma_start3A_521] : memref<8x128xi32, #tpu.memory_space<vmem>> -> memref<1x128xi32, #tpu.memory_space<vmem>>
      %dma_start3A_523 = tpu.memref_squeeze %dma_start3A_522 : memref<1x128xi32, #tpu.memory_space<vmem>> -> memref<128xi32, #tpu.memory_space<vmem>>
      %dma_start3A_524 = arith.constant 0 : i32
      %dma_start3A_525 = arith.constant 0 : i32
      %dma_start3A_526 = tpu.memref_slice %arg10[%dma_start3A_524, %dma_start3A_525] : memref<10112x16xf32, #tpu.memory_space<vmem_shared>> -> memref<10112x16xf32, #tpu.memory_space<vmem_shared>>
      tpu.enqueue_indirect_dma source(%dma_start3A_526 : memref<10112x16xf32, #tpu.memory_space<vmem_shared>>) target(%dma_start3A_516 : memref<128x16xf32, #tpu.memory_space<vmem>>) offsets(%dma_start3A_523 : memref<128xi32, #tpu.memory_space<vmem>>) semaphore(%arg11 : memref<!tpu.dma_semaphore, #tpu.memory_space<semaphore_mem>>)
      %dma_start3A_527 = arith.constant 0 : i32
      %dma_start3A_528 = arith.constant 5 : i32
      %dma_start3A_529 = arith.constant 0 : i32
      %dma_start3A_530 = arith.constant 0 : i32
      %dma_start3A_531 = arith.constant 0 : i32
      %dma_start3A_532 = tpu.memref_slice %arg8[%dma_start3A_529, %dma_start3A_530, %dma_start3A_531] : memref<2x1024x16xf32, #tpu.memory_space<vmem>> -> memref<1x1024x16xf32, #tpu.memory_space<vmem>>
      %dma_start3A_533 = tpu.memref_squeeze %dma_start3A_532 : memref<1x1024x16xf32, #tpu.memory_space<vmem>> -> memref<1024x16xf32, #tpu.memory_space<vmem>>
      %dma_start3A_534 = arith.constant 640 : i32
      %dma_start3A_535 = arith.constant 0 : i32
      %dma_start3A_536 = tpu.memref_slice %dma_start3A_533[%dma_start3A_534, %dma_start3A_535] : memref<1024x16xf32, #tpu.memory_space<vmem>> -> memref<128x16xf32, #tpu.memory_space<vmem>>
      %dma_start3A_537 = arith.constant 0 : i32
      %dma_start3A_538 = arith.constant 0 : i32
      %dma_start3A_539 = tpu.memref_slice %arg6[%dma_start3A_527, %dma_start3A_537, %dma_start3A_538] : memref<2x8x128xi32, #tpu.memory_space<vmem>> -> memref<1x8x128xi32, #tpu.memory_space<vmem>>
      %dma_start3A_540 = tpu.memref_squeeze %dma_start3A_539 : memref<1x8x128xi32, #tpu.memory_space<vmem>> -> memref<8x128xi32, #tpu.memory_space<vmem>>
      %dma_start3A_541 = arith.constant 0 : i32
      %dma_start3A_542 = tpu.memref_slice %dma_start3A_540[%dma_start3A_528, %dma_start3A_541] : memref<8x128xi32, #tpu.memory_space<vmem>> -> memref<1x128xi32, #tpu.memory_space<vmem>>
      %dma_start3A_543 = tpu.memref_squeeze %dma_start3A_542 : memref<1x128xi32, #tpu.memory_space<vmem>> -> memref<128xi32, #tpu.memory_space<vmem>>
      %dma_start3A_544 = arith.constant 0 : i32
      %dma_start3A_545 = arith.constant 0 : i32
      %dma_start3A_546 = tpu.memref_slice %arg10[%dma_start3A_544, %dma_start3A_545] : memref<10112x16xf32, #tpu.memory_space<vmem_shared>> -> memref<10112x16xf32, #tpu.memory_space<vmem_shared>>
      tpu.enqueue_indirect_dma source(%dma_start3A_546 : memref<10112x16xf32, #tpu.memory_space<vmem_shared>>) target(%dma_start3A_536 : memref<128x16xf32, #tpu.memory_space<vmem>>) offsets(%dma_start3A_543 : memref<128xi32, #tpu.memory_space<vmem>>) semaphore(%arg11 : memref<!tpu.dma_semaphore, #tpu.memory_space<semaphore_mem>>)
      %dma_start3A_547 = arith.constant 0 : i32
      %dma_start3A_548 = arith.constant 6 : i32
      %dma_start3A_549 = arith.constant 0 : i32
      %dma_start3A_550 = arith.constant 0 : i32
      %dma_start3A_551 = arith.constant 0 : i32
      %dma_start3A_552 = tpu.memref_slice %arg8[%dma_start3A_549, %dma_start3A_550, %dma_start3A_551] : memref<2x1024x16xf32, #tpu.memory_space<vmem>> -> memref<1x1024x16xf32, #tpu.memory_space<vmem>>
      %dma_start3A_553 = tpu.memref_squeeze %dma_start3A_552 : memref<1x1024x16xf32, #tpu.memory_space<vmem>> -> memref<1024x16xf32, #tpu.memory_space<vmem>>
      %dma_start3A_554 = arith.constant 768 : i32
      %dma_start3A_555 = arith.constant 0 : i32
      %dma_start3A_556 = tpu.memref_slice %dma_start3A_553[%dma_start3A_554, %dma_start3A_555] : memref<1024x16xf32, #tpu.memory_space<vmem>> -> memref<128x16xf32, #tpu.memory_space<vmem>>
      %dma_start3A_557 = arith.constant 0 : i32
      %dma_start3A_558 = arith.constant 0 : i32
      %dma_start3A_559 = tpu.memref_slice %arg6[%dma_start3A_547, %dma_start3A_557, %dma_start3A_558] : memref<2x8x128xi32, #tpu.memory_space<vmem>> -> memref<1x8x128xi32, #tpu.memory_space<vmem>>
      %dma_start3A_560 = tpu.memref_squeeze %dma_start3A_559 : memref<1x8x128xi32, #tpu.memory_space<vmem>> -> memref<8x128xi32, #tpu.memory_space<vmem>>
      %dma_start3A_561 = arith.constant 0 : i32
      %dma_start3A_562 = tpu.memref_slice %dma_start3A_560[%dma_start3A_548, %dma_start3A_561] : memref<8x128xi32, #tpu.memory_space<vmem>> -> memref<1x128xi32, #tpu.memory_space<vmem>>
      %dma_start3A_563 = tpu.memref_squeeze %dma_start3A_562 : memref<1x128xi32, #tpu.memory_space<vmem>> -> memref<128xi32, #tpu.memory_space<vmem>>
      %dma_start3A_564 = arith.constant 0 : i32
      %dma_start3A_565 = arith.constant 0 : i32
      %dma_start3A_566 = tpu.memref_slice %arg10[%dma_start3A_564, %dma_start3A_565] : memref<10112x16xf32, #tpu.memory_space<vmem_shared>> -> memref<10112x16xf32, #tpu.memory_space<vmem_shared>>
      tpu.enqueue_indirect_dma source(%dma_start3A_566 : memref<10112x16xf32, #tpu.memory_space<vmem_shared>>) target(%dma_start3A_556 : memref<128x16xf32, #tpu.memory_space<vmem>>) offsets(%dma_start3A_563 : memref<128xi32, #tpu.memory_space<vmem>>) semaphore(%arg11 : memref<!tpu.dma_semaphore, #tpu.memory_space<semaphore_mem>>)
      %dma_start3A_567 = arith.constant 0 : i32
      %dma_start3A_568 = arith.constant 7 : i32
      %dma_start3A_569 = arith.constant 0 : i32
      %dma_start3A_570 = arith.constant 0 : i32
      %dma_start3A_571 = arith.constant 0 : i32
      %dma_start3A_572 = tpu.memref_slice %arg8[%dma_start3A_569, %dma_start3A_570, %dma_start3A_571] : memref<2x1024x16xf32, #tpu.memory_space<vmem>> -> memref<1x1024x16xf32, #tpu.memory_space<vmem>>
      %dma_start3A_573 = tpu.memref_squeeze %dma_start3A_572 : memref<1x1024x16xf32, #tpu.memory_space<vmem>> -> memref<1024x16xf32, #tpu.memory_space<vmem>>
      %dma_start3A_574 = arith.constant 896 : i32
      %dma_start3A_575 = arith.constant 0 : i32
      %dma_start3A_576 = tpu.memref_slice %dma_start3A_573[%dma_start3A_574, %dma_start3A_575] : memref<1024x16xf32, #tpu.memory_space<vmem>> -> memref<128x16xf32, #tpu.memory_space<vmem>>
      %dma_start3A_577 = arith.constant 0 : i32
      %dma_start3A_578 = arith.constant 0 : i32
      %dma_start3A_579 = tpu.memref_slice %arg6[%dma_start3A_567, %dma_start3A_577, %dma_start3A_578] : memref<2x8x128xi32, #tpu.memory_space<vmem>> -> memref<1x8x128xi32, #tpu.memory_space<vmem>>
      %dma_start3A_580 = tpu.memref_squeeze %dma_start3A_579 : memref<1x8x128xi32, #tpu.memory_space<vmem>> -> memref<8x128xi32, #tpu.memory_space<vmem>>
      %dma_start3A_581 = arith.constant 0 : i32
      %dma_start3A_582 = tpu.memref_slice %dma_start3A_580[%dma_start3A_568, %dma_start3A_581] : memref<8x128xi32, #tpu.memory_space<vmem>> -> memref<1x128xi32, #tpu.memory_space<vmem>>
      %dma_start3A_583 = tpu.memref_squeeze %dma_start3A_582 : memref<1x128xi32, #tpu.memory_space<vmem>> -> memref<128xi32, #tpu.memory_space<vmem>>
      %dma_start3A_584 = arith.constant 0 : i32
      %dma_start3A_585 = arith.constant 0 : i32
      %dma_start3A_586 = tpu.memref_slice %arg10[%dma_start3A_584, %dma_start3A_585] : memref<10112x16xf32, #tpu.memory_space<vmem_shared>> -> memref<10112x16xf32, #tpu.memory_space<vmem_shared>>
      tpu.enqueue_indirect_dma source(%dma_start3A_586 : memref<10112x16xf32, #tpu.memory_space<vmem_shared>>) target(%dma_start3A_576 : memref<128x16xf32, #tpu.memory_space<vmem>>) offsets(%dma_start3A_583 : memref<128xi32, #tpu.memory_space<vmem>>) semaphore(%arg11 : memref<!tpu.dma_semaphore, #tpu.memory_space<semaphore_mem>>)
      %dma_wait3A_587 = arith.constant 1 : i32
      %dma_wait3A_588 = arith.constant 0 : i32
      %dma_wait3A_589 = arith.constant 0 : i32
      %dma_wait3A_590 = tpu.memref_slice %arg8[%dma_wait3A_587, %dma_wait3A_588, %dma_wait3A_589] : memref<2x1024x16xf32, #tpu.memory_space<vmem>> -> memref<1x1024x16xf32, #tpu.memory_space<vmem>>
      %dma_wait3A_591 = tpu.memref_squeeze %dma_wait3A_590 : memref<1x1024x16xf32, #tpu.memory_space<vmem>> -> memref<1024x16xf32, #tpu.memory_space<vmem>>
      %dma_wait3A_592 = arith.constant 0 : i32
      %dma_wait3A_593 = arith.constant 0 : i32
      %dma_wait3A_594 = tpu.memref_slice %arg4[%dma_wait3A_592, %dma_wait3A_593] : memref<10112x16xf32, #tpu.memory_space<hbm>> -> memref<1024x16xf32, #tpu.memory_space<hbm>>
      %dma_wait3A_595 = arith.constant 0 : i32
      %dma_wait3A_596 = arith.constant 0 : i32
      %dma_wait3A_597 = tpu.memref_slice %arg8[%dma_wait3A_587, %dma_wait3A_595, %dma_wait3A_596] : memref<2x1024x16xf32, #tpu.memory_space<vmem>> -> memref<1x1024x16xf32, #tpu.memory_space<vmem>>
      %dma_wait3A_598 = tpu.memref_squeeze %dma_wait3A_597 : memref<1x1024x16xf32, #tpu.memory_space<vmem>> -> memref<1024x16xf32, #tpu.memory_space<vmem>>
      %dma_wait3A_599 = arith.constant 0 : i32
      %dma_wait3A_600 = arith.constant 0 : i32
      %dma_wait3A_601 = tpu.memref_slice %arg4[%dma_wait3A_599, %dma_wait3A_600] : memref<10112x16xf32, #tpu.memory_space<hbm>> -> memref<1024x16xf32, #tpu.memory_space<hbm>>
      tpu.wait_dma2 semaphore(%arg11 : memref<!tpu.dma_semaphore, #tpu.memory_space<semaphore_mem>>) src(%dma_wait3A_601 : memref<1024x16xf32, #tpu.memory_space<hbm>>) dst(%dma_wait3A_598 : memref<1024x16xf32, #tpu.memory_space<vmem>>)
      %run_scoped3A_602 = arith.constant 1 : i32
      %run_scoped3A_603 = arith.constant 1 : i32
      %run_scoped3A_604 = arith.constant 0 : i32
      "tpu.region"() ({
        %run_scoped3A_626 = tpu.sem_alloc : memref<!tpu.dma_semaphore, #tpu.memory_space<semaphore_mem>>
        %dma_start3A_627 = arith.constant 0 : i32
        %dma_start3A_628 = arith.constant 0 : i32
        %dma_start3A_629 = tpu.memref_slice %arg8[%run_scoped3A_602, %dma_start3A_627, %dma_start3A_628] : memref<2x1024x16xf32, #tpu.memory_space<vmem>> -> memref<1x1024x16xf32, #tpu.memory_space<vmem>>
        %dma_start3A_630 = tpu.memref_squeeze %dma_start3A_629 : memref<1x1024x16xf32, #tpu.memory_space<vmem>> -> memref<1024x16xf32, #tpu.memory_space<vmem>>
        %dma_start3A_631 = arith.constant 0 : i32
        %dma_start3A_632 = arith.constant 0 : i32
        %dma_start3A_633 = tpu.memref_slice %dma_start3A_630[%dma_start3A_631, %dma_start3A_632] : memref<1024x16xf32, #tpu.memory_space<vmem>> -> memref<128x16xf32, #tpu.memory_space<vmem>>
        %dma_start3A_634 = arith.constant 0 : i32
        %dma_start3A_635 = arith.constant 0 : i32
        %dma_start3A_636 = tpu.memref_slice %arg7[%run_scoped3A_603, %dma_start3A_634, %dma_start3A_635] : memref<2x8x128xi32, #tpu.memory_space<vmem>> -> memref<1x8x128xi32, #tpu.memory_space<vmem>>
        %dma_start3A_637 = tpu.memref_squeeze %dma_start3A_636 : memref<1x8x128xi32, #tpu.memory_space<vmem>> -> memref<8x128xi32, #tpu.memory_space<vmem>>
        %dma_start3A_638 = arith.constant 0 : i32
        %dma_start3A_639 = tpu.memref_slice %dma_start3A_637[%run_scoped3A_604, %dma_start3A_638] : memref<8x128xi32, #tpu.memory_space<vmem>> -> memref<1x128xi32, #tpu.memory_space<vmem>>
        %dma_start3A_640 = tpu.memref_squeeze %dma_start3A_639 : memref<1x128xi32, #tpu.memory_space<vmem>> -> memref<128xi32, #tpu.memory_space<vmem>>
        %dma_start3A_641 = arith.constant 0 : i32
        %dma_start3A_642 = arith.constant 0 : i32
        %dma_start3A_643 = tpu.memref_slice %arg9[%dma_start3A_641, %dma_start3A_642] : memref<10112x16xf32, #tpu.memory_space<vmem_shared>> -> memref<10112x16xf32, #tpu.memory_space<vmem_shared>>
        tpu.enqueue_indirect_dma source(%dma_start3A_633 : memref<128x16xf32, #tpu.memory_space<vmem>>) target(%dma_start3A_643 : memref<10112x16xf32, #tpu.memory_space<vmem_shared>>) offsets(%dma_start3A_640 : memref<128xi32, #tpu.memory_space<vmem>>) semaphore(%run_scoped3A_626 : memref<!tpu.dma_semaphore, #tpu.memory_space<semaphore_mem>>) {add = true}
        %dma_wait3A_644 = arith.constant 0 : i32
        %dma_wait3A_645 = arith.constant 0 : i32
        %dma_wait3A_646 = tpu.memref_slice %arg8[%run_scoped3A_602, %dma_wait3A_644, %dma_wait3A_645] : memref<2x1024x16xf32, #tpu.memory_space<vmem>> -> memref<1x1024x16xf32, #tpu.memory_space<vmem>>
        %dma_wait3A_647 = tpu.memref_squeeze %dma_wait3A_646 : memref<1x1024x16xf32, #tpu.memory_space<vmem>> -> memref<1024x16xf32, #tpu.memory_space<vmem>>
        %dma_wait3A_648 = arith.constant 0 : i32
        %dma_wait3A_649 = arith.constant 0 : i32
        %dma_wait3A_650 = tpu.memref_slice %dma_wait3A_647[%dma_wait3A_648, %dma_wait3A_649] : memref<1024x16xf32, #tpu.memory_space<vmem>> -> memref<128x16xf32, #tpu.memory_space<vmem>>
        %dma_wait3A_651 = arith.constant 0 : i32
        %dma_wait3A_652 = arith.constant 0 : i32
        %dma_wait3A_653 = tpu.memref_slice %arg7[%run_scoped3A_603, %dma_wait3A_651, %dma_wait3A_652] : memref<2x8x128xi32, #tpu.memory_space<vmem>> -> memref<1x8x128xi32, #tpu.memory_space<vmem>>
        %dma_wait3A_654 = tpu.memref_squeeze %dma_wait3A_653 : memref<1x8x128xi32, #tpu.memory_space<vmem>> -> memref<8x128xi32, #tpu.memory_space<vmem>>
        %dma_wait3A_655 = arith.constant 0 : i32
        %dma_wait3A_656 = tpu.memref_slice %dma_wait3A_654[%run_scoped3A_604, %dma_wait3A_655] : memref<8x128xi32, #tpu.memory_space<vmem>> -> memref<1x128xi32, #tpu.memory_space<vmem>>
        %dma_wait3A_657 = tpu.memref_squeeze %dma_wait3A_656 : memref<1x128xi32, #tpu.memory_space<vmem>> -> memref<128xi32, #tpu.memory_space<vmem>>
        %dma_wait3A_658 = arith.constant 0 : i32
        %dma_wait3A_659 = arith.constant 0 : i32
        %dma_wait3A_660 = tpu.memref_slice %arg9[%dma_wait3A_658, %dma_wait3A_659] : memref<10112x16xf32, #tpu.memory_space<vmem_shared>> -> memref<10112x16xf32, #tpu.memory_space<vmem_shared>>
        tpu.wait_indirect_dma semaphore(%run_scoped3A_626 : memref<!tpu.dma_semaphore, #tpu.memory_space<semaphore_mem>>) src(%dma_wait3A_650 : memref<128x16xf32, #tpu.memory_space<vmem>>) dst(%dma_wait3A_660 : memref<10112x16xf32, #tpu.memory_space<vmem_shared>>)
        tpu.yield
      }) : () -> ()
      %run_scoped3A_605 = arith.constant 1 : i32
      %run_scoped3A_606 = arith.constant 1 : i32
      %run_scoped3A_607 = arith.constant 1 : i32
      "tpu.region"() ({
        %run_scoped3A_626 = tpu.sem_alloc : memref<!tpu.dma_semaphore, #tpu.memory_space<semaphore_mem>>
        %dma_start3A_627 = arith.constant 0 : i32
        %dma_start3A_628 = arith.constant 0 : i32
        %dma_start3A_629 = tpu.memref_slice %arg8[%run_scoped3A_605, %dma_start3A_627, %dma_start3A_628] : memref<2x1024x16xf32, #tpu.memory_space<vmem>> -> memref<1x1024x16xf32, #tpu.memory_space<vmem>>
        %dma_start3A_630 = tpu.memref_squeeze %dma_start3A_629 : memref<1x1024x16xf32, #tpu.memory_space<vmem>> -> memref<1024x16xf32, #tpu.memory_space<vmem>>
        %dma_start3A_631 = arith.constant 128 : i32
        %dma_start3A_632 = arith.constant 0 : i32
        %dma_start3A_633 = tpu.memref_slice %dma_start3A_630[%dma_start3A_631, %dma_start3A_632] : memref<1024x16xf32, #tpu.memory_space<vmem>> -> memref<128x16xf32, #tpu.memory_space<vmem>>
        %dma_start3A_634 = arith.constant 0 : i32
        %dma_start3A_635 = arith.constant 0 : i32
        %dma_start3A_636 = tpu.memref_slice %arg7[%run_scoped3A_606, %dma_start3A_634, %dma_start3A_635] : memref<2x8x128xi32, #tpu.memory_space<vmem>> -> memref<1x8x128xi32, #tpu.memory_space<vmem>>
        %dma_start3A_637 = tpu.memref_squeeze %dma_start3A_636 : memref<1x8x128xi32, #tpu.memory_space<vmem>> -> memref<8x128xi32, #tpu.memory_space<vmem>>
        %dma_start3A_638 = arith.constant 0 : i32
        %dma_start3A_639 = tpu.memref_slice %dma_start3A_637[%run_scoped3A_607, %dma_start3A_638] : memref<8x128xi32, #tpu.memory_space<vmem>> -> memref<1x128xi32, #tpu.memory_space<vmem>>
        %dma_start3A_640 = tpu.memref_squeeze %dma_start3A_639 : memref<1x128xi32, #tpu.memory_space<vmem>> -> memref<128xi32, #tpu.memory_space<vmem>>
        %dma_start3A_641 = arith.constant 0 : i32
        %dma_start3A_642 = arith.constant 0 : i32
        %dma_start3A_643 = tpu.memref_slice %arg9[%dma_start3A_641, %dma_start3A_642] : memref<10112x16xf32, #tpu.memory_space<vmem_shared>> -> memref<10112x16xf32, #tpu.memory_space<vmem_shared>>
        tpu.enqueue_indirect_dma source(%dma_start3A_633 : memref<128x16xf32, #tpu.memory_space<vmem>>) target(%dma_start3A_643 : memref<10112x16xf32, #tpu.memory_space<vmem_shared>>) offsets(%dma_start3A_640 : memref<128xi32, #tpu.memory_space<vmem>>) semaphore(%run_scoped3A_626 : memref<!tpu.dma_semaphore, #tpu.memory_space<semaphore_mem>>) {add = true}
        %dma_wait3A_644 = arith.constant 0 : i32
        %dma_wait3A_645 = arith.constant 0 : i32
        %dma_wait3A_646 = tpu.memref_slice %arg8[%run_scoped3A_605, %dma_wait3A_644, %dma_wait3A_645] : memref<2x1024x16xf32, #tpu.memory_space<vmem>> -> memref<1x1024x16xf32, #tpu.memory_space<vmem>>
        %dma_wait3A_647 = tpu.memref_squeeze %dma_wait3A_646 : memref<1x1024x16xf32, #tpu.memory_space<vmem>> -> memref<1024x16xf32, #tpu.memory_space<vmem>>
        %dma_wait3A_648 = arith.constant 128 : i32
        %dma_wait3A_649 = arith.constant 0 : i32
        %dma_wait3A_650 = tpu.memref_slice %dma_wait3A_647[%dma_wait3A_648, %dma_wait3A_649] : memref<1024x16xf32, #tpu.memory_space<vmem>> -> memref<128x16xf32, #tpu.memory_space<vmem>>
        %dma_wait3A_651 = arith.constant 0 : i32
        %dma_wait3A_652 = arith.constant 0 : i32
        %dma_wait3A_653 = tpu.memref_slice %arg7[%run_scoped3A_606, %dma_wait3A_651, %dma_wait3A_652] : memref<2x8x128xi32, #tpu.memory_space<vmem>> -> memref<1x8x128xi32, #tpu.memory_space<vmem>>
        %dma_wait3A_654 = tpu.memref_squeeze %dma_wait3A_653 : memref<1x8x128xi32, #tpu.memory_space<vmem>> -> memref<8x128xi32, #tpu.memory_space<vmem>>
        %dma_wait3A_655 = arith.constant 0 : i32
        %dma_wait3A_656 = tpu.memref_slice %dma_wait3A_654[%run_scoped3A_607, %dma_wait3A_655] : memref<8x128xi32, #tpu.memory_space<vmem>> -> memref<1x128xi32, #tpu.memory_space<vmem>>
        %dma_wait3A_657 = tpu.memref_squeeze %dma_wait3A_656 : memref<1x128xi32, #tpu.memory_space<vmem>> -> memref<128xi32, #tpu.memory_space<vmem>>
        %dma_wait3A_658 = arith.constant 0 : i32
        %dma_wait3A_659 = arith.constant 0 : i32
        %dma_wait3A_660 = tpu.memref_slice %arg9[%dma_wait3A_658, %dma_wait3A_659] : memref<10112x16xf32, #tpu.memory_space<vmem_shared>> -> memref<10112x16xf32, #tpu.memory_space<vmem_shared>>
        tpu.wait_indirect_dma semaphore(%run_scoped3A_626 : memref<!tpu.dma_semaphore, #tpu.memory_space<semaphore_mem>>) src(%dma_wait3A_650 : memref<128x16xf32, #tpu.memory_space<vmem>>) dst(%dma_wait3A_660 : memref<10112x16xf32, #tpu.memory_space<vmem_shared>>)
        tpu.yield
      }) : () -> ()
      %run_scoped3A_608 = arith.constant 1 : i32
      %run_scoped3A_609 = arith.constant 1 : i32
      %run_scoped3A_610 = arith.constant 2 : i32
      "tpu.region"() ({
        %run_scoped3A_626 = tpu.sem_alloc : memref<!tpu.dma_semaphore, #tpu.memory_space<semaphore_mem>>
        %dma_start3A_627 = arith.constant 0 : i32
        %dma_start3A_628 = arith.constant 0 : i32
        %dma_start3A_629 = tpu.memref_slice %arg8[%run_scoped3A_608, %dma_start3A_627, %dma_start3A_628] : memref<2x1024x16xf32, #tpu.memory_space<vmem>> -> memref<1x1024x16xf32, #tpu.memory_space<vmem>>
        %dma_start3A_630 = tpu.memref_squeeze %dma_start3A_629 : memref<1x1024x16xf32, #tpu.memory_space<vmem>> -> memref<1024x16xf32, #tpu.memory_space<vmem>>
        %dma_start3A_631 = arith.constant 256 : i32
        %dma_start3A_632 = arith.constant 0 : i32
        %dma_start3A_633 = tpu.memref_slice %dma_start3A_630[%dma_start3A_631, %dma_start3A_632] : memref<1024x16xf32, #tpu.memory_space<vmem>> -> memref<128x16xf32, #tpu.memory_space<vmem>>
        %dma_start3A_634 = arith.constant 0 : i32
        %dma_start3A_635 = arith.constant 0 : i32
        %dma_start3A_636 = tpu.memref_slice %arg7[%run_scoped3A_609, %dma_start3A_634, %dma_start3A_635] : memref<2x8x128xi32, #tpu.memory_space<vmem>> -> memref<1x8x128xi32, #tpu.memory_space<vmem>>
        %dma_start3A_637 = tpu.memref_squeeze %dma_start3A_636 : memref<1x8x128xi32, #tpu.memory_space<vmem>> -> memref<8x128xi32, #tpu.memory_space<vmem>>
        %dma_start3A_638 = arith.constant 0 : i32
        %dma_start3A_639 = tpu.memref_slice %dma_start3A_637[%run_scoped3A_610, %dma_start3A_638] : memref<8x128xi32, #tpu.memory_space<vmem>> -> memref<1x128xi32, #tpu.memory_space<vmem>>
        %dma_start3A_640 = tpu.memref_squeeze %dma_start3A_639 : memref<1x128xi32, #tpu.memory_space<vmem>> -> memref<128xi32, #tpu.memory_space<vmem>>
        %dma_start3A_641 = arith.constant 0 : i32
        %dma_start3A_642 = arith.constant 0 : i32
        %dma_start3A_643 = tpu.memref_slice %arg9[%dma_start3A_641, %dma_start3A_642] : memref<10112x16xf32, #tpu.memory_space<vmem_shared>> -> memref<10112x16xf32, #tpu.memory_space<vmem_shared>>
        tpu.enqueue_indirect_dma source(%dma_start3A_633 : memref<128x16xf32, #tpu.memory_space<vmem>>) target(%dma_start3A_643 : memref<10112x16xf32, #tpu.memory_space<vmem_shared>>) offsets(%dma_start3A_640 : memref<128xi32, #tpu.memory_space<vmem>>) semaphore(%run_scoped3A_626 : memref<!tpu.dma_semaphore, #tpu.memory_space<semaphore_mem>>) {add = true}
        %dma_wait3A_644 = arith.constant 0 : i32
        %dma_wait3A_645 = arith.constant 0 : i32
        %dma_wait3A_646 = tpu.memref_slice %arg8[%run_scoped3A_608, %dma_wait3A_644, %dma_wait3A_645] : memref<2x1024x16xf32, #tpu.memory_space<vmem>> -> memref<1x1024x16xf32, #tpu.memory_space<vmem>>
        %dma_wait3A_647 = tpu.memref_squeeze %dma_wait3A_646 : memref<1x1024x16xf32, #tpu.memory_space<vmem>> -> memref<1024x16xf32, #tpu.memory_space<vmem>>
        %dma_wait3A_648 = arith.constant 256 : i32
        %dma_wait3A_649 = arith.constant 0 : i32
        %dma_wait3A_650 = tpu.memref_slice %dma_wait3A_647[%dma_wait3A_648, %dma_wait3A_649] : memref<1024x16xf32, #tpu.memory_space<vmem>> -> memref<128x16xf32, #tpu.memory_space<vmem>>
        %dma_wait3A_651 = arith.constant 0 : i32
        %dma_wait3A_652 = arith.constant 0 : i32
        %dma_wait3A_653 = tpu.memref_slice %arg7[%run_scoped3A_609, %dma_wait3A_651, %dma_wait3A_652] : memref<2x8x128xi32, #tpu.memory_space<vmem>> -> memref<1x8x128xi32, #tpu.memory_space<vmem>>
        %dma_wait3A_654 = tpu.memref_squeeze %dma_wait3A_653 : memref<1x8x128xi32, #tpu.memory_space<vmem>> -> memref<8x128xi32, #tpu.memory_space<vmem>>
        %dma_wait3A_655 = arith.constant 0 : i32
        %dma_wait3A_656 = tpu.memref_slice %dma_wait3A_654[%run_scoped3A_610, %dma_wait3A_655] : memref<8x128xi32, #tpu.memory_space<vmem>> -> memref<1x128xi32, #tpu.memory_space<vmem>>
        %dma_wait3A_657 = tpu.memref_squeeze %dma_wait3A_656 : memref<1x128xi32, #tpu.memory_space<vmem>> -> memref<128xi32, #tpu.memory_space<vmem>>
        %dma_wait3A_658 = arith.constant 0 : i32
        %dma_wait3A_659 = arith.constant 0 : i32
        %dma_wait3A_660 = tpu.memref_slice %arg9[%dma_wait3A_658, %dma_wait3A_659] : memref<10112x16xf32, #tpu.memory_space<vmem_shared>> -> memref<10112x16xf32, #tpu.memory_space<vmem_shared>>
        tpu.wait_indirect_dma semaphore(%run_scoped3A_626 : memref<!tpu.dma_semaphore, #tpu.memory_space<semaphore_mem>>) src(%dma_wait3A_650 : memref<128x16xf32, #tpu.memory_space<vmem>>) dst(%dma_wait3A_660 : memref<10112x16xf32, #tpu.memory_space<vmem_shared>>)
        tpu.yield
      }) : () -> ()
      %run_scoped3A_611 = arith.constant 1 : i32
      %run_scoped3A_612 = arith.constant 1 : i32
      %run_scoped3A_613 = arith.constant 3 : i32
      "tpu.region"() ({
        %run_scoped3A_626 = tpu.sem_alloc : memref<!tpu.dma_semaphore, #tpu.memory_space<semaphore_mem>>
        %dma_start3A_627 = arith.constant 0 : i32
        %dma_start3A_628 = arith.constant 0 : i32
        %dma_start3A_629 = tpu.memref_slice %arg8[%run_scoped3A_611, %dma_start3A_627, %dma_start3A_628] : memref<2x1024x16xf32, #tpu.memory_space<vmem>> -> memref<1x1024x16xf32, #tpu.memory_space<vmem>>
        %dma_start3A_630 = tpu.memref_squeeze %dma_start3A_629 : memref<1x1024x16xf32, #tpu.memory_space<vmem>> -> memref<1024x16xf32, #tpu.memory_space<vmem>>
        %dma_start3A_631 = arith.constant 384 : i32
        %dma_start3A_632 = arith.constant 0 : i32
        %dma_start3A_633 = tpu.memref_slice %dma_start3A_630[%dma_start3A_631, %dma_start3A_632] : memref<1024x16xf32, #tpu.memory_space<vmem>> -> memref<128x16xf32, #tpu.memory_space<vmem>>
        %dma_start3A_634 = arith.constant 0 : i32
        %dma_start3A_635 = arith.constant 0 : i32
        %dma_start3A_636 = tpu.memref_slice %arg7[%run_scoped3A_612, %dma_start3A_634, %dma_start3A_635] : memref<2x8x128xi32, #tpu.memory_space<vmem>> -> memref<1x8x128xi32, #tpu.memory_space<vmem>>
        %dma_start3A_637 = tpu.memref_squeeze %dma_start3A_636 : memref<1x8x128xi32, #tpu.memory_space<vmem>> -> memref<8x128xi32, #tpu.memory_space<vmem>>
        %dma_start3A_638 = arith.constant 0 : i32
        %dma_start3A_639 = tpu.memref_slice %dma_start3A_637[%run_scoped3A_613, %dma_start3A_638] : memref<8x128xi32, #tpu.memory_space<vmem>> -> memref<1x128xi32, #tpu.memory_space<vmem>>
        %dma_start3A_640 = tpu.memref_squeeze %dma_start3A_639 : memref<1x128xi32, #tpu.memory_space<vmem>> -> memref<128xi32, #tpu.memory_space<vmem>>
        %dma_start3A_641 = arith.constant 0 : i32
        %dma_start3A_642 = arith.constant 0 : i32
        %dma_start3A_643 = tpu.memref_slice %arg9[%dma_start3A_641, %dma_start3A_642] : memref<10112x16xf32, #tpu.memory_space<vmem_shared>> -> memref<10112x16xf32, #tpu.memory_space<vmem_shared>>
        tpu.enqueue_indirect_dma source(%dma_start3A_633 : memref<128x16xf32, #tpu.memory_space<vmem>>) target(%dma_start3A_643 : memref<10112x16xf32, #tpu.memory_space<vmem_shared>>) offsets(%dma_start3A_640 : memref<128xi32, #tpu.memory_space<vmem>>) semaphore(%run_scoped3A_626 : memref<!tpu.dma_semaphore, #tpu.memory_space<semaphore_mem>>) {add = true}
        %dma_wait3A_644 = arith.constant 0 : i32
        %dma_wait3A_645 = arith.constant 0 : i32
        %dma_wait3A_646 = tpu.memref_slice %arg8[%run_scoped3A_611, %dma_wait3A_644, %dma_wait3A_645] : memref<2x1024x16xf32, #tpu.memory_space<vmem>> -> memref<1x1024x16xf32, #tpu.memory_space<vmem>>
        %dma_wait3A_647 = tpu.memref_squeeze %dma_wait3A_646 : memref<1x1024x16xf32, #tpu.memory_space<vmem>> -> memref<1024x16xf32, #tpu.memory_space<vmem>>
        %dma_wait3A_648 = arith.constant 384 : i32
        %dma_wait3A_649 = arith.constant 0 : i32
        %dma_wait3A_650 = tpu.memref_slice %dma_wait3A_647[%dma_wait3A_648, %dma_wait3A_649] : memref<1024x16xf32, #tpu.memory_space<vmem>> -> memref<128x16xf32, #tpu.memory_space<vmem>>
        %dma_wait3A_651 = arith.constant 0 : i32
        %dma_wait3A_652 = arith.constant 0 : i32
        %dma_wait3A_653 = tpu.memref_slice %arg7[%run_scoped3A_612, %dma_wait3A_651, %dma_wait3A_652] : memref<2x8x128xi32, #tpu.memory_space<vmem>> -> memref<1x8x128xi32, #tpu.memory_space<vmem>>
        %dma_wait3A_654 = tpu.memref_squeeze %dma_wait3A_653 : memref<1x8x128xi32, #tpu.memory_space<vmem>> -> memref<8x128xi32, #tpu.memory_space<vmem>>
        %dma_wait3A_655 = arith.constant 0 : i32
        %dma_wait3A_656 = tpu.memref_slice %dma_wait3A_654[%run_scoped3A_613, %dma_wait3A_655] : memref<8x128xi32, #tpu.memory_space<vmem>> -> memref<1x128xi32, #tpu.memory_space<vmem>>
        %dma_wait3A_657 = tpu.memref_squeeze %dma_wait3A_656 : memref<1x128xi32, #tpu.memory_space<vmem>> -> memref<128xi32, #tpu.memory_space<vmem>>
        %dma_wait3A_658 = arith.constant 0 : i32
        %dma_wait3A_659 = arith.constant 0 : i32
        %dma_wait3A_660 = tpu.memref_slice %arg9[%dma_wait3A_658, %dma_wait3A_659] : memref<10112x16xf32, #tpu.memory_space<vmem_shared>> -> memref<10112x16xf32, #tpu.memory_space<vmem_shared>>
        tpu.wait_indirect_dma semaphore(%run_scoped3A_626 : memref<!tpu.dma_semaphore, #tpu.memory_space<semaphore_mem>>) src(%dma_wait3A_650 : memref<128x16xf32, #tpu.memory_space<vmem>>) dst(%dma_wait3A_660 : memref<10112x16xf32, #tpu.memory_space<vmem_shared>>)
        tpu.yield
      }) : () -> ()
      %run_scoped3A_614 = arith.constant 1 : i32
      %run_scoped3A_615 = arith.constant 1 : i32
      %run_scoped3A_616 = arith.constant 4 : i32
      "tpu.region"() ({
        %run_scoped3A_626 = tpu.sem_alloc : memref<!tpu.dma_semaphore, #tpu.memory_space<semaphore_mem>>
        %dma_start3A_627 = arith.constant 0 : i32
        %dma_start3A_628 = arith.constant 0 : i32
        %dma_start3A_629 = tpu.memref_slice %arg8[%run_scoped3A_614, %dma_start3A_627, %dma_start3A_628] : memref<2x1024x16xf32, #tpu.memory_space<vmem>> -> memref<1x1024x16xf32, #tpu.memory_space<vmem>>
        %dma_start3A_630 = tpu.memref_squeeze %dma_start3A_629 : memref<1x1024x16xf32, #tpu.memory_space<vmem>> -> memref<1024x16xf32, #tpu.memory_space<vmem>>
        %dma_start3A_631 = arith.constant 512 : i32
        %dma_start3A_632 = arith.constant 0 : i32
        %dma_start3A_633 = tpu.memref_slice %dma_start3A_630[%dma_start3A_631, %dma_start3A_632] : memref<1024x16xf32, #tpu.memory_space<vmem>> -> memref<128x16xf32, #tpu.memory_space<vmem>>
        %dma_start3A_634 = arith.constant 0 : i32
        %dma_start3A_635 = arith.constant 0 : i32
        %dma_start3A_636 = tpu.memref_slice %arg7[%run_scoped3A_615, %dma_start3A_634, %dma_start3A_635] : memref<2x8x128xi32, #tpu.memory_space<vmem>> -> memref<1x8x128xi32, #tpu.memory_space<vmem>>
        %dma_start3A_637 = tpu.memref_squeeze %dma_start3A_636 : memref<1x8x128xi32, #tpu.memory_space<vmem>> -> memref<8x128xi32, #tpu.memory_space<vmem>>
        %dma_start3A_638 = arith.constant 0 : i32
        %dma_start3A_639 = tpu.memref_slice %dma_start3A_637[%run_scoped3A_616, %dma_start3A_638] : memref<8x128xi32, #tpu.memory_space<vmem>> -> memref<1x128xi32, #tpu.memory_space<vmem>>
        %dma_start3A_640 = tpu.memref_squeeze %dma_start3A_639 : memref<1x128xi32, #tpu.memory_space<vmem>> -> memref<128xi32, #tpu.memory_space<vmem>>
        %dma_start3A_641 = arith.constant 0 : i32
        %dma_start3A_642 = arith.constant 0 : i32
        %dma_start3A_643 = tpu.memref_slice %arg9[%dma_start3A_641, %dma_start3A_642] : memref<10112x16xf32, #tpu.memory_space<vmem_shared>> -> memref<10112x16xf32, #tpu.memory_space<vmem_shared>>
        tpu.enqueue_indirect_dma source(%dma_start3A_633 : memref<128x16xf32, #tpu.memory_space<vmem>>) target(%dma_start3A_643 : memref<10112x16xf32, #tpu.memory_space<vmem_shared>>) offsets(%dma_start3A_640 : memref<128xi32, #tpu.memory_space<vmem>>) semaphore(%run_scoped3A_626 : memref<!tpu.dma_semaphore, #tpu.memory_space<semaphore_mem>>) {add = true}
        %dma_wait3A_644 = arith.constant 0 : i32
        %dma_wait3A_645 = arith.constant 0 : i32
        %dma_wait3A_646 = tpu.memref_slice %arg8[%run_scoped3A_614, %dma_wait3A_644, %dma_wait3A_645] : memref<2x1024x16xf32, #tpu.memory_space<vmem>> -> memref<1x1024x16xf32, #tpu.memory_space<vmem>>
        %dma_wait3A_647 = tpu.memref_squeeze %dma_wait3A_646 : memref<1x1024x16xf32, #tpu.memory_space<vmem>> -> memref<1024x16xf32, #tpu.memory_space<vmem>>
        %dma_wait3A_648 = arith.constant 512 : i32
        %dma_wait3A_649 = arith.constant 0 : i32
        %dma_wait3A_650 = tpu.memref_slice %dma_wait3A_647[%dma_wait3A_648, %dma_wait3A_649] : memref<1024x16xf32, #tpu.memory_space<vmem>> -> memref<128x16xf32, #tpu.memory_space<vmem>>
        %dma_wait3A_651 = arith.constant 0 : i32
        %dma_wait3A_652 = arith.constant 0 : i32
        %dma_wait3A_653 = tpu.memref_slice %arg7[%run_scoped3A_615, %dma_wait3A_651, %dma_wait3A_652] : memref<2x8x128xi32, #tpu.memory_space<vmem>> -> memref<1x8x128xi32, #tpu.memory_space<vmem>>
        %dma_wait3A_654 = tpu.memref_squeeze %dma_wait3A_653 : memref<1x8x128xi32, #tpu.memory_space<vmem>> -> memref<8x128xi32, #tpu.memory_space<vmem>>
        %dma_wait3A_655 = arith.constant 0 : i32
        %dma_wait3A_656 = tpu.memref_slice %dma_wait3A_654[%run_scoped3A_616, %dma_wait3A_655] : memref<8x128xi32, #tpu.memory_space<vmem>> -> memref<1x128xi32, #tpu.memory_space<vmem>>
        %dma_wait3A_657 = tpu.memref_squeeze %dma_wait3A_656 : memref<1x128xi32, #tpu.memory_space<vmem>> -> memref<128xi32, #tpu.memory_space<vmem>>
        %dma_wait3A_658 = arith.constant 0 : i32
        %dma_wait3A_659 = arith.constant 0 : i32
        %dma_wait3A_660 = tpu.memref_slice %arg9[%dma_wait3A_658, %dma_wait3A_659] : memref<10112x16xf32, #tpu.memory_space<vmem_shared>> -> memref<10112x16xf32, #tpu.memory_space<vmem_shared>>
        tpu.wait_indirect_dma semaphore(%run_scoped3A_626 : memref<!tpu.dma_semaphore, #tpu.memory_space<semaphore_mem>>) src(%dma_wait3A_650 : memref<128x16xf32, #tpu.memory_space<vmem>>) dst(%dma_wait3A_660 : memref<10112x16xf32, #tpu.memory_space<vmem_shared>>)
        tpu.yield
      }) : () -> ()
      %run_scoped3A_617 = arith.constant 1 : i32
      %run_scoped3A_618 = arith.constant 1 : i32
      %run_scoped3A_619 = arith.constant 5 : i32
      "tpu.region"() ({
        %run_scoped3A_626 = tpu.sem_alloc : memref<!tpu.dma_semaphore, #tpu.memory_space<semaphore_mem>>
        %dma_start3A_627 = arith.constant 0 : i32
        %dma_start3A_628 = arith.constant 0 : i32
        %dma_start3A_629 = tpu.memref_slice %arg8[%run_scoped3A_617, %dma_start3A_627, %dma_start3A_628] : memref<2x1024x16xf32, #tpu.memory_space<vmem>> -> memref<1x1024x16xf32, #tpu.memory_space<vmem>>
        %dma_start3A_630 = tpu.memref_squeeze %dma_start3A_629 : memref<1x1024x16xf32, #tpu.memory_space<vmem>> -> memref<1024x16xf32, #tpu.memory_space<vmem>>
        %dma_start3A_631 = arith.constant 640 : i32
        %dma_start3A_632 = arith.constant 0 : i32
        %dma_start3A_633 = tpu.memref_slice %dma_start3A_630[%dma_start3A_631, %dma_start3A_632] : memref<1024x16xf32, #tpu.memory_space<vmem>> -> memref<128x16xf32, #tpu.memory_space<vmem>>
        %dma_start3A_634 = arith.constant 0 : i32
        %dma_start3A_635 = arith.constant 0 : i32
        %dma_start3A_636 = tpu.memref_slice %arg7[%run_scoped3A_618, %dma_start3A_634, %dma_start3A_635] : memref<2x8x128xi32, #tpu.memory_space<vmem>> -> memref<1x8x128xi32, #tpu.memory_space<vmem>>
        %dma_start3A_637 = tpu.memref_squeeze %dma_start3A_636 : memref<1x8x128xi32, #tpu.memory_space<vmem>> -> memref<8x128xi32, #tpu.memory_space<vmem>>
        %dma_start3A_638 = arith.constant 0 : i32
        %dma_start3A_639 = tpu.memref_slice %dma_start3A_637[%run_scoped3A_619, %dma_start3A_638] : memref<8x128xi32, #tpu.memory_space<vmem>> -> memref<1x128xi32, #tpu.memory_space<vmem>>
        %dma_start3A_640 = tpu.memref_squeeze %dma_start3A_639 : memref<1x128xi32, #tpu.memory_space<vmem>> -> memref<128xi32, #tpu.memory_space<vmem>>
        %dma_start3A_641 = arith.constant 0 : i32
        %dma_start3A_642 = arith.constant 0 : i32
        %dma_start3A_643 = tpu.memref_slice %arg9[%dma_start3A_641, %dma_start3A_642] : memref<10112x16xf32, #tpu.memory_space<vmem_shared>> -> memref<10112x16xf32, #tpu.memory_space<vmem_shared>>
        tpu.enqueue_indirect_dma source(%dma_start3A_633 : memref<128x16xf32, #tpu.memory_space<vmem>>) target(%dma_start3A_643 : memref<10112x16xf32, #tpu.memory_space<vmem_shared>>) offsets(%dma_start3A_640 : memref<128xi32, #tpu.memory_space<vmem>>) semaphore(%run_scoped3A_626 : memref<!tpu.dma_semaphore, #tpu.memory_space<semaphore_mem>>) {add = true}
        %dma_wait3A_644 = arith.constant 0 : i32
        %dma_wait3A_645 = arith.constant 0 : i32
        %dma_wait3A_646 = tpu.memref_slice %arg8[%run_scoped3A_617, %dma_wait3A_644, %dma_wait3A_645] : memref<2x1024x16xf32, #tpu.memory_space<vmem>> -> memref<1x1024x16xf32, #tpu.memory_space<vmem>>
        %dma_wait3A_647 = tpu.memref_squeeze %dma_wait3A_646 : memref<1x1024x16xf32, #tpu.memory_space<vmem>> -> memref<1024x16xf32, #tpu.memory_space<vmem>>
        %dma_wait3A_648 = arith.constant 640 : i32
        %dma_wait3A_649 = arith.constant 0 : i32
        %dma_wait3A_650 = tpu.memref_slice %dma_wait3A_647[%dma_wait3A_648, %dma_wait3A_649] : memref<1024x16xf32, #tpu.memory_space<vmem>> -> memref<128x16xf32, #tpu.memory_space<vmem>>
        %dma_wait3A_651 = arith.constant 0 : i32
        %dma_wait3A_652 = arith.constant 0 : i32
        %dma_wait3A_653 = tpu.memref_slice %arg7[%run_scoped3A_618, %dma_wait3A_651, %dma_wait3A_652] : memref<2x8x128xi32, #tpu.memory_space<vmem>> -> memref<1x8x128xi32, #tpu.memory_space<vmem>>
        %dma_wait3A_654 = tpu.memref_squeeze %dma_wait3A_653 : memref<1x8x128xi32, #tpu.memory_space<vmem>> -> memref<8x128xi32, #tpu.memory_space<vmem>>
        %dma_wait3A_655 = arith.constant 0 : i32
        %dma_wait3A_656 = tpu.memref_slice %dma_wait3A_654[%run_scoped3A_619, %dma_wait3A_655] : memref<8x128xi32, #tpu.memory_space<vmem>> -> memref<1x128xi32, #tpu.memory_space<vmem>>
        %dma_wait3A_657 = tpu.memref_squeeze %dma_wait3A_656 : memref<1x128xi32, #tpu.memory_space<vmem>> -> memref<128xi32, #tpu.memory_space<vmem>>
        %dma_wait3A_658 = arith.constant 0 : i32
        %dma_wait3A_659 = arith.constant 0 : i32
        %dma_wait3A_660 = tpu.memref_slice %arg9[%dma_wait3A_658, %dma_wait3A_659] : memref<10112x16xf32, #tpu.memory_space<vmem_shared>> -> memref<10112x16xf32, #tpu.memory_space<vmem_shared>>
        tpu.wait_indirect_dma semaphore(%run_scoped3A_626 : memref<!tpu.dma_semaphore, #tpu.memory_space<semaphore_mem>>) src(%dma_wait3A_650 : memref<128x16xf32, #tpu.memory_space<vmem>>) dst(%dma_wait3A_660 : memref<10112x16xf32, #tpu.memory_space<vmem_shared>>)
        tpu.yield
      }) : () -> ()
      %run_scoped3A_620 = arith.constant 1 : i32
      %run_scoped3A_621 = arith.constant 1 : i32
      %run_scoped3A_622 = arith.constant 6 : i32
      "tpu.region"() ({
        %run_scoped3A_626 = tpu.sem_alloc : memref<!tpu.dma_semaphore, #tpu.memory_space<semaphore_mem>>
        %dma_start3A_627 = arith.constant 0 : i32
        %dma_start3A_628 = arith.constant 0 : i32
        %dma_start3A_629 = tpu.memref_slice %arg8[%run_scoped3A_620, %dma_start3A_627, %dma_start3A_628] : memref<2x1024x16xf32, #tpu.memory_space<vmem>> -> memref<1x1024x16xf32, #tpu.memory_space<vmem>>
        %dma_start3A_630 = tpu.memref_squeeze %dma_start3A_629 : memref<1x1024x16xf32, #tpu.memory_space<vmem>> -> memref<1024x16xf32, #tpu.memory_space<vmem>>
        %dma_start3A_631 = arith.constant 768 : i32
        %dma_start3A_632 = arith.constant 0 : i32
        %dma_start3A_633 = tpu.memref_slice %dma_start3A_630[%dma_start3A_631, %dma_start3A_632] : memref<1024x16xf32, #tpu.memory_space<vmem>> -> memref<128x16xf32, #tpu.memory_space<vmem>>
        %dma_start3A_634 = arith.constant 0 : i32
        %dma_start3A_635 = arith.constant 0 : i32
        %dma_start3A_636 = tpu.memref_slice %arg7[%run_scoped3A_621, %dma_start3A_634, %dma_start3A_635] : memref<2x8x128xi32, #tpu.memory_space<vmem>> -> memref<1x8x128xi32, #tpu.memory_space<vmem>>
        %dma_start3A_637 = tpu.memref_squeeze %dma_start3A_636 : memref<1x8x128xi32, #tpu.memory_space<vmem>> -> memref<8x128xi32, #tpu.memory_space<vmem>>
        %dma_start3A_638 = arith.constant 0 : i32
        %dma_start3A_639 = tpu.memref_slice %dma_start3A_637[%run_scoped3A_622, %dma_start3A_638] : memref<8x128xi32, #tpu.memory_space<vmem>> -> memref<1x128xi32, #tpu.memory_space<vmem>>
        %dma_start3A_640 = tpu.memref_squeeze %dma_start3A_639 : memref<1x128xi32, #tpu.memory_space<vmem>> -> memref<128xi32, #tpu.memory_space<vmem>>
        %dma_start3A_641 = arith.constant 0 : i32
        %dma_start3A_642 = arith.constant 0 : i32
        %dma_start3A_643 = tpu.memref_slice %arg9[%dma_start3A_641, %dma_start3A_642] : memref<10112x16xf32, #tpu.memory_space<vmem_shared>> -> memref<10112x16xf32, #tpu.memory_space<vmem_shared>>
        tpu.enqueue_indirect_dma source(%dma_start3A_633 : memref<128x16xf32, #tpu.memory_space<vmem>>) target(%dma_start3A_643 : memref<10112x16xf32, #tpu.memory_space<vmem_shared>>) offsets(%dma_start3A_640 : memref<128xi32, #tpu.memory_space<vmem>>) semaphore(%run_scoped3A_626 : memref<!tpu.dma_semaphore, #tpu.memory_space<semaphore_mem>>) {add = true}
        %dma_wait3A_644 = arith.constant 0 : i32
        %dma_wait3A_645 = arith.constant 0 : i32
        %dma_wait3A_646 = tpu.memref_slice %arg8[%run_scoped3A_620, %dma_wait3A_644, %dma_wait3A_645] : memref<2x1024x16xf32, #tpu.memory_space<vmem>> -> memref<1x1024x16xf32, #tpu.memory_space<vmem>>
        %dma_wait3A_647 = tpu.memref_squeeze %dma_wait3A_646 : memref<1x1024x16xf32, #tpu.memory_space<vmem>> -> memref<1024x16xf32, #tpu.memory_space<vmem>>
        %dma_wait3A_648 = arith.constant 768 : i32
        %dma_wait3A_649 = arith.constant 0 : i32
        %dma_wait3A_650 = tpu.memref_slice %dma_wait3A_647[%dma_wait3A_648, %dma_wait3A_649] : memref<1024x16xf32, #tpu.memory_space<vmem>> -> memref<128x16xf32, #tpu.memory_space<vmem>>
        %dma_wait3A_651 = arith.constant 0 : i32
        %dma_wait3A_652 = arith.constant 0 : i32
        %dma_wait3A_653 = tpu.memref_slice %arg7[%run_scoped3A_621, %dma_wait3A_651, %dma_wait3A_652] : memref<2x8x128xi32, #tpu.memory_space<vmem>> -> memref<1x8x128xi32, #tpu.memory_space<vmem>>
        %dma_wait3A_654 = tpu.memref_squeeze %dma_wait3A_653 : memref<1x8x128xi32, #tpu.memory_space<vmem>> -> memref<8x128xi32, #tpu.memory_space<vmem>>
        %dma_wait3A_655 = arith.constant 0 : i32
        %dma_wait3A_656 = tpu.memref_slice %dma_wait3A_654[%run_scoped3A_622, %dma_wait3A_655] : memref<8x128xi32, #tpu.memory_space<vmem>> -> memref<1x128xi32, #tpu.memory_space<vmem>>
        %dma_wait3A_657 = tpu.memref_squeeze %dma_wait3A_656 : memref<1x128xi32, #tpu.memory_space<vmem>> -> memref<128xi32, #tpu.memory_space<vmem>>
        %dma_wait3A_658 = arith.constant 0 : i32
        %dma_wait3A_659 = arith.constant 0 : i32
        %dma_wait3A_660 = tpu.memref_slice %arg9[%dma_wait3A_658, %dma_wait3A_659] : memref<10112x16xf32, #tpu.memory_space<vmem_shared>> -> memref<10112x16xf32, #tpu.memory_space<vmem_shared>>
        tpu.wait_indirect_dma semaphore(%run_scoped3A_626 : memref<!tpu.dma_semaphore, #tpu.memory_space<semaphore_mem>>) src(%dma_wait3A_650 : memref<128x16xf32, #tpu.memory_space<vmem>>) dst(%dma_wait3A_660 : memref<10112x16xf32, #tpu.memory_space<vmem_shared>>)
        tpu.yield
      }) : () -> ()
      %run_scoped3A_623 = arith.constant 1 : i32
      %run_scoped3A_624 = arith.constant 1 : i32
      %run_scoped3A_625 = arith.constant 7 : i32
      "tpu.region"() ({
        %run_scoped3A_626 = tpu.sem_alloc : memref<!tpu.dma_semaphore, #tpu.memory_space<semaphore_mem>>
        %dma_start3A_627 = arith.constant 0 : i32
        %dma_start3A_628 = arith.constant 0 : i32
        %dma_start3A_629 = tpu.memref_slice %arg8[%run_scoped3A_623, %dma_start3A_627, %dma_start3A_628] : memref<2x1024x16xf32, #tpu.memory_space<vmem>> -> memref<1x1024x16xf32, #tpu.memory_space<vmem>>
        %dma_start3A_630 = tpu.memref_squeeze %dma_start3A_629 : memref<1x1024x16xf32, #tpu.memory_space<vmem>> -> memref<1024x16xf32, #tpu.memory_space<vmem>>
        %dma_start3A_631 = arith.constant 896 : i32
        %dma_start3A_632 = arith.constant 0 : i32
        %dma_start3A_633 = tpu.memref_slice %dma_start3A_630[%dma_start3A_631, %dma_start3A_632] : memref<1024x16xf32, #tpu.memory_space<vmem>> -> memref<128x16xf32, #tpu.memory_space<vmem>>
        %dma_start3A_634 = arith.constant 0 : i32
        %dma_start3A_635 = arith.constant 0 : i32
        %dma_start3A_636 = tpu.memref_slice %arg7[%run_scoped3A_624, %dma_start3A_634, %dma_start3A_635] : memref<2x8x128xi32, #tpu.memory_space<vmem>> -> memref<1x8x128xi32, #tpu.memory_space<vmem>>
        %dma_start3A_637 = tpu.memref_squeeze %dma_start3A_636 : memref<1x8x128xi32, #tpu.memory_space<vmem>> -> memref<8x128xi32, #tpu.memory_space<vmem>>
        %dma_start3A_638 = arith.constant 0 : i32
        %dma_start3A_639 = tpu.memref_slice %dma_start3A_637[%run_scoped3A_625, %dma_start3A_638] : memref<8x128xi32, #tpu.memory_space<vmem>> -> memref<1x128xi32, #tpu.memory_space<vmem>>
        %dma_start3A_640 = tpu.memref_squeeze %dma_start3A_639 : memref<1x128xi32, #tpu.memory_space<vmem>> -> memref<128xi32, #tpu.memory_space<vmem>>
        %dma_start3A_641 = arith.constant 0 : i32
        %dma_start3A_642 = arith.constant 0 : i32
        %dma_start3A_643 = tpu.memref_slice %arg9[%dma_start3A_641, %dma_start3A_642] : memref<10112x16xf32, #tpu.memory_space<vmem_shared>> -> memref<10112x16xf32, #tpu.memory_space<vmem_shared>>
        tpu.enqueue_indirect_dma source(%dma_start3A_633 : memref<128x16xf32, #tpu.memory_space<vmem>>) target(%dma_start3A_643 : memref<10112x16xf32, #tpu.memory_space<vmem_shared>>) offsets(%dma_start3A_640 : memref<128xi32, #tpu.memory_space<vmem>>) semaphore(%run_scoped3A_626 : memref<!tpu.dma_semaphore, #tpu.memory_space<semaphore_mem>>) {add = true}
        %dma_wait3A_644 = arith.constant 0 : i32
        %dma_wait3A_645 = arith.constant 0 : i32
        %dma_wait3A_646 = tpu.memref_slice %arg8[%run_scoped3A_623, %dma_wait3A_644, %dma_wait3A_645] : memref<2x1024x16xf32, #tpu.memory_space<vmem>> -> memref<1x1024x16xf32, #tpu.memory_space<vmem>>
        %dma_wait3A_647 = tpu.memref_squeeze %dma_wait3A_646 : memref<1x1024x16xf32, #tpu.memory_space<vmem>> -> memref<1024x16xf32, #tpu.memory_space<vmem>>
        %dma_wait3A_648 = arith.constant 896 : i32
        %dma_wait3A_649 = arith.constant 0 : i32
        %dma_wait3A_650 = tpu.memref_slice %dma_wait3A_647[%dma_wait3A_648, %dma_wait3A_649] : memref<1024x16xf32, #tpu.memory_space<vmem>> -> memref<128x16xf32, #tpu.memory_space<vmem>>
        %dma_wait3A_651 = arith.constant 0 : i32
        %dma_wait3A_652 = arith.constant 0 : i32
        %dma_wait3A_653 = tpu.memref_slice %arg7[%run_scoped3A_624, %dma_wait3A_651, %dma_wait3A_652] : memref<2x8x128xi32, #tpu.memory_space<vmem>> -> memref<1x8x128xi32, #tpu.memory_space<vmem>>
        %dma_wait3A_654 = tpu.memref_squeeze %dma_wait3A_653 : memref<1x8x128xi32, #tpu.memory_space<vmem>> -> memref<8x128xi32, #tpu.memory_space<vmem>>
        %dma_wait3A_655 = arith.constant 0 : i32
        %dma_wait3A_656 = tpu.memref_slice %dma_wait3A_654[%run_scoped3A_625, %dma_wait3A_655] : memref<8x128xi32, #tpu.memory_space<vmem>> -> memref<1x128xi32, #tpu.memory_space<vmem>>
        %dma_wait3A_657 = tpu.memref_squeeze %dma_wait3A_656 : memref<1x128xi32, #tpu.memory_space<vmem>> -> memref<128xi32, #tpu.memory_space<vmem>>
        %dma_wait3A_658 = arith.constant 0 : i32
        %dma_wait3A_659 = arith.constant 0 : i32
        %dma_wait3A_660 = tpu.memref_slice %arg9[%dma_wait3A_658, %dma_wait3A_659] : memref<10112x16xf32, #tpu.memory_space<vmem_shared>> -> memref<10112x16xf32, #tpu.memory_space<vmem_shared>>
        tpu.wait_indirect_dma semaphore(%run_scoped3A_626 : memref<!tpu.dma_semaphore, #tpu.memory_space<semaphore_mem>>) src(%dma_wait3A_650 : memref<128x16xf32, #tpu.memory_space<vmem>>) dst(%dma_wait3A_660 : memref<10112x16xf32, #tpu.memory_space<vmem_shared>>)
        tpu.yield
      }) : () -> ()
    }
    %scan3A_181 = arith.constant 5 : i32
    %dma_wait3A = arith.constant 0 : i32
    %dma_wait3A_182 = arith.constant 0 : i32
    %dma_wait3A_183 = arith.constant 0 : i32
    %dma_wait3A_184 = tpu.memref_slice %arg8[%dma_wait3A, %dma_wait3A_182, %dma_wait3A_183] : memref<2x1024x16xf32, #tpu.memory_space<vmem>> -> memref<1x1024x16xf32, #tpu.memory_space<vmem>>
    %dma_wait3A_185 = tpu.memref_squeeze %dma_wait3A_184 : memref<1x1024x16xf32, #tpu.memory_space<vmem>> -> memref<1024x16xf32, #tpu.memory_space<vmem>>
    %dma_wait3A_186 = arith.constant 0 : i32
    %dma_wait3A_187 = arith.constant 0 : i32
    %dma_wait3A_188 = tpu.memref_slice %arg4[%dma_wait3A_186, %dma_wait3A_187] : memref<10112x16xf32, #tpu.memory_space<hbm>> -> memref<1024x16xf32, #tpu.memory_space<hbm>>
    %dma_wait3A_189 = arith.constant 0 : i32
    %dma_wait3A_190 = arith.constant 0 : i32
    %dma_wait3A_191 = tpu.memref_slice %arg8[%dma_wait3A, %dma_wait3A_189, %dma_wait3A_190] : memref<2x1024x16xf32, #tpu.memory_space<vmem>> -> memref<1x1024x16xf32, #tpu.memory_space<vmem>>
    %dma_wait3A_192 = tpu.memref_squeeze %dma_wait3A_191 : memref<1x1024x16xf32, #tpu.memory_space<vmem>> -> memref<1024x16xf32, #tpu.memory_space<vmem>>
    %dma_wait3A_193 = arith.constant 0 : i32
    %dma_wait3A_194 = arith.constant 0 : i32
    %dma_wait3A_195 = tpu.memref_slice %arg4[%dma_wait3A_193, %dma_wait3A_194] : memref<10112x16xf32, #tpu.memory_space<hbm>> -> memref<1024x16xf32, #tpu.memory_space<hbm>>
    tpu.wait_dma2 semaphore(%arg11 : memref<!tpu.dma_semaphore, #tpu.memory_space<semaphore_mem>>) src(%dma_wait3A_195 : memref<1024x16xf32, #tpu.memory_space<hbm>>) dst(%dma_wait3A_192 : memref<1024x16xf32, #tpu.memory_space<vmem>>)
    %barrier3A_196 = arith.constant 0 : index
    tpu.barrier barrier_id(%barrier3A_196)
    %mul3A_197 = arith.constant 632 : i32
    %mul3A_198 = arith.muli %arg1, %mul3A_197 : i32
    %mul3A_199 = arith.constant 632 : i32
    %mul3A_200 = arith.muli %arg1, %mul3A_199 : i32
    "tpu.region"() ({
      %run_scoped3A_201 = tpu.sem_alloc : memref<!tpu.dma_semaphore, #tpu.memory_space<semaphore_mem>>
      %dma_start3A_202 = arith.constant 0 : i32
      %dma_start3A_203 = arith.constant 0 : i32
      %dma_start3A_204 = tpu.memref_slice %arg5[%arg0, %dma_start3A_202, %dma_start3A_203] : memref<2x10112x16xf32, #tpu.memory_space<hbm>> -> memref<1x10112x16xf32, #tpu.memory_space<hbm>>
      %dma_start3A_205 = tpu.memref_squeeze %dma_start3A_204 : memref<1x10112x16xf32, #tpu.memory_space<hbm>> -> memref<10112x16xf32, #tpu.memory_space<hbm>>
      %dma_start3A_206 = arith.constant 0 : i32
      %dma_start3A_207 = tpu.memref_slice %dma_start3A_205[%mul3A_200, %dma_start3A_206] : memref<10112x16xf32, #tpu.memory_space<hbm>> -> memref<632x16xf32, #tpu.memory_space<hbm>>
      %dma_start3A_208 = arith.constant 0 : i32
      %dma_start3A_209 = tpu.memref_slice %arg9[%mul3A_198, %dma_start3A_208] : memref<10112x16xf32, #tpu.memory_space<vmem_shared>> -> memref<632x16xf32, #tpu.memory_space<vmem_shared>>
      tpu.enqueue_dma source(%dma_start3A_209 : memref<632x16xf32, #tpu.memory_space<vmem_shared>>) target(%dma_start3A_207 : memref<632x16xf32, #tpu.memory_space<hbm>>) target_semaphore(%run_scoped3A_201 : memref<!tpu.dma_semaphore, #tpu.memory_space<semaphore_mem>>)
      %dma_wait3A_210 = arith.constant 0 : i32
      %dma_wait3A_211 = arith.constant 0 : i32
      %dma_wait3A_212 = tpu.memref_slice %arg5[%arg0, %dma_wait3A_210, %dma_wait3A_211] : memref<2x10112x16xf32, #tpu.memory_space<hbm>> -> memref<1x10112x16xf32, #tpu.memory_space<hbm>>
      %dma_wait3A_213 = tpu.memref_squeeze %dma_wait3A_212 : memref<1x10112x16xf32, #tpu.memory_space<hbm>> -> memref<10112x16xf32, #tpu.memory_space<hbm>>
      %dma_wait3A_214 = arith.constant 0 : i32
      %dma_wait3A_215 = tpu.memref_slice %dma_wait3A_213[%mul3A_200, %dma_wait3A_214] : memref<10112x16xf32, #tpu.memory_space<hbm>> -> memref<632x16xf32, #tpu.memory_space<hbm>>
      %dma_wait3A_216 = arith.constant 0 : i32
      %dma_wait3A_217 = tpu.memref_slice %arg9[%mul3A_198, %dma_wait3A_216] : memref<10112x16xf32, #tpu.memory_space<vmem_shared>> -> memref<632x16xf32, #tpu.memory_space<vmem_shared>>
      tpu.wait_dma2 semaphore(%run_scoped3A_201 : memref<!tpu.dma_semaphore, #tpu.memory_space<semaphore_mem>>) src(%dma_wait3A_217 : memref<632x16xf32, #tpu.memory_space<vmem_shared>>) dst(%dma_wait3A_215 : memref<632x16xf32, #tpu.memory_space<hbm>>)
      tpu.yield
    }) : () -> ()
    return
  }
}

#map = affine_map<(d0, d1) -> (0, 0, 0)>
#map1 = affine_map<(d0, d1) -> (0, 0)>
module attributes {stable_mosaic.version = 14 : i64} {
  func.func @ek(%arg0: i32, %arg1: i32, %arg2: memref<2x2568x128xi32, #tpu.memory_space<hbm>>, %arg3: memref<10112x8xf32, #tpu.memory_space<hbm>>, %arg4: memref<10112x8xf32, #tpu.memory_space<hbm>>, %arg5: memref<2x10112x8xf32, #tpu.memory_space<hbm>>, %arg6: memref<2x8x128xi32, #tpu.memory_space<vmem>>, %arg7: memref<2x8x128xi32, #tpu.memory_space<vmem>>, %arg8: memref<2x1024x8xf32, #tpu.memory_space<vmem>>, %arg9: memref<10112x8xf32, #tpu.memory_space<vmem_shared>>, %arg10: memref<10112x8xf32, #tpu.memory_space<vmem_shared>>, %arg11: memref<!tpu.dma_semaphore, #tpu.memory_space<semaphore_mem>>) attributes {dimension_semantics = [#tpu.dimension_semantics<core_parallel>, #tpu.dimension_semantics<subcore_parallel>], iteration_bounds = array<i64: 2, 16>, scalar_prefetch = 0 : i64, scratch_operands = 6 : i64, tpu.core_type = #tpu.core_type<sc_vector_subcore>, window_params = [{transform_indices = #map}, {transform_indices = #map1}, {transform_indices = #map1}, {transform_indices = #map}]} {
    %mul3A = arith.constant 2 : i32
    %mul3A_0 = arith.muli %arg1, %mul3A : i32
    %add3A = arith.addi %mul3A_0, %arg0 : i32
    %mul3A_1 = arith.constant 80 : i32
    %mul3A_2 = arith.muli %add3A, %mul3A_1 : i32
    %mul3A_3 = arith.constant 632 : i32
    %mul3A_4 = arith.muli %arg1, %mul3A_3 : i32
    %mul3A_5 = arith.constant 632 : i32
    %mul3A_6 = arith.muli %arg1, %mul3A_5 : i32
    "tpu.region"() ({
      %run_scoped3A_201 = tpu.sem_alloc : memref<!tpu.dma_semaphore, #tpu.memory_space<semaphore_mem>>
      %dma_start3A_202 = arith.constant 0 : i32
      %dma_start3A_203 = tpu.memref_slice %arg10[%mul3A_6, %dma_start3A_202] : memref<10112x8xf32, #tpu.memory_space<vmem_shared>> -> memref<632x8xf32, #tpu.memory_space<vmem_shared>>
      %dma_start3A_204 = arith.constant 0 : i32
      %dma_start3A_205 = tpu.memref_slice %arg3[%mul3A_4, %dma_start3A_204] : memref<10112x8xf32, #tpu.memory_space<hbm>> -> memref<632x8xf32, #tpu.memory_space<hbm>>
      tpu.enqueue_dma source(%dma_start3A_205 : memref<632x8xf32, #tpu.memory_space<hbm>>) target(%dma_start3A_203 : memref<632x8xf32, #tpu.memory_space<vmem_shared>>) target_semaphore(%run_scoped3A_201 : memref<!tpu.dma_semaphore, #tpu.memory_space<semaphore_mem>>)
      %dma_wait3A_206 = arith.constant 0 : i32
      %dma_wait3A_207 = tpu.memref_slice %arg10[%mul3A_6, %dma_wait3A_206] : memref<10112x8xf32, #tpu.memory_space<vmem_shared>> -> memref<632x8xf32, #tpu.memory_space<vmem_shared>>
      %dma_wait3A_208 = arith.constant 0 : i32
      %dma_wait3A_209 = tpu.memref_slice %arg3[%mul3A_4, %dma_wait3A_208] : memref<10112x8xf32, #tpu.memory_space<hbm>> -> memref<632x8xf32, #tpu.memory_space<hbm>>
      tpu.wait_dma2 semaphore(%run_scoped3A_201 : memref<!tpu.dma_semaphore, #tpu.memory_space<semaphore_mem>>) src(%dma_wait3A_209 : memref<632x8xf32, #tpu.memory_space<hbm>>) dst(%dma_wait3A_207 : memref<632x8xf32, #tpu.memory_space<vmem_shared>>)
      tpu.yield
    }) : () -> ()
    %mul3A_7 = arith.constant 632 : i32
    %mul3A_8 = arith.muli %arg1, %mul3A_7 : i32
    %mul3A_9 = arith.constant 632 : i32
    %mul3A_10 = arith.muli %arg1, %mul3A_9 : i32
    "tpu.region"() ({
      %run_scoped3A_201 = tpu.sem_alloc : memref<!tpu.dma_semaphore, #tpu.memory_space<semaphore_mem>>
      %dma_start3A_202 = arith.constant 0 : i32
      %dma_start3A_203 = tpu.memref_slice %arg9[%mul3A_10, %dma_start3A_202] : memref<10112x8xf32, #tpu.memory_space<vmem_shared>> -> memref<632x8xf32, #tpu.memory_space<vmem_shared>>
      %dma_start3A_204 = arith.constant 0 : i32
      %dma_start3A_205 = tpu.memref_slice %arg4[%mul3A_8, %dma_start3A_204] : memref<10112x8xf32, #tpu.memory_space<hbm>> -> memref<632x8xf32, #tpu.memory_space<hbm>>
      tpu.enqueue_dma source(%dma_start3A_205 : memref<632x8xf32, #tpu.memory_space<hbm>>) target(%dma_start3A_203 : memref<632x8xf32, #tpu.memory_space<vmem_shared>>) target_semaphore(%run_scoped3A_201 : memref<!tpu.dma_semaphore, #tpu.memory_space<semaphore_mem>>)
      %dma_wait3A_206 = arith.constant 0 : i32
      %dma_wait3A_207 = tpu.memref_slice %arg9[%mul3A_10, %dma_wait3A_206] : memref<10112x8xf32, #tpu.memory_space<vmem_shared>> -> memref<632x8xf32, #tpu.memory_space<vmem_shared>>
      %dma_wait3A_208 = arith.constant 0 : i32
      %dma_wait3A_209 = tpu.memref_slice %arg4[%mul3A_8, %dma_wait3A_208] : memref<10112x8xf32, #tpu.memory_space<hbm>> -> memref<632x8xf32, #tpu.memory_space<hbm>>
      tpu.wait_dma2 semaphore(%run_scoped3A_201 : memref<!tpu.dma_semaphore, #tpu.memory_space<semaphore_mem>>) src(%dma_wait3A_209 : memref<632x8xf32, #tpu.memory_space<hbm>>) dst(%dma_wait3A_207 : memref<632x8xf32, #tpu.memory_space<vmem_shared>>)
      tpu.yield
    }) : () -> ()
    %barrier3A = arith.constant 0 : index
    tpu.barrier barrier_id(%barrier3A)
    %add3A_11 = arith.constant 0 : i32
    %add3A_12 = arith.addi %mul3A_2, %add3A_11 : i32
    %run_scoped3A = arith.constant 0 : i32
    %run_scoped3A_13 = arith.constant 0 : i32
    "tpu.region"() ({
      %run_scoped3A_201 = tpu.sem_alloc : memref<!tpu.dma_semaphore, #tpu.memory_space<semaphore_mem>>
      %dma_start3A_202 = arith.constant 0 : i32
      %dma_start3A_203 = arith.constant 0 : i32
      %dma_start3A_204 = tpu.memref_slice %arg6[%run_scoped3A_13, %dma_start3A_202, %dma_start3A_203] : memref<2x8x128xi32, #tpu.memory_space<vmem>> -> memref<1x8x128xi32, #tpu.memory_space<vmem>>
      %dma_start3A_205 = tpu.memref_squeeze %dma_start3A_204 : memref<1x8x128xi32, #tpu.memory_space<vmem>> -> memref<8x128xi32, #tpu.memory_space<vmem>>
      %dma_start3A_206 = arith.constant 0 : i32
      %dma_start3A_207 = arith.constant 0 : i32
      %dma_start3A_208 = tpu.memref_slice %arg2[%run_scoped3A, %dma_start3A_206, %dma_start3A_207] : memref<2x2568x128xi32, #tpu.memory_space<hbm>> -> memref<1x2568x128xi32, #tpu.memory_space<hbm>>
      %dma_start3A_209 = tpu.memref_squeeze %dma_start3A_208 : memref<1x2568x128xi32, #tpu.memory_space<hbm>> -> memref<2568x128xi32, #tpu.memory_space<hbm>>
      %dma_start3A_210 = arith.constant 0 : i32
      %dma_start3A_211 = tpu.memref_slice %dma_start3A_209[%add3A_12, %dma_start3A_210] : memref<2568x128xi32, #tpu.memory_space<hbm>> -> memref<8x128xi32, #tpu.memory_space<hbm>>
      %dma_start3A_212 = arith.constant 0 : i32
      %dma_start3A_213 = arith.constant 0 : i32
      %dma_start3A_214 = tpu.memref_slice %arg6[%run_scoped3A_13, %dma_start3A_212, %dma_start3A_213] : memref<2x8x128xi32, #tpu.memory_space<vmem>> -> memref<1x8x128xi32, #tpu.memory_space<vmem>>
      %dma_start3A_215 = tpu.memref_squeeze %dma_start3A_214 : memref<1x8x128xi32, #tpu.memory_space<vmem>> -> memref<8x128xi32, #tpu.memory_space<vmem>>
      %dma_start3A_216 = arith.constant 0 : i32
      %dma_start3A_217 = arith.constant 0 : i32
      %dma_start3A_218 = tpu.memref_slice %arg2[%run_scoped3A, %dma_start3A_216, %dma_start3A_217] : memref<2x2568x128xi32, #tpu.memory_space<hbm>> -> memref<1x2568x128xi32, #tpu.memory_space<hbm>>
      %dma_start3A_219 = tpu.memref_squeeze %dma_start3A_218 : memref<1x2568x128xi32, #tpu.memory_space<hbm>> -> memref<2568x128xi32, #tpu.memory_space<hbm>>
      %dma_start3A_220 = arith.constant 0 : i32
      %dma_start3A_221 = tpu.memref_slice %dma_start3A_219[%add3A_12, %dma_start3A_220] : memref<2568x128xi32, #tpu.memory_space<hbm>> -> memref<8x128xi32, #tpu.memory_space<hbm>>
      tpu.enqueue_dma source(%dma_start3A_221 : memref<8x128xi32, #tpu.memory_space<hbm>>) target(%dma_start3A_215 : memref<8x128xi32, #tpu.memory_space<vmem>>) target_semaphore(%run_scoped3A_201 : memref<!tpu.dma_semaphore, #tpu.memory_space<semaphore_mem>>)
      %dma_wait3A_222 = arith.constant 0 : i32
      %dma_wait3A_223 = arith.constant 0 : i32
      %dma_wait3A_224 = tpu.memref_slice %arg6[%run_scoped3A_13, %dma_wait3A_222, %dma_wait3A_223] : memref<2x8x128xi32, #tpu.memory_space<vmem>> -> memref<1x8x128xi32, #tpu.memory_space<vmem>>
      %dma_wait3A_225 = tpu.memref_squeeze %dma_wait3A_224 : memref<1x8x128xi32, #tpu.memory_space<vmem>> -> memref<8x128xi32, #tpu.memory_space<vmem>>
      %dma_wait3A_226 = arith.constant 0 : i32
      %dma_wait3A_227 = arith.constant 0 : i32
      %dma_wait3A_228 = tpu.memref_slice %arg2[%run_scoped3A, %dma_wait3A_226, %dma_wait3A_227] : memref<2x2568x128xi32, #tpu.memory_space<hbm>> -> memref<1x2568x128xi32, #tpu.memory_space<hbm>>
      %dma_wait3A_229 = tpu.memref_squeeze %dma_wait3A_228 : memref<1x2568x128xi32, #tpu.memory_space<hbm>> -> memref<2568x128xi32, #tpu.memory_space<hbm>>
      %dma_wait3A_230 = arith.constant 0 : i32
      %dma_wait3A_231 = tpu.memref_slice %dma_wait3A_229[%add3A_12, %dma_wait3A_230] : memref<2568x128xi32, #tpu.memory_space<hbm>> -> memref<8x128xi32, #tpu.memory_space<hbm>>
      %dma_wait3A_232 = arith.constant 0 : i32
      %dma_wait3A_233 = arith.constant 0 : i32
      %dma_wait3A_234 = tpu.memref_slice %arg6[%run_scoped3A_13, %dma_wait3A_232, %dma_wait3A_233] : memref<2x8x128xi32, #tpu.memory_space<vmem>> -> memref<1x8x128xi32, #tpu.memory_space<vmem>>
      %dma_wait3A_235 = tpu.memref_squeeze %dma_wait3A_234 : memref<1x8x128xi32, #tpu.memory_space<vmem>> -> memref<8x128xi32, #tpu.memory_space<vmem>>
      %dma_wait3A_236 = arith.constant 0 : i32
      %dma_wait3A_237 = arith.constant 0 : i32
      %dma_wait3A_238 = tpu.memref_slice %arg2[%run_scoped3A, %dma_wait3A_236, %dma_wait3A_237] : memref<2x2568x128xi32, #tpu.memory_space<hbm>> -> memref<1x2568x128xi32, #tpu.memory_space<hbm>>
      %dma_wait3A_239 = tpu.memref_squeeze %dma_wait3A_238 : memref<1x2568x128xi32, #tpu.memory_space<hbm>> -> memref<2568x128xi32, #tpu.memory_space<hbm>>
      %dma_wait3A_240 = arith.constant 0 : i32
      %dma_wait3A_241 = tpu.memref_slice %dma_wait3A_239[%add3A_12, %dma_wait3A_240] : memref<2568x128xi32, #tpu.memory_space<hbm>> -> memref<8x128xi32, #tpu.memory_space<hbm>>
      tpu.wait_dma2 semaphore(%run_scoped3A_201 : memref<!tpu.dma_semaphore, #tpu.memory_space<semaphore_mem>>) src(%dma_wait3A_241 : memref<8x128xi32, #tpu.memory_space<hbm>>) dst(%dma_wait3A_235 : memref<8x128xi32, #tpu.memory_space<vmem>>)
      tpu.yield
    }) : () -> ()
    %add3A_14 = arith.constant 0 : i32
    %add3A_15 = arith.addi %mul3A_2, %add3A_14 : i32
    %run_scoped3A_16 = arith.constant 1 : i32
    %run_scoped3A_17 = arith.constant 0 : i32
    "tpu.region"() ({
      %run_scoped3A_201 = tpu.sem_alloc : memref<!tpu.dma_semaphore, #tpu.memory_space<semaphore_mem>>
      %dma_start3A_202 = arith.constant 0 : i32
      %dma_start3A_203 = arith.constant 0 : i32
      %dma_start3A_204 = tpu.memref_slice %arg7[%run_scoped3A_17, %dma_start3A_202, %dma_start3A_203] : memref<2x8x128xi32, #tpu.memory_space<vmem>> -> memref<1x8x128xi32, #tpu.memory_space<vmem>>
      %dma_start3A_205 = tpu.memref_squeeze %dma_start3A_204 : memref<1x8x128xi32, #tpu.memory_space<vmem>> -> memref<8x128xi32, #tpu.memory_space<vmem>>
      %dma_start3A_206 = arith.constant 0 : i32
      %dma_start3A_207 = arith.constant 0 : i32
      %dma_start3A_208 = tpu.memref_slice %arg2[%run_scoped3A_16, %dma_start3A_206, %dma_start3A_207] : memref<2x2568x128xi32, #tpu.memory_space<hbm>> -> memref<1x2568x128xi32, #tpu.memory_space<hbm>>
      %dma_start3A_209 = tpu.memref_squeeze %dma_start3A_208 : memref<1x2568x128xi32, #tpu.memory_space<hbm>> -> memref<2568x128xi32, #tpu.memory_space<hbm>>
      %dma_start3A_210 = arith.constant 0 : i32
      %dma_start3A_211 = tpu.memref_slice %dma_start3A_209[%add3A_15, %dma_start3A_210] : memref<2568x128xi32, #tpu.memory_space<hbm>> -> memref<8x128xi32, #tpu.memory_space<hbm>>
      %dma_start3A_212 = arith.constant 0 : i32
      %dma_start3A_213 = arith.constant 0 : i32
      %dma_start3A_214 = tpu.memref_slice %arg7[%run_scoped3A_17, %dma_start3A_212, %dma_start3A_213] : memref<2x8x128xi32, #tpu.memory_space<vmem>> -> memref<1x8x128xi32, #tpu.memory_space<vmem>>
      %dma_start3A_215 = tpu.memref_squeeze %dma_start3A_214 : memref<1x8x128xi32, #tpu.memory_space<vmem>> -> memref<8x128xi32, #tpu.memory_space<vmem>>
      %dma_start3A_216 = arith.constant 0 : i32
      %dma_start3A_217 = arith.constant 0 : i32
      %dma_start3A_218 = tpu.memref_slice %arg2[%run_scoped3A_16, %dma_start3A_216, %dma_start3A_217] : memref<2x2568x128xi32, #tpu.memory_space<hbm>> -> memref<1x2568x128xi32, #tpu.memory_space<hbm>>
      %dma_start3A_219 = tpu.memref_squeeze %dma_start3A_218 : memref<1x2568x128xi32, #tpu.memory_space<hbm>> -> memref<2568x128xi32, #tpu.memory_space<hbm>>
      %dma_start3A_220 = arith.constant 0 : i32
      %dma_start3A_221 = tpu.memref_slice %dma_start3A_219[%add3A_15, %dma_start3A_220] : memref<2568x128xi32, #tpu.memory_space<hbm>> -> memref<8x128xi32, #tpu.memory_space<hbm>>
      tpu.enqueue_dma source(%dma_start3A_221 : memref<8x128xi32, #tpu.memory_space<hbm>>) target(%dma_start3A_215 : memref<8x128xi32, #tpu.memory_space<vmem>>) target_semaphore(%run_scoped3A_201 : memref<!tpu.dma_semaphore, #tpu.memory_space<semaphore_mem>>)
      %dma_wait3A_222 = arith.constant 0 : i32
      %dma_wait3A_223 = arith.constant 0 : i32
      %dma_wait3A_224 = tpu.memref_slice %arg7[%run_scoped3A_17, %dma_wait3A_222, %dma_wait3A_223] : memref<2x8x128xi32, #tpu.memory_space<vmem>> -> memref<1x8x128xi32, #tpu.memory_space<vmem>>
      %dma_wait3A_225 = tpu.memref_squeeze %dma_wait3A_224 : memref<1x8x128xi32, #tpu.memory_space<vmem>> -> memref<8x128xi32, #tpu.memory_space<vmem>>
      %dma_wait3A_226 = arith.constant 0 : i32
      %dma_wait3A_227 = arith.constant 0 : i32
      %dma_wait3A_228 = tpu.memref_slice %arg2[%run_scoped3A_16, %dma_wait3A_226, %dma_wait3A_227] : memref<2x2568x128xi32, #tpu.memory_space<hbm>> -> memref<1x2568x128xi32, #tpu.memory_space<hbm>>
      %dma_wait3A_229 = tpu.memref_squeeze %dma_wait3A_228 : memref<1x2568x128xi32, #tpu.memory_space<hbm>> -> memref<2568x128xi32, #tpu.memory_space<hbm>>
      %dma_wait3A_230 = arith.constant 0 : i32
      %dma_wait3A_231 = tpu.memref_slice %dma_wait3A_229[%add3A_15, %dma_wait3A_230] : memref<2568x128xi32, #tpu.memory_space<hbm>> -> memref<8x128xi32, #tpu.memory_space<hbm>>
      %dma_wait3A_232 = arith.constant 0 : i32
      %dma_wait3A_233 = arith.constant 0 : i32
      %dma_wait3A_234 = tpu.memref_slice %arg7[%run_scoped3A_17, %dma_wait3A_232, %dma_wait3A_233] : memref<2x8x128xi32, #tpu.memory_space<vmem>> -> memref<1x8x128xi32, #tpu.memory_space<vmem>>
      %dma_wait3A_235 = tpu.memref_squeeze %dma_wait3A_234 : memref<1x8x128xi32, #tpu.memory_space<vmem>> -> memref<8x128xi32, #tpu.memory_space<vmem>>
      %dma_wait3A_236 = arith.constant 0 : i32
      %dma_wait3A_237 = arith.constant 0 : i32
      %dma_wait3A_238 = tpu.memref_slice %arg2[%run_scoped3A_16, %dma_wait3A_236, %dma_wait3A_237] : memref<2x2568x128xi32, #tpu.memory_space<hbm>> -> memref<1x2568x128xi32, #tpu.memory_space<hbm>>
      %dma_wait3A_239 = tpu.memref_squeeze %dma_wait3A_238 : memref<1x2568x128xi32, #tpu.memory_space<hbm>> -> memref<2568x128xi32, #tpu.memory_space<hbm>>
      %dma_wait3A_240 = arith.constant 0 : i32
      %dma_wait3A_241 = tpu.memref_slice %dma_wait3A_239[%add3A_15, %dma_wait3A_240] : memref<2568x128xi32, #tpu.memory_space<hbm>> -> memref<8x128xi32, #tpu.memory_space<hbm>>
      tpu.wait_dma2 semaphore(%run_scoped3A_201 : memref<!tpu.dma_semaphore, #tpu.memory_space<semaphore_mem>>) src(%dma_wait3A_241 : memref<8x128xi32, #tpu.memory_space<hbm>>) dst(%dma_wait3A_235 : memref<8x128xi32, #tpu.memory_space<vmem>>)
      tpu.yield
    }) : () -> ()
    %dma_start3A = arith.constant 0 : i32
    %dma_start3A_18 = arith.constant 0 : i32
    %dma_start3A_19 = arith.constant 0 : i32
    %dma_start3A_20 = arith.constant 0 : i32
    %dma_start3A_21 = arith.constant 0 : i32
    %dma_start3A_22 = tpu.memref_slice %arg8[%dma_start3A_19, %dma_start3A_20, %dma_start3A_21] : memref<2x1024x8xf32, #tpu.memory_space<vmem>> -> memref<1x1024x8xf32, #tpu.memory_space<vmem>>
    %dma_start3A_23 = tpu.memref_squeeze %dma_start3A_22 : memref<1x1024x8xf32, #tpu.memory_space<vmem>> -> memref<1024x8xf32, #tpu.memory_space<vmem>>
    %dma_start3A_24 = arith.constant 0 : i32
    %dma_start3A_25 = arith.constant 0 : i32
    %dma_start3A_26 = tpu.memref_slice %dma_start3A_23[%dma_start3A_24, %dma_start3A_25] : memref<1024x8xf32, #tpu.memory_space<vmem>> -> memref<128x8xf32, #tpu.memory_space<vmem>>
    %dma_start3A_27 = arith.constant 0 : i32
    %dma_start3A_28 = arith.constant 0 : i32
    %dma_start3A_29 = tpu.memref_slice %arg6[%dma_start3A, %dma_start3A_27, %dma_start3A_28] : memref<2x8x128xi32, #tpu.memory_space<vmem>> -> memref<1x8x128xi32, #tpu.memory_space<vmem>>
    %dma_start3A_30 = tpu.memref_squeeze %dma_start3A_29 : memref<1x8x128xi32, #tpu.memory_space<vmem>> -> memref<8x128xi32, #tpu.memory_space<vmem>>
    %dma_start3A_31 = arith.constant 0 : i32
    %dma_start3A_32 = tpu.memref_slice %dma_start3A_30[%dma_start3A_18, %dma_start3A_31] : memref<8x128xi32, #tpu.memory_space<vmem>> -> memref<1x128xi32, #tpu.memory_space<vmem>>
    %dma_start3A_33 = tpu.memref_squeeze %dma_start3A_32 : memref<1x128xi32, #tpu.memory_space<vmem>> -> memref<128xi32, #tpu.memory_space<vmem>>
    %dma_start3A_34 = arith.constant 0 : i32
    %dma_start3A_35 = arith.constant 0 : i32
    %dma_start3A_36 = tpu.memref_slice %arg10[%dma_start3A_34, %dma_start3A_35] : memref<10112x8xf32, #tpu.memory_space<vmem_shared>> -> memref<10112x8xf32, #tpu.memory_space<vmem_shared>>
    tpu.enqueue_indirect_dma source(%dma_start3A_36 : memref<10112x8xf32, #tpu.memory_space<vmem_shared>>) target(%dma_start3A_26 : memref<128x8xf32, #tpu.memory_space<vmem>>) offsets(%dma_start3A_33 : memref<128xi32, #tpu.memory_space<vmem>>) semaphore(%arg11 : memref<!tpu.dma_semaphore, #tpu.memory_space<semaphore_mem>>)
    %dma_start3A_37 = arith.constant 0 : i32
    %dma_start3A_38 = arith.constant 1 : i32
    %dma_start3A_39 = arith.constant 0 : i32
    %dma_start3A_40 = arith.constant 0 : i32
    %dma_start3A_41 = arith.constant 0 : i32
    %dma_start3A_42 = tpu.memref_slice %arg8[%dma_start3A_39, %dma_start3A_40, %dma_start3A_41] : memref<2x1024x8xf32, #tpu.memory_space<vmem>> -> memref<1x1024x8xf32, #tpu.memory_space<vmem>>
    %dma_start3A_43 = tpu.memref_squeeze %dma_start3A_42 : memref<1x1024x8xf32, #tpu.memory_space<vmem>> -> memref<1024x8xf32, #tpu.memory_space<vmem>>
    %dma_start3A_44 = arith.constant 128 : i32
    %dma_start3A_45 = arith.constant 0 : i32
    %dma_start3A_46 = tpu.memref_slice %dma_start3A_43[%dma_start3A_44, %dma_start3A_45] : memref<1024x8xf32, #tpu.memory_space<vmem>> -> memref<128x8xf32, #tpu.memory_space<vmem>>
    %dma_start3A_47 = arith.constant 0 : i32
    %dma_start3A_48 = arith.constant 0 : i32
    %dma_start3A_49 = tpu.memref_slice %arg6[%dma_start3A_37, %dma_start3A_47, %dma_start3A_48] : memref<2x8x128xi32, #tpu.memory_space<vmem>> -> memref<1x8x128xi32, #tpu.memory_space<vmem>>
    %dma_start3A_50 = tpu.memref_squeeze %dma_start3A_49 : memref<1x8x128xi32, #tpu.memory_space<vmem>> -> memref<8x128xi32, #tpu.memory_space<vmem>>
    %dma_start3A_51 = arith.constant 0 : i32
    %dma_start3A_52 = tpu.memref_slice %dma_start3A_50[%dma_start3A_38, %dma_start3A_51] : memref<8x128xi32, #tpu.memory_space<vmem>> -> memref<1x128xi32, #tpu.memory_space<vmem>>
    %dma_start3A_53 = tpu.memref_squeeze %dma_start3A_52 : memref<1x128xi32, #tpu.memory_space<vmem>> -> memref<128xi32, #tpu.memory_space<vmem>>
    %dma_start3A_54 = arith.constant 0 : i32
    %dma_start3A_55 = arith.constant 0 : i32
    %dma_start3A_56 = tpu.memref_slice %arg10[%dma_start3A_54, %dma_start3A_55] : memref<10112x8xf32, #tpu.memory_space<vmem_shared>> -> memref<10112x8xf32, #tpu.memory_space<vmem_shared>>
    tpu.enqueue_indirect_dma source(%dma_start3A_56 : memref<10112x8xf32, #tpu.memory_space<vmem_shared>>) target(%dma_start3A_46 : memref<128x8xf32, #tpu.memory_space<vmem>>) offsets(%dma_start3A_53 : memref<128xi32, #tpu.memory_space<vmem>>) semaphore(%arg11 : memref<!tpu.dma_semaphore, #tpu.memory_space<semaphore_mem>>)
    %dma_start3A_57 = arith.constant 0 : i32
    %dma_start3A_58 = arith.constant 2 : i32
    %dma_start3A_59 = arith.constant 0 : i32
    %dma_start3A_60 = arith.constant 0 : i32
    %dma_start3A_61 = arith.constant 0 : i32
    %dma_start3A_62 = tpu.memref_slice %arg8[%dma_start3A_59, %dma_start3A_60, %dma_start3A_61] : memref<2x1024x8xf32, #tpu.memory_space<vmem>> -> memref<1x1024x8xf32, #tpu.memory_space<vmem>>
    %dma_start3A_63 = tpu.memref_squeeze %dma_start3A_62 : memref<1x1024x8xf32, #tpu.memory_space<vmem>> -> memref<1024x8xf32, #tpu.memory_space<vmem>>
    %dma_start3A_64 = arith.constant 256 : i32
    %dma_start3A_65 = arith.constant 0 : i32
    %dma_start3A_66 = tpu.memref_slice %dma_start3A_63[%dma_start3A_64, %dma_start3A_65] : memref<1024x8xf32, #tpu.memory_space<vmem>> -> memref<128x8xf32, #tpu.memory_space<vmem>>
    %dma_start3A_67 = arith.constant 0 : i32
    %dma_start3A_68 = arith.constant 0 : i32
    %dma_start3A_69 = tpu.memref_slice %arg6[%dma_start3A_57, %dma_start3A_67, %dma_start3A_68] : memref<2x8x128xi32, #tpu.memory_space<vmem>> -> memref<1x8x128xi32, #tpu.memory_space<vmem>>
    %dma_start3A_70 = tpu.memref_squeeze %dma_start3A_69 : memref<1x8x128xi32, #tpu.memory_space<vmem>> -> memref<8x128xi32, #tpu.memory_space<vmem>>
    %dma_start3A_71 = arith.constant 0 : i32
    %dma_start3A_72 = tpu.memref_slice %dma_start3A_70[%dma_start3A_58, %dma_start3A_71] : memref<8x128xi32, #tpu.memory_space<vmem>> -> memref<1x128xi32, #tpu.memory_space<vmem>>
    %dma_start3A_73 = tpu.memref_squeeze %dma_start3A_72 : memref<1x128xi32, #tpu.memory_space<vmem>> -> memref<128xi32, #tpu.memory_space<vmem>>
    %dma_start3A_74 = arith.constant 0 : i32
    %dma_start3A_75 = arith.constant 0 : i32
    %dma_start3A_76 = tpu.memref_slice %arg10[%dma_start3A_74, %dma_start3A_75] : memref<10112x8xf32, #tpu.memory_space<vmem_shared>> -> memref<10112x8xf32, #tpu.memory_space<vmem_shared>>
    tpu.enqueue_indirect_dma source(%dma_start3A_76 : memref<10112x8xf32, #tpu.memory_space<vmem_shared>>) target(%dma_start3A_66 : memref<128x8xf32, #tpu.memory_space<vmem>>) offsets(%dma_start3A_73 : memref<128xi32, #tpu.memory_space<vmem>>) semaphore(%arg11 : memref<!tpu.dma_semaphore, #tpu.memory_space<semaphore_mem>>)
    %dma_start3A_77 = arith.constant 0 : i32
    %dma_start3A_78 = arith.constant 3 : i32
    %dma_start3A_79 = arith.constant 0 : i32
    %dma_start3A_80 = arith.constant 0 : i32
    %dma_start3A_81 = arith.constant 0 : i32
    %dma_start3A_82 = tpu.memref_slice %arg8[%dma_start3A_79, %dma_start3A_80, %dma_start3A_81] : memref<2x1024x8xf32, #tpu.memory_space<vmem>> -> memref<1x1024x8xf32, #tpu.memory_space<vmem>>
    %dma_start3A_83 = tpu.memref_squeeze %dma_start3A_82 : memref<1x1024x8xf32, #tpu.memory_space<vmem>> -> memref<1024x8xf32, #tpu.memory_space<vmem>>
    %dma_start3A_84 = arith.constant 384 : i32
    %dma_start3A_85 = arith.constant 0 : i32
    %dma_start3A_86 = tpu.memref_slice %dma_start3A_83[%dma_start3A_84, %dma_start3A_85] : memref<1024x8xf32, #tpu.memory_space<vmem>> -> memref<128x8xf32, #tpu.memory_space<vmem>>
    %dma_start3A_87 = arith.constant 0 : i32
    %dma_start3A_88 = arith.constant 0 : i32
    %dma_start3A_89 = tpu.memref_slice %arg6[%dma_start3A_77, %dma_start3A_87, %dma_start3A_88] : memref<2x8x128xi32, #tpu.memory_space<vmem>> -> memref<1x8x128xi32, #tpu.memory_space<vmem>>
    %dma_start3A_90 = tpu.memref_squeeze %dma_start3A_89 : memref<1x8x128xi32, #tpu.memory_space<vmem>> -> memref<8x128xi32, #tpu.memory_space<vmem>>
    %dma_start3A_91 = arith.constant 0 : i32
    %dma_start3A_92 = tpu.memref_slice %dma_start3A_90[%dma_start3A_78, %dma_start3A_91] : memref<8x128xi32, #tpu.memory_space<vmem>> -> memref<1x128xi32, #tpu.memory_space<vmem>>
    %dma_start3A_93 = tpu.memref_squeeze %dma_start3A_92 : memref<1x128xi32, #tpu.memory_space<vmem>> -> memref<128xi32, #tpu.memory_space<vmem>>
    %dma_start3A_94 = arith.constant 0 : i32
    %dma_start3A_95 = arith.constant 0 : i32
    %dma_start3A_96 = tpu.memref_slice %arg10[%dma_start3A_94, %dma_start3A_95] : memref<10112x8xf32, #tpu.memory_space<vmem_shared>> -> memref<10112x8xf32, #tpu.memory_space<vmem_shared>>
    tpu.enqueue_indirect_dma source(%dma_start3A_96 : memref<10112x8xf32, #tpu.memory_space<vmem_shared>>) target(%dma_start3A_86 : memref<128x8xf32, #tpu.memory_space<vmem>>) offsets(%dma_start3A_93 : memref<128xi32, #tpu.memory_space<vmem>>) semaphore(%arg11 : memref<!tpu.dma_semaphore, #tpu.memory_space<semaphore_mem>>)
    %dma_start3A_97 = arith.constant 0 : i32
    %dma_start3A_98 = arith.constant 4 : i32
    %dma_start3A_99 = arith.constant 0 : i32
    %dma_start3A_100 = arith.constant 0 : i32
    %dma_start3A_101 = arith.constant 0 : i32
    %dma_start3A_102 = tpu.memref_slice %arg8[%dma_start3A_99, %dma_start3A_100, %dma_start3A_101] : memref<2x1024x8xf32, #tpu.memory_space<vmem>> -> memref<1x1024x8xf32, #tpu.memory_space<vmem>>
    %dma_start3A_103 = tpu.memref_squeeze %dma_start3A_102 : memref<1x1024x8xf32, #tpu.memory_space<vmem>> -> memref<1024x8xf32, #tpu.memory_space<vmem>>
    %dma_start3A_104 = arith.constant 512 : i32
    %dma_start3A_105 = arith.constant 0 : i32
    %dma_start3A_106 = tpu.memref_slice %dma_start3A_103[%dma_start3A_104, %dma_start3A_105] : memref<1024x8xf32, #tpu.memory_space<vmem>> -> memref<128x8xf32, #tpu.memory_space<vmem>>
    %dma_start3A_107 = arith.constant 0 : i32
    %dma_start3A_108 = arith.constant 0 : i32
    %dma_start3A_109 = tpu.memref_slice %arg6[%dma_start3A_97, %dma_start3A_107, %dma_start3A_108] : memref<2x8x128xi32, #tpu.memory_space<vmem>> -> memref<1x8x128xi32, #tpu.memory_space<vmem>>
    %dma_start3A_110 = tpu.memref_squeeze %dma_start3A_109 : memref<1x8x128xi32, #tpu.memory_space<vmem>> -> memref<8x128xi32, #tpu.memory_space<vmem>>
    %dma_start3A_111 = arith.constant 0 : i32
    %dma_start3A_112 = tpu.memref_slice %dma_start3A_110[%dma_start3A_98, %dma_start3A_111] : memref<8x128xi32, #tpu.memory_space<vmem>> -> memref<1x128xi32, #tpu.memory_space<vmem>>
    %dma_start3A_113 = tpu.memref_squeeze %dma_start3A_112 : memref<1x128xi32, #tpu.memory_space<vmem>> -> memref<128xi32, #tpu.memory_space<vmem>>
    %dma_start3A_114 = arith.constant 0 : i32
    %dma_start3A_115 = arith.constant 0 : i32
    %dma_start3A_116 = tpu.memref_slice %arg10[%dma_start3A_114, %dma_start3A_115] : memref<10112x8xf32, #tpu.memory_space<vmem_shared>> -> memref<10112x8xf32, #tpu.memory_space<vmem_shared>>
    tpu.enqueue_indirect_dma source(%dma_start3A_116 : memref<10112x8xf32, #tpu.memory_space<vmem_shared>>) target(%dma_start3A_106 : memref<128x8xf32, #tpu.memory_space<vmem>>) offsets(%dma_start3A_113 : memref<128xi32, #tpu.memory_space<vmem>>) semaphore(%arg11 : memref<!tpu.dma_semaphore, #tpu.memory_space<semaphore_mem>>)
    %dma_start3A_117 = arith.constant 0 : i32
    %dma_start3A_118 = arith.constant 5 : i32
    %dma_start3A_119 = arith.constant 0 : i32
    %dma_start3A_120 = arith.constant 0 : i32
    %dma_start3A_121 = arith.constant 0 : i32
    %dma_start3A_122 = tpu.memref_slice %arg8[%dma_start3A_119, %dma_start3A_120, %dma_start3A_121] : memref<2x1024x8xf32, #tpu.memory_space<vmem>> -> memref<1x1024x8xf32, #tpu.memory_space<vmem>>
    %dma_start3A_123 = tpu.memref_squeeze %dma_start3A_122 : memref<1x1024x8xf32, #tpu.memory_space<vmem>> -> memref<1024x8xf32, #tpu.memory_space<vmem>>
    %dma_start3A_124 = arith.constant 640 : i32
    %dma_start3A_125 = arith.constant 0 : i32
    %dma_start3A_126 = tpu.memref_slice %dma_start3A_123[%dma_start3A_124, %dma_start3A_125] : memref<1024x8xf32, #tpu.memory_space<vmem>> -> memref<128x8xf32, #tpu.memory_space<vmem>>
    %dma_start3A_127 = arith.constant 0 : i32
    %dma_start3A_128 = arith.constant 0 : i32
    %dma_start3A_129 = tpu.memref_slice %arg6[%dma_start3A_117, %dma_start3A_127, %dma_start3A_128] : memref<2x8x128xi32, #tpu.memory_space<vmem>> -> memref<1x8x128xi32, #tpu.memory_space<vmem>>
    %dma_start3A_130 = tpu.memref_squeeze %dma_start3A_129 : memref<1x8x128xi32, #tpu.memory_space<vmem>> -> memref<8x128xi32, #tpu.memory_space<vmem>>
    %dma_start3A_131 = arith.constant 0 : i32
    %dma_start3A_132 = tpu.memref_slice %dma_start3A_130[%dma_start3A_118, %dma_start3A_131] : memref<8x128xi32, #tpu.memory_space<vmem>> -> memref<1x128xi32, #tpu.memory_space<vmem>>
    %dma_start3A_133 = tpu.memref_squeeze %dma_start3A_132 : memref<1x128xi32, #tpu.memory_space<vmem>> -> memref<128xi32, #tpu.memory_space<vmem>>
    %dma_start3A_134 = arith.constant 0 : i32
    %dma_start3A_135 = arith.constant 0 : i32
    %dma_start3A_136 = tpu.memref_slice %arg10[%dma_start3A_134, %dma_start3A_135] : memref<10112x8xf32, #tpu.memory_space<vmem_shared>> -> memref<10112x8xf32, #tpu.memory_space<vmem_shared>>
    tpu.enqueue_indirect_dma source(%dma_start3A_136 : memref<10112x8xf32, #tpu.memory_space<vmem_shared>>) target(%dma_start3A_126 : memref<128x8xf32, #tpu.memory_space<vmem>>) offsets(%dma_start3A_133 : memref<128xi32, #tpu.memory_space<vmem>>) semaphore(%arg11 : memref<!tpu.dma_semaphore, #tpu.memory_space<semaphore_mem>>)
    %dma_start3A_137 = arith.constant 0 : i32
    %dma_start3A_138 = arith.constant 6 : i32
    %dma_start3A_139 = arith.constant 0 : i32
    %dma_start3A_140 = arith.constant 0 : i32
    %dma_start3A_141 = arith.constant 0 : i32
    %dma_start3A_142 = tpu.memref_slice %arg8[%dma_start3A_139, %dma_start3A_140, %dma_start3A_141] : memref<2x1024x8xf32, #tpu.memory_space<vmem>> -> memref<1x1024x8xf32, #tpu.memory_space<vmem>>
    %dma_start3A_143 = tpu.memref_squeeze %dma_start3A_142 : memref<1x1024x8xf32, #tpu.memory_space<vmem>> -> memref<1024x8xf32, #tpu.memory_space<vmem>>
    %dma_start3A_144 = arith.constant 768 : i32
    %dma_start3A_145 = arith.constant 0 : i32
    %dma_start3A_146 = tpu.memref_slice %dma_start3A_143[%dma_start3A_144, %dma_start3A_145] : memref<1024x8xf32, #tpu.memory_space<vmem>> -> memref<128x8xf32, #tpu.memory_space<vmem>>
    %dma_start3A_147 = arith.constant 0 : i32
    %dma_start3A_148 = arith.constant 0 : i32
    %dma_start3A_149 = tpu.memref_slice %arg6[%dma_start3A_137, %dma_start3A_147, %dma_start3A_148] : memref<2x8x128xi32, #tpu.memory_space<vmem>> -> memref<1x8x128xi32, #tpu.memory_space<vmem>>
    %dma_start3A_150 = tpu.memref_squeeze %dma_start3A_149 : memref<1x8x128xi32, #tpu.memory_space<vmem>> -> memref<8x128xi32, #tpu.memory_space<vmem>>
    %dma_start3A_151 = arith.constant 0 : i32
    %dma_start3A_152 = tpu.memref_slice %dma_start3A_150[%dma_start3A_138, %dma_start3A_151] : memref<8x128xi32, #tpu.memory_space<vmem>> -> memref<1x128xi32, #tpu.memory_space<vmem>>
    %dma_start3A_153 = tpu.memref_squeeze %dma_start3A_152 : memref<1x128xi32, #tpu.memory_space<vmem>> -> memref<128xi32, #tpu.memory_space<vmem>>
    %dma_start3A_154 = arith.constant 0 : i32
    %dma_start3A_155 = arith.constant 0 : i32
    %dma_start3A_156 = tpu.memref_slice %arg10[%dma_start3A_154, %dma_start3A_155] : memref<10112x8xf32, #tpu.memory_space<vmem_shared>> -> memref<10112x8xf32, #tpu.memory_space<vmem_shared>>
    tpu.enqueue_indirect_dma source(%dma_start3A_156 : memref<10112x8xf32, #tpu.memory_space<vmem_shared>>) target(%dma_start3A_146 : memref<128x8xf32, #tpu.memory_space<vmem>>) offsets(%dma_start3A_153 : memref<128xi32, #tpu.memory_space<vmem>>) semaphore(%arg11 : memref<!tpu.dma_semaphore, #tpu.memory_space<semaphore_mem>>)
    %dma_start3A_157 = arith.constant 0 : i32
    %dma_start3A_158 = arith.constant 7 : i32
    %dma_start3A_159 = arith.constant 0 : i32
    %dma_start3A_160 = arith.constant 0 : i32
    %dma_start3A_161 = arith.constant 0 : i32
    %dma_start3A_162 = tpu.memref_slice %arg8[%dma_start3A_159, %dma_start3A_160, %dma_start3A_161] : memref<2x1024x8xf32, #tpu.memory_space<vmem>> -> memref<1x1024x8xf32, #tpu.memory_space<vmem>>
    %dma_start3A_163 = tpu.memref_squeeze %dma_start3A_162 : memref<1x1024x8xf32, #tpu.memory_space<vmem>> -> memref<1024x8xf32, #tpu.memory_space<vmem>>
    %dma_start3A_164 = arith.constant 896 : i32
    %dma_start3A_165 = arith.constant 0 : i32
    %dma_start3A_166 = tpu.memref_slice %dma_start3A_163[%dma_start3A_164, %dma_start3A_165] : memref<1024x8xf32, #tpu.memory_space<vmem>> -> memref<128x8xf32, #tpu.memory_space<vmem>>
    %dma_start3A_167 = arith.constant 0 : i32
    %dma_start3A_168 = arith.constant 0 : i32
    %dma_start3A_169 = tpu.memref_slice %arg6[%dma_start3A_157, %dma_start3A_167, %dma_start3A_168] : memref<2x8x128xi32, #tpu.memory_space<vmem>> -> memref<1x8x128xi32, #tpu.memory_space<vmem>>
    %dma_start3A_170 = tpu.memref_squeeze %dma_start3A_169 : memref<1x8x128xi32, #tpu.memory_space<vmem>> -> memref<8x128xi32, #tpu.memory_space<vmem>>
    %dma_start3A_171 = arith.constant 0 : i32
    %dma_start3A_172 = tpu.memref_slice %dma_start3A_170[%dma_start3A_158, %dma_start3A_171] : memref<8x128xi32, #tpu.memory_space<vmem>> -> memref<1x128xi32, #tpu.memory_space<vmem>>
    %dma_start3A_173 = tpu.memref_squeeze %dma_start3A_172 : memref<1x128xi32, #tpu.memory_space<vmem>> -> memref<128xi32, #tpu.memory_space<vmem>>
    %dma_start3A_174 = arith.constant 0 : i32
    %dma_start3A_175 = arith.constant 0 : i32
    %dma_start3A_176 = tpu.memref_slice %arg10[%dma_start3A_174, %dma_start3A_175] : memref<10112x8xf32, #tpu.memory_space<vmem_shared>> -> memref<10112x8xf32, #tpu.memory_space<vmem_shared>>
    tpu.enqueue_indirect_dma source(%dma_start3A_176 : memref<10112x8xf32, #tpu.memory_space<vmem_shared>>) target(%dma_start3A_166 : memref<128x8xf32, #tpu.memory_space<vmem>>) offsets(%dma_start3A_173 : memref<128xi32, #tpu.memory_space<vmem>>) semaphore(%arg11 : memref<!tpu.dma_semaphore, #tpu.memory_space<semaphore_mem>>)
    %scan3A = arith.constant 0 : i32
    %scan3A_177 = arith.constant 0 : i32
    %scan3A_178 = arith.constant 5 : i32
    %scan3A_179 = arith.addi %scan3A_177, %scan3A_178 : i32
    %scan3A_180 = arith.constant 1 : i32
    scf.for %scan3A_201 = %scan3A_177 to %scan3A_179 step %scan3A_180  : i32 {
      %mul3A_202 = arith.constant 2 : i32
      %mul3A_203 = arith.muli %mul3A_202, %scan3A_201 : i32
      %add3A_204 = arith.constant 1 : i32
      %add3A_205 = arith.addi %mul3A_203, %add3A_204 : i32
      %mul3A_206 = arith.constant 8 : i32
      %mul3A_207 = arith.muli %add3A_205, %mul3A_206 : i32
      %add3A_208 = arith.addi %mul3A_2, %mul3A_207 : i32
      %run_scoped3A_209 = arith.constant 0 : i32
      %run_scoped3A_210 = arith.constant 1 : i32
      "tpu.region"() ({
        %run_scoped3A_626 = tpu.sem_alloc : memref<!tpu.dma_semaphore, #tpu.memory_space<semaphore_mem>>
        %dma_start3A_627 = arith.constant 0 : i32
        %dma_start3A_628 = arith.constant 0 : i32
        %dma_start3A_629 = tpu.memref_slice %arg6[%run_scoped3A_210, %dma_start3A_627, %dma_start3A_628] : memref<2x8x128xi32, #tpu.memory_space<vmem>> -> memref<1x8x128xi32, #tpu.memory_space<vmem>>
        %dma_start3A_630 = tpu.memref_squeeze %dma_start3A_629 : memref<1x8x128xi32, #tpu.memory_space<vmem>> -> memref<8x128xi32, #tpu.memory_space<vmem>>
        %dma_start3A_631 = arith.constant 0 : i32
        %dma_start3A_632 = arith.constant 0 : i32
        %dma_start3A_633 = tpu.memref_slice %arg2[%run_scoped3A_209, %dma_start3A_631, %dma_start3A_632] : memref<2x2568x128xi32, #tpu.memory_space<hbm>> -> memref<1x2568x128xi32, #tpu.memory_space<hbm>>
        %dma_start3A_634 = tpu.memref_squeeze %dma_start3A_633 : memref<1x2568x128xi32, #tpu.memory_space<hbm>> -> memref<2568x128xi32, #tpu.memory_space<hbm>>
        %dma_start3A_635 = arith.constant 0 : i32
        %dma_start3A_636 = tpu.memref_slice %dma_start3A_634[%add3A_208, %dma_start3A_635] : memref<2568x128xi32, #tpu.memory_space<hbm>> -> memref<8x128xi32, #tpu.memory_space<hbm>>
        %dma_start3A_637 = arith.constant 0 : i32
        %dma_start3A_638 = arith.constant 0 : i32
        %dma_start3A_639 = tpu.memref_slice %arg6[%run_scoped3A_210, %dma_start3A_637, %dma_start3A_638] : memref<2x8x128xi32, #tpu.memory_space<vmem>> -> memref<1x8x128xi32, #tpu.memory_space<vmem>>
        %dma_start3A_640 = tpu.memref_squeeze %dma_start3A_639 : memref<1x8x128xi32, #tpu.memory_space<vmem>> -> memref<8x128xi32, #tpu.memory_space<vmem>>
        %dma_start3A_641 = arith.constant 0 : i32
        %dma_start3A_642 = arith.constant 0 : i32
        %dma_start3A_643 = tpu.memref_slice %arg2[%run_scoped3A_209, %dma_start3A_641, %dma_start3A_642] : memref<2x2568x128xi32, #tpu.memory_space<hbm>> -> memref<1x2568x128xi32, #tpu.memory_space<hbm>>
        %dma_start3A_644 = tpu.memref_squeeze %dma_start3A_643 : memref<1x2568x128xi32, #tpu.memory_space<hbm>> -> memref<2568x128xi32, #tpu.memory_space<hbm>>
        %dma_start3A_645 = arith.constant 0 : i32
        %dma_start3A_646 = tpu.memref_slice %dma_start3A_644[%add3A_208, %dma_start3A_645] : memref<2568x128xi32, #tpu.memory_space<hbm>> -> memref<8x128xi32, #tpu.memory_space<hbm>>
        tpu.enqueue_dma source(%dma_start3A_646 : memref<8x128xi32, #tpu.memory_space<hbm>>) target(%dma_start3A_640 : memref<8x128xi32, #tpu.memory_space<vmem>>) target_semaphore(%run_scoped3A_626 : memref<!tpu.dma_semaphore, #tpu.memory_space<semaphore_mem>>)
        %dma_wait3A_647 = arith.constant 0 : i32
        %dma_wait3A_648 = arith.constant 0 : i32
        %dma_wait3A_649 = tpu.memref_slice %arg6[%run_scoped3A_210, %dma_wait3A_647, %dma_wait3A_648] : memref<2x8x128xi32, #tpu.memory_space<vmem>> -> memref<1x8x128xi32, #tpu.memory_space<vmem>>
        %dma_wait3A_650 = tpu.memref_squeeze %dma_wait3A_649 : memref<1x8x128xi32, #tpu.memory_space<vmem>> -> memref<8x128xi32, #tpu.memory_space<vmem>>
        %dma_wait3A_651 = arith.constant 0 : i32
        %dma_wait3A_652 = arith.constant 0 : i32
        %dma_wait3A_653 = tpu.memref_slice %arg2[%run_scoped3A_209, %dma_wait3A_651, %dma_wait3A_652] : memref<2x2568x128xi32, #tpu.memory_space<hbm>> -> memref<1x2568x128xi32, #tpu.memory_space<hbm>>
        %dma_wait3A_654 = tpu.memref_squeeze %dma_wait3A_653 : memref<1x2568x128xi32, #tpu.memory_space<hbm>> -> memref<2568x128xi32, #tpu.memory_space<hbm>>
        %dma_wait3A_655 = arith.constant 0 : i32
        %dma_wait3A_656 = tpu.memref_slice %dma_wait3A_654[%add3A_208, %dma_wait3A_655] : memref<2568x128xi32, #tpu.memory_space<hbm>> -> memref<8x128xi32, #tpu.memory_space<hbm>>
        %dma_wait3A_657 = arith.constant 0 : i32
        %dma_wait3A_658 = arith.constant 0 : i32
        %dma_wait3A_659 = tpu.memref_slice %arg6[%run_scoped3A_210, %dma_wait3A_657, %dma_wait3A_658] : memref<2x8x128xi32, #tpu.memory_space<vmem>> -> memref<1x8x128xi32, #tpu.memory_space<vmem>>
        %dma_wait3A_660 = tpu.memref_squeeze %dma_wait3A_659 : memref<1x8x128xi32, #tpu.memory_space<vmem>> -> memref<8x128xi32, #tpu.memory_space<vmem>>
        %dma_wait3A_661 = arith.constant 0 : i32
        %dma_wait3A_662 = arith.constant 0 : i32
        %dma_wait3A_663 = tpu.memref_slice %arg2[%run_scoped3A_209, %dma_wait3A_661, %dma_wait3A_662] : memref<2x2568x128xi32, #tpu.memory_space<hbm>> -> memref<1x2568x128xi32, #tpu.memory_space<hbm>>
        %dma_wait3A_664 = tpu.memref_squeeze %dma_wait3A_663 : memref<1x2568x128xi32, #tpu.memory_space<hbm>> -> memref<2568x128xi32, #tpu.memory_space<hbm>>
        %dma_wait3A_665 = arith.constant 0 : i32
        %dma_wait3A_666 = tpu.memref_slice %dma_wait3A_664[%add3A_208, %dma_wait3A_665] : memref<2568x128xi32, #tpu.memory_space<hbm>> -> memref<8x128xi32, #tpu.memory_space<hbm>>
        tpu.wait_dma2 semaphore(%run_scoped3A_626 : memref<!tpu.dma_semaphore, #tpu.memory_space<semaphore_mem>>) src(%dma_wait3A_666 : memref<8x128xi32, #tpu.memory_space<hbm>>) dst(%dma_wait3A_660 : memref<8x128xi32, #tpu.memory_space<vmem>>)
        tpu.yield
      }) : () -> ()
      %mul3A_211 = arith.constant 8 : i32
      %mul3A_212 = arith.muli %add3A_205, %mul3A_211 : i32
      %add3A_213 = arith.addi %mul3A_2, %mul3A_212 : i32
      %run_scoped3A_214 = arith.constant 1 : i32
      %run_scoped3A_215 = arith.constant 1 : i32
      "tpu.region"() ({
        %run_scoped3A_626 = tpu.sem_alloc : memref<!tpu.dma_semaphore, #tpu.memory_space<semaphore_mem>>
        %dma_start3A_627 = arith.constant 0 : i32
        %dma_start3A_628 = arith.constant 0 : i32
        %dma_start3A_629 = tpu.memref_slice %arg7[%run_scoped3A_215, %dma_start3A_627, %dma_start3A_628] : memref<2x8x128xi32, #tpu.memory_space<vmem>> -> memref<1x8x128xi32, #tpu.memory_space<vmem>>
        %dma_start3A_630 = tpu.memref_squeeze %dma_start3A_629 : memref<1x8x128xi32, #tpu.memory_space<vmem>> -> memref<8x128xi32, #tpu.memory_space<vmem>>
        %dma_start3A_631 = arith.constant 0 : i32
        %dma_start3A_632 = arith.constant 0 : i32
        %dma_start3A_633 = tpu.memref_slice %arg2[%run_scoped3A_214, %dma_start3A_631, %dma_start3A_632] : memref<2x2568x128xi32, #tpu.memory_space<hbm>> -> memref<1x2568x128xi32, #tpu.memory_space<hbm>>
        %dma_start3A_634 = tpu.memref_squeeze %dma_start3A_633 : memref<1x2568x128xi32, #tpu.memory_space<hbm>> -> memref<2568x128xi32, #tpu.memory_space<hbm>>
        %dma_start3A_635 = arith.constant 0 : i32
        %dma_start3A_636 = tpu.memref_slice %dma_start3A_634[%add3A_213, %dma_start3A_635] : memref<2568x128xi32, #tpu.memory_space<hbm>> -> memref<8x128xi32, #tpu.memory_space<hbm>>
        %dma_start3A_637 = arith.constant 0 : i32
        %dma_start3A_638 = arith.constant 0 : i32
        %dma_start3A_639 = tpu.memref_slice %arg7[%run_scoped3A_215, %dma_start3A_637, %dma_start3A_638] : memref<2x8x128xi32, #tpu.memory_space<vmem>> -> memref<1x8x128xi32, #tpu.memory_space<vmem>>
        %dma_start3A_640 = tpu.memref_squeeze %dma_start3A_639 : memref<1x8x128xi32, #tpu.memory_space<vmem>> -> memref<8x128xi32, #tpu.memory_space<vmem>>
        %dma_start3A_641 = arith.constant 0 : i32
        %dma_start3A_642 = arith.constant 0 : i32
        %dma_start3A_643 = tpu.memref_slice %arg2[%run_scoped3A_214, %dma_start3A_641, %dma_start3A_642] : memref<2x2568x128xi32, #tpu.memory_space<hbm>> -> memref<1x2568x128xi32, #tpu.memory_space<hbm>>
        %dma_start3A_644 = tpu.memref_squeeze %dma_start3A_643 : memref<1x2568x128xi32, #tpu.memory_space<hbm>> -> memref<2568x128xi32, #tpu.memory_space<hbm>>
        %dma_start3A_645 = arith.constant 0 : i32
        %dma_start3A_646 = tpu.memref_slice %dma_start3A_644[%add3A_213, %dma_start3A_645] : memref<2568x128xi32, #tpu.memory_space<hbm>> -> memref<8x128xi32, #tpu.memory_space<hbm>>
        tpu.enqueue_dma source(%dma_start3A_646 : memref<8x128xi32, #tpu.memory_space<hbm>>) target(%dma_start3A_640 : memref<8x128xi32, #tpu.memory_space<vmem>>) target_semaphore(%run_scoped3A_626 : memref<!tpu.dma_semaphore, #tpu.memory_space<semaphore_mem>>)
        %dma_wait3A_647 = arith.constant 0 : i32
        %dma_wait3A_648 = arith.constant 0 : i32
        %dma_wait3A_649 = tpu.memref_slice %arg7[%run_scoped3A_215, %dma_wait3A_647, %dma_wait3A_648] : memref<2x8x128xi32, #tpu.memory_space<vmem>> -> memref<1x8x128xi32, #tpu.memory_space<vmem>>
        %dma_wait3A_650 = tpu.memref_squeeze %dma_wait3A_649 : memref<1x8x128xi32, #tpu.memory_space<vmem>> -> memref<8x128xi32, #tpu.memory_space<vmem>>
        %dma_wait3A_651 = arith.constant 0 : i32
        %dma_wait3A_652 = arith.constant 0 : i32
        %dma_wait3A_653 = tpu.memref_slice %arg2[%run_scoped3A_214, %dma_wait3A_651, %dma_wait3A_652] : memref<2x2568x128xi32, #tpu.memory_space<hbm>> -> memref<1x2568x128xi32, #tpu.memory_space<hbm>>
        %dma_wait3A_654 = tpu.memref_squeeze %dma_wait3A_653 : memref<1x2568x128xi32, #tpu.memory_space<hbm>> -> memref<2568x128xi32, #tpu.memory_space<hbm>>
        %dma_wait3A_655 = arith.constant 0 : i32
        %dma_wait3A_656 = tpu.memref_slice %dma_wait3A_654[%add3A_213, %dma_wait3A_655] : memref<2568x128xi32, #tpu.memory_space<hbm>> -> memref<8x128xi32, #tpu.memory_space<hbm>>
        %dma_wait3A_657 = arith.constant 0 : i32
        %dma_wait3A_658 = arith.constant 0 : i32
        %dma_wait3A_659 = tpu.memref_slice %arg7[%run_scoped3A_215, %dma_wait3A_657, %dma_wait3A_658] : memref<2x8x128xi32, #tpu.memory_space<vmem>> -> memref<1x8x128xi32, #tpu.memory_space<vmem>>
        %dma_wait3A_660 = tpu.memref_squeeze %dma_wait3A_659 : memref<1x8x128xi32, #tpu.memory_space<vmem>> -> memref<8x128xi32, #tpu.memory_space<vmem>>
        %dma_wait3A_661 = arith.constant 0 : i32
        %dma_wait3A_662 = arith.constant 0 : i32
        %dma_wait3A_663 = tpu.memref_slice %arg2[%run_scoped3A_214, %dma_wait3A_661, %dma_wait3A_662] : memref<2x2568x128xi32, #tpu.memory_space<hbm>> -> memref<1x2568x128xi32, #tpu.memory_space<hbm>>
        %dma_wait3A_664 = tpu.memref_squeeze %dma_wait3A_663 : memref<1x2568x128xi32, #tpu.memory_space<hbm>> -> memref<2568x128xi32, #tpu.memory_space<hbm>>
        %dma_wait3A_665 = arith.constant 0 : i32
        %dma_wait3A_666 = tpu.memref_slice %dma_wait3A_664[%add3A_213, %dma_wait3A_665] : memref<2568x128xi32, #tpu.memory_space<hbm>> -> memref<8x128xi32, #tpu.memory_space<hbm>>
        tpu.wait_dma2 semaphore(%run_scoped3A_626 : memref<!tpu.dma_semaphore, #tpu.memory_space<semaphore_mem>>) src(%dma_wait3A_666 : memref<8x128xi32, #tpu.memory_space<hbm>>) dst(%dma_wait3A_660 : memref<8x128xi32, #tpu.memory_space<vmem>>)
        tpu.yield
      }) : () -> ()
      %dma_start3A_216 = arith.constant 1 : i32
      %dma_start3A_217 = arith.constant 0 : i32
      %dma_start3A_218 = arith.constant 1 : i32
      %dma_start3A_219 = arith.constant 0 : i32
      %dma_start3A_220 = arith.constant 0 : i32
      %dma_start3A_221 = tpu.memref_slice %arg8[%dma_start3A_218, %dma_start3A_219, %dma_start3A_220] : memref<2x1024x8xf32, #tpu.memory_space<vmem>> -> memref<1x1024x8xf32, #tpu.memory_space<vmem>>
      %dma_start3A_222 = tpu.memref_squeeze %dma_start3A_221 : memref<1x1024x8xf32, #tpu.memory_space<vmem>> -> memref<1024x8xf32, #tpu.memory_space<vmem>>
      %dma_start3A_223 = arith.constant 0 : i32
      %dma_start3A_224 = arith.constant 0 : i32
      %dma_start3A_225 = tpu.memref_slice %dma_start3A_222[%dma_start3A_223, %dma_start3A_224] : memref<1024x8xf32, #tpu.memory_space<vmem>> -> memref<128x8xf32, #tpu.memory_space<vmem>>
      %dma_start3A_226 = arith.constant 0 : i32
      %dma_start3A_227 = arith.constant 0 : i32
      %dma_start3A_228 = tpu.memref_slice %arg6[%dma_start3A_216, %dma_start3A_226, %dma_start3A_227] : memref<2x8x128xi32, #tpu.memory_space<vmem>> -> memref<1x8x128xi32, #tpu.memory_space<vmem>>
      %dma_start3A_229 = tpu.memref_squeeze %dma_start3A_228 : memref<1x8x128xi32, #tpu.memory_space<vmem>> -> memref<8x128xi32, #tpu.memory_space<vmem>>
      %dma_start3A_230 = arith.constant 0 : i32
      %dma_start3A_231 = tpu.memref_slice %dma_start3A_229[%dma_start3A_217, %dma_start3A_230] : memref<8x128xi32, #tpu.memory_space<vmem>> -> memref<1x128xi32, #tpu.memory_space<vmem>>
      %dma_start3A_232 = tpu.memref_squeeze %dma_start3A_231 : memref<1x128xi32, #tpu.memory_space<vmem>> -> memref<128xi32, #tpu.memory_space<vmem>>
      %dma_start3A_233 = arith.constant 0 : i32
      %dma_start3A_234 = arith.constant 0 : i32
      %dma_start3A_235 = tpu.memref_slice %arg10[%dma_start3A_233, %dma_start3A_234] : memref<10112x8xf32, #tpu.memory_space<vmem_shared>> -> memref<10112x8xf32, #tpu.memory_space<vmem_shared>>
      tpu.enqueue_indirect_dma source(%dma_start3A_235 : memref<10112x8xf32, #tpu.memory_space<vmem_shared>>) target(%dma_start3A_225 : memref<128x8xf32, #tpu.memory_space<vmem>>) offsets(%dma_start3A_232 : memref<128xi32, #tpu.memory_space<vmem>>) semaphore(%arg11 : memref<!tpu.dma_semaphore, #tpu.memory_space<semaphore_mem>>)
      %dma_start3A_236 = arith.constant 1 : i32
      %dma_start3A_237 = arith.constant 1 : i32
      %dma_start3A_238 = arith.constant 1 : i32
      %dma_start3A_239 = arith.constant 0 : i32
      %dma_start3A_240 = arith.constant 0 : i32
      %dma_start3A_241 = tpu.memref_slice %arg8[%dma_start3A_238, %dma_start3A_239, %dma_start3A_240] : memref<2x1024x8xf32, #tpu.memory_space<vmem>> -> memref<1x1024x8xf32, #tpu.memory_space<vmem>>
      %dma_start3A_242 = tpu.memref_squeeze %dma_start3A_241 : memref<1x1024x8xf32, #tpu.memory_space<vmem>> -> memref<1024x8xf32, #tpu.memory_space<vmem>>
      %dma_start3A_243 = arith.constant 128 : i32
      %dma_start3A_244 = arith.constant 0 : i32
      %dma_start3A_245 = tpu.memref_slice %dma_start3A_242[%dma_start3A_243, %dma_start3A_244] : memref<1024x8xf32, #tpu.memory_space<vmem>> -> memref<128x8xf32, #tpu.memory_space<vmem>>
      %dma_start3A_246 = arith.constant 0 : i32
      %dma_start3A_247 = arith.constant 0 : i32
      %dma_start3A_248 = tpu.memref_slice %arg6[%dma_start3A_236, %dma_start3A_246, %dma_start3A_247] : memref<2x8x128xi32, #tpu.memory_space<vmem>> -> memref<1x8x128xi32, #tpu.memory_space<vmem>>
      %dma_start3A_249 = tpu.memref_squeeze %dma_start3A_248 : memref<1x8x128xi32, #tpu.memory_space<vmem>> -> memref<8x128xi32, #tpu.memory_space<vmem>>
      %dma_start3A_250 = arith.constant 0 : i32
      %dma_start3A_251 = tpu.memref_slice %dma_start3A_249[%dma_start3A_237, %dma_start3A_250] : memref<8x128xi32, #tpu.memory_space<vmem>> -> memref<1x128xi32, #tpu.memory_space<vmem>>
      %dma_start3A_252 = tpu.memref_squeeze %dma_start3A_251 : memref<1x128xi32, #tpu.memory_space<vmem>> -> memref<128xi32, #tpu.memory_space<vmem>>
      %dma_start3A_253 = arith.constant 0 : i32
      %dma_start3A_254 = arith.constant 0 : i32
      %dma_start3A_255 = tpu.memref_slice %arg10[%dma_start3A_253, %dma_start3A_254] : memref<10112x8xf32, #tpu.memory_space<vmem_shared>> -> memref<10112x8xf32, #tpu.memory_space<vmem_shared>>
      tpu.enqueue_indirect_dma source(%dma_start3A_255 : memref<10112x8xf32, #tpu.memory_space<vmem_shared>>) target(%dma_start3A_245 : memref<128x8xf32, #tpu.memory_space<vmem>>) offsets(%dma_start3A_252 : memref<128xi32, #tpu.memory_space<vmem>>) semaphore(%arg11 : memref<!tpu.dma_semaphore, #tpu.memory_space<semaphore_mem>>)
      %dma_start3A_256 = arith.constant 1 : i32
      %dma_start3A_257 = arith.constant 2 : i32
      %dma_start3A_258 = arith.constant 1 : i32
      %dma_start3A_259 = arith.constant 0 : i32
      %dma_start3A_260 = arith.constant 0 : i32
      %dma_start3A_261 = tpu.memref_slice %arg8[%dma_start3A_258, %dma_start3A_259, %dma_start3A_260] : memref<2x1024x8xf32, #tpu.memory_space<vmem>> -> memref<1x1024x8xf32, #tpu.memory_space<vmem>>
      %dma_start3A_262 = tpu.memref_squeeze %dma_start3A_261 : memref<1x1024x8xf32, #tpu.memory_space<vmem>> -> memref<1024x8xf32, #tpu.memory_space<vmem>>
      %dma_start3A_263 = arith.constant 256 : i32
      %dma_start3A_264 = arith.constant 0 : i32
      %dma_start3A_265 = tpu.memref_slice %dma_start3A_262[%dma_start3A_263, %dma_start3A_264] : memref<1024x8xf32, #tpu.memory_space<vmem>> -> memref<128x8xf32, #tpu.memory_space<vmem>>
      %dma_start3A_266 = arith.constant 0 : i32
      %dma_start3A_267 = arith.constant 0 : i32
      %dma_start3A_268 = tpu.memref_slice %arg6[%dma_start3A_256, %dma_start3A_266, %dma_start3A_267] : memref<2x8x128xi32, #tpu.memory_space<vmem>> -> memref<1x8x128xi32, #tpu.memory_space<vmem>>
      %dma_start3A_269 = tpu.memref_squeeze %dma_start3A_268 : memref<1x8x128xi32, #tpu.memory_space<vmem>> -> memref<8x128xi32, #tpu.memory_space<vmem>>
      %dma_start3A_270 = arith.constant 0 : i32
      %dma_start3A_271 = tpu.memref_slice %dma_start3A_269[%dma_start3A_257, %dma_start3A_270] : memref<8x128xi32, #tpu.memory_space<vmem>> -> memref<1x128xi32, #tpu.memory_space<vmem>>
      %dma_start3A_272 = tpu.memref_squeeze %dma_start3A_271 : memref<1x128xi32, #tpu.memory_space<vmem>> -> memref<128xi32, #tpu.memory_space<vmem>>
      %dma_start3A_273 = arith.constant 0 : i32
      %dma_start3A_274 = arith.constant 0 : i32
      %dma_start3A_275 = tpu.memref_slice %arg10[%dma_start3A_273, %dma_start3A_274] : memref<10112x8xf32, #tpu.memory_space<vmem_shared>> -> memref<10112x8xf32, #tpu.memory_space<vmem_shared>>
      tpu.enqueue_indirect_dma source(%dma_start3A_275 : memref<10112x8xf32, #tpu.memory_space<vmem_shared>>) target(%dma_start3A_265 : memref<128x8xf32, #tpu.memory_space<vmem>>) offsets(%dma_start3A_272 : memref<128xi32, #tpu.memory_space<vmem>>) semaphore(%arg11 : memref<!tpu.dma_semaphore, #tpu.memory_space<semaphore_mem>>)
      %dma_start3A_276 = arith.constant 1 : i32
      %dma_start3A_277 = arith.constant 3 : i32
      %dma_start3A_278 = arith.constant 1 : i32
      %dma_start3A_279 = arith.constant 0 : i32
      %dma_start3A_280 = arith.constant 0 : i32
      %dma_start3A_281 = tpu.memref_slice %arg8[%dma_start3A_278, %dma_start3A_279, %dma_start3A_280] : memref<2x1024x8xf32, #tpu.memory_space<vmem>> -> memref<1x1024x8xf32, #tpu.memory_space<vmem>>
      %dma_start3A_282 = tpu.memref_squeeze %dma_start3A_281 : memref<1x1024x8xf32, #tpu.memory_space<vmem>> -> memref<1024x8xf32, #tpu.memory_space<vmem>>
      %dma_start3A_283 = arith.constant 384 : i32
      %dma_start3A_284 = arith.constant 0 : i32
      %dma_start3A_285 = tpu.memref_slice %dma_start3A_282[%dma_start3A_283, %dma_start3A_284] : memref<1024x8xf32, #tpu.memory_space<vmem>> -> memref<128x8xf32, #tpu.memory_space<vmem>>
      %dma_start3A_286 = arith.constant 0 : i32
      %dma_start3A_287 = arith.constant 0 : i32
      %dma_start3A_288 = tpu.memref_slice %arg6[%dma_start3A_276, %dma_start3A_286, %dma_start3A_287] : memref<2x8x128xi32, #tpu.memory_space<vmem>> -> memref<1x8x128xi32, #tpu.memory_space<vmem>>
      %dma_start3A_289 = tpu.memref_squeeze %dma_start3A_288 : memref<1x8x128xi32, #tpu.memory_space<vmem>> -> memref<8x128xi32, #tpu.memory_space<vmem>>
      %dma_start3A_290 = arith.constant 0 : i32
      %dma_start3A_291 = tpu.memref_slice %dma_start3A_289[%dma_start3A_277, %dma_start3A_290] : memref<8x128xi32, #tpu.memory_space<vmem>> -> memref<1x128xi32, #tpu.memory_space<vmem>>
      %dma_start3A_292 = tpu.memref_squeeze %dma_start3A_291 : memref<1x128xi32, #tpu.memory_space<vmem>> -> memref<128xi32, #tpu.memory_space<vmem>>
      %dma_start3A_293 = arith.constant 0 : i32
      %dma_start3A_294 = arith.constant 0 : i32
      %dma_start3A_295 = tpu.memref_slice %arg10[%dma_start3A_293, %dma_start3A_294] : memref<10112x8xf32, #tpu.memory_space<vmem_shared>> -> memref<10112x8xf32, #tpu.memory_space<vmem_shared>>
      tpu.enqueue_indirect_dma source(%dma_start3A_295 : memref<10112x8xf32, #tpu.memory_space<vmem_shared>>) target(%dma_start3A_285 : memref<128x8xf32, #tpu.memory_space<vmem>>) offsets(%dma_start3A_292 : memref<128xi32, #tpu.memory_space<vmem>>) semaphore(%arg11 : memref<!tpu.dma_semaphore, #tpu.memory_space<semaphore_mem>>)
      %dma_start3A_296 = arith.constant 1 : i32
      %dma_start3A_297 = arith.constant 4 : i32
      %dma_start3A_298 = arith.constant 1 : i32
      %dma_start3A_299 = arith.constant 0 : i32
      %dma_start3A_300 = arith.constant 0 : i32
      %dma_start3A_301 = tpu.memref_slice %arg8[%dma_start3A_298, %dma_start3A_299, %dma_start3A_300] : memref<2x1024x8xf32, #tpu.memory_space<vmem>> -> memref<1x1024x8xf32, #tpu.memory_space<vmem>>
      %dma_start3A_302 = tpu.memref_squeeze %dma_start3A_301 : memref<1x1024x8xf32, #tpu.memory_space<vmem>> -> memref<1024x8xf32, #tpu.memory_space<vmem>>
      %dma_start3A_303 = arith.constant 512 : i32
      %dma_start3A_304 = arith.constant 0 : i32
      %dma_start3A_305 = tpu.memref_slice %dma_start3A_302[%dma_start3A_303, %dma_start3A_304] : memref<1024x8xf32, #tpu.memory_space<vmem>> -> memref<128x8xf32, #tpu.memory_space<vmem>>
      %dma_start3A_306 = arith.constant 0 : i32
      %dma_start3A_307 = arith.constant 0 : i32
      %dma_start3A_308 = tpu.memref_slice %arg6[%dma_start3A_296, %dma_start3A_306, %dma_start3A_307] : memref<2x8x128xi32, #tpu.memory_space<vmem>> -> memref<1x8x128xi32, #tpu.memory_space<vmem>>
      %dma_start3A_309 = tpu.memref_squeeze %dma_start3A_308 : memref<1x8x128xi32, #tpu.memory_space<vmem>> -> memref<8x128xi32, #tpu.memory_space<vmem>>
      %dma_start3A_310 = arith.constant 0 : i32
      %dma_start3A_311 = tpu.memref_slice %dma_start3A_309[%dma_start3A_297, %dma_start3A_310] : memref<8x128xi32, #tpu.memory_space<vmem>> -> memref<1x128xi32, #tpu.memory_space<vmem>>
      %dma_start3A_312 = tpu.memref_squeeze %dma_start3A_311 : memref<1x128xi32, #tpu.memory_space<vmem>> -> memref<128xi32, #tpu.memory_space<vmem>>
      %dma_start3A_313 = arith.constant 0 : i32
      %dma_start3A_314 = arith.constant 0 : i32
      %dma_start3A_315 = tpu.memref_slice %arg10[%dma_start3A_313, %dma_start3A_314] : memref<10112x8xf32, #tpu.memory_space<vmem_shared>> -> memref<10112x8xf32, #tpu.memory_space<vmem_shared>>
      tpu.enqueue_indirect_dma source(%dma_start3A_315 : memref<10112x8xf32, #tpu.memory_space<vmem_shared>>) target(%dma_start3A_305 : memref<128x8xf32, #tpu.memory_space<vmem>>) offsets(%dma_start3A_312 : memref<128xi32, #tpu.memory_space<vmem>>) semaphore(%arg11 : memref<!tpu.dma_semaphore, #tpu.memory_space<semaphore_mem>>)
      %dma_start3A_316 = arith.constant 1 : i32
      %dma_start3A_317 = arith.constant 5 : i32
      %dma_start3A_318 = arith.constant 1 : i32
      %dma_start3A_319 = arith.constant 0 : i32
      %dma_start3A_320 = arith.constant 0 : i32
      %dma_start3A_321 = tpu.memref_slice %arg8[%dma_start3A_318, %dma_start3A_319, %dma_start3A_320] : memref<2x1024x8xf32, #tpu.memory_space<vmem>> -> memref<1x1024x8xf32, #tpu.memory_space<vmem>>
      %dma_start3A_322 = tpu.memref_squeeze %dma_start3A_321 : memref<1x1024x8xf32, #tpu.memory_space<vmem>> -> memref<1024x8xf32, #tpu.memory_space<vmem>>
      %dma_start3A_323 = arith.constant 640 : i32
      %dma_start3A_324 = arith.constant 0 : i32
      %dma_start3A_325 = tpu.memref_slice %dma_start3A_322[%dma_start3A_323, %dma_start3A_324] : memref<1024x8xf32, #tpu.memory_space<vmem>> -> memref<128x8xf32, #tpu.memory_space<vmem>>
      %dma_start3A_326 = arith.constant 0 : i32
      %dma_start3A_327 = arith.constant 0 : i32
      %dma_start3A_328 = tpu.memref_slice %arg6[%dma_start3A_316, %dma_start3A_326, %dma_start3A_327] : memref<2x8x128xi32, #tpu.memory_space<vmem>> -> memref<1x8x128xi32, #tpu.memory_space<vmem>>
      %dma_start3A_329 = tpu.memref_squeeze %dma_start3A_328 : memref<1x8x128xi32, #tpu.memory_space<vmem>> -> memref<8x128xi32, #tpu.memory_space<vmem>>
      %dma_start3A_330 = arith.constant 0 : i32
      %dma_start3A_331 = tpu.memref_slice %dma_start3A_329[%dma_start3A_317, %dma_start3A_330] : memref<8x128xi32, #tpu.memory_space<vmem>> -> memref<1x128xi32, #tpu.memory_space<vmem>>
      %dma_start3A_332 = tpu.memref_squeeze %dma_start3A_331 : memref<1x128xi32, #tpu.memory_space<vmem>> -> memref<128xi32, #tpu.memory_space<vmem>>
      %dma_start3A_333 = arith.constant 0 : i32
      %dma_start3A_334 = arith.constant 0 : i32
      %dma_start3A_335 = tpu.memref_slice %arg10[%dma_start3A_333, %dma_start3A_334] : memref<10112x8xf32, #tpu.memory_space<vmem_shared>> -> memref<10112x8xf32, #tpu.memory_space<vmem_shared>>
      tpu.enqueue_indirect_dma source(%dma_start3A_335 : memref<10112x8xf32, #tpu.memory_space<vmem_shared>>) target(%dma_start3A_325 : memref<128x8xf32, #tpu.memory_space<vmem>>) offsets(%dma_start3A_332 : memref<128xi32, #tpu.memory_space<vmem>>) semaphore(%arg11 : memref<!tpu.dma_semaphore, #tpu.memory_space<semaphore_mem>>)
      %dma_start3A_336 = arith.constant 1 : i32
      %dma_start3A_337 = arith.constant 6 : i32
      %dma_start3A_338 = arith.constant 1 : i32
      %dma_start3A_339 = arith.constant 0 : i32
      %dma_start3A_340 = arith.constant 0 : i32
      %dma_start3A_341 = tpu.memref_slice %arg8[%dma_start3A_338, %dma_start3A_339, %dma_start3A_340] : memref<2x1024x8xf32, #tpu.memory_space<vmem>> -> memref<1x1024x8xf32, #tpu.memory_space<vmem>>
      %dma_start3A_342 = tpu.memref_squeeze %dma_start3A_341 : memref<1x1024x8xf32, #tpu.memory_space<vmem>> -> memref<1024x8xf32, #tpu.memory_space<vmem>>
      %dma_start3A_343 = arith.constant 768 : i32
      %dma_start3A_344 = arith.constant 0 : i32
      %dma_start3A_345 = tpu.memref_slice %dma_start3A_342[%dma_start3A_343, %dma_start3A_344] : memref<1024x8xf32, #tpu.memory_space<vmem>> -> memref<128x8xf32, #tpu.memory_space<vmem>>
      %dma_start3A_346 = arith.constant 0 : i32
      %dma_start3A_347 = arith.constant 0 : i32
      %dma_start3A_348 = tpu.memref_slice %arg6[%dma_start3A_336, %dma_start3A_346, %dma_start3A_347] : memref<2x8x128xi32, #tpu.memory_space<vmem>> -> memref<1x8x128xi32, #tpu.memory_space<vmem>>
      %dma_start3A_349 = tpu.memref_squeeze %dma_start3A_348 : memref<1x8x128xi32, #tpu.memory_space<vmem>> -> memref<8x128xi32, #tpu.memory_space<vmem>>
      %dma_start3A_350 = arith.constant 0 : i32
      %dma_start3A_351 = tpu.memref_slice %dma_start3A_349[%dma_start3A_337, %dma_start3A_350] : memref<8x128xi32, #tpu.memory_space<vmem>> -> memref<1x128xi32, #tpu.memory_space<vmem>>
      %dma_start3A_352 = tpu.memref_squeeze %dma_start3A_351 : memref<1x128xi32, #tpu.memory_space<vmem>> -> memref<128xi32, #tpu.memory_space<vmem>>
      %dma_start3A_353 = arith.constant 0 : i32
      %dma_start3A_354 = arith.constant 0 : i32
      %dma_start3A_355 = tpu.memref_slice %arg10[%dma_start3A_353, %dma_start3A_354] : memref<10112x8xf32, #tpu.memory_space<vmem_shared>> -> memref<10112x8xf32, #tpu.memory_space<vmem_shared>>
      tpu.enqueue_indirect_dma source(%dma_start3A_355 : memref<10112x8xf32, #tpu.memory_space<vmem_shared>>) target(%dma_start3A_345 : memref<128x8xf32, #tpu.memory_space<vmem>>) offsets(%dma_start3A_352 : memref<128xi32, #tpu.memory_space<vmem>>) semaphore(%arg11 : memref<!tpu.dma_semaphore, #tpu.memory_space<semaphore_mem>>)
      %dma_start3A_356 = arith.constant 1 : i32
      %dma_start3A_357 = arith.constant 7 : i32
      %dma_start3A_358 = arith.constant 1 : i32
      %dma_start3A_359 = arith.constant 0 : i32
      %dma_start3A_360 = arith.constant 0 : i32
      %dma_start3A_361 = tpu.memref_slice %arg8[%dma_start3A_358, %dma_start3A_359, %dma_start3A_360] : memref<2x1024x8xf32, #tpu.memory_space<vmem>> -> memref<1x1024x8xf32, #tpu.memory_space<vmem>>
      %dma_start3A_362 = tpu.memref_squeeze %dma_start3A_361 : memref<1x1024x8xf32, #tpu.memory_space<vmem>> -> memref<1024x8xf32, #tpu.memory_space<vmem>>
      %dma_start3A_363 = arith.constant 896 : i32
      %dma_start3A_364 = arith.constant 0 : i32
      %dma_start3A_365 = tpu.memref_slice %dma_start3A_362[%dma_start3A_363, %dma_start3A_364] : memref<1024x8xf32, #tpu.memory_space<vmem>> -> memref<128x8xf32, #tpu.memory_space<vmem>>
      %dma_start3A_366 = arith.constant 0 : i32
      %dma_start3A_367 = arith.constant 0 : i32
      %dma_start3A_368 = tpu.memref_slice %arg6[%dma_start3A_356, %dma_start3A_366, %dma_start3A_367] : memref<2x8x128xi32, #tpu.memory_space<vmem>> -> memref<1x8x128xi32, #tpu.memory_space<vmem>>
      %dma_start3A_369 = tpu.memref_squeeze %dma_start3A_368 : memref<1x8x128xi32, #tpu.memory_space<vmem>> -> memref<8x128xi32, #tpu.memory_space<vmem>>
      %dma_start3A_370 = arith.constant 0 : i32
      %dma_start3A_371 = tpu.memref_slice %dma_start3A_369[%dma_start3A_357, %dma_start3A_370] : memref<8x128xi32, #tpu.memory_space<vmem>> -> memref<1x128xi32, #tpu.memory_space<vmem>>
      %dma_start3A_372 = tpu.memref_squeeze %dma_start3A_371 : memref<1x128xi32, #tpu.memory_space<vmem>> -> memref<128xi32, #tpu.memory_space<vmem>>
      %dma_start3A_373 = arith.constant 0 : i32
      %dma_start3A_374 = arith.constant 0 : i32
      %dma_start3A_375 = tpu.memref_slice %arg10[%dma_start3A_373, %dma_start3A_374] : memref<10112x8xf32, #tpu.memory_space<vmem_shared>> -> memref<10112x8xf32, #tpu.memory_space<vmem_shared>>
      tpu.enqueue_indirect_dma source(%dma_start3A_375 : memref<10112x8xf32, #tpu.memory_space<vmem_shared>>) target(%dma_start3A_365 : memref<128x8xf32, #tpu.memory_space<vmem>>) offsets(%dma_start3A_372 : memref<128xi32, #tpu.memory_space<vmem>>) semaphore(%arg11 : memref<!tpu.dma_semaphore, #tpu.memory_space<semaphore_mem>>)
      %dma_wait3A_376 = arith.constant 0 : i32
      %dma_wait3A_377 = arith.constant 0 : i32
      %dma_wait3A_378 = arith.constant 0 : i32
      %dma_wait3A_379 = tpu.memref_slice %arg8[%dma_wait3A_376, %dma_wait3A_377, %dma_wait3A_378] : memref<2x1024x8xf32, #tpu.memory_space<vmem>> -> memref<1x1024x8xf32, #tpu.memory_space<vmem>>
      %dma_wait3A_380 = tpu.memref_squeeze %dma_wait3A_379 : memref<1x1024x8xf32, #tpu.memory_space<vmem>> -> memref<1024x8xf32, #tpu.memory_space<vmem>>
      %dma_wait3A_381 = arith.constant 0 : i32
      %dma_wait3A_382 = arith.constant 0 : i32
      %dma_wait3A_383 = tpu.memref_slice %arg4[%dma_wait3A_381, %dma_wait3A_382] : memref<10112x8xf32, #tpu.memory_space<hbm>> -> memref<1024x8xf32, #tpu.memory_space<hbm>>
      %dma_wait3A_384 = arith.constant 0 : i32
      %dma_wait3A_385 = arith.constant 0 : i32
      %dma_wait3A_386 = tpu.memref_slice %arg8[%dma_wait3A_376, %dma_wait3A_384, %dma_wait3A_385] : memref<2x1024x8xf32, #tpu.memory_space<vmem>> -> memref<1x1024x8xf32, #tpu.memory_space<vmem>>
      %dma_wait3A_387 = tpu.memref_squeeze %dma_wait3A_386 : memref<1x1024x8xf32, #tpu.memory_space<vmem>> -> memref<1024x8xf32, #tpu.memory_space<vmem>>
      %dma_wait3A_388 = arith.constant 0 : i32
      %dma_wait3A_389 = arith.constant 0 : i32
      %dma_wait3A_390 = tpu.memref_slice %arg4[%dma_wait3A_388, %dma_wait3A_389] : memref<10112x8xf32, #tpu.memory_space<hbm>> -> memref<1024x8xf32, #tpu.memory_space<hbm>>
      tpu.wait_dma2 semaphore(%arg11 : memref<!tpu.dma_semaphore, #tpu.memory_space<semaphore_mem>>) src(%dma_wait3A_390 : memref<1024x8xf32, #tpu.memory_space<hbm>>) dst(%dma_wait3A_387 : memref<1024x8xf32, #tpu.memory_space<vmem>>)
      %run_scoped3A_391 = arith.constant 0 : i32
      %run_scoped3A_392 = arith.constant 0 : i32
      %run_scoped3A_393 = arith.constant 0 : i32
      "tpu.region"() ({
        %run_scoped3A_626 = tpu.sem_alloc : memref<!tpu.dma_semaphore, #tpu.memory_space<semaphore_mem>>
        %dma_start3A_627 = arith.constant 0 : i32
        %dma_start3A_628 = arith.constant 0 : i32
        %dma_start3A_629 = tpu.memref_slice %arg8[%run_scoped3A_391, %dma_start3A_627, %dma_start3A_628] : memref<2x1024x8xf32, #tpu.memory_space<vmem>> -> memref<1x1024x8xf32, #tpu.memory_space<vmem>>
        %dma_start3A_630 = tpu.memref_squeeze %dma_start3A_629 : memref<1x1024x8xf32, #tpu.memory_space<vmem>> -> memref<1024x8xf32, #tpu.memory_space<vmem>>
        %dma_start3A_631 = arith.constant 0 : i32
        %dma_start3A_632 = arith.constant 0 : i32
        %dma_start3A_633 = tpu.memref_slice %dma_start3A_630[%dma_start3A_631, %dma_start3A_632] : memref<1024x8xf32, #tpu.memory_space<vmem>> -> memref<128x8xf32, #tpu.memory_space<vmem>>
        %dma_start3A_634 = arith.constant 0 : i32
        %dma_start3A_635 = arith.constant 0 : i32
        %dma_start3A_636 = tpu.memref_slice %arg7[%run_scoped3A_392, %dma_start3A_634, %dma_start3A_635] : memref<2x8x128xi32, #tpu.memory_space<vmem>> -> memref<1x8x128xi32, #tpu.memory_space<vmem>>
        %dma_start3A_637 = tpu.memref_squeeze %dma_start3A_636 : memref<1x8x128xi32, #tpu.memory_space<vmem>> -> memref<8x128xi32, #tpu.memory_space<vmem>>
        %dma_start3A_638 = arith.constant 0 : i32
        %dma_start3A_639 = tpu.memref_slice %dma_start3A_637[%run_scoped3A_393, %dma_start3A_638] : memref<8x128xi32, #tpu.memory_space<vmem>> -> memref<1x128xi32, #tpu.memory_space<vmem>>
        %dma_start3A_640 = tpu.memref_squeeze %dma_start3A_639 : memref<1x128xi32, #tpu.memory_space<vmem>> -> memref<128xi32, #tpu.memory_space<vmem>>
        %dma_start3A_641 = arith.constant 0 : i32
        %dma_start3A_642 = arith.constant 0 : i32
        %dma_start3A_643 = tpu.memref_slice %arg9[%dma_start3A_641, %dma_start3A_642] : memref<10112x8xf32, #tpu.memory_space<vmem_shared>> -> memref<10112x8xf32, #tpu.memory_space<vmem_shared>>
        tpu.enqueue_indirect_dma source(%dma_start3A_633 : memref<128x8xf32, #tpu.memory_space<vmem>>) target(%dma_start3A_643 : memref<10112x8xf32, #tpu.memory_space<vmem_shared>>) offsets(%dma_start3A_640 : memref<128xi32, #tpu.memory_space<vmem>>) semaphore(%run_scoped3A_626 : memref<!tpu.dma_semaphore, #tpu.memory_space<semaphore_mem>>) {add = true}
        %dma_wait3A_644 = arith.constant 0 : i32
        %dma_wait3A_645 = arith.constant 0 : i32
        %dma_wait3A_646 = tpu.memref_slice %arg8[%run_scoped3A_391, %dma_wait3A_644, %dma_wait3A_645] : memref<2x1024x8xf32, #tpu.memory_space<vmem>> -> memref<1x1024x8xf32, #tpu.memory_space<vmem>>
        %dma_wait3A_647 = tpu.memref_squeeze %dma_wait3A_646 : memref<1x1024x8xf32, #tpu.memory_space<vmem>> -> memref<1024x8xf32, #tpu.memory_space<vmem>>
        %dma_wait3A_648 = arith.constant 0 : i32
        %dma_wait3A_649 = arith.constant 0 : i32
        %dma_wait3A_650 = tpu.memref_slice %dma_wait3A_647[%dma_wait3A_648, %dma_wait3A_649] : memref<1024x8xf32, #tpu.memory_space<vmem>> -> memref<128x8xf32, #tpu.memory_space<vmem>>
        %dma_wait3A_651 = arith.constant 0 : i32
        %dma_wait3A_652 = arith.constant 0 : i32
        %dma_wait3A_653 = tpu.memref_slice %arg7[%run_scoped3A_392, %dma_wait3A_651, %dma_wait3A_652] : memref<2x8x128xi32, #tpu.memory_space<vmem>> -> memref<1x8x128xi32, #tpu.memory_space<vmem>>
        %dma_wait3A_654 = tpu.memref_squeeze %dma_wait3A_653 : memref<1x8x128xi32, #tpu.memory_space<vmem>> -> memref<8x128xi32, #tpu.memory_space<vmem>>
        %dma_wait3A_655 = arith.constant 0 : i32
        %dma_wait3A_656 = tpu.memref_slice %dma_wait3A_654[%run_scoped3A_393, %dma_wait3A_655] : memref<8x128xi32, #tpu.memory_space<vmem>> -> memref<1x128xi32, #tpu.memory_space<vmem>>
        %dma_wait3A_657 = tpu.memref_squeeze %dma_wait3A_656 : memref<1x128xi32, #tpu.memory_space<vmem>> -> memref<128xi32, #tpu.memory_space<vmem>>
        %dma_wait3A_658 = arith.constant 0 : i32
        %dma_wait3A_659 = arith.constant 0 : i32
        %dma_wait3A_660 = tpu.memref_slice %arg9[%dma_wait3A_658, %dma_wait3A_659] : memref<10112x8xf32, #tpu.memory_space<vmem_shared>> -> memref<10112x8xf32, #tpu.memory_space<vmem_shared>>
        tpu.wait_indirect_dma semaphore(%run_scoped3A_626 : memref<!tpu.dma_semaphore, #tpu.memory_space<semaphore_mem>>) src(%dma_wait3A_650 : memref<128x8xf32, #tpu.memory_space<vmem>>) dst(%dma_wait3A_660 : memref<10112x8xf32, #tpu.memory_space<vmem_shared>>)
        tpu.yield
      }) : () -> ()
      %run_scoped3A_394 = arith.constant 0 : i32
      %run_scoped3A_395 = arith.constant 0 : i32
      %run_scoped3A_396 = arith.constant 1 : i32
      "tpu.region"() ({
        %run_scoped3A_626 = tpu.sem_alloc : memref<!tpu.dma_semaphore, #tpu.memory_space<semaphore_mem>>
        %dma_start3A_627 = arith.constant 0 : i32
        %dma_start3A_628 = arith.constant 0 : i32
        %dma_start3A_629 = tpu.memref_slice %arg8[%run_scoped3A_394, %dma_start3A_627, %dma_start3A_628] : memref<2x1024x8xf32, #tpu.memory_space<vmem>> -> memref<1x1024x8xf32, #tpu.memory_space<vmem>>
        %dma_start3A_630 = tpu.memref_squeeze %dma_start3A_629 : memref<1x1024x8xf32, #tpu.memory_space<vmem>> -> memref<1024x8xf32, #tpu.memory_space<vmem>>
        %dma_start3A_631 = arith.constant 128 : i32
        %dma_start3A_632 = arith.constant 0 : i32
        %dma_start3A_633 = tpu.memref_slice %dma_start3A_630[%dma_start3A_631, %dma_start3A_632] : memref<1024x8xf32, #tpu.memory_space<vmem>> -> memref<128x8xf32, #tpu.memory_space<vmem>>
        %dma_start3A_634 = arith.constant 0 : i32
        %dma_start3A_635 = arith.constant 0 : i32
        %dma_start3A_636 = tpu.memref_slice %arg7[%run_scoped3A_395, %dma_start3A_634, %dma_start3A_635] : memref<2x8x128xi32, #tpu.memory_space<vmem>> -> memref<1x8x128xi32, #tpu.memory_space<vmem>>
        %dma_start3A_637 = tpu.memref_squeeze %dma_start3A_636 : memref<1x8x128xi32, #tpu.memory_space<vmem>> -> memref<8x128xi32, #tpu.memory_space<vmem>>
        %dma_start3A_638 = arith.constant 0 : i32
        %dma_start3A_639 = tpu.memref_slice %dma_start3A_637[%run_scoped3A_396, %dma_start3A_638] : memref<8x128xi32, #tpu.memory_space<vmem>> -> memref<1x128xi32, #tpu.memory_space<vmem>>
        %dma_start3A_640 = tpu.memref_squeeze %dma_start3A_639 : memref<1x128xi32, #tpu.memory_space<vmem>> -> memref<128xi32, #tpu.memory_space<vmem>>
        %dma_start3A_641 = arith.constant 0 : i32
        %dma_start3A_642 = arith.constant 0 : i32
        %dma_start3A_643 = tpu.memref_slice %arg9[%dma_start3A_641, %dma_start3A_642] : memref<10112x8xf32, #tpu.memory_space<vmem_shared>> -> memref<10112x8xf32, #tpu.memory_space<vmem_shared>>
        tpu.enqueue_indirect_dma source(%dma_start3A_633 : memref<128x8xf32, #tpu.memory_space<vmem>>) target(%dma_start3A_643 : memref<10112x8xf32, #tpu.memory_space<vmem_shared>>) offsets(%dma_start3A_640 : memref<128xi32, #tpu.memory_space<vmem>>) semaphore(%run_scoped3A_626 : memref<!tpu.dma_semaphore, #tpu.memory_space<semaphore_mem>>) {add = true}
        %dma_wait3A_644 = arith.constant 0 : i32
        %dma_wait3A_645 = arith.constant 0 : i32
        %dma_wait3A_646 = tpu.memref_slice %arg8[%run_scoped3A_394, %dma_wait3A_644, %dma_wait3A_645] : memref<2x1024x8xf32, #tpu.memory_space<vmem>> -> memref<1x1024x8xf32, #tpu.memory_space<vmem>>
        %dma_wait3A_647 = tpu.memref_squeeze %dma_wait3A_646 : memref<1x1024x8xf32, #tpu.memory_space<vmem>> -> memref<1024x8xf32, #tpu.memory_space<vmem>>
        %dma_wait3A_648 = arith.constant 128 : i32
        %dma_wait3A_649 = arith.constant 0 : i32
        %dma_wait3A_650 = tpu.memref_slice %dma_wait3A_647[%dma_wait3A_648, %dma_wait3A_649] : memref<1024x8xf32, #tpu.memory_space<vmem>> -> memref<128x8xf32, #tpu.memory_space<vmem>>
        %dma_wait3A_651 = arith.constant 0 : i32
        %dma_wait3A_652 = arith.constant 0 : i32
        %dma_wait3A_653 = tpu.memref_slice %arg7[%run_scoped3A_395, %dma_wait3A_651, %dma_wait3A_652] : memref<2x8x128xi32, #tpu.memory_space<vmem>> -> memref<1x8x128xi32, #tpu.memory_space<vmem>>
        %dma_wait3A_654 = tpu.memref_squeeze %dma_wait3A_653 : memref<1x8x128xi32, #tpu.memory_space<vmem>> -> memref<8x128xi32, #tpu.memory_space<vmem>>
        %dma_wait3A_655 = arith.constant 0 : i32
        %dma_wait3A_656 = tpu.memref_slice %dma_wait3A_654[%run_scoped3A_396, %dma_wait3A_655] : memref<8x128xi32, #tpu.memory_space<vmem>> -> memref<1x128xi32, #tpu.memory_space<vmem>>
        %dma_wait3A_657 = tpu.memref_squeeze %dma_wait3A_656 : memref<1x128xi32, #tpu.memory_space<vmem>> -> memref<128xi32, #tpu.memory_space<vmem>>
        %dma_wait3A_658 = arith.constant 0 : i32
        %dma_wait3A_659 = arith.constant 0 : i32
        %dma_wait3A_660 = tpu.memref_slice %arg9[%dma_wait3A_658, %dma_wait3A_659] : memref<10112x8xf32, #tpu.memory_space<vmem_shared>> -> memref<10112x8xf32, #tpu.memory_space<vmem_shared>>
        tpu.wait_indirect_dma semaphore(%run_scoped3A_626 : memref<!tpu.dma_semaphore, #tpu.memory_space<semaphore_mem>>) src(%dma_wait3A_650 : memref<128x8xf32, #tpu.memory_space<vmem>>) dst(%dma_wait3A_660 : memref<10112x8xf32, #tpu.memory_space<vmem_shared>>)
        tpu.yield
      }) : () -> ()
      %run_scoped3A_397 = arith.constant 0 : i32
      %run_scoped3A_398 = arith.constant 0 : i32
      %run_scoped3A_399 = arith.constant 2 : i32
      "tpu.region"() ({
        %run_scoped3A_626 = tpu.sem_alloc : memref<!tpu.dma_semaphore, #tpu.memory_space<semaphore_mem>>
        %dma_start3A_627 = arith.constant 0 : i32
        %dma_start3A_628 = arith.constant 0 : i32
        %dma_start3A_629 = tpu.memref_slice %arg8[%run_scoped3A_397, %dma_start3A_627, %dma_start3A_628] : memref<2x1024x8xf32, #tpu.memory_space<vmem>> -> memref<1x1024x8xf32, #tpu.memory_space<vmem>>
        %dma_start3A_630 = tpu.memref_squeeze %dma_start3A_629 : memref<1x1024x8xf32, #tpu.memory_space<vmem>> -> memref<1024x8xf32, #tpu.memory_space<vmem>>
        %dma_start3A_631 = arith.constant 256 : i32
        %dma_start3A_632 = arith.constant 0 : i32
        %dma_start3A_633 = tpu.memref_slice %dma_start3A_630[%dma_start3A_631, %dma_start3A_632] : memref<1024x8xf32, #tpu.memory_space<vmem>> -> memref<128x8xf32, #tpu.memory_space<vmem>>
        %dma_start3A_634 = arith.constant 0 : i32
        %dma_start3A_635 = arith.constant 0 : i32
        %dma_start3A_636 = tpu.memref_slice %arg7[%run_scoped3A_398, %dma_start3A_634, %dma_start3A_635] : memref<2x8x128xi32, #tpu.memory_space<vmem>> -> memref<1x8x128xi32, #tpu.memory_space<vmem>>
        %dma_start3A_637 = tpu.memref_squeeze %dma_start3A_636 : memref<1x8x128xi32, #tpu.memory_space<vmem>> -> memref<8x128xi32, #tpu.memory_space<vmem>>
        %dma_start3A_638 = arith.constant 0 : i32
        %dma_start3A_639 = tpu.memref_slice %dma_start3A_637[%run_scoped3A_399, %dma_start3A_638] : memref<8x128xi32, #tpu.memory_space<vmem>> -> memref<1x128xi32, #tpu.memory_space<vmem>>
        %dma_start3A_640 = tpu.memref_squeeze %dma_start3A_639 : memref<1x128xi32, #tpu.memory_space<vmem>> -> memref<128xi32, #tpu.memory_space<vmem>>
        %dma_start3A_641 = arith.constant 0 : i32
        %dma_start3A_642 = arith.constant 0 : i32
        %dma_start3A_643 = tpu.memref_slice %arg9[%dma_start3A_641, %dma_start3A_642] : memref<10112x8xf32, #tpu.memory_space<vmem_shared>> -> memref<10112x8xf32, #tpu.memory_space<vmem_shared>>
        tpu.enqueue_indirect_dma source(%dma_start3A_633 : memref<128x8xf32, #tpu.memory_space<vmem>>) target(%dma_start3A_643 : memref<10112x8xf32, #tpu.memory_space<vmem_shared>>) offsets(%dma_start3A_640 : memref<128xi32, #tpu.memory_space<vmem>>) semaphore(%run_scoped3A_626 : memref<!tpu.dma_semaphore, #tpu.memory_space<semaphore_mem>>) {add = true}
        %dma_wait3A_644 = arith.constant 0 : i32
        %dma_wait3A_645 = arith.constant 0 : i32
        %dma_wait3A_646 = tpu.memref_slice %arg8[%run_scoped3A_397, %dma_wait3A_644, %dma_wait3A_645] : memref<2x1024x8xf32, #tpu.memory_space<vmem>> -> memref<1x1024x8xf32, #tpu.memory_space<vmem>>
        %dma_wait3A_647 = tpu.memref_squeeze %dma_wait3A_646 : memref<1x1024x8xf32, #tpu.memory_space<vmem>> -> memref<1024x8xf32, #tpu.memory_space<vmem>>
        %dma_wait3A_648 = arith.constant 256 : i32
        %dma_wait3A_649 = arith.constant 0 : i32
        %dma_wait3A_650 = tpu.memref_slice %dma_wait3A_647[%dma_wait3A_648, %dma_wait3A_649] : memref<1024x8xf32, #tpu.memory_space<vmem>> -> memref<128x8xf32, #tpu.memory_space<vmem>>
        %dma_wait3A_651 = arith.constant 0 : i32
        %dma_wait3A_652 = arith.constant 0 : i32
        %dma_wait3A_653 = tpu.memref_slice %arg7[%run_scoped3A_398, %dma_wait3A_651, %dma_wait3A_652] : memref<2x8x128xi32, #tpu.memory_space<vmem>> -> memref<1x8x128xi32, #tpu.memory_space<vmem>>
        %dma_wait3A_654 = tpu.memref_squeeze %dma_wait3A_653 : memref<1x8x128xi32, #tpu.memory_space<vmem>> -> memref<8x128xi32, #tpu.memory_space<vmem>>
        %dma_wait3A_655 = arith.constant 0 : i32
        %dma_wait3A_656 = tpu.memref_slice %dma_wait3A_654[%run_scoped3A_399, %dma_wait3A_655] : memref<8x128xi32, #tpu.memory_space<vmem>> -> memref<1x128xi32, #tpu.memory_space<vmem>>
        %dma_wait3A_657 = tpu.memref_squeeze %dma_wait3A_656 : memref<1x128xi32, #tpu.memory_space<vmem>> -> memref<128xi32, #tpu.memory_space<vmem>>
        %dma_wait3A_658 = arith.constant 0 : i32
        %dma_wait3A_659 = arith.constant 0 : i32
        %dma_wait3A_660 = tpu.memref_slice %arg9[%dma_wait3A_658, %dma_wait3A_659] : memref<10112x8xf32, #tpu.memory_space<vmem_shared>> -> memref<10112x8xf32, #tpu.memory_space<vmem_shared>>
        tpu.wait_indirect_dma semaphore(%run_scoped3A_626 : memref<!tpu.dma_semaphore, #tpu.memory_space<semaphore_mem>>) src(%dma_wait3A_650 : memref<128x8xf32, #tpu.memory_space<vmem>>) dst(%dma_wait3A_660 : memref<10112x8xf32, #tpu.memory_space<vmem_shared>>)
        tpu.yield
      }) : () -> ()
      %run_scoped3A_400 = arith.constant 0 : i32
      %run_scoped3A_401 = arith.constant 0 : i32
      %run_scoped3A_402 = arith.constant 3 : i32
      "tpu.region"() ({
        %run_scoped3A_626 = tpu.sem_alloc : memref<!tpu.dma_semaphore, #tpu.memory_space<semaphore_mem>>
        %dma_start3A_627 = arith.constant 0 : i32
        %dma_start3A_628 = arith.constant 0 : i32
        %dma_start3A_629 = tpu.memref_slice %arg8[%run_scoped3A_400, %dma_start3A_627, %dma_start3A_628] : memref<2x1024x8xf32, #tpu.memory_space<vmem>> -> memref<1x1024x8xf32, #tpu.memory_space<vmem>>
        %dma_start3A_630 = tpu.memref_squeeze %dma_start3A_629 : memref<1x1024x8xf32, #tpu.memory_space<vmem>> -> memref<1024x8xf32, #tpu.memory_space<vmem>>
        %dma_start3A_631 = arith.constant 384 : i32
        %dma_start3A_632 = arith.constant 0 : i32
        %dma_start3A_633 = tpu.memref_slice %dma_start3A_630[%dma_start3A_631, %dma_start3A_632] : memref<1024x8xf32, #tpu.memory_space<vmem>> -> memref<128x8xf32, #tpu.memory_space<vmem>>
        %dma_start3A_634 = arith.constant 0 : i32
        %dma_start3A_635 = arith.constant 0 : i32
        %dma_start3A_636 = tpu.memref_slice %arg7[%run_scoped3A_401, %dma_start3A_634, %dma_start3A_635] : memref<2x8x128xi32, #tpu.memory_space<vmem>> -> memref<1x8x128xi32, #tpu.memory_space<vmem>>
        %dma_start3A_637 = tpu.memref_squeeze %dma_start3A_636 : memref<1x8x128xi32, #tpu.memory_space<vmem>> -> memref<8x128xi32, #tpu.memory_space<vmem>>
        %dma_start3A_638 = arith.constant 0 : i32
        %dma_start3A_639 = tpu.memref_slice %dma_start3A_637[%run_scoped3A_402, %dma_start3A_638] : memref<8x128xi32, #tpu.memory_space<vmem>> -> memref<1x128xi32, #tpu.memory_space<vmem>>
        %dma_start3A_640 = tpu.memref_squeeze %dma_start3A_639 : memref<1x128xi32, #tpu.memory_space<vmem>> -> memref<128xi32, #tpu.memory_space<vmem>>
        %dma_start3A_641 = arith.constant 0 : i32
        %dma_start3A_642 = arith.constant 0 : i32
        %dma_start3A_643 = tpu.memref_slice %arg9[%dma_start3A_641, %dma_start3A_642] : memref<10112x8xf32, #tpu.memory_space<vmem_shared>> -> memref<10112x8xf32, #tpu.memory_space<vmem_shared>>
        tpu.enqueue_indirect_dma source(%dma_start3A_633 : memref<128x8xf32, #tpu.memory_space<vmem>>) target(%dma_start3A_643 : memref<10112x8xf32, #tpu.memory_space<vmem_shared>>) offsets(%dma_start3A_640 : memref<128xi32, #tpu.memory_space<vmem>>) semaphore(%run_scoped3A_626 : memref<!tpu.dma_semaphore, #tpu.memory_space<semaphore_mem>>) {add = true}
        %dma_wait3A_644 = arith.constant 0 : i32
        %dma_wait3A_645 = arith.constant 0 : i32
        %dma_wait3A_646 = tpu.memref_slice %arg8[%run_scoped3A_400, %dma_wait3A_644, %dma_wait3A_645] : memref<2x1024x8xf32, #tpu.memory_space<vmem>> -> memref<1x1024x8xf32, #tpu.memory_space<vmem>>
        %dma_wait3A_647 = tpu.memref_squeeze %dma_wait3A_646 : memref<1x1024x8xf32, #tpu.memory_space<vmem>> -> memref<1024x8xf32, #tpu.memory_space<vmem>>
        %dma_wait3A_648 = arith.constant 384 : i32
        %dma_wait3A_649 = arith.constant 0 : i32
        %dma_wait3A_650 = tpu.memref_slice %dma_wait3A_647[%dma_wait3A_648, %dma_wait3A_649] : memref<1024x8xf32, #tpu.memory_space<vmem>> -> memref<128x8xf32, #tpu.memory_space<vmem>>
        %dma_wait3A_651 = arith.constant 0 : i32
        %dma_wait3A_652 = arith.constant 0 : i32
        %dma_wait3A_653 = tpu.memref_slice %arg7[%run_scoped3A_401, %dma_wait3A_651, %dma_wait3A_652] : memref<2x8x128xi32, #tpu.memory_space<vmem>> -> memref<1x8x128xi32, #tpu.memory_space<vmem>>
        %dma_wait3A_654 = tpu.memref_squeeze %dma_wait3A_653 : memref<1x8x128xi32, #tpu.memory_space<vmem>> -> memref<8x128xi32, #tpu.memory_space<vmem>>
        %dma_wait3A_655 = arith.constant 0 : i32
        %dma_wait3A_656 = tpu.memref_slice %dma_wait3A_654[%run_scoped3A_402, %dma_wait3A_655] : memref<8x128xi32, #tpu.memory_space<vmem>> -> memref<1x128xi32, #tpu.memory_space<vmem>>
        %dma_wait3A_657 = tpu.memref_squeeze %dma_wait3A_656 : memref<1x128xi32, #tpu.memory_space<vmem>> -> memref<128xi32, #tpu.memory_space<vmem>>
        %dma_wait3A_658 = arith.constant 0 : i32
        %dma_wait3A_659 = arith.constant 0 : i32
        %dma_wait3A_660 = tpu.memref_slice %arg9[%dma_wait3A_658, %dma_wait3A_659] : memref<10112x8xf32, #tpu.memory_space<vmem_shared>> -> memref<10112x8xf32, #tpu.memory_space<vmem_shared>>
        tpu.wait_indirect_dma semaphore(%run_scoped3A_626 : memref<!tpu.dma_semaphore, #tpu.memory_space<semaphore_mem>>) src(%dma_wait3A_650 : memref<128x8xf32, #tpu.memory_space<vmem>>) dst(%dma_wait3A_660 : memref<10112x8xf32, #tpu.memory_space<vmem_shared>>)
        tpu.yield
      }) : () -> ()
      %run_scoped3A_403 = arith.constant 0 : i32
      %run_scoped3A_404 = arith.constant 0 : i32
      %run_scoped3A_405 = arith.constant 4 : i32
      "tpu.region"() ({
        %run_scoped3A_626 = tpu.sem_alloc : memref<!tpu.dma_semaphore, #tpu.memory_space<semaphore_mem>>
        %dma_start3A_627 = arith.constant 0 : i32
        %dma_start3A_628 = arith.constant 0 : i32
        %dma_start3A_629 = tpu.memref_slice %arg8[%run_scoped3A_403, %dma_start3A_627, %dma_start3A_628] : memref<2x1024x8xf32, #tpu.memory_space<vmem>> -> memref<1x1024x8xf32, #tpu.memory_space<vmem>>
        %dma_start3A_630 = tpu.memref_squeeze %dma_start3A_629 : memref<1x1024x8xf32, #tpu.memory_space<vmem>> -> memref<1024x8xf32, #tpu.memory_space<vmem>>
        %dma_start3A_631 = arith.constant 512 : i32
        %dma_start3A_632 = arith.constant 0 : i32
        %dma_start3A_633 = tpu.memref_slice %dma_start3A_630[%dma_start3A_631, %dma_start3A_632] : memref<1024x8xf32, #tpu.memory_space<vmem>> -> memref<128x8xf32, #tpu.memory_space<vmem>>
        %dma_start3A_634 = arith.constant 0 : i32
        %dma_start3A_635 = arith.constant 0 : i32
        %dma_start3A_636 = tpu.memref_slice %arg7[%run_scoped3A_404, %dma_start3A_634, %dma_start3A_635] : memref<2x8x128xi32, #tpu.memory_space<vmem>> -> memref<1x8x128xi32, #tpu.memory_space<vmem>>
        %dma_start3A_637 = tpu.memref_squeeze %dma_start3A_636 : memref<1x8x128xi32, #tpu.memory_space<vmem>> -> memref<8x128xi32, #tpu.memory_space<vmem>>
        %dma_start3A_638 = arith.constant 0 : i32
        %dma_start3A_639 = tpu.memref_slice %dma_start3A_637[%run_scoped3A_405, %dma_start3A_638] : memref<8x128xi32, #tpu.memory_space<vmem>> -> memref<1x128xi32, #tpu.memory_space<vmem>>
        %dma_start3A_640 = tpu.memref_squeeze %dma_start3A_639 : memref<1x128xi32, #tpu.memory_space<vmem>> -> memref<128xi32, #tpu.memory_space<vmem>>
        %dma_start3A_641 = arith.constant 0 : i32
        %dma_start3A_642 = arith.constant 0 : i32
        %dma_start3A_643 = tpu.memref_slice %arg9[%dma_start3A_641, %dma_start3A_642] : memref<10112x8xf32, #tpu.memory_space<vmem_shared>> -> memref<10112x8xf32, #tpu.memory_space<vmem_shared>>
        tpu.enqueue_indirect_dma source(%dma_start3A_633 : memref<128x8xf32, #tpu.memory_space<vmem>>) target(%dma_start3A_643 : memref<10112x8xf32, #tpu.memory_space<vmem_shared>>) offsets(%dma_start3A_640 : memref<128xi32, #tpu.memory_space<vmem>>) semaphore(%run_scoped3A_626 : memref<!tpu.dma_semaphore, #tpu.memory_space<semaphore_mem>>) {add = true}
        %dma_wait3A_644 = arith.constant 0 : i32
        %dma_wait3A_645 = arith.constant 0 : i32
        %dma_wait3A_646 = tpu.memref_slice %arg8[%run_scoped3A_403, %dma_wait3A_644, %dma_wait3A_645] : memref<2x1024x8xf32, #tpu.memory_space<vmem>> -> memref<1x1024x8xf32, #tpu.memory_space<vmem>>
        %dma_wait3A_647 = tpu.memref_squeeze %dma_wait3A_646 : memref<1x1024x8xf32, #tpu.memory_space<vmem>> -> memref<1024x8xf32, #tpu.memory_space<vmem>>
        %dma_wait3A_648 = arith.constant 512 : i32
        %dma_wait3A_649 = arith.constant 0 : i32
        %dma_wait3A_650 = tpu.memref_slice %dma_wait3A_647[%dma_wait3A_648, %dma_wait3A_649] : memref<1024x8xf32, #tpu.memory_space<vmem>> -> memref<128x8xf32, #tpu.memory_space<vmem>>
        %dma_wait3A_651 = arith.constant 0 : i32
        %dma_wait3A_652 = arith.constant 0 : i32
        %dma_wait3A_653 = tpu.memref_slice %arg7[%run_scoped3A_404, %dma_wait3A_651, %dma_wait3A_652] : memref<2x8x128xi32, #tpu.memory_space<vmem>> -> memref<1x8x128xi32, #tpu.memory_space<vmem>>
        %dma_wait3A_654 = tpu.memref_squeeze %dma_wait3A_653 : memref<1x8x128xi32, #tpu.memory_space<vmem>> -> memref<8x128xi32, #tpu.memory_space<vmem>>
        %dma_wait3A_655 = arith.constant 0 : i32
        %dma_wait3A_656 = tpu.memref_slice %dma_wait3A_654[%run_scoped3A_405, %dma_wait3A_655] : memref<8x128xi32, #tpu.memory_space<vmem>> -> memref<1x128xi32, #tpu.memory_space<vmem>>
        %dma_wait3A_657 = tpu.memref_squeeze %dma_wait3A_656 : memref<1x128xi32, #tpu.memory_space<vmem>> -> memref<128xi32, #tpu.memory_space<vmem>>
        %dma_wait3A_658 = arith.constant 0 : i32
        %dma_wait3A_659 = arith.constant 0 : i32
        %dma_wait3A_660 = tpu.memref_slice %arg9[%dma_wait3A_658, %dma_wait3A_659] : memref<10112x8xf32, #tpu.memory_space<vmem_shared>> -> memref<10112x8xf32, #tpu.memory_space<vmem_shared>>
        tpu.wait_indirect_dma semaphore(%run_scoped3A_626 : memref<!tpu.dma_semaphore, #tpu.memory_space<semaphore_mem>>) src(%dma_wait3A_650 : memref<128x8xf32, #tpu.memory_space<vmem>>) dst(%dma_wait3A_660 : memref<10112x8xf32, #tpu.memory_space<vmem_shared>>)
        tpu.yield
      }) : () -> ()
      %run_scoped3A_406 = arith.constant 0 : i32
      %run_scoped3A_407 = arith.constant 0 : i32
      %run_scoped3A_408 = arith.constant 5 : i32
      "tpu.region"() ({
        %run_scoped3A_626 = tpu.sem_alloc : memref<!tpu.dma_semaphore, #tpu.memory_space<semaphore_mem>>
        %dma_start3A_627 = arith.constant 0 : i32
        %dma_start3A_628 = arith.constant 0 : i32
        %dma_start3A_629 = tpu.memref_slice %arg8[%run_scoped3A_406, %dma_start3A_627, %dma_start3A_628] : memref<2x1024x8xf32, #tpu.memory_space<vmem>> -> memref<1x1024x8xf32, #tpu.memory_space<vmem>>
        %dma_start3A_630 = tpu.memref_squeeze %dma_start3A_629 : memref<1x1024x8xf32, #tpu.memory_space<vmem>> -> memref<1024x8xf32, #tpu.memory_space<vmem>>
        %dma_start3A_631 = arith.constant 640 : i32
        %dma_start3A_632 = arith.constant 0 : i32
        %dma_start3A_633 = tpu.memref_slice %dma_start3A_630[%dma_start3A_631, %dma_start3A_632] : memref<1024x8xf32, #tpu.memory_space<vmem>> -> memref<128x8xf32, #tpu.memory_space<vmem>>
        %dma_start3A_634 = arith.constant 0 : i32
        %dma_start3A_635 = arith.constant 0 : i32
        %dma_start3A_636 = tpu.memref_slice %arg7[%run_scoped3A_407, %dma_start3A_634, %dma_start3A_635] : memref<2x8x128xi32, #tpu.memory_space<vmem>> -> memref<1x8x128xi32, #tpu.memory_space<vmem>>
        %dma_start3A_637 = tpu.memref_squeeze %dma_start3A_636 : memref<1x8x128xi32, #tpu.memory_space<vmem>> -> memref<8x128xi32, #tpu.memory_space<vmem>>
        %dma_start3A_638 = arith.constant 0 : i32
        %dma_start3A_639 = tpu.memref_slice %dma_start3A_637[%run_scoped3A_408, %dma_start3A_638] : memref<8x128xi32, #tpu.memory_space<vmem>> -> memref<1x128xi32, #tpu.memory_space<vmem>>
        %dma_start3A_640 = tpu.memref_squeeze %dma_start3A_639 : memref<1x128xi32, #tpu.memory_space<vmem>> -> memref<128xi32, #tpu.memory_space<vmem>>
        %dma_start3A_641 = arith.constant 0 : i32
        %dma_start3A_642 = arith.constant 0 : i32
        %dma_start3A_643 = tpu.memref_slice %arg9[%dma_start3A_641, %dma_start3A_642] : memref<10112x8xf32, #tpu.memory_space<vmem_shared>> -> memref<10112x8xf32, #tpu.memory_space<vmem_shared>>
        tpu.enqueue_indirect_dma source(%dma_start3A_633 : memref<128x8xf32, #tpu.memory_space<vmem>>) target(%dma_start3A_643 : memref<10112x8xf32, #tpu.memory_space<vmem_shared>>) offsets(%dma_start3A_640 : memref<128xi32, #tpu.memory_space<vmem>>) semaphore(%run_scoped3A_626 : memref<!tpu.dma_semaphore, #tpu.memory_space<semaphore_mem>>) {add = true}
        %dma_wait3A_644 = arith.constant 0 : i32
        %dma_wait3A_645 = arith.constant 0 : i32
        %dma_wait3A_646 = tpu.memref_slice %arg8[%run_scoped3A_406, %dma_wait3A_644, %dma_wait3A_645] : memref<2x1024x8xf32, #tpu.memory_space<vmem>> -> memref<1x1024x8xf32, #tpu.memory_space<vmem>>
        %dma_wait3A_647 = tpu.memref_squeeze %dma_wait3A_646 : memref<1x1024x8xf32, #tpu.memory_space<vmem>> -> memref<1024x8xf32, #tpu.memory_space<vmem>>
        %dma_wait3A_648 = arith.constant 640 : i32
        %dma_wait3A_649 = arith.constant 0 : i32
        %dma_wait3A_650 = tpu.memref_slice %dma_wait3A_647[%dma_wait3A_648, %dma_wait3A_649] : memref<1024x8xf32, #tpu.memory_space<vmem>> -> memref<128x8xf32, #tpu.memory_space<vmem>>
        %dma_wait3A_651 = arith.constant 0 : i32
        %dma_wait3A_652 = arith.constant 0 : i32
        %dma_wait3A_653 = tpu.memref_slice %arg7[%run_scoped3A_407, %dma_wait3A_651, %dma_wait3A_652] : memref<2x8x128xi32, #tpu.memory_space<vmem>> -> memref<1x8x128xi32, #tpu.memory_space<vmem>>
        %dma_wait3A_654 = tpu.memref_squeeze %dma_wait3A_653 : memref<1x8x128xi32, #tpu.memory_space<vmem>> -> memref<8x128xi32, #tpu.memory_space<vmem>>
        %dma_wait3A_655 = arith.constant 0 : i32
        %dma_wait3A_656 = tpu.memref_slice %dma_wait3A_654[%run_scoped3A_408, %dma_wait3A_655] : memref<8x128xi32, #tpu.memory_space<vmem>> -> memref<1x128xi32, #tpu.memory_space<vmem>>
        %dma_wait3A_657 = tpu.memref_squeeze %dma_wait3A_656 : memref<1x128xi32, #tpu.memory_space<vmem>> -> memref<128xi32, #tpu.memory_space<vmem>>
        %dma_wait3A_658 = arith.constant 0 : i32
        %dma_wait3A_659 = arith.constant 0 : i32
        %dma_wait3A_660 = tpu.memref_slice %arg9[%dma_wait3A_658, %dma_wait3A_659] : memref<10112x8xf32, #tpu.memory_space<vmem_shared>> -> memref<10112x8xf32, #tpu.memory_space<vmem_shared>>
        tpu.wait_indirect_dma semaphore(%run_scoped3A_626 : memref<!tpu.dma_semaphore, #tpu.memory_space<semaphore_mem>>) src(%dma_wait3A_650 : memref<128x8xf32, #tpu.memory_space<vmem>>) dst(%dma_wait3A_660 : memref<10112x8xf32, #tpu.memory_space<vmem_shared>>)
        tpu.yield
      }) : () -> ()
      %run_scoped3A_409 = arith.constant 0 : i32
      %run_scoped3A_410 = arith.constant 0 : i32
      %run_scoped3A_411 = arith.constant 6 : i32
      "tpu.region"() ({
        %run_scoped3A_626 = tpu.sem_alloc : memref<!tpu.dma_semaphore, #tpu.memory_space<semaphore_mem>>
        %dma_start3A_627 = arith.constant 0 : i32
        %dma_start3A_628 = arith.constant 0 : i32
        %dma_start3A_629 = tpu.memref_slice %arg8[%run_scoped3A_409, %dma_start3A_627, %dma_start3A_628] : memref<2x1024x8xf32, #tpu.memory_space<vmem>> -> memref<1x1024x8xf32, #tpu.memory_space<vmem>>
        %dma_start3A_630 = tpu.memref_squeeze %dma_start3A_629 : memref<1x1024x8xf32, #tpu.memory_space<vmem>> -> memref<1024x8xf32, #tpu.memory_space<vmem>>
        %dma_start3A_631 = arith.constant 768 : i32
        %dma_start3A_632 = arith.constant 0 : i32
        %dma_start3A_633 = tpu.memref_slice %dma_start3A_630[%dma_start3A_631, %dma_start3A_632] : memref<1024x8xf32, #tpu.memory_space<vmem>> -> memref<128x8xf32, #tpu.memory_space<vmem>>
        %dma_start3A_634 = arith.constant 0 : i32
        %dma_start3A_635 = arith.constant 0 : i32
        %dma_start3A_636 = tpu.memref_slice %arg7[%run_scoped3A_410, %dma_start3A_634, %dma_start3A_635] : memref<2x8x128xi32, #tpu.memory_space<vmem>> -> memref<1x8x128xi32, #tpu.memory_space<vmem>>
        %dma_start3A_637 = tpu.memref_squeeze %dma_start3A_636 : memref<1x8x128xi32, #tpu.memory_space<vmem>> -> memref<8x128xi32, #tpu.memory_space<vmem>>
        %dma_start3A_638 = arith.constant 0 : i32
        %dma_start3A_639 = tpu.memref_slice %dma_start3A_637[%run_scoped3A_411, %dma_start3A_638] : memref<8x128xi32, #tpu.memory_space<vmem>> -> memref<1x128xi32, #tpu.memory_space<vmem>>
        %dma_start3A_640 = tpu.memref_squeeze %dma_start3A_639 : memref<1x128xi32, #tpu.memory_space<vmem>> -> memref<128xi32, #tpu.memory_space<vmem>>
        %dma_start3A_641 = arith.constant 0 : i32
        %dma_start3A_642 = arith.constant 0 : i32
        %dma_start3A_643 = tpu.memref_slice %arg9[%dma_start3A_641, %dma_start3A_642] : memref<10112x8xf32, #tpu.memory_space<vmem_shared>> -> memref<10112x8xf32, #tpu.memory_space<vmem_shared>>
        tpu.enqueue_indirect_dma source(%dma_start3A_633 : memref<128x8xf32, #tpu.memory_space<vmem>>) target(%dma_start3A_643 : memref<10112x8xf32, #tpu.memory_space<vmem_shared>>) offsets(%dma_start3A_640 : memref<128xi32, #tpu.memory_space<vmem>>) semaphore(%run_scoped3A_626 : memref<!tpu.dma_semaphore, #tpu.memory_space<semaphore_mem>>) {add = true}
        %dma_wait3A_644 = arith.constant 0 : i32
        %dma_wait3A_645 = arith.constant 0 : i32
        %dma_wait3A_646 = tpu.memref_slice %arg8[%run_scoped3A_409, %dma_wait3A_644, %dma_wait3A_645] : memref<2x1024x8xf32, #tpu.memory_space<vmem>> -> memref<1x1024x8xf32, #tpu.memory_space<vmem>>
        %dma_wait3A_647 = tpu.memref_squeeze %dma_wait3A_646 : memref<1x1024x8xf32, #tpu.memory_space<vmem>> -> memref<1024x8xf32, #tpu.memory_space<vmem>>
        %dma_wait3A_648 = arith.constant 768 : i32
        %dma_wait3A_649 = arith.constant 0 : i32
        %dma_wait3A_650 = tpu.memref_slice %dma_wait3A_647[%dma_wait3A_648, %dma_wait3A_649] : memref<1024x8xf32, #tpu.memory_space<vmem>> -> memref<128x8xf32, #tpu.memory_space<vmem>>
        %dma_wait3A_651 = arith.constant 0 : i32
        %dma_wait3A_652 = arith.constant 0 : i32
        %dma_wait3A_653 = tpu.memref_slice %arg7[%run_scoped3A_410, %dma_wait3A_651, %dma_wait3A_652] : memref<2x8x128xi32, #tpu.memory_space<vmem>> -> memref<1x8x128xi32, #tpu.memory_space<vmem>>
        %dma_wait3A_654 = tpu.memref_squeeze %dma_wait3A_653 : memref<1x8x128xi32, #tpu.memory_space<vmem>> -> memref<8x128xi32, #tpu.memory_space<vmem>>
        %dma_wait3A_655 = arith.constant 0 : i32
        %dma_wait3A_656 = tpu.memref_slice %dma_wait3A_654[%run_scoped3A_411, %dma_wait3A_655] : memref<8x128xi32, #tpu.memory_space<vmem>> -> memref<1x128xi32, #tpu.memory_space<vmem>>
        %dma_wait3A_657 = tpu.memref_squeeze %dma_wait3A_656 : memref<1x128xi32, #tpu.memory_space<vmem>> -> memref<128xi32, #tpu.memory_space<vmem>>
        %dma_wait3A_658 = arith.constant 0 : i32
        %dma_wait3A_659 = arith.constant 0 : i32
        %dma_wait3A_660 = tpu.memref_slice %arg9[%dma_wait3A_658, %dma_wait3A_659] : memref<10112x8xf32, #tpu.memory_space<vmem_shared>> -> memref<10112x8xf32, #tpu.memory_space<vmem_shared>>
        tpu.wait_indirect_dma semaphore(%run_scoped3A_626 : memref<!tpu.dma_semaphore, #tpu.memory_space<semaphore_mem>>) src(%dma_wait3A_650 : memref<128x8xf32, #tpu.memory_space<vmem>>) dst(%dma_wait3A_660 : memref<10112x8xf32, #tpu.memory_space<vmem_shared>>)
        tpu.yield
      }) : () -> ()
      %run_scoped3A_412 = arith.constant 0 : i32
      %run_scoped3A_413 = arith.constant 0 : i32
      %run_scoped3A_414 = arith.constant 7 : i32
      "tpu.region"() ({
        %run_scoped3A_626 = tpu.sem_alloc : memref<!tpu.dma_semaphore, #tpu.memory_space<semaphore_mem>>
        %dma_start3A_627 = arith.constant 0 : i32
        %dma_start3A_628 = arith.constant 0 : i32
        %dma_start3A_629 = tpu.memref_slice %arg8[%run_scoped3A_412, %dma_start3A_627, %dma_start3A_628] : memref<2x1024x8xf32, #tpu.memory_space<vmem>> -> memref<1x1024x8xf32, #tpu.memory_space<vmem>>
        %dma_start3A_630 = tpu.memref_squeeze %dma_start3A_629 : memref<1x1024x8xf32, #tpu.memory_space<vmem>> -> memref<1024x8xf32, #tpu.memory_space<vmem>>
        %dma_start3A_631 = arith.constant 896 : i32
        %dma_start3A_632 = arith.constant 0 : i32
        %dma_start3A_633 = tpu.memref_slice %dma_start3A_630[%dma_start3A_631, %dma_start3A_632] : memref<1024x8xf32, #tpu.memory_space<vmem>> -> memref<128x8xf32, #tpu.memory_space<vmem>>
        %dma_start3A_634 = arith.constant 0 : i32
        %dma_start3A_635 = arith.constant 0 : i32
        %dma_start3A_636 = tpu.memref_slice %arg7[%run_scoped3A_413, %dma_start3A_634, %dma_start3A_635] : memref<2x8x128xi32, #tpu.memory_space<vmem>> -> memref<1x8x128xi32, #tpu.memory_space<vmem>>
        %dma_start3A_637 = tpu.memref_squeeze %dma_start3A_636 : memref<1x8x128xi32, #tpu.memory_space<vmem>> -> memref<8x128xi32, #tpu.memory_space<vmem>>
        %dma_start3A_638 = arith.constant 0 : i32
        %dma_start3A_639 = tpu.memref_slice %dma_start3A_637[%run_scoped3A_414, %dma_start3A_638] : memref<8x128xi32, #tpu.memory_space<vmem>> -> memref<1x128xi32, #tpu.memory_space<vmem>>
        %dma_start3A_640 = tpu.memref_squeeze %dma_start3A_639 : memref<1x128xi32, #tpu.memory_space<vmem>> -> memref<128xi32, #tpu.memory_space<vmem>>
        %dma_start3A_641 = arith.constant 0 : i32
        %dma_start3A_642 = arith.constant 0 : i32
        %dma_start3A_643 = tpu.memref_slice %arg9[%dma_start3A_641, %dma_start3A_642] : memref<10112x8xf32, #tpu.memory_space<vmem_shared>> -> memref<10112x8xf32, #tpu.memory_space<vmem_shared>>
        tpu.enqueue_indirect_dma source(%dma_start3A_633 : memref<128x8xf32, #tpu.memory_space<vmem>>) target(%dma_start3A_643 : memref<10112x8xf32, #tpu.memory_space<vmem_shared>>) offsets(%dma_start3A_640 : memref<128xi32, #tpu.memory_space<vmem>>) semaphore(%run_scoped3A_626 : memref<!tpu.dma_semaphore, #tpu.memory_space<semaphore_mem>>) {add = true}
        %dma_wait3A_644 = arith.constant 0 : i32
        %dma_wait3A_645 = arith.constant 0 : i32
        %dma_wait3A_646 = tpu.memref_slice %arg8[%run_scoped3A_412, %dma_wait3A_644, %dma_wait3A_645] : memref<2x1024x8xf32, #tpu.memory_space<vmem>> -> memref<1x1024x8xf32, #tpu.memory_space<vmem>>
        %dma_wait3A_647 = tpu.memref_squeeze %dma_wait3A_646 : memref<1x1024x8xf32, #tpu.memory_space<vmem>> -> memref<1024x8xf32, #tpu.memory_space<vmem>>
        %dma_wait3A_648 = arith.constant 896 : i32
        %dma_wait3A_649 = arith.constant 0 : i32
        %dma_wait3A_650 = tpu.memref_slice %dma_wait3A_647[%dma_wait3A_648, %dma_wait3A_649] : memref<1024x8xf32, #tpu.memory_space<vmem>> -> memref<128x8xf32, #tpu.memory_space<vmem>>
        %dma_wait3A_651 = arith.constant 0 : i32
        %dma_wait3A_652 = arith.constant 0 : i32
        %dma_wait3A_653 = tpu.memref_slice %arg7[%run_scoped3A_413, %dma_wait3A_651, %dma_wait3A_652] : memref<2x8x128xi32, #tpu.memory_space<vmem>> -> memref<1x8x128xi32, #tpu.memory_space<vmem>>
        %dma_wait3A_654 = tpu.memref_squeeze %dma_wait3A_653 : memref<1x8x128xi32, #tpu.memory_space<vmem>> -> memref<8x128xi32, #tpu.memory_space<vmem>>
        %dma_wait3A_655 = arith.constant 0 : i32
        %dma_wait3A_656 = tpu.memref_slice %dma_wait3A_654[%run_scoped3A_414, %dma_wait3A_655] : memref<8x128xi32, #tpu.memory_space<vmem>> -> memref<1x128xi32, #tpu.memory_space<vmem>>
        %dma_wait3A_657 = tpu.memref_squeeze %dma_wait3A_656 : memref<1x128xi32, #tpu.memory_space<vmem>> -> memref<128xi32, #tpu.memory_space<vmem>>
        %dma_wait3A_658 = arith.constant 0 : i32
        %dma_wait3A_659 = arith.constant 0 : i32
        %dma_wait3A_660 = tpu.memref_slice %arg9[%dma_wait3A_658, %dma_wait3A_659] : memref<10112x8xf32, #tpu.memory_space<vmem_shared>> -> memref<10112x8xf32, #tpu.memory_space<vmem_shared>>
        tpu.wait_indirect_dma semaphore(%run_scoped3A_626 : memref<!tpu.dma_semaphore, #tpu.memory_space<semaphore_mem>>) src(%dma_wait3A_650 : memref<128x8xf32, #tpu.memory_space<vmem>>) dst(%dma_wait3A_660 : memref<10112x8xf32, #tpu.memory_space<vmem_shared>>)
        tpu.yield
      }) : () -> ()
      %add3A_415 = arith.constant 2 : i32
      %add3A_416 = arith.addi %mul3A_203, %add3A_415 : i32
      %mul3A_417 = arith.constant 8 : i32
      %mul3A_418 = arith.muli %add3A_416, %mul3A_417 : i32
      %add3A_419 = arith.addi %mul3A_2, %mul3A_418 : i32
      %run_scoped3A_420 = arith.constant 0 : i32
      %run_scoped3A_421 = arith.constant 0 : i32
      "tpu.region"() ({
        %run_scoped3A_626 = tpu.sem_alloc : memref<!tpu.dma_semaphore, #tpu.memory_space<semaphore_mem>>
        %dma_start3A_627 = arith.constant 0 : i32
        %dma_start3A_628 = arith.constant 0 : i32
        %dma_start3A_629 = tpu.memref_slice %arg6[%run_scoped3A_421, %dma_start3A_627, %dma_start3A_628] : memref<2x8x128xi32, #tpu.memory_space<vmem>> -> memref<1x8x128xi32, #tpu.memory_space<vmem>>
        %dma_start3A_630 = tpu.memref_squeeze %dma_start3A_629 : memref<1x8x128xi32, #tpu.memory_space<vmem>> -> memref<8x128xi32, #tpu.memory_space<vmem>>
        %dma_start3A_631 = arith.constant 0 : i32
        %dma_start3A_632 = arith.constant 0 : i32
        %dma_start3A_633 = tpu.memref_slice %arg2[%run_scoped3A_420, %dma_start3A_631, %dma_start3A_632] : memref<2x2568x128xi32, #tpu.memory_space<hbm>> -> memref<1x2568x128xi32, #tpu.memory_space<hbm>>
        %dma_start3A_634 = tpu.memref_squeeze %dma_start3A_633 : memref<1x2568x128xi32, #tpu.memory_space<hbm>> -> memref<2568x128xi32, #tpu.memory_space<hbm>>
        %dma_start3A_635 = arith.constant 0 : i32
        %dma_start3A_636 = tpu.memref_slice %dma_start3A_634[%add3A_419, %dma_start3A_635] : memref<2568x128xi32, #tpu.memory_space<hbm>> -> memref<8x128xi32, #tpu.memory_space<hbm>>
        %dma_start3A_637 = arith.constant 0 : i32
        %dma_start3A_638 = arith.constant 0 : i32
        %dma_start3A_639 = tpu.memref_slice %arg6[%run_scoped3A_421, %dma_start3A_637, %dma_start3A_638] : memref<2x8x128xi32, #tpu.memory_space<vmem>> -> memref<1x8x128xi32, #tpu.memory_space<vmem>>
        %dma_start3A_640 = tpu.memref_squeeze %dma_start3A_639 : memref<1x8x128xi32, #tpu.memory_space<vmem>> -> memref<8x128xi32, #tpu.memory_space<vmem>>
        %dma_start3A_641 = arith.constant 0 : i32
        %dma_start3A_642 = arith.constant 0 : i32
        %dma_start3A_643 = tpu.memref_slice %arg2[%run_scoped3A_420, %dma_start3A_641, %dma_start3A_642] : memref<2x2568x128xi32, #tpu.memory_space<hbm>> -> memref<1x2568x128xi32, #tpu.memory_space<hbm>>
        %dma_start3A_644 = tpu.memref_squeeze %dma_start3A_643 : memref<1x2568x128xi32, #tpu.memory_space<hbm>> -> memref<2568x128xi32, #tpu.memory_space<hbm>>
        %dma_start3A_645 = arith.constant 0 : i32
        %dma_start3A_646 = tpu.memref_slice %dma_start3A_644[%add3A_419, %dma_start3A_645] : memref<2568x128xi32, #tpu.memory_space<hbm>> -> memref<8x128xi32, #tpu.memory_space<hbm>>
        tpu.enqueue_dma source(%dma_start3A_646 : memref<8x128xi32, #tpu.memory_space<hbm>>) target(%dma_start3A_640 : memref<8x128xi32, #tpu.memory_space<vmem>>) target_semaphore(%run_scoped3A_626 : memref<!tpu.dma_semaphore, #tpu.memory_space<semaphore_mem>>)
        %dma_wait3A_647 = arith.constant 0 : i32
        %dma_wait3A_648 = arith.constant 0 : i32
        %dma_wait3A_649 = tpu.memref_slice %arg6[%run_scoped3A_421, %dma_wait3A_647, %dma_wait3A_648] : memref<2x8x128xi32, #tpu.memory_space<vmem>> -> memref<1x8x128xi32, #tpu.memory_space<vmem>>
        %dma_wait3A_650 = tpu.memref_squeeze %dma_wait3A_649 : memref<1x8x128xi32, #tpu.memory_space<vmem>> -> memref<8x128xi32, #tpu.memory_space<vmem>>
        %dma_wait3A_651 = arith.constant 0 : i32
        %dma_wait3A_652 = arith.constant 0 : i32
        %dma_wait3A_653 = tpu.memref_slice %arg2[%run_scoped3A_420, %dma_wait3A_651, %dma_wait3A_652] : memref<2x2568x128xi32, #tpu.memory_space<hbm>> -> memref<1x2568x128xi32, #tpu.memory_space<hbm>>
        %dma_wait3A_654 = tpu.memref_squeeze %dma_wait3A_653 : memref<1x2568x128xi32, #tpu.memory_space<hbm>> -> memref<2568x128xi32, #tpu.memory_space<hbm>>
        %dma_wait3A_655 = arith.constant 0 : i32
        %dma_wait3A_656 = tpu.memref_slice %dma_wait3A_654[%add3A_419, %dma_wait3A_655] : memref<2568x128xi32, #tpu.memory_space<hbm>> -> memref<8x128xi32, #tpu.memory_space<hbm>>
        %dma_wait3A_657 = arith.constant 0 : i32
        %dma_wait3A_658 = arith.constant 0 : i32
        %dma_wait3A_659 = tpu.memref_slice %arg6[%run_scoped3A_421, %dma_wait3A_657, %dma_wait3A_658] : memref<2x8x128xi32, #tpu.memory_space<vmem>> -> memref<1x8x128xi32, #tpu.memory_space<vmem>>
        %dma_wait3A_660 = tpu.memref_squeeze %dma_wait3A_659 : memref<1x8x128xi32, #tpu.memory_space<vmem>> -> memref<8x128xi32, #tpu.memory_space<vmem>>
        %dma_wait3A_661 = arith.constant 0 : i32
        %dma_wait3A_662 = arith.constant 0 : i32
        %dma_wait3A_663 = tpu.memref_slice %arg2[%run_scoped3A_420, %dma_wait3A_661, %dma_wait3A_662] : memref<2x2568x128xi32, #tpu.memory_space<hbm>> -> memref<1x2568x128xi32, #tpu.memory_space<hbm>>
        %dma_wait3A_664 = tpu.memref_squeeze %dma_wait3A_663 : memref<1x2568x128xi32, #tpu.memory_space<hbm>> -> memref<2568x128xi32, #tpu.memory_space<hbm>>
        %dma_wait3A_665 = arith.constant 0 : i32
        %dma_wait3A_666 = tpu.memref_slice %dma_wait3A_664[%add3A_419, %dma_wait3A_665] : memref<2568x128xi32, #tpu.memory_space<hbm>> -> memref<8x128xi32, #tpu.memory_space<hbm>>
        tpu.wait_dma2 semaphore(%run_scoped3A_626 : memref<!tpu.dma_semaphore, #tpu.memory_space<semaphore_mem>>) src(%dma_wait3A_666 : memref<8x128xi32, #tpu.memory_space<hbm>>) dst(%dma_wait3A_660 : memref<8x128xi32, #tpu.memory_space<vmem>>)
        tpu.yield
      }) : () -> ()
      %mul3A_422 = arith.constant 8 : i32
      %mul3A_423 = arith.muli %add3A_416, %mul3A_422 : i32
      %add3A_424 = arith.addi %mul3A_2, %mul3A_423 : i32
      %run_scoped3A_425 = arith.constant 1 : i32
      %run_scoped3A_426 = arith.constant 0 : i32
      "tpu.region"() ({
        %run_scoped3A_626 = tpu.sem_alloc : memref<!tpu.dma_semaphore, #tpu.memory_space<semaphore_mem>>
        %dma_start3A_627 = arith.constant 0 : i32
        %dma_start3A_628 = arith.constant 0 : i32
        %dma_start3A_629 = tpu.memref_slice %arg7[%run_scoped3A_426, %dma_start3A_627, %dma_start3A_628] : memref<2x8x128xi32, #tpu.memory_space<vmem>> -> memref<1x8x128xi32, #tpu.memory_space<vmem>>
        %dma_start3A_630 = tpu.memref_squeeze %dma_start3A_629 : memref<1x8x128xi32, #tpu.memory_space<vmem>> -> memref<8x128xi32, #tpu.memory_space<vmem>>
        %dma_start3A_631 = arith.constant 0 : i32
        %dma_start3A_632 = arith.constant 0 : i32
        %dma_start3A_633 = tpu.memref_slice %arg2[%run_scoped3A_425, %dma_start3A_631, %dma_start3A_632] : memref<2x2568x128xi32, #tpu.memory_space<hbm>> -> memref<1x2568x128xi32, #tpu.memory_space<hbm>>
        %dma_start3A_634 = tpu.memref_squeeze %dma_start3A_633 : memref<1x2568x128xi32, #tpu.memory_space<hbm>> -> memref<2568x128xi32, #tpu.memory_space<hbm>>
        %dma_start3A_635 = arith.constant 0 : i32
        %dma_start3A_636 = tpu.memref_slice %dma_start3A_634[%add3A_424, %dma_start3A_635] : memref<2568x128xi32, #tpu.memory_space<hbm>> -> memref<8x128xi32, #tpu.memory_space<hbm>>
        %dma_start3A_637 = arith.constant 0 : i32
        %dma_start3A_638 = arith.constant 0 : i32
        %dma_start3A_639 = tpu.memref_slice %arg7[%run_scoped3A_426, %dma_start3A_637, %dma_start3A_638] : memref<2x8x128xi32, #tpu.memory_space<vmem>> -> memref<1x8x128xi32, #tpu.memory_space<vmem>>
        %dma_start3A_640 = tpu.memref_squeeze %dma_start3A_639 : memref<1x8x128xi32, #tpu.memory_space<vmem>> -> memref<8x128xi32, #tpu.memory_space<vmem>>
        %dma_start3A_641 = arith.constant 0 : i32
        %dma_start3A_642 = arith.constant 0 : i32
        %dma_start3A_643 = tpu.memref_slice %arg2[%run_scoped3A_425, %dma_start3A_641, %dma_start3A_642] : memref<2x2568x128xi32, #tpu.memory_space<hbm>> -> memref<1x2568x128xi32, #tpu.memory_space<hbm>>
        %dma_start3A_644 = tpu.memref_squeeze %dma_start3A_643 : memref<1x2568x128xi32, #tpu.memory_space<hbm>> -> memref<2568x128xi32, #tpu.memory_space<hbm>>
        %dma_start3A_645 = arith.constant 0 : i32
        %dma_start3A_646 = tpu.memref_slice %dma_start3A_644[%add3A_424, %dma_start3A_645] : memref<2568x128xi32, #tpu.memory_space<hbm>> -> memref<8x128xi32, #tpu.memory_space<hbm>>
        tpu.enqueue_dma source(%dma_start3A_646 : memref<8x128xi32, #tpu.memory_space<hbm>>) target(%dma_start3A_640 : memref<8x128xi32, #tpu.memory_space<vmem>>) target_semaphore(%run_scoped3A_626 : memref<!tpu.dma_semaphore, #tpu.memory_space<semaphore_mem>>)
        %dma_wait3A_647 = arith.constant 0 : i32
        %dma_wait3A_648 = arith.constant 0 : i32
        %dma_wait3A_649 = tpu.memref_slice %arg7[%run_scoped3A_426, %dma_wait3A_647, %dma_wait3A_648] : memref<2x8x128xi32, #tpu.memory_space<vmem>> -> memref<1x8x128xi32, #tpu.memory_space<vmem>>
        %dma_wait3A_650 = tpu.memref_squeeze %dma_wait3A_649 : memref<1x8x128xi32, #tpu.memory_space<vmem>> -> memref<8x128xi32, #tpu.memory_space<vmem>>
        %dma_wait3A_651 = arith.constant 0 : i32
        %dma_wait3A_652 = arith.constant 0 : i32
        %dma_wait3A_653 = tpu.memref_slice %arg2[%run_scoped3A_425, %dma_wait3A_651, %dma_wait3A_652] : memref<2x2568x128xi32, #tpu.memory_space<hbm>> -> memref<1x2568x128xi32, #tpu.memory_space<hbm>>
        %dma_wait3A_654 = tpu.memref_squeeze %dma_wait3A_653 : memref<1x2568x128xi32, #tpu.memory_space<hbm>> -> memref<2568x128xi32, #tpu.memory_space<hbm>>
        %dma_wait3A_655 = arith.constant 0 : i32
        %dma_wait3A_656 = tpu.memref_slice %dma_wait3A_654[%add3A_424, %dma_wait3A_655] : memref<2568x128xi32, #tpu.memory_space<hbm>> -> memref<8x128xi32, #tpu.memory_space<hbm>>
        %dma_wait3A_657 = arith.constant 0 : i32
        %dma_wait3A_658 = arith.constant 0 : i32
        %dma_wait3A_659 = tpu.memref_slice %arg7[%run_scoped3A_426, %dma_wait3A_657, %dma_wait3A_658] : memref<2x8x128xi32, #tpu.memory_space<vmem>> -> memref<1x8x128xi32, #tpu.memory_space<vmem>>
        %dma_wait3A_660 = tpu.memref_squeeze %dma_wait3A_659 : memref<1x8x128xi32, #tpu.memory_space<vmem>> -> memref<8x128xi32, #tpu.memory_space<vmem>>
        %dma_wait3A_661 = arith.constant 0 : i32
        %dma_wait3A_662 = arith.constant 0 : i32
        %dma_wait3A_663 = tpu.memref_slice %arg2[%run_scoped3A_425, %dma_wait3A_661, %dma_wait3A_662] : memref<2x2568x128xi32, #tpu.memory_space<hbm>> -> memref<1x2568x128xi32, #tpu.memory_space<hbm>>
        %dma_wait3A_664 = tpu.memref_squeeze %dma_wait3A_663 : memref<1x2568x128xi32, #tpu.memory_space<hbm>> -> memref<2568x128xi32, #tpu.memory_space<hbm>>
        %dma_wait3A_665 = arith.constant 0 : i32
        %dma_wait3A_666 = tpu.memref_slice %dma_wait3A_664[%add3A_424, %dma_wait3A_665] : memref<2568x128xi32, #tpu.memory_space<hbm>> -> memref<8x128xi32, #tpu.memory_space<hbm>>
        tpu.wait_dma2 semaphore(%run_scoped3A_626 : memref<!tpu.dma_semaphore, #tpu.memory_space<semaphore_mem>>) src(%dma_wait3A_666 : memref<8x128xi32, #tpu.memory_space<hbm>>) dst(%dma_wait3A_660 : memref<8x128xi32, #tpu.memory_space<vmem>>)
        tpu.yield
      }) : () -> ()
      %dma_start3A_427 = arith.constant 0 : i32
      %dma_start3A_428 = arith.constant 0 : i32
      %dma_start3A_429 = arith.constant 0 : i32
      %dma_start3A_430 = arith.constant 0 : i32
      %dma_start3A_431 = arith.constant 0 : i32
      %dma_start3A_432 = tpu.memref_slice %arg8[%dma_start3A_429, %dma_start3A_430, %dma_start3A_431] : memref<2x1024x8xf32, #tpu.memory_space<vmem>> -> memref<1x1024x8xf32, #tpu.memory_space<vmem>>
      %dma_start3A_433 = tpu.memref_squeeze %dma_start3A_432 : memref<1x1024x8xf32, #tpu.memory_space<vmem>> -> memref<1024x8xf32, #tpu.memory_space<vmem>>
      %dma_start3A_434 = arith.constant 0 : i32
      %dma_start3A_435 = arith.constant 0 : i32
      %dma_start3A_436 = tpu.memref_slice %dma_start3A_433[%dma_start3A_434, %dma_start3A_435] : memref<1024x8xf32, #tpu.memory_space<vmem>> -> memref<128x8xf32, #tpu.memory_space<vmem>>
      %dma_start3A_437 = arith.constant 0 : i32
      %dma_start3A_438 = arith.constant 0 : i32
      %dma_start3A_439 = tpu.memref_slice %arg6[%dma_start3A_427, %dma_start3A_437, %dma_start3A_438] : memref<2x8x128xi32, #tpu.memory_space<vmem>> -> memref<1x8x128xi32, #tpu.memory_space<vmem>>
      %dma_start3A_440 = tpu.memref_squeeze %dma_start3A_439 : memref<1x8x128xi32, #tpu.memory_space<vmem>> -> memref<8x128xi32, #tpu.memory_space<vmem>>
      %dma_start3A_441 = arith.constant 0 : i32
      %dma_start3A_442 = tpu.memref_slice %dma_start3A_440[%dma_start3A_428, %dma_start3A_441] : memref<8x128xi32, #tpu.memory_space<vmem>> -> memref<1x128xi32, #tpu.memory_space<vmem>>
      %dma_start3A_443 = tpu.memref_squeeze %dma_start3A_442 : memref<1x128xi32, #tpu.memory_space<vmem>> -> memref<128xi32, #tpu.memory_space<vmem>>
      %dma_start3A_444 = arith.constant 0 : i32
      %dma_start3A_445 = arith.constant 0 : i32
      %dma_start3A_446 = tpu.memref_slice %arg10[%dma_start3A_444, %dma_start3A_445] : memref<10112x8xf32, #tpu.memory_space<vmem_shared>> -> memref<10112x8xf32, #tpu.memory_space<vmem_shared>>
      tpu.enqueue_indirect_dma source(%dma_start3A_446 : memref<10112x8xf32, #tpu.memory_space<vmem_shared>>) target(%dma_start3A_436 : memref<128x8xf32, #tpu.memory_space<vmem>>) offsets(%dma_start3A_443 : memref<128xi32, #tpu.memory_space<vmem>>) semaphore(%arg11 : memref<!tpu.dma_semaphore, #tpu.memory_space<semaphore_mem>>)
      %dma_start3A_447 = arith.constant 0 : i32
      %dma_start3A_448 = arith.constant 1 : i32
      %dma_start3A_449 = arith.constant 0 : i32
      %dma_start3A_450 = arith.constant 0 : i32
      %dma_start3A_451 = arith.constant 0 : i32
      %dma_start3A_452 = tpu.memref_slice %arg8[%dma_start3A_449, %dma_start3A_450, %dma_start3A_451] : memref<2x1024x8xf32, #tpu.memory_space<vmem>> -> memref<1x1024x8xf32, #tpu.memory_space<vmem>>
      %dma_start3A_453 = tpu.memref_squeeze %dma_start3A_452 : memref<1x1024x8xf32, #tpu.memory_space<vmem>> -> memref<1024x8xf32, #tpu.memory_space<vmem>>
      %dma_start3A_454 = arith.constant 128 : i32
      %dma_start3A_455 = arith.constant 0 : i32
      %dma_start3A_456 = tpu.memref_slice %dma_start3A_453[%dma_start3A_454, %dma_start3A_455] : memref<1024x8xf32, #tpu.memory_space<vmem>> -> memref<128x8xf32, #tpu.memory_space<vmem>>
      %dma_start3A_457 = arith.constant 0 : i32
      %dma_start3A_458 = arith.constant 0 : i32
      %dma_start3A_459 = tpu.memref_slice %arg6[%dma_start3A_447, %dma_start3A_457, %dma_start3A_458] : memref<2x8x128xi32, #tpu.memory_space<vmem>> -> memref<1x8x128xi32, #tpu.memory_space<vmem>>
      %dma_start3A_460 = tpu.memref_squeeze %dma_start3A_459 : memref<1x8x128xi32, #tpu.memory_space<vmem>> -> memref<8x128xi32, #tpu.memory_space<vmem>>
      %dma_start3A_461 = arith.constant 0 : i32
      %dma_start3A_462 = tpu.memref_slice %dma_start3A_460[%dma_start3A_448, %dma_start3A_461] : memref<8x128xi32, #tpu.memory_space<vmem>> -> memref<1x128xi32, #tpu.memory_space<vmem>>
      %dma_start3A_463 = tpu.memref_squeeze %dma_start3A_462 : memref<1x128xi32, #tpu.memory_space<vmem>> -> memref<128xi32, #tpu.memory_space<vmem>>
      %dma_start3A_464 = arith.constant 0 : i32
      %dma_start3A_465 = arith.constant 0 : i32
      %dma_start3A_466 = tpu.memref_slice %arg10[%dma_start3A_464, %dma_start3A_465] : memref<10112x8xf32, #tpu.memory_space<vmem_shared>> -> memref<10112x8xf32, #tpu.memory_space<vmem_shared>>
      tpu.enqueue_indirect_dma source(%dma_start3A_466 : memref<10112x8xf32, #tpu.memory_space<vmem_shared>>) target(%dma_start3A_456 : memref<128x8xf32, #tpu.memory_space<vmem>>) offsets(%dma_start3A_463 : memref<128xi32, #tpu.memory_space<vmem>>) semaphore(%arg11 : memref<!tpu.dma_semaphore, #tpu.memory_space<semaphore_mem>>)
      %dma_start3A_467 = arith.constant 0 : i32
      %dma_start3A_468 = arith.constant 2 : i32
      %dma_start3A_469 = arith.constant 0 : i32
      %dma_start3A_470 = arith.constant 0 : i32
      %dma_start3A_471 = arith.constant 0 : i32
      %dma_start3A_472 = tpu.memref_slice %arg8[%dma_start3A_469, %dma_start3A_470, %dma_start3A_471] : memref<2x1024x8xf32, #tpu.memory_space<vmem>> -> memref<1x1024x8xf32, #tpu.memory_space<vmem>>
      %dma_start3A_473 = tpu.memref_squeeze %dma_start3A_472 : memref<1x1024x8xf32, #tpu.memory_space<vmem>> -> memref<1024x8xf32, #tpu.memory_space<vmem>>
      %dma_start3A_474 = arith.constant 256 : i32
      %dma_start3A_475 = arith.constant 0 : i32
      %dma_start3A_476 = tpu.memref_slice %dma_start3A_473[%dma_start3A_474, %dma_start3A_475] : memref<1024x8xf32, #tpu.memory_space<vmem>> -> memref<128x8xf32, #tpu.memory_space<vmem>>
      %dma_start3A_477 = arith.constant 0 : i32
      %dma_start3A_478 = arith.constant 0 : i32
      %dma_start3A_479 = tpu.memref_slice %arg6[%dma_start3A_467, %dma_start3A_477, %dma_start3A_478] : memref<2x8x128xi32, #tpu.memory_space<vmem>> -> memref<1x8x128xi32, #tpu.memory_space<vmem>>
      %dma_start3A_480 = tpu.memref_squeeze %dma_start3A_479 : memref<1x8x128xi32, #tpu.memory_space<vmem>> -> memref<8x128xi32, #tpu.memory_space<vmem>>
      %dma_start3A_481 = arith.constant 0 : i32
      %dma_start3A_482 = tpu.memref_slice %dma_start3A_480[%dma_start3A_468, %dma_start3A_481] : memref<8x128xi32, #tpu.memory_space<vmem>> -> memref<1x128xi32, #tpu.memory_space<vmem>>
      %dma_start3A_483 = tpu.memref_squeeze %dma_start3A_482 : memref<1x128xi32, #tpu.memory_space<vmem>> -> memref<128xi32, #tpu.memory_space<vmem>>
      %dma_start3A_484 = arith.constant 0 : i32
      %dma_start3A_485 = arith.constant 0 : i32
      %dma_start3A_486 = tpu.memref_slice %arg10[%dma_start3A_484, %dma_start3A_485] : memref<10112x8xf32, #tpu.memory_space<vmem_shared>> -> memref<10112x8xf32, #tpu.memory_space<vmem_shared>>
      tpu.enqueue_indirect_dma source(%dma_start3A_486 : memref<10112x8xf32, #tpu.memory_space<vmem_shared>>) target(%dma_start3A_476 : memref<128x8xf32, #tpu.memory_space<vmem>>) offsets(%dma_start3A_483 : memref<128xi32, #tpu.memory_space<vmem>>) semaphore(%arg11 : memref<!tpu.dma_semaphore, #tpu.memory_space<semaphore_mem>>)
      %dma_start3A_487 = arith.constant 0 : i32
      %dma_start3A_488 = arith.constant 3 : i32
      %dma_start3A_489 = arith.constant 0 : i32
      %dma_start3A_490 = arith.constant 0 : i32
      %dma_start3A_491 = arith.constant 0 : i32
      %dma_start3A_492 = tpu.memref_slice %arg8[%dma_start3A_489, %dma_start3A_490, %dma_start3A_491] : memref<2x1024x8xf32, #tpu.memory_space<vmem>> -> memref<1x1024x8xf32, #tpu.memory_space<vmem>>
      %dma_start3A_493 = tpu.memref_squeeze %dma_start3A_492 : memref<1x1024x8xf32, #tpu.memory_space<vmem>> -> memref<1024x8xf32, #tpu.memory_space<vmem>>
      %dma_start3A_494 = arith.constant 384 : i32
      %dma_start3A_495 = arith.constant 0 : i32
      %dma_start3A_496 = tpu.memref_slice %dma_start3A_493[%dma_start3A_494, %dma_start3A_495] : memref<1024x8xf32, #tpu.memory_space<vmem>> -> memref<128x8xf32, #tpu.memory_space<vmem>>
      %dma_start3A_497 = arith.constant 0 : i32
      %dma_start3A_498 = arith.constant 0 : i32
      %dma_start3A_499 = tpu.memref_slice %arg6[%dma_start3A_487, %dma_start3A_497, %dma_start3A_498] : memref<2x8x128xi32, #tpu.memory_space<vmem>> -> memref<1x8x128xi32, #tpu.memory_space<vmem>>
      %dma_start3A_500 = tpu.memref_squeeze %dma_start3A_499 : memref<1x8x128xi32, #tpu.memory_space<vmem>> -> memref<8x128xi32, #tpu.memory_space<vmem>>
      %dma_start3A_501 = arith.constant 0 : i32
      %dma_start3A_502 = tpu.memref_slice %dma_start3A_500[%dma_start3A_488, %dma_start3A_501] : memref<8x128xi32, #tpu.memory_space<vmem>> -> memref<1x128xi32, #tpu.memory_space<vmem>>
      %dma_start3A_503 = tpu.memref_squeeze %dma_start3A_502 : memref<1x128xi32, #tpu.memory_space<vmem>> -> memref<128xi32, #tpu.memory_space<vmem>>
      %dma_start3A_504 = arith.constant 0 : i32
      %dma_start3A_505 = arith.constant 0 : i32
      %dma_start3A_506 = tpu.memref_slice %arg10[%dma_start3A_504, %dma_start3A_505] : memref<10112x8xf32, #tpu.memory_space<vmem_shared>> -> memref<10112x8xf32, #tpu.memory_space<vmem_shared>>
      tpu.enqueue_indirect_dma source(%dma_start3A_506 : memref<10112x8xf32, #tpu.memory_space<vmem_shared>>) target(%dma_start3A_496 : memref<128x8xf32, #tpu.memory_space<vmem>>) offsets(%dma_start3A_503 : memref<128xi32, #tpu.memory_space<vmem>>) semaphore(%arg11 : memref<!tpu.dma_semaphore, #tpu.memory_space<semaphore_mem>>)
      %dma_start3A_507 = arith.constant 0 : i32
      %dma_start3A_508 = arith.constant 4 : i32
      %dma_start3A_509 = arith.constant 0 : i32
      %dma_start3A_510 = arith.constant 0 : i32
      %dma_start3A_511 = arith.constant 0 : i32
      %dma_start3A_512 = tpu.memref_slice %arg8[%dma_start3A_509, %dma_start3A_510, %dma_start3A_511] : memref<2x1024x8xf32, #tpu.memory_space<vmem>> -> memref<1x1024x8xf32, #tpu.memory_space<vmem>>
      %dma_start3A_513 = tpu.memref_squeeze %dma_start3A_512 : memref<1x1024x8xf32, #tpu.memory_space<vmem>> -> memref<1024x8xf32, #tpu.memory_space<vmem>>
      %dma_start3A_514 = arith.constant 512 : i32
      %dma_start3A_515 = arith.constant 0 : i32
      %dma_start3A_516 = tpu.memref_slice %dma_start3A_513[%dma_start3A_514, %dma_start3A_515] : memref<1024x8xf32, #tpu.memory_space<vmem>> -> memref<128x8xf32, #tpu.memory_space<vmem>>
      %dma_start3A_517 = arith.constant 0 : i32
      %dma_start3A_518 = arith.constant 0 : i32
      %dma_start3A_519 = tpu.memref_slice %arg6[%dma_start3A_507, %dma_start3A_517, %dma_start3A_518] : memref<2x8x128xi32, #tpu.memory_space<vmem>> -> memref<1x8x128xi32, #tpu.memory_space<vmem>>
      %dma_start3A_520 = tpu.memref_squeeze %dma_start3A_519 : memref<1x8x128xi32, #tpu.memory_space<vmem>> -> memref<8x128xi32, #tpu.memory_space<vmem>>
      %dma_start3A_521 = arith.constant 0 : i32
      %dma_start3A_522 = tpu.memref_slice %dma_start3A_520[%dma_start3A_508, %dma_start3A_521] : memref<8x128xi32, #tpu.memory_space<vmem>> -> memref<1x128xi32, #tpu.memory_space<vmem>>
      %dma_start3A_523 = tpu.memref_squeeze %dma_start3A_522 : memref<1x128xi32, #tpu.memory_space<vmem>> -> memref<128xi32, #tpu.memory_space<vmem>>
      %dma_start3A_524 = arith.constant 0 : i32
      %dma_start3A_525 = arith.constant 0 : i32
      %dma_start3A_526 = tpu.memref_slice %arg10[%dma_start3A_524, %dma_start3A_525] : memref<10112x8xf32, #tpu.memory_space<vmem_shared>> -> memref<10112x8xf32, #tpu.memory_space<vmem_shared>>
      tpu.enqueue_indirect_dma source(%dma_start3A_526 : memref<10112x8xf32, #tpu.memory_space<vmem_shared>>) target(%dma_start3A_516 : memref<128x8xf32, #tpu.memory_space<vmem>>) offsets(%dma_start3A_523 : memref<128xi32, #tpu.memory_space<vmem>>) semaphore(%arg11 : memref<!tpu.dma_semaphore, #tpu.memory_space<semaphore_mem>>)
      %dma_start3A_527 = arith.constant 0 : i32
      %dma_start3A_528 = arith.constant 5 : i32
      %dma_start3A_529 = arith.constant 0 : i32
      %dma_start3A_530 = arith.constant 0 : i32
      %dma_start3A_531 = arith.constant 0 : i32
      %dma_start3A_532 = tpu.memref_slice %arg8[%dma_start3A_529, %dma_start3A_530, %dma_start3A_531] : memref<2x1024x8xf32, #tpu.memory_space<vmem>> -> memref<1x1024x8xf32, #tpu.memory_space<vmem>>
      %dma_start3A_533 = tpu.memref_squeeze %dma_start3A_532 : memref<1x1024x8xf32, #tpu.memory_space<vmem>> -> memref<1024x8xf32, #tpu.memory_space<vmem>>
      %dma_start3A_534 = arith.constant 640 : i32
      %dma_start3A_535 = arith.constant 0 : i32
      %dma_start3A_536 = tpu.memref_slice %dma_start3A_533[%dma_start3A_534, %dma_start3A_535] : memref<1024x8xf32, #tpu.memory_space<vmem>> -> memref<128x8xf32, #tpu.memory_space<vmem>>
      %dma_start3A_537 = arith.constant 0 : i32
      %dma_start3A_538 = arith.constant 0 : i32
      %dma_start3A_539 = tpu.memref_slice %arg6[%dma_start3A_527, %dma_start3A_537, %dma_start3A_538] : memref<2x8x128xi32, #tpu.memory_space<vmem>> -> memref<1x8x128xi32, #tpu.memory_space<vmem>>
      %dma_start3A_540 = tpu.memref_squeeze %dma_start3A_539 : memref<1x8x128xi32, #tpu.memory_space<vmem>> -> memref<8x128xi32, #tpu.memory_space<vmem>>
      %dma_start3A_541 = arith.constant 0 : i32
      %dma_start3A_542 = tpu.memref_slice %dma_start3A_540[%dma_start3A_528, %dma_start3A_541] : memref<8x128xi32, #tpu.memory_space<vmem>> -> memref<1x128xi32, #tpu.memory_space<vmem>>
      %dma_start3A_543 = tpu.memref_squeeze %dma_start3A_542 : memref<1x128xi32, #tpu.memory_space<vmem>> -> memref<128xi32, #tpu.memory_space<vmem>>
      %dma_start3A_544 = arith.constant 0 : i32
      %dma_start3A_545 = arith.constant 0 : i32
      %dma_start3A_546 = tpu.memref_slice %arg10[%dma_start3A_544, %dma_start3A_545] : memref<10112x8xf32, #tpu.memory_space<vmem_shared>> -> memref<10112x8xf32, #tpu.memory_space<vmem_shared>>
      tpu.enqueue_indirect_dma source(%dma_start3A_546 : memref<10112x8xf32, #tpu.memory_space<vmem_shared>>) target(%dma_start3A_536 : memref<128x8xf32, #tpu.memory_space<vmem>>) offsets(%dma_start3A_543 : memref<128xi32, #tpu.memory_space<vmem>>) semaphore(%arg11 : memref<!tpu.dma_semaphore, #tpu.memory_space<semaphore_mem>>)
      %dma_start3A_547 = arith.constant 0 : i32
      %dma_start3A_548 = arith.constant 6 : i32
      %dma_start3A_549 = arith.constant 0 : i32
      %dma_start3A_550 = arith.constant 0 : i32
      %dma_start3A_551 = arith.constant 0 : i32
      %dma_start3A_552 = tpu.memref_slice %arg8[%dma_start3A_549, %dma_start3A_550, %dma_start3A_551] : memref<2x1024x8xf32, #tpu.memory_space<vmem>> -> memref<1x1024x8xf32, #tpu.memory_space<vmem>>
      %dma_start3A_553 = tpu.memref_squeeze %dma_start3A_552 : memref<1x1024x8xf32, #tpu.memory_space<vmem>> -> memref<1024x8xf32, #tpu.memory_space<vmem>>
      %dma_start3A_554 = arith.constant 768 : i32
      %dma_start3A_555 = arith.constant 0 : i32
      %dma_start3A_556 = tpu.memref_slice %dma_start3A_553[%dma_start3A_554, %dma_start3A_555] : memref<1024x8xf32, #tpu.memory_space<vmem>> -> memref<128x8xf32, #tpu.memory_space<vmem>>
      %dma_start3A_557 = arith.constant 0 : i32
      %dma_start3A_558 = arith.constant 0 : i32
      %dma_start3A_559 = tpu.memref_slice %arg6[%dma_start3A_547, %dma_start3A_557, %dma_start3A_558] : memref<2x8x128xi32, #tpu.memory_space<vmem>> -> memref<1x8x128xi32, #tpu.memory_space<vmem>>
      %dma_start3A_560 = tpu.memref_squeeze %dma_start3A_559 : memref<1x8x128xi32, #tpu.memory_space<vmem>> -> memref<8x128xi32, #tpu.memory_space<vmem>>
      %dma_start3A_561 = arith.constant 0 : i32
      %dma_start3A_562 = tpu.memref_slice %dma_start3A_560[%dma_start3A_548, %dma_start3A_561] : memref<8x128xi32, #tpu.memory_space<vmem>> -> memref<1x128xi32, #tpu.memory_space<vmem>>
      %dma_start3A_563 = tpu.memref_squeeze %dma_start3A_562 : memref<1x128xi32, #tpu.memory_space<vmem>> -> memref<128xi32, #tpu.memory_space<vmem>>
      %dma_start3A_564 = arith.constant 0 : i32
      %dma_start3A_565 = arith.constant 0 : i32
      %dma_start3A_566 = tpu.memref_slice %arg10[%dma_start3A_564, %dma_start3A_565] : memref<10112x8xf32, #tpu.memory_space<vmem_shared>> -> memref<10112x8xf32, #tpu.memory_space<vmem_shared>>
      tpu.enqueue_indirect_dma source(%dma_start3A_566 : memref<10112x8xf32, #tpu.memory_space<vmem_shared>>) target(%dma_start3A_556 : memref<128x8xf32, #tpu.memory_space<vmem>>) offsets(%dma_start3A_563 : memref<128xi32, #tpu.memory_space<vmem>>) semaphore(%arg11 : memref<!tpu.dma_semaphore, #tpu.memory_space<semaphore_mem>>)
      %dma_start3A_567 = arith.constant 0 : i32
      %dma_start3A_568 = arith.constant 7 : i32
      %dma_start3A_569 = arith.constant 0 : i32
      %dma_start3A_570 = arith.constant 0 : i32
      %dma_start3A_571 = arith.constant 0 : i32
      %dma_start3A_572 = tpu.memref_slice %arg8[%dma_start3A_569, %dma_start3A_570, %dma_start3A_571] : memref<2x1024x8xf32, #tpu.memory_space<vmem>> -> memref<1x1024x8xf32, #tpu.memory_space<vmem>>
      %dma_start3A_573 = tpu.memref_squeeze %dma_start3A_572 : memref<1x1024x8xf32, #tpu.memory_space<vmem>> -> memref<1024x8xf32, #tpu.memory_space<vmem>>
      %dma_start3A_574 = arith.constant 896 : i32
      %dma_start3A_575 = arith.constant 0 : i32
      %dma_start3A_576 = tpu.memref_slice %dma_start3A_573[%dma_start3A_574, %dma_start3A_575] : memref<1024x8xf32, #tpu.memory_space<vmem>> -> memref<128x8xf32, #tpu.memory_space<vmem>>
      %dma_start3A_577 = arith.constant 0 : i32
      %dma_start3A_578 = arith.constant 0 : i32
      %dma_start3A_579 = tpu.memref_slice %arg6[%dma_start3A_567, %dma_start3A_577, %dma_start3A_578] : memref<2x8x128xi32, #tpu.memory_space<vmem>> -> memref<1x8x128xi32, #tpu.memory_space<vmem>>
      %dma_start3A_580 = tpu.memref_squeeze %dma_start3A_579 : memref<1x8x128xi32, #tpu.memory_space<vmem>> -> memref<8x128xi32, #tpu.memory_space<vmem>>
      %dma_start3A_581 = arith.constant 0 : i32
      %dma_start3A_582 = tpu.memref_slice %dma_start3A_580[%dma_start3A_568, %dma_start3A_581] : memref<8x128xi32, #tpu.memory_space<vmem>> -> memref<1x128xi32, #tpu.memory_space<vmem>>
      %dma_start3A_583 = tpu.memref_squeeze %dma_start3A_582 : memref<1x128xi32, #tpu.memory_space<vmem>> -> memref<128xi32, #tpu.memory_space<vmem>>
      %dma_start3A_584 = arith.constant 0 : i32
      %dma_start3A_585 = arith.constant 0 : i32
      %dma_start3A_586 = tpu.memref_slice %arg10[%dma_start3A_584, %dma_start3A_585] : memref<10112x8xf32, #tpu.memory_space<vmem_shared>> -> memref<10112x8xf32, #tpu.memory_space<vmem_shared>>
      tpu.enqueue_indirect_dma source(%dma_start3A_586 : memref<10112x8xf32, #tpu.memory_space<vmem_shared>>) target(%dma_start3A_576 : memref<128x8xf32, #tpu.memory_space<vmem>>) offsets(%dma_start3A_583 : memref<128xi32, #tpu.memory_space<vmem>>) semaphore(%arg11 : memref<!tpu.dma_semaphore, #tpu.memory_space<semaphore_mem>>)
      %dma_wait3A_587 = arith.constant 1 : i32
      %dma_wait3A_588 = arith.constant 0 : i32
      %dma_wait3A_589 = arith.constant 0 : i32
      %dma_wait3A_590 = tpu.memref_slice %arg8[%dma_wait3A_587, %dma_wait3A_588, %dma_wait3A_589] : memref<2x1024x8xf32, #tpu.memory_space<vmem>> -> memref<1x1024x8xf32, #tpu.memory_space<vmem>>
      %dma_wait3A_591 = tpu.memref_squeeze %dma_wait3A_590 : memref<1x1024x8xf32, #tpu.memory_space<vmem>> -> memref<1024x8xf32, #tpu.memory_space<vmem>>
      %dma_wait3A_592 = arith.constant 0 : i32
      %dma_wait3A_593 = arith.constant 0 : i32
      %dma_wait3A_594 = tpu.memref_slice %arg4[%dma_wait3A_592, %dma_wait3A_593] : memref<10112x8xf32, #tpu.memory_space<hbm>> -> memref<1024x8xf32, #tpu.memory_space<hbm>>
      %dma_wait3A_595 = arith.constant 0 : i32
      %dma_wait3A_596 = arith.constant 0 : i32
      %dma_wait3A_597 = tpu.memref_slice %arg8[%dma_wait3A_587, %dma_wait3A_595, %dma_wait3A_596] : memref<2x1024x8xf32, #tpu.memory_space<vmem>> -> memref<1x1024x8xf32, #tpu.memory_space<vmem>>
      %dma_wait3A_598 = tpu.memref_squeeze %dma_wait3A_597 : memref<1x1024x8xf32, #tpu.memory_space<vmem>> -> memref<1024x8xf32, #tpu.memory_space<vmem>>
      %dma_wait3A_599 = arith.constant 0 : i32
      %dma_wait3A_600 = arith.constant 0 : i32
      %dma_wait3A_601 = tpu.memref_slice %arg4[%dma_wait3A_599, %dma_wait3A_600] : memref<10112x8xf32, #tpu.memory_space<hbm>> -> memref<1024x8xf32, #tpu.memory_space<hbm>>
      tpu.wait_dma2 semaphore(%arg11 : memref<!tpu.dma_semaphore, #tpu.memory_space<semaphore_mem>>) src(%dma_wait3A_601 : memref<1024x8xf32, #tpu.memory_space<hbm>>) dst(%dma_wait3A_598 : memref<1024x8xf32, #tpu.memory_space<vmem>>)
      %run_scoped3A_602 = arith.constant 1 : i32
      %run_scoped3A_603 = arith.constant 1 : i32
      %run_scoped3A_604 = arith.constant 0 : i32
      "tpu.region"() ({
        %run_scoped3A_626 = tpu.sem_alloc : memref<!tpu.dma_semaphore, #tpu.memory_space<semaphore_mem>>
        %dma_start3A_627 = arith.constant 0 : i32
        %dma_start3A_628 = arith.constant 0 : i32
        %dma_start3A_629 = tpu.memref_slice %arg8[%run_scoped3A_602, %dma_start3A_627, %dma_start3A_628] : memref<2x1024x8xf32, #tpu.memory_space<vmem>> -> memref<1x1024x8xf32, #tpu.memory_space<vmem>>
        %dma_start3A_630 = tpu.memref_squeeze %dma_start3A_629 : memref<1x1024x8xf32, #tpu.memory_space<vmem>> -> memref<1024x8xf32, #tpu.memory_space<vmem>>
        %dma_start3A_631 = arith.constant 0 : i32
        %dma_start3A_632 = arith.constant 0 : i32
        %dma_start3A_633 = tpu.memref_slice %dma_start3A_630[%dma_start3A_631, %dma_start3A_632] : memref<1024x8xf32, #tpu.memory_space<vmem>> -> memref<128x8xf32, #tpu.memory_space<vmem>>
        %dma_start3A_634 = arith.constant 0 : i32
        %dma_start3A_635 = arith.constant 0 : i32
        %dma_start3A_636 = tpu.memref_slice %arg7[%run_scoped3A_603, %dma_start3A_634, %dma_start3A_635] : memref<2x8x128xi32, #tpu.memory_space<vmem>> -> memref<1x8x128xi32, #tpu.memory_space<vmem>>
        %dma_start3A_637 = tpu.memref_squeeze %dma_start3A_636 : memref<1x8x128xi32, #tpu.memory_space<vmem>> -> memref<8x128xi32, #tpu.memory_space<vmem>>
        %dma_start3A_638 = arith.constant 0 : i32
        %dma_start3A_639 = tpu.memref_slice %dma_start3A_637[%run_scoped3A_604, %dma_start3A_638] : memref<8x128xi32, #tpu.memory_space<vmem>> -> memref<1x128xi32, #tpu.memory_space<vmem>>
        %dma_start3A_640 = tpu.memref_squeeze %dma_start3A_639 : memref<1x128xi32, #tpu.memory_space<vmem>> -> memref<128xi32, #tpu.memory_space<vmem>>
        %dma_start3A_641 = arith.constant 0 : i32
        %dma_start3A_642 = arith.constant 0 : i32
        %dma_start3A_643 = tpu.memref_slice %arg9[%dma_start3A_641, %dma_start3A_642] : memref<10112x8xf32, #tpu.memory_space<vmem_shared>> -> memref<10112x8xf32, #tpu.memory_space<vmem_shared>>
        tpu.enqueue_indirect_dma source(%dma_start3A_633 : memref<128x8xf32, #tpu.memory_space<vmem>>) target(%dma_start3A_643 : memref<10112x8xf32, #tpu.memory_space<vmem_shared>>) offsets(%dma_start3A_640 : memref<128xi32, #tpu.memory_space<vmem>>) semaphore(%run_scoped3A_626 : memref<!tpu.dma_semaphore, #tpu.memory_space<semaphore_mem>>) {add = true}
        %dma_wait3A_644 = arith.constant 0 : i32
        %dma_wait3A_645 = arith.constant 0 : i32
        %dma_wait3A_646 = tpu.memref_slice %arg8[%run_scoped3A_602, %dma_wait3A_644, %dma_wait3A_645] : memref<2x1024x8xf32, #tpu.memory_space<vmem>> -> memref<1x1024x8xf32, #tpu.memory_space<vmem>>
        %dma_wait3A_647 = tpu.memref_squeeze %dma_wait3A_646 : memref<1x1024x8xf32, #tpu.memory_space<vmem>> -> memref<1024x8xf32, #tpu.memory_space<vmem>>
        %dma_wait3A_648 = arith.constant 0 : i32
        %dma_wait3A_649 = arith.constant 0 : i32
        %dma_wait3A_650 = tpu.memref_slice %dma_wait3A_647[%dma_wait3A_648, %dma_wait3A_649] : memref<1024x8xf32, #tpu.memory_space<vmem>> -> memref<128x8xf32, #tpu.memory_space<vmem>>
        %dma_wait3A_651 = arith.constant 0 : i32
        %dma_wait3A_652 = arith.constant 0 : i32
        %dma_wait3A_653 = tpu.memref_slice %arg7[%run_scoped3A_603, %dma_wait3A_651, %dma_wait3A_652] : memref<2x8x128xi32, #tpu.memory_space<vmem>> -> memref<1x8x128xi32, #tpu.memory_space<vmem>>
        %dma_wait3A_654 = tpu.memref_squeeze %dma_wait3A_653 : memref<1x8x128xi32, #tpu.memory_space<vmem>> -> memref<8x128xi32, #tpu.memory_space<vmem>>
        %dma_wait3A_655 = arith.constant 0 : i32
        %dma_wait3A_656 = tpu.memref_slice %dma_wait3A_654[%run_scoped3A_604, %dma_wait3A_655] : memref<8x128xi32, #tpu.memory_space<vmem>> -> memref<1x128xi32, #tpu.memory_space<vmem>>
        %dma_wait3A_657 = tpu.memref_squeeze %dma_wait3A_656 : memref<1x128xi32, #tpu.memory_space<vmem>> -> memref<128xi32, #tpu.memory_space<vmem>>
        %dma_wait3A_658 = arith.constant 0 : i32
        %dma_wait3A_659 = arith.constant 0 : i32
        %dma_wait3A_660 = tpu.memref_slice %arg9[%dma_wait3A_658, %dma_wait3A_659] : memref<10112x8xf32, #tpu.memory_space<vmem_shared>> -> memref<10112x8xf32, #tpu.memory_space<vmem_shared>>
        tpu.wait_indirect_dma semaphore(%run_scoped3A_626 : memref<!tpu.dma_semaphore, #tpu.memory_space<semaphore_mem>>) src(%dma_wait3A_650 : memref<128x8xf32, #tpu.memory_space<vmem>>) dst(%dma_wait3A_660 : memref<10112x8xf32, #tpu.memory_space<vmem_shared>>)
        tpu.yield
      }) : () -> ()
      %run_scoped3A_605 = arith.constant 1 : i32
      %run_scoped3A_606 = arith.constant 1 : i32
      %run_scoped3A_607 = arith.constant 1 : i32
      "tpu.region"() ({
        %run_scoped3A_626 = tpu.sem_alloc : memref<!tpu.dma_semaphore, #tpu.memory_space<semaphore_mem>>
        %dma_start3A_627 = arith.constant 0 : i32
        %dma_start3A_628 = arith.constant 0 : i32
        %dma_start3A_629 = tpu.memref_slice %arg8[%run_scoped3A_605, %dma_start3A_627, %dma_start3A_628] : memref<2x1024x8xf32, #tpu.memory_space<vmem>> -> memref<1x1024x8xf32, #tpu.memory_space<vmem>>
        %dma_start3A_630 = tpu.memref_squeeze %dma_start3A_629 : memref<1x1024x8xf32, #tpu.memory_space<vmem>> -> memref<1024x8xf32, #tpu.memory_space<vmem>>
        %dma_start3A_631 = arith.constant 128 : i32
        %dma_start3A_632 = arith.constant 0 : i32
        %dma_start3A_633 = tpu.memref_slice %dma_start3A_630[%dma_start3A_631, %dma_start3A_632] : memref<1024x8xf32, #tpu.memory_space<vmem>> -> memref<128x8xf32, #tpu.memory_space<vmem>>
        %dma_start3A_634 = arith.constant 0 : i32
        %dma_start3A_635 = arith.constant 0 : i32
        %dma_start3A_636 = tpu.memref_slice %arg7[%run_scoped3A_606, %dma_start3A_634, %dma_start3A_635] : memref<2x8x128xi32, #tpu.memory_space<vmem>> -> memref<1x8x128xi32, #tpu.memory_space<vmem>>
        %dma_start3A_637 = tpu.memref_squeeze %dma_start3A_636 : memref<1x8x128xi32, #tpu.memory_space<vmem>> -> memref<8x128xi32, #tpu.memory_space<vmem>>
        %dma_start3A_638 = arith.constant 0 : i32
        %dma_start3A_639 = tpu.memref_slice %dma_start3A_637[%run_scoped3A_607, %dma_start3A_638] : memref<8x128xi32, #tpu.memory_space<vmem>> -> memref<1x128xi32, #tpu.memory_space<vmem>>
        %dma_start3A_640 = tpu.memref_squeeze %dma_start3A_639 : memref<1x128xi32, #tpu.memory_space<vmem>> -> memref<128xi32, #tpu.memory_space<vmem>>
        %dma_start3A_641 = arith.constant 0 : i32
        %dma_start3A_642 = arith.constant 0 : i32
        %dma_start3A_643 = tpu.memref_slice %arg9[%dma_start3A_641, %dma_start3A_642] : memref<10112x8xf32, #tpu.memory_space<vmem_shared>> -> memref<10112x8xf32, #tpu.memory_space<vmem_shared>>
        tpu.enqueue_indirect_dma source(%dma_start3A_633 : memref<128x8xf32, #tpu.memory_space<vmem>>) target(%dma_start3A_643 : memref<10112x8xf32, #tpu.memory_space<vmem_shared>>) offsets(%dma_start3A_640 : memref<128xi32, #tpu.memory_space<vmem>>) semaphore(%run_scoped3A_626 : memref<!tpu.dma_semaphore, #tpu.memory_space<semaphore_mem>>) {add = true}
        %dma_wait3A_644 = arith.constant 0 : i32
        %dma_wait3A_645 = arith.constant 0 : i32
        %dma_wait3A_646 = tpu.memref_slice %arg8[%run_scoped3A_605, %dma_wait3A_644, %dma_wait3A_645] : memref<2x1024x8xf32, #tpu.memory_space<vmem>> -> memref<1x1024x8xf32, #tpu.memory_space<vmem>>
        %dma_wait3A_647 = tpu.memref_squeeze %dma_wait3A_646 : memref<1x1024x8xf32, #tpu.memory_space<vmem>> -> memref<1024x8xf32, #tpu.memory_space<vmem>>
        %dma_wait3A_648 = arith.constant 128 : i32
        %dma_wait3A_649 = arith.constant 0 : i32
        %dma_wait3A_650 = tpu.memref_slice %dma_wait3A_647[%dma_wait3A_648, %dma_wait3A_649] : memref<1024x8xf32, #tpu.memory_space<vmem>> -> memref<128x8xf32, #tpu.memory_space<vmem>>
        %dma_wait3A_651 = arith.constant 0 : i32
        %dma_wait3A_652 = arith.constant 0 : i32
        %dma_wait3A_653 = tpu.memref_slice %arg7[%run_scoped3A_606, %dma_wait3A_651, %dma_wait3A_652] : memref<2x8x128xi32, #tpu.memory_space<vmem>> -> memref<1x8x128xi32, #tpu.memory_space<vmem>>
        %dma_wait3A_654 = tpu.memref_squeeze %dma_wait3A_653 : memref<1x8x128xi32, #tpu.memory_space<vmem>> -> memref<8x128xi32, #tpu.memory_space<vmem>>
        %dma_wait3A_655 = arith.constant 0 : i32
        %dma_wait3A_656 = tpu.memref_slice %dma_wait3A_654[%run_scoped3A_607, %dma_wait3A_655] : memref<8x128xi32, #tpu.memory_space<vmem>> -> memref<1x128xi32, #tpu.memory_space<vmem>>
        %dma_wait3A_657 = tpu.memref_squeeze %dma_wait3A_656 : memref<1x128xi32, #tpu.memory_space<vmem>> -> memref<128xi32, #tpu.memory_space<vmem>>
        %dma_wait3A_658 = arith.constant 0 : i32
        %dma_wait3A_659 = arith.constant 0 : i32
        %dma_wait3A_660 = tpu.memref_slice %arg9[%dma_wait3A_658, %dma_wait3A_659] : memref<10112x8xf32, #tpu.memory_space<vmem_shared>> -> memref<10112x8xf32, #tpu.memory_space<vmem_shared>>
        tpu.wait_indirect_dma semaphore(%run_scoped3A_626 : memref<!tpu.dma_semaphore, #tpu.memory_space<semaphore_mem>>) src(%dma_wait3A_650 : memref<128x8xf32, #tpu.memory_space<vmem>>) dst(%dma_wait3A_660 : memref<10112x8xf32, #tpu.memory_space<vmem_shared>>)
        tpu.yield
      }) : () -> ()
      %run_scoped3A_608 = arith.constant 1 : i32
      %run_scoped3A_609 = arith.constant 1 : i32
      %run_scoped3A_610 = arith.constant 2 : i32
      "tpu.region"() ({
        %run_scoped3A_626 = tpu.sem_alloc : memref<!tpu.dma_semaphore, #tpu.memory_space<semaphore_mem>>
        %dma_start3A_627 = arith.constant 0 : i32
        %dma_start3A_628 = arith.constant 0 : i32
        %dma_start3A_629 = tpu.memref_slice %arg8[%run_scoped3A_608, %dma_start3A_627, %dma_start3A_628] : memref<2x1024x8xf32, #tpu.memory_space<vmem>> -> memref<1x1024x8xf32, #tpu.memory_space<vmem>>
        %dma_start3A_630 = tpu.memref_squeeze %dma_start3A_629 : memref<1x1024x8xf32, #tpu.memory_space<vmem>> -> memref<1024x8xf32, #tpu.memory_space<vmem>>
        %dma_start3A_631 = arith.constant 256 : i32
        %dma_start3A_632 = arith.constant 0 : i32
        %dma_start3A_633 = tpu.memref_slice %dma_start3A_630[%dma_start3A_631, %dma_start3A_632] : memref<1024x8xf32, #tpu.memory_space<vmem>> -> memref<128x8xf32, #tpu.memory_space<vmem>>
        %dma_start3A_634 = arith.constant 0 : i32
        %dma_start3A_635 = arith.constant 0 : i32
        %dma_start3A_636 = tpu.memref_slice %arg7[%run_scoped3A_609, %dma_start3A_634, %dma_start3A_635] : memref<2x8x128xi32, #tpu.memory_space<vmem>> -> memref<1x8x128xi32, #tpu.memory_space<vmem>>
        %dma_start3A_637 = tpu.memref_squeeze %dma_start3A_636 : memref<1x8x128xi32, #tpu.memory_space<vmem>> -> memref<8x128xi32, #tpu.memory_space<vmem>>
        %dma_start3A_638 = arith.constant 0 : i32
        %dma_start3A_639 = tpu.memref_slice %dma_start3A_637[%run_scoped3A_610, %dma_start3A_638] : memref<8x128xi32, #tpu.memory_space<vmem>> -> memref<1x128xi32, #tpu.memory_space<vmem>>
        %dma_start3A_640 = tpu.memref_squeeze %dma_start3A_639 : memref<1x128xi32, #tpu.memory_space<vmem>> -> memref<128xi32, #tpu.memory_space<vmem>>
        %dma_start3A_641 = arith.constant 0 : i32
        %dma_start3A_642 = arith.constant 0 : i32
        %dma_start3A_643 = tpu.memref_slice %arg9[%dma_start3A_641, %dma_start3A_642] : memref<10112x8xf32, #tpu.memory_space<vmem_shared>> -> memref<10112x8xf32, #tpu.memory_space<vmem_shared>>
        tpu.enqueue_indirect_dma source(%dma_start3A_633 : memref<128x8xf32, #tpu.memory_space<vmem>>) target(%dma_start3A_643 : memref<10112x8xf32, #tpu.memory_space<vmem_shared>>) offsets(%dma_start3A_640 : memref<128xi32, #tpu.memory_space<vmem>>) semaphore(%run_scoped3A_626 : memref<!tpu.dma_semaphore, #tpu.memory_space<semaphore_mem>>) {add = true}
        %dma_wait3A_644 = arith.constant 0 : i32
        %dma_wait3A_645 = arith.constant 0 : i32
        %dma_wait3A_646 = tpu.memref_slice %arg8[%run_scoped3A_608, %dma_wait3A_644, %dma_wait3A_645] : memref<2x1024x8xf32, #tpu.memory_space<vmem>> -> memref<1x1024x8xf32, #tpu.memory_space<vmem>>
        %dma_wait3A_647 = tpu.memref_squeeze %dma_wait3A_646 : memref<1x1024x8xf32, #tpu.memory_space<vmem>> -> memref<1024x8xf32, #tpu.memory_space<vmem>>
        %dma_wait3A_648 = arith.constant 256 : i32
        %dma_wait3A_649 = arith.constant 0 : i32
        %dma_wait3A_650 = tpu.memref_slice %dma_wait3A_647[%dma_wait3A_648, %dma_wait3A_649] : memref<1024x8xf32, #tpu.memory_space<vmem>> -> memref<128x8xf32, #tpu.memory_space<vmem>>
        %dma_wait3A_651 = arith.constant 0 : i32
        %dma_wait3A_652 = arith.constant 0 : i32
        %dma_wait3A_653 = tpu.memref_slice %arg7[%run_scoped3A_609, %dma_wait3A_651, %dma_wait3A_652] : memref<2x8x128xi32, #tpu.memory_space<vmem>> -> memref<1x8x128xi32, #tpu.memory_space<vmem>>
        %dma_wait3A_654 = tpu.memref_squeeze %dma_wait3A_653 : memref<1x8x128xi32, #tpu.memory_space<vmem>> -> memref<8x128xi32, #tpu.memory_space<vmem>>
        %dma_wait3A_655 = arith.constant 0 : i32
        %dma_wait3A_656 = tpu.memref_slice %dma_wait3A_654[%run_scoped3A_610, %dma_wait3A_655] : memref<8x128xi32, #tpu.memory_space<vmem>> -> memref<1x128xi32, #tpu.memory_space<vmem>>
        %dma_wait3A_657 = tpu.memref_squeeze %dma_wait3A_656 : memref<1x128xi32, #tpu.memory_space<vmem>> -> memref<128xi32, #tpu.memory_space<vmem>>
        %dma_wait3A_658 = arith.constant 0 : i32
        %dma_wait3A_659 = arith.constant 0 : i32
        %dma_wait3A_660 = tpu.memref_slice %arg9[%dma_wait3A_658, %dma_wait3A_659] : memref<10112x8xf32, #tpu.memory_space<vmem_shared>> -> memref<10112x8xf32, #tpu.memory_space<vmem_shared>>
        tpu.wait_indirect_dma semaphore(%run_scoped3A_626 : memref<!tpu.dma_semaphore, #tpu.memory_space<semaphore_mem>>) src(%dma_wait3A_650 : memref<128x8xf32, #tpu.memory_space<vmem>>) dst(%dma_wait3A_660 : memref<10112x8xf32, #tpu.memory_space<vmem_shared>>)
        tpu.yield
      }) : () -> ()
      %run_scoped3A_611 = arith.constant 1 : i32
      %run_scoped3A_612 = arith.constant 1 : i32
      %run_scoped3A_613 = arith.constant 3 : i32
      "tpu.region"() ({
        %run_scoped3A_626 = tpu.sem_alloc : memref<!tpu.dma_semaphore, #tpu.memory_space<semaphore_mem>>
        %dma_start3A_627 = arith.constant 0 : i32
        %dma_start3A_628 = arith.constant 0 : i32
        %dma_start3A_629 = tpu.memref_slice %arg8[%run_scoped3A_611, %dma_start3A_627, %dma_start3A_628] : memref<2x1024x8xf32, #tpu.memory_space<vmem>> -> memref<1x1024x8xf32, #tpu.memory_space<vmem>>
        %dma_start3A_630 = tpu.memref_squeeze %dma_start3A_629 : memref<1x1024x8xf32, #tpu.memory_space<vmem>> -> memref<1024x8xf32, #tpu.memory_space<vmem>>
        %dma_start3A_631 = arith.constant 384 : i32
        %dma_start3A_632 = arith.constant 0 : i32
        %dma_start3A_633 = tpu.memref_slice %dma_start3A_630[%dma_start3A_631, %dma_start3A_632] : memref<1024x8xf32, #tpu.memory_space<vmem>> -> memref<128x8xf32, #tpu.memory_space<vmem>>
        %dma_start3A_634 = arith.constant 0 : i32
        %dma_start3A_635 = arith.constant 0 : i32
        %dma_start3A_636 = tpu.memref_slice %arg7[%run_scoped3A_612, %dma_start3A_634, %dma_start3A_635] : memref<2x8x128xi32, #tpu.memory_space<vmem>> -> memref<1x8x128xi32, #tpu.memory_space<vmem>>
        %dma_start3A_637 = tpu.memref_squeeze %dma_start3A_636 : memref<1x8x128xi32, #tpu.memory_space<vmem>> -> memref<8x128xi32, #tpu.memory_space<vmem>>
        %dma_start3A_638 = arith.constant 0 : i32
        %dma_start3A_639 = tpu.memref_slice %dma_start3A_637[%run_scoped3A_613, %dma_start3A_638] : memref<8x128xi32, #tpu.memory_space<vmem>> -> memref<1x128xi32, #tpu.memory_space<vmem>>
        %dma_start3A_640 = tpu.memref_squeeze %dma_start3A_639 : memref<1x128xi32, #tpu.memory_space<vmem>> -> memref<128xi32, #tpu.memory_space<vmem>>
        %dma_start3A_641 = arith.constant 0 : i32
        %dma_start3A_642 = arith.constant 0 : i32
        %dma_start3A_643 = tpu.memref_slice %arg9[%dma_start3A_641, %dma_start3A_642] : memref<10112x8xf32, #tpu.memory_space<vmem_shared>> -> memref<10112x8xf32, #tpu.memory_space<vmem_shared>>
        tpu.enqueue_indirect_dma source(%dma_start3A_633 : memref<128x8xf32, #tpu.memory_space<vmem>>) target(%dma_start3A_643 : memref<10112x8xf32, #tpu.memory_space<vmem_shared>>) offsets(%dma_start3A_640 : memref<128xi32, #tpu.memory_space<vmem>>) semaphore(%run_scoped3A_626 : memref<!tpu.dma_semaphore, #tpu.memory_space<semaphore_mem>>) {add = true}
        %dma_wait3A_644 = arith.constant 0 : i32
        %dma_wait3A_645 = arith.constant 0 : i32
        %dma_wait3A_646 = tpu.memref_slice %arg8[%run_scoped3A_611, %dma_wait3A_644, %dma_wait3A_645] : memref<2x1024x8xf32, #tpu.memory_space<vmem>> -> memref<1x1024x8xf32, #tpu.memory_space<vmem>>
        %dma_wait3A_647 = tpu.memref_squeeze %dma_wait3A_646 : memref<1x1024x8xf32, #tpu.memory_space<vmem>> -> memref<1024x8xf32, #tpu.memory_space<vmem>>
        %dma_wait3A_648 = arith.constant 384 : i32
        %dma_wait3A_649 = arith.constant 0 : i32
        %dma_wait3A_650 = tpu.memref_slice %dma_wait3A_647[%dma_wait3A_648, %dma_wait3A_649] : memref<1024x8xf32, #tpu.memory_space<vmem>> -> memref<128x8xf32, #tpu.memory_space<vmem>>
        %dma_wait3A_651 = arith.constant 0 : i32
        %dma_wait3A_652 = arith.constant 0 : i32
        %dma_wait3A_653 = tpu.memref_slice %arg7[%run_scoped3A_612, %dma_wait3A_651, %dma_wait3A_652] : memref<2x8x128xi32, #tpu.memory_space<vmem>> -> memref<1x8x128xi32, #tpu.memory_space<vmem>>
        %dma_wait3A_654 = tpu.memref_squeeze %dma_wait3A_653 : memref<1x8x128xi32, #tpu.memory_space<vmem>> -> memref<8x128xi32, #tpu.memory_space<vmem>>
        %dma_wait3A_655 = arith.constant 0 : i32
        %dma_wait3A_656 = tpu.memref_slice %dma_wait3A_654[%run_scoped3A_613, %dma_wait3A_655] : memref<8x128xi32, #tpu.memory_space<vmem>> -> memref<1x128xi32, #tpu.memory_space<vmem>>
        %dma_wait3A_657 = tpu.memref_squeeze %dma_wait3A_656 : memref<1x128xi32, #tpu.memory_space<vmem>> -> memref<128xi32, #tpu.memory_space<vmem>>
        %dma_wait3A_658 = arith.constant 0 : i32
        %dma_wait3A_659 = arith.constant 0 : i32
        %dma_wait3A_660 = tpu.memref_slice %arg9[%dma_wait3A_658, %dma_wait3A_659] : memref<10112x8xf32, #tpu.memory_space<vmem_shared>> -> memref<10112x8xf32, #tpu.memory_space<vmem_shared>>
        tpu.wait_indirect_dma semaphore(%run_scoped3A_626 : memref<!tpu.dma_semaphore, #tpu.memory_space<semaphore_mem>>) src(%dma_wait3A_650 : memref<128x8xf32, #tpu.memory_space<vmem>>) dst(%dma_wait3A_660 : memref<10112x8xf32, #tpu.memory_space<vmem_shared>>)
        tpu.yield
      }) : () -> ()
      %run_scoped3A_614 = arith.constant 1 : i32
      %run_scoped3A_615 = arith.constant 1 : i32
      %run_scoped3A_616 = arith.constant 4 : i32
      "tpu.region"() ({
        %run_scoped3A_626 = tpu.sem_alloc : memref<!tpu.dma_semaphore, #tpu.memory_space<semaphore_mem>>
        %dma_start3A_627 = arith.constant 0 : i32
        %dma_start3A_628 = arith.constant 0 : i32
        %dma_start3A_629 = tpu.memref_slice %arg8[%run_scoped3A_614, %dma_start3A_627, %dma_start3A_628] : memref<2x1024x8xf32, #tpu.memory_space<vmem>> -> memref<1x1024x8xf32, #tpu.memory_space<vmem>>
        %dma_start3A_630 = tpu.memref_squeeze %dma_start3A_629 : memref<1x1024x8xf32, #tpu.memory_space<vmem>> -> memref<1024x8xf32, #tpu.memory_space<vmem>>
        %dma_start3A_631 = arith.constant 512 : i32
        %dma_start3A_632 = arith.constant 0 : i32
        %dma_start3A_633 = tpu.memref_slice %dma_start3A_630[%dma_start3A_631, %dma_start3A_632] : memref<1024x8xf32, #tpu.memory_space<vmem>> -> memref<128x8xf32, #tpu.memory_space<vmem>>
        %dma_start3A_634 = arith.constant 0 : i32
        %dma_start3A_635 = arith.constant 0 : i32
        %dma_start3A_636 = tpu.memref_slice %arg7[%run_scoped3A_615, %dma_start3A_634, %dma_start3A_635] : memref<2x8x128xi32, #tpu.memory_space<vmem>> -> memref<1x8x128xi32, #tpu.memory_space<vmem>>
        %dma_start3A_637 = tpu.memref_squeeze %dma_start3A_636 : memref<1x8x128xi32, #tpu.memory_space<vmem>> -> memref<8x128xi32, #tpu.memory_space<vmem>>
        %dma_start3A_638 = arith.constant 0 : i32
        %dma_start3A_639 = tpu.memref_slice %dma_start3A_637[%run_scoped3A_616, %dma_start3A_638] : memref<8x128xi32, #tpu.memory_space<vmem>> -> memref<1x128xi32, #tpu.memory_space<vmem>>
        %dma_start3A_640 = tpu.memref_squeeze %dma_start3A_639 : memref<1x128xi32, #tpu.memory_space<vmem>> -> memref<128xi32, #tpu.memory_space<vmem>>
        %dma_start3A_641 = arith.constant 0 : i32
        %dma_start3A_642 = arith.constant 0 : i32
        %dma_start3A_643 = tpu.memref_slice %arg9[%dma_start3A_641, %dma_start3A_642] : memref<10112x8xf32, #tpu.memory_space<vmem_shared>> -> memref<10112x8xf32, #tpu.memory_space<vmem_shared>>
        tpu.enqueue_indirect_dma source(%dma_start3A_633 : memref<128x8xf32, #tpu.memory_space<vmem>>) target(%dma_start3A_643 : memref<10112x8xf32, #tpu.memory_space<vmem_shared>>) offsets(%dma_start3A_640 : memref<128xi32, #tpu.memory_space<vmem>>) semaphore(%run_scoped3A_626 : memref<!tpu.dma_semaphore, #tpu.memory_space<semaphore_mem>>) {add = true}
        %dma_wait3A_644 = arith.constant 0 : i32
        %dma_wait3A_645 = arith.constant 0 : i32
        %dma_wait3A_646 = tpu.memref_slice %arg8[%run_scoped3A_614, %dma_wait3A_644, %dma_wait3A_645] : memref<2x1024x8xf32, #tpu.memory_space<vmem>> -> memref<1x1024x8xf32, #tpu.memory_space<vmem>>
        %dma_wait3A_647 = tpu.memref_squeeze %dma_wait3A_646 : memref<1x1024x8xf32, #tpu.memory_space<vmem>> -> memref<1024x8xf32, #tpu.memory_space<vmem>>
        %dma_wait3A_648 = arith.constant 512 : i32
        %dma_wait3A_649 = arith.constant 0 : i32
        %dma_wait3A_650 = tpu.memref_slice %dma_wait3A_647[%dma_wait3A_648, %dma_wait3A_649] : memref<1024x8xf32, #tpu.memory_space<vmem>> -> memref<128x8xf32, #tpu.memory_space<vmem>>
        %dma_wait3A_651 = arith.constant 0 : i32
        %dma_wait3A_652 = arith.constant 0 : i32
        %dma_wait3A_653 = tpu.memref_slice %arg7[%run_scoped3A_615, %dma_wait3A_651, %dma_wait3A_652] : memref<2x8x128xi32, #tpu.memory_space<vmem>> -> memref<1x8x128xi32, #tpu.memory_space<vmem>>
        %dma_wait3A_654 = tpu.memref_squeeze %dma_wait3A_653 : memref<1x8x128xi32, #tpu.memory_space<vmem>> -> memref<8x128xi32, #tpu.memory_space<vmem>>
        %dma_wait3A_655 = arith.constant 0 : i32
        %dma_wait3A_656 = tpu.memref_slice %dma_wait3A_654[%run_scoped3A_616, %dma_wait3A_655] : memref<8x128xi32, #tpu.memory_space<vmem>> -> memref<1x128xi32, #tpu.memory_space<vmem>>
        %dma_wait3A_657 = tpu.memref_squeeze %dma_wait3A_656 : memref<1x128xi32, #tpu.memory_space<vmem>> -> memref<128xi32, #tpu.memory_space<vmem>>
        %dma_wait3A_658 = arith.constant 0 : i32
        %dma_wait3A_659 = arith.constant 0 : i32
        %dma_wait3A_660 = tpu.memref_slice %arg9[%dma_wait3A_658, %dma_wait3A_659] : memref<10112x8xf32, #tpu.memory_space<vmem_shared>> -> memref<10112x8xf32, #tpu.memory_space<vmem_shared>>
        tpu.wait_indirect_dma semaphore(%run_scoped3A_626 : memref<!tpu.dma_semaphore, #tpu.memory_space<semaphore_mem>>) src(%dma_wait3A_650 : memref<128x8xf32, #tpu.memory_space<vmem>>) dst(%dma_wait3A_660 : memref<10112x8xf32, #tpu.memory_space<vmem_shared>>)
        tpu.yield
      }) : () -> ()
      %run_scoped3A_617 = arith.constant 1 : i32
      %run_scoped3A_618 = arith.constant 1 : i32
      %run_scoped3A_619 = arith.constant 5 : i32
      "tpu.region"() ({
        %run_scoped3A_626 = tpu.sem_alloc : memref<!tpu.dma_semaphore, #tpu.memory_space<semaphore_mem>>
        %dma_start3A_627 = arith.constant 0 : i32
        %dma_start3A_628 = arith.constant 0 : i32
        %dma_start3A_629 = tpu.memref_slice %arg8[%run_scoped3A_617, %dma_start3A_627, %dma_start3A_628] : memref<2x1024x8xf32, #tpu.memory_space<vmem>> -> memref<1x1024x8xf32, #tpu.memory_space<vmem>>
        %dma_start3A_630 = tpu.memref_squeeze %dma_start3A_629 : memref<1x1024x8xf32, #tpu.memory_space<vmem>> -> memref<1024x8xf32, #tpu.memory_space<vmem>>
        %dma_start3A_631 = arith.constant 640 : i32
        %dma_start3A_632 = arith.constant 0 : i32
        %dma_start3A_633 = tpu.memref_slice %dma_start3A_630[%dma_start3A_631, %dma_start3A_632] : memref<1024x8xf32, #tpu.memory_space<vmem>> -> memref<128x8xf32, #tpu.memory_space<vmem>>
        %dma_start3A_634 = arith.constant 0 : i32
        %dma_start3A_635 = arith.constant 0 : i32
        %dma_start3A_636 = tpu.memref_slice %arg7[%run_scoped3A_618, %dma_start3A_634, %dma_start3A_635] : memref<2x8x128xi32, #tpu.memory_space<vmem>> -> memref<1x8x128xi32, #tpu.memory_space<vmem>>
        %dma_start3A_637 = tpu.memref_squeeze %dma_start3A_636 : memref<1x8x128xi32, #tpu.memory_space<vmem>> -> memref<8x128xi32, #tpu.memory_space<vmem>>
        %dma_start3A_638 = arith.constant 0 : i32
        %dma_start3A_639 = tpu.memref_slice %dma_start3A_637[%run_scoped3A_619, %dma_start3A_638] : memref<8x128xi32, #tpu.memory_space<vmem>> -> memref<1x128xi32, #tpu.memory_space<vmem>>
        %dma_start3A_640 = tpu.memref_squeeze %dma_start3A_639 : memref<1x128xi32, #tpu.memory_space<vmem>> -> memref<128xi32, #tpu.memory_space<vmem>>
        %dma_start3A_641 = arith.constant 0 : i32
        %dma_start3A_642 = arith.constant 0 : i32
        %dma_start3A_643 = tpu.memref_slice %arg9[%dma_start3A_641, %dma_start3A_642] : memref<10112x8xf32, #tpu.memory_space<vmem_shared>> -> memref<10112x8xf32, #tpu.memory_space<vmem_shared>>
        tpu.enqueue_indirect_dma source(%dma_start3A_633 : memref<128x8xf32, #tpu.memory_space<vmem>>) target(%dma_start3A_643 : memref<10112x8xf32, #tpu.memory_space<vmem_shared>>) offsets(%dma_start3A_640 : memref<128xi32, #tpu.memory_space<vmem>>) semaphore(%run_scoped3A_626 : memref<!tpu.dma_semaphore, #tpu.memory_space<semaphore_mem>>) {add = true}
        %dma_wait3A_644 = arith.constant 0 : i32
        %dma_wait3A_645 = arith.constant 0 : i32
        %dma_wait3A_646 = tpu.memref_slice %arg8[%run_scoped3A_617, %dma_wait3A_644, %dma_wait3A_645] : memref<2x1024x8xf32, #tpu.memory_space<vmem>> -> memref<1x1024x8xf32, #tpu.memory_space<vmem>>
        %dma_wait3A_647 = tpu.memref_squeeze %dma_wait3A_646 : memref<1x1024x8xf32, #tpu.memory_space<vmem>> -> memref<1024x8xf32, #tpu.memory_space<vmem>>
        %dma_wait3A_648 = arith.constant 640 : i32
        %dma_wait3A_649 = arith.constant 0 : i32
        %dma_wait3A_650 = tpu.memref_slice %dma_wait3A_647[%dma_wait3A_648, %dma_wait3A_649] : memref<1024x8xf32, #tpu.memory_space<vmem>> -> memref<128x8xf32, #tpu.memory_space<vmem>>
        %dma_wait3A_651 = arith.constant 0 : i32
        %dma_wait3A_652 = arith.constant 0 : i32
        %dma_wait3A_653 = tpu.memref_slice %arg7[%run_scoped3A_618, %dma_wait3A_651, %dma_wait3A_652] : memref<2x8x128xi32, #tpu.memory_space<vmem>> -> memref<1x8x128xi32, #tpu.memory_space<vmem>>
        %dma_wait3A_654 = tpu.memref_squeeze %dma_wait3A_653 : memref<1x8x128xi32, #tpu.memory_space<vmem>> -> memref<8x128xi32, #tpu.memory_space<vmem>>
        %dma_wait3A_655 = arith.constant 0 : i32
        %dma_wait3A_656 = tpu.memref_slice %dma_wait3A_654[%run_scoped3A_619, %dma_wait3A_655] : memref<8x128xi32, #tpu.memory_space<vmem>> -> memref<1x128xi32, #tpu.memory_space<vmem>>
        %dma_wait3A_657 = tpu.memref_squeeze %dma_wait3A_656 : memref<1x128xi32, #tpu.memory_space<vmem>> -> memref<128xi32, #tpu.memory_space<vmem>>
        %dma_wait3A_658 = arith.constant 0 : i32
        %dma_wait3A_659 = arith.constant 0 : i32
        %dma_wait3A_660 = tpu.memref_slice %arg9[%dma_wait3A_658, %dma_wait3A_659] : memref<10112x8xf32, #tpu.memory_space<vmem_shared>> -> memref<10112x8xf32, #tpu.memory_space<vmem_shared>>
        tpu.wait_indirect_dma semaphore(%run_scoped3A_626 : memref<!tpu.dma_semaphore, #tpu.memory_space<semaphore_mem>>) src(%dma_wait3A_650 : memref<128x8xf32, #tpu.memory_space<vmem>>) dst(%dma_wait3A_660 : memref<10112x8xf32, #tpu.memory_space<vmem_shared>>)
        tpu.yield
      }) : () -> ()
      %run_scoped3A_620 = arith.constant 1 : i32
      %run_scoped3A_621 = arith.constant 1 : i32
      %run_scoped3A_622 = arith.constant 6 : i32
      "tpu.region"() ({
        %run_scoped3A_626 = tpu.sem_alloc : memref<!tpu.dma_semaphore, #tpu.memory_space<semaphore_mem>>
        %dma_start3A_627 = arith.constant 0 : i32
        %dma_start3A_628 = arith.constant 0 : i32
        %dma_start3A_629 = tpu.memref_slice %arg8[%run_scoped3A_620, %dma_start3A_627, %dma_start3A_628] : memref<2x1024x8xf32, #tpu.memory_space<vmem>> -> memref<1x1024x8xf32, #tpu.memory_space<vmem>>
        %dma_start3A_630 = tpu.memref_squeeze %dma_start3A_629 : memref<1x1024x8xf32, #tpu.memory_space<vmem>> -> memref<1024x8xf32, #tpu.memory_space<vmem>>
        %dma_start3A_631 = arith.constant 768 : i32
        %dma_start3A_632 = arith.constant 0 : i32
        %dma_start3A_633 = tpu.memref_slice %dma_start3A_630[%dma_start3A_631, %dma_start3A_632] : memref<1024x8xf32, #tpu.memory_space<vmem>> -> memref<128x8xf32, #tpu.memory_space<vmem>>
        %dma_start3A_634 = arith.constant 0 : i32
        %dma_start3A_635 = arith.constant 0 : i32
        %dma_start3A_636 = tpu.memref_slice %arg7[%run_scoped3A_621, %dma_start3A_634, %dma_start3A_635] : memref<2x8x128xi32, #tpu.memory_space<vmem>> -> memref<1x8x128xi32, #tpu.memory_space<vmem>>
        %dma_start3A_637 = tpu.memref_squeeze %dma_start3A_636 : memref<1x8x128xi32, #tpu.memory_space<vmem>> -> memref<8x128xi32, #tpu.memory_space<vmem>>
        %dma_start3A_638 = arith.constant 0 : i32
        %dma_start3A_639 = tpu.memref_slice %dma_start3A_637[%run_scoped3A_622, %dma_start3A_638] : memref<8x128xi32, #tpu.memory_space<vmem>> -> memref<1x128xi32, #tpu.memory_space<vmem>>
        %dma_start3A_640 = tpu.memref_squeeze %dma_start3A_639 : memref<1x128xi32, #tpu.memory_space<vmem>> -> memref<128xi32, #tpu.memory_space<vmem>>
        %dma_start3A_641 = arith.constant 0 : i32
        %dma_start3A_642 = arith.constant 0 : i32
        %dma_start3A_643 = tpu.memref_slice %arg9[%dma_start3A_641, %dma_start3A_642] : memref<10112x8xf32, #tpu.memory_space<vmem_shared>> -> memref<10112x8xf32, #tpu.memory_space<vmem_shared>>
        tpu.enqueue_indirect_dma source(%dma_start3A_633 : memref<128x8xf32, #tpu.memory_space<vmem>>) target(%dma_start3A_643 : memref<10112x8xf32, #tpu.memory_space<vmem_shared>>) offsets(%dma_start3A_640 : memref<128xi32, #tpu.memory_space<vmem>>) semaphore(%run_scoped3A_626 : memref<!tpu.dma_semaphore, #tpu.memory_space<semaphore_mem>>) {add = true}
        %dma_wait3A_644 = arith.constant 0 : i32
        %dma_wait3A_645 = arith.constant 0 : i32
        %dma_wait3A_646 = tpu.memref_slice %arg8[%run_scoped3A_620, %dma_wait3A_644, %dma_wait3A_645] : memref<2x1024x8xf32, #tpu.memory_space<vmem>> -> memref<1x1024x8xf32, #tpu.memory_space<vmem>>
        %dma_wait3A_647 = tpu.memref_squeeze %dma_wait3A_646 : memref<1x1024x8xf32, #tpu.memory_space<vmem>> -> memref<1024x8xf32, #tpu.memory_space<vmem>>
        %dma_wait3A_648 = arith.constant 768 : i32
        %dma_wait3A_649 = arith.constant 0 : i32
        %dma_wait3A_650 = tpu.memref_slice %dma_wait3A_647[%dma_wait3A_648, %dma_wait3A_649] : memref<1024x8xf32, #tpu.memory_space<vmem>> -> memref<128x8xf32, #tpu.memory_space<vmem>>
        %dma_wait3A_651 = arith.constant 0 : i32
        %dma_wait3A_652 = arith.constant 0 : i32
        %dma_wait3A_653 = tpu.memref_slice %arg7[%run_scoped3A_621, %dma_wait3A_651, %dma_wait3A_652] : memref<2x8x128xi32, #tpu.memory_space<vmem>> -> memref<1x8x128xi32, #tpu.memory_space<vmem>>
        %dma_wait3A_654 = tpu.memref_squeeze %dma_wait3A_653 : memref<1x8x128xi32, #tpu.memory_space<vmem>> -> memref<8x128xi32, #tpu.memory_space<vmem>>
        %dma_wait3A_655 = arith.constant 0 : i32
        %dma_wait3A_656 = tpu.memref_slice %dma_wait3A_654[%run_scoped3A_622, %dma_wait3A_655] : memref<8x128xi32, #tpu.memory_space<vmem>> -> memref<1x128xi32, #tpu.memory_space<vmem>>
        %dma_wait3A_657 = tpu.memref_squeeze %dma_wait3A_656 : memref<1x128xi32, #tpu.memory_space<vmem>> -> memref<128xi32, #tpu.memory_space<vmem>>
        %dma_wait3A_658 = arith.constant 0 : i32
        %dma_wait3A_659 = arith.constant 0 : i32
        %dma_wait3A_660 = tpu.memref_slice %arg9[%dma_wait3A_658, %dma_wait3A_659] : memref<10112x8xf32, #tpu.memory_space<vmem_shared>> -> memref<10112x8xf32, #tpu.memory_space<vmem_shared>>
        tpu.wait_indirect_dma semaphore(%run_scoped3A_626 : memref<!tpu.dma_semaphore, #tpu.memory_space<semaphore_mem>>) src(%dma_wait3A_650 : memref<128x8xf32, #tpu.memory_space<vmem>>) dst(%dma_wait3A_660 : memref<10112x8xf32, #tpu.memory_space<vmem_shared>>)
        tpu.yield
      }) : () -> ()
      %run_scoped3A_623 = arith.constant 1 : i32
      %run_scoped3A_624 = arith.constant 1 : i32
      %run_scoped3A_625 = arith.constant 7 : i32
      "tpu.region"() ({
        %run_scoped3A_626 = tpu.sem_alloc : memref<!tpu.dma_semaphore, #tpu.memory_space<semaphore_mem>>
        %dma_start3A_627 = arith.constant 0 : i32
        %dma_start3A_628 = arith.constant 0 : i32
        %dma_start3A_629 = tpu.memref_slice %arg8[%run_scoped3A_623, %dma_start3A_627, %dma_start3A_628] : memref<2x1024x8xf32, #tpu.memory_space<vmem>> -> memref<1x1024x8xf32, #tpu.memory_space<vmem>>
        %dma_start3A_630 = tpu.memref_squeeze %dma_start3A_629 : memref<1x1024x8xf32, #tpu.memory_space<vmem>> -> memref<1024x8xf32, #tpu.memory_space<vmem>>
        %dma_start3A_631 = arith.constant 896 : i32
        %dma_start3A_632 = arith.constant 0 : i32
        %dma_start3A_633 = tpu.memref_slice %dma_start3A_630[%dma_start3A_631, %dma_start3A_632] : memref<1024x8xf32, #tpu.memory_space<vmem>> -> memref<128x8xf32, #tpu.memory_space<vmem>>
        %dma_start3A_634 = arith.constant 0 : i32
        %dma_start3A_635 = arith.constant 0 : i32
        %dma_start3A_636 = tpu.memref_slice %arg7[%run_scoped3A_624, %dma_start3A_634, %dma_start3A_635] : memref<2x8x128xi32, #tpu.memory_space<vmem>> -> memref<1x8x128xi32, #tpu.memory_space<vmem>>
        %dma_start3A_637 = tpu.memref_squeeze %dma_start3A_636 : memref<1x8x128xi32, #tpu.memory_space<vmem>> -> memref<8x128xi32, #tpu.memory_space<vmem>>
        %dma_start3A_638 = arith.constant 0 : i32
        %dma_start3A_639 = tpu.memref_slice %dma_start3A_637[%run_scoped3A_625, %dma_start3A_638] : memref<8x128xi32, #tpu.memory_space<vmem>> -> memref<1x128xi32, #tpu.memory_space<vmem>>
        %dma_start3A_640 = tpu.memref_squeeze %dma_start3A_639 : memref<1x128xi32, #tpu.memory_space<vmem>> -> memref<128xi32, #tpu.memory_space<vmem>>
        %dma_start3A_641 = arith.constant 0 : i32
        %dma_start3A_642 = arith.constant 0 : i32
        %dma_start3A_643 = tpu.memref_slice %arg9[%dma_start3A_641, %dma_start3A_642] : memref<10112x8xf32, #tpu.memory_space<vmem_shared>> -> memref<10112x8xf32, #tpu.memory_space<vmem_shared>>
        tpu.enqueue_indirect_dma source(%dma_start3A_633 : memref<128x8xf32, #tpu.memory_space<vmem>>) target(%dma_start3A_643 : memref<10112x8xf32, #tpu.memory_space<vmem_shared>>) offsets(%dma_start3A_640 : memref<128xi32, #tpu.memory_space<vmem>>) semaphore(%run_scoped3A_626 : memref<!tpu.dma_semaphore, #tpu.memory_space<semaphore_mem>>) {add = true}
        %dma_wait3A_644 = arith.constant 0 : i32
        %dma_wait3A_645 = arith.constant 0 : i32
        %dma_wait3A_646 = tpu.memref_slice %arg8[%run_scoped3A_623, %dma_wait3A_644, %dma_wait3A_645] : memref<2x1024x8xf32, #tpu.memory_space<vmem>> -> memref<1x1024x8xf32, #tpu.memory_space<vmem>>
        %dma_wait3A_647 = tpu.memref_squeeze %dma_wait3A_646 : memref<1x1024x8xf32, #tpu.memory_space<vmem>> -> memref<1024x8xf32, #tpu.memory_space<vmem>>
        %dma_wait3A_648 = arith.constant 896 : i32
        %dma_wait3A_649 = arith.constant 0 : i32
        %dma_wait3A_650 = tpu.memref_slice %dma_wait3A_647[%dma_wait3A_648, %dma_wait3A_649] : memref<1024x8xf32, #tpu.memory_space<vmem>> -> memref<128x8xf32, #tpu.memory_space<vmem>>
        %dma_wait3A_651 = arith.constant 0 : i32
        %dma_wait3A_652 = arith.constant 0 : i32
        %dma_wait3A_653 = tpu.memref_slice %arg7[%run_scoped3A_624, %dma_wait3A_651, %dma_wait3A_652] : memref<2x8x128xi32, #tpu.memory_space<vmem>> -> memref<1x8x128xi32, #tpu.memory_space<vmem>>
        %dma_wait3A_654 = tpu.memref_squeeze %dma_wait3A_653 : memref<1x8x128xi32, #tpu.memory_space<vmem>> -> memref<8x128xi32, #tpu.memory_space<vmem>>
        %dma_wait3A_655 = arith.constant 0 : i32
        %dma_wait3A_656 = tpu.memref_slice %dma_wait3A_654[%run_scoped3A_625, %dma_wait3A_655] : memref<8x128xi32, #tpu.memory_space<vmem>> -> memref<1x128xi32, #tpu.memory_space<vmem>>
        %dma_wait3A_657 = tpu.memref_squeeze %dma_wait3A_656 : memref<1x128xi32, #tpu.memory_space<vmem>> -> memref<128xi32, #tpu.memory_space<vmem>>
        %dma_wait3A_658 = arith.constant 0 : i32
        %dma_wait3A_659 = arith.constant 0 : i32
        %dma_wait3A_660 = tpu.memref_slice %arg9[%dma_wait3A_658, %dma_wait3A_659] : memref<10112x8xf32, #tpu.memory_space<vmem_shared>> -> memref<10112x8xf32, #tpu.memory_space<vmem_shared>>
        tpu.wait_indirect_dma semaphore(%run_scoped3A_626 : memref<!tpu.dma_semaphore, #tpu.memory_space<semaphore_mem>>) src(%dma_wait3A_650 : memref<128x8xf32, #tpu.memory_space<vmem>>) dst(%dma_wait3A_660 : memref<10112x8xf32, #tpu.memory_space<vmem_shared>>)
        tpu.yield
      }) : () -> ()
    }
    %scan3A_181 = arith.constant 5 : i32
    %dma_wait3A = arith.constant 0 : i32
    %dma_wait3A_182 = arith.constant 0 : i32
    %dma_wait3A_183 = arith.constant 0 : i32
    %dma_wait3A_184 = tpu.memref_slice %arg8[%dma_wait3A, %dma_wait3A_182, %dma_wait3A_183] : memref<2x1024x8xf32, #tpu.memory_space<vmem>> -> memref<1x1024x8xf32, #tpu.memory_space<vmem>>
    %dma_wait3A_185 = tpu.memref_squeeze %dma_wait3A_184 : memref<1x1024x8xf32, #tpu.memory_space<vmem>> -> memref<1024x8xf32, #tpu.memory_space<vmem>>
    %dma_wait3A_186 = arith.constant 0 : i32
    %dma_wait3A_187 = arith.constant 0 : i32
    %dma_wait3A_188 = tpu.memref_slice %arg4[%dma_wait3A_186, %dma_wait3A_187] : memref<10112x8xf32, #tpu.memory_space<hbm>> -> memref<1024x8xf32, #tpu.memory_space<hbm>>
    %dma_wait3A_189 = arith.constant 0 : i32
    %dma_wait3A_190 = arith.constant 0 : i32
    %dma_wait3A_191 = tpu.memref_slice %arg8[%dma_wait3A, %dma_wait3A_189, %dma_wait3A_190] : memref<2x1024x8xf32, #tpu.memory_space<vmem>> -> memref<1x1024x8xf32, #tpu.memory_space<vmem>>
    %dma_wait3A_192 = tpu.memref_squeeze %dma_wait3A_191 : memref<1x1024x8xf32, #tpu.memory_space<vmem>> -> memref<1024x8xf32, #tpu.memory_space<vmem>>
    %dma_wait3A_193 = arith.constant 0 : i32
    %dma_wait3A_194 = arith.constant 0 : i32
    %dma_wait3A_195 = tpu.memref_slice %arg4[%dma_wait3A_193, %dma_wait3A_194] : memref<10112x8xf32, #tpu.memory_space<hbm>> -> memref<1024x8xf32, #tpu.memory_space<hbm>>
    tpu.wait_dma2 semaphore(%arg11 : memref<!tpu.dma_semaphore, #tpu.memory_space<semaphore_mem>>) src(%dma_wait3A_195 : memref<1024x8xf32, #tpu.memory_space<hbm>>) dst(%dma_wait3A_192 : memref<1024x8xf32, #tpu.memory_space<vmem>>)
    %barrier3A_196 = arith.constant 0 : index
    tpu.barrier barrier_id(%barrier3A_196)
    %mul3A_197 = arith.constant 632 : i32
    %mul3A_198 = arith.muli %arg1, %mul3A_197 : i32
    %mul3A_199 = arith.constant 632 : i32
    %mul3A_200 = arith.muli %arg1, %mul3A_199 : i32
    "tpu.region"() ({
      %run_scoped3A_201 = tpu.sem_alloc : memref<!tpu.dma_semaphore, #tpu.memory_space<semaphore_mem>>
      %dma_start3A_202 = arith.constant 0 : i32
      %dma_start3A_203 = arith.constant 0 : i32
      %dma_start3A_204 = tpu.memref_slice %arg5[%arg0, %dma_start3A_202, %dma_start3A_203] : memref<2x10112x8xf32, #tpu.memory_space<hbm>> -> memref<1x10112x8xf32, #tpu.memory_space<hbm>>
      %dma_start3A_205 = tpu.memref_squeeze %dma_start3A_204 : memref<1x10112x8xf32, #tpu.memory_space<hbm>> -> memref<10112x8xf32, #tpu.memory_space<hbm>>
      %dma_start3A_206 = arith.constant 0 : i32
      %dma_start3A_207 = tpu.memref_slice %dma_start3A_205[%mul3A_200, %dma_start3A_206] : memref<10112x8xf32, #tpu.memory_space<hbm>> -> memref<632x8xf32, #tpu.memory_space<hbm>>
      %dma_start3A_208 = arith.constant 0 : i32
      %dma_start3A_209 = tpu.memref_slice %arg9[%mul3A_198, %dma_start3A_208] : memref<10112x8xf32, #tpu.memory_space<vmem_shared>> -> memref<632x8xf32, #tpu.memory_space<vmem_shared>>
      tpu.enqueue_dma source(%dma_start3A_209 : memref<632x8xf32, #tpu.memory_space<vmem_shared>>) target(%dma_start3A_207 : memref<632x8xf32, #tpu.memory_space<hbm>>) target_semaphore(%run_scoped3A_201 : memref<!tpu.dma_semaphore, #tpu.memory_space<semaphore_mem>>)
      %dma_wait3A_210 = arith.constant 0 : i32
      %dma_wait3A_211 = arith.constant 0 : i32
      %dma_wait3A_212 = tpu.memref_slice %arg5[%arg0, %dma_wait3A_210, %dma_wait3A_211] : memref<2x10112x8xf32, #tpu.memory_space<hbm>> -> memref<1x10112x8xf32, #tpu.memory_space<hbm>>
      %dma_wait3A_213 = tpu.memref_squeeze %dma_wait3A_212 : memref<1x10112x8xf32, #tpu.memory_space<hbm>> -> memref<10112x8xf32, #tpu.memory_space<hbm>>
      %dma_wait3A_214 = arith.constant 0 : i32
      %dma_wait3A_215 = tpu.memref_slice %dma_wait3A_213[%mul3A_200, %dma_wait3A_214] : memref<10112x8xf32, #tpu.memory_space<hbm>> -> memref<632x8xf32, #tpu.memory_space<hbm>>
      %dma_wait3A_216 = arith.constant 0 : i32
      %dma_wait3A_217 = tpu.memref_slice %arg9[%mul3A_198, %dma_wait3A_216] : memref<10112x8xf32, #tpu.memory_space<vmem_shared>> -> memref<632x8xf32, #tpu.memory_space<vmem_shared>>
      tpu.wait_dma2 semaphore(%run_scoped3A_201 : memref<!tpu.dma_semaphore, #tpu.memory_space<semaphore_mem>>) src(%dma_wait3A_217 : memref<632x8xf32, #tpu.memory_space<vmem_shared>>) dst(%dma_wait3A_215 : memref<632x8xf32, #tpu.memory_space<hbm>>)
      tpu.yield
    }) : () -> ()
    return
  }
}

module attributes {stable_mosaic.version = 14 : i64} {
  func.func @body(%arg0: memref<2x632x128xf32, #tpu.memory_space<vmem>>, %arg1: memref<1250x1024xf32, #tpu.memory_space<vmem>>, %arg2: memref<1024x128xf32, #tpu.memory_space<vmem>>, %arg3: memref<128x256xf32, #tpu.memory_space<vmem>>, %arg4: memref<1264x128xf32, #tpu.memory_space<vmem>>, %arg5: memref<1264x128xf32, #tpu.memory_space<vmem>>, %arg6: memref<632x128xf32, #tpu.memory_space<vmem>>) attributes {dimension_semantics = [], scalar_prefetch = 0 : i64, scratch_operands = 0 : i64, tpu.core_type = #tpu.core_type<tc>} {
    %get3A = arith.constant 0 : index
    %get3A_0 = arith.constant 0 : index
    %get3A_1 = arith.constant 0 : index
    %get3A_2 = vector.load %arg0[%get3A, %get3A_0, %get3A_1] : memref<2x632x128xf32, #tpu.memory_space<vmem>>, vector<1x632x128xf32>
    %get3A_3 = vector.shape_cast %get3A_2 : vector<1x632x128xf32> to vector<632x128xf32>
    %get3A_4 = arith.constant 1 : index
    %get3A_5 = arith.constant 0 : index
    %get3A_6 = arith.constant 0 : index
    %get3A_7 = vector.load %arg0[%get3A_4, %get3A_5, %get3A_6] : memref<2x632x128xf32, #tpu.memory_space<vmem>>, vector<1x632x128xf32>
    %get3A_8 = vector.shape_cast %get3A_7 : vector<1x632x128xf32> to vector<632x128xf32>
    %add3A = arith.addf %get3A_3, %get3A_8 : vector<632x128xf32>
    %add3A_9 = arith.constant 1.000000e+00 : f32
    %add3A_10 = vector.broadcast %add3A_9 : f32 to vector<632x128xf32>
    %add3A_11 = arith.addf %add3A, %add3A_10 : vector<632x128xf32>
    %rsqrt3A = math.rsqrt %add3A_11 : vector<632x128xf32>
    %get3A_12 = arith.constant 0 : index
    %get3A_13 = arith.constant 0 : index
    %get3A_14 = vector.load %arg3[%get3A_12, %get3A_13] : memref<128x256xf32, #tpu.memory_space<vmem>>, vector<128x256xf32>
    %dot_general3A = arith.constant dense<0.000000e+00> : vector<632x256xf32>
    %dot_general3A_15 = tpu.matmul %rsqrt3A, %get3A_14, %dot_general3A {dimension_numbers = #tpu.dot_dimension_numbers<[1], [0], [0], [1], [0, 0, 1, 1], [], []>, precision = #tpu.contract_precision<fp32>, transpose_lhs_hint = false} : vector<632x128xf32>, vector<128x256xf32>, vector<632x256xf32> -> vector<632x256xf32>
    %reshape3A = vector.shape_cast %dot_general3A_15 : vector<632x256xf32> to vector<1264x128xf32>
    %swap3A = arith.constant 0 : index
    %swap3A_16 = arith.constant 0 : index
    %swap3A_17 = vector.load %arg5[%swap3A, %swap3A_16] : memref<1264x128xf32, #tpu.memory_space<vmem>>, vector<1264x128xf32>
    tpu.vector_store %arg5[%swap3A, %swap3A_16], %reshape3A {strides = array<i32>} : memref<1264x128xf32, #tpu.memory_space<vmem>>, vector<1264x128xf32>,
    %swap3A_18 = arith.constant 0 : index
    %swap3A_19 = arith.constant 0 : index
    %swap3A_20 = vector.load %arg6[%swap3A_18, %swap3A_19] : memref<632x128xf32, #tpu.memory_space<vmem>>, vector<632x128xf32>
    tpu.vector_store %arg6[%swap3A_18, %swap3A_19], %rsqrt3A {strides = array<i32>} : memref<632x128xf32, #tpu.memory_space<vmem>>, vector<632x128xf32>,
    %get3A_21 = arith.constant 0 : index
    %get3A_22 = arith.constant 0 : index
    %get3A_23 = vector.load %arg1[%get3A_21, %get3A_22] : memref<1250x1024xf32, #tpu.memory_space<vmem>>, vector<1250x1024xf32>
    %get3A_24 = arith.constant 0 : index
    %get3A_25 = arith.constant 0 : index
    %get3A_26 = vector.load %arg2[%get3A_24, %get3A_25] : memref<1024x128xf32, #tpu.memory_space<vmem>>, vector<1024x128xf32>
    %dot_general3A_27 = arith.constant dense<0.000000e+00> : vector<1250x128xf32>
    %dot_general3A_28 = tpu.matmul %get3A_23, %get3A_26, %dot_general3A_27 {dimension_numbers = #tpu.dot_dimension_numbers<[1], [0], [0], [1], [0, 0, 1, 1], [], []>, transpose_lhs_hint = false} : vector<1250x1024xf32>, vector<1024x128xf32>, vector<1250x128xf32> -> vector<1250x128xf32>
    %slice3A = vector.extract_strided_slice %reshape3A {offsets = [0, 0], sizes = [1250, 128], strides = [1, 1]} : vector<1264x128xf32> to vector<1250x128xf32>
    %mul3A = arith.mulf %dot_general3A_28, %slice3A : vector<1250x128xf32>
    %swap3A_29 = arith.constant 0 : index
    %swap3A_30 = arith.constant 0 : index
    %swap3A_31 = vector.load %arg4[%swap3A_29, %swap3A_30] : memref<1264x128xf32, #tpu.memory_space<vmem>>, vector<1250x128xf32>
    tpu.vector_store %arg4[%swap3A_29, %swap3A_30], %mul3A {strides = array<i32>} : memref<1264x128xf32, #tpu.memory_space<vmem>>, vector<1250x128xf32>,
    %broadcast_in_dim3A = arith.constant 0.000000e+00 : f32
    %broadcast_in_dim3A_32 = vector.broadcast %broadcast_in_dim3A : f32 to vector<14x128xf32>
    %swap3A_33 = arith.constant 1250 : index
    %swap3A_34 = arith.constant 0 : index
    %swap3A_35 = vector.load %arg4[%swap3A_33, %swap3A_34] : memref<1264x128xf32, #tpu.memory_space<vmem>>, vector<14x128xf32>
    tpu.vector_store %arg4[%swap3A_33, %swap3A_34], %broadcast_in_dim3A_32 {strides = array<i32>} : memref<1264x128xf32, #tpu.memory_space<vmem>>, vector<14x128xf32>,
    return
  }
}

module attributes {stable_mosaic.version = 14 : i64} {
  func.func @body(%arg0: memref<2x1264x128xf32, #tpu.memory_space<vmem>>, %arg1: memref<1264x128xf32, #tpu.memory_space<vmem>>, %arg2: memref<1264x128xf32, #tpu.memory_space<vmem>>, %arg3: memref<632x128xf32, #tpu.memory_space<vmem>>, %arg4: memref<128x128xf32, #tpu.memory_space<vmem>>, %arg5: memref<1x128xf32, #tpu.memory_space<vmem>>, %arg6: memref<256x128xf32, #tpu.memory_space<vmem>>, %arg7: memref<632x128xf32, #tpu.memory_space<vmem>>) attributes {dimension_semantics = [], scalar_prefetch = 0 : i64, scratch_operands = 0 : i64, tpu.core_type = #tpu.core_type<tc>} {
    %get3A = arith.constant 0 : index
    %get3A_0 = arith.constant 0 : index
    %get3A_1 = arith.constant 0 : index
    %get3A_2 = vector.load %arg0[%get3A, %get3A_0, %get3A_1] : memref<2x1264x128xf32, #tpu.memory_space<vmem>>, vector<1x1264x128xf32>
    %get3A_3 = vector.shape_cast %get3A_2 : vector<1x1264x128xf32> to vector<1264x128xf32>
    %get3A_4 = arith.constant 1 : index
    %get3A_5 = arith.constant 0 : index
    %get3A_6 = arith.constant 0 : index
    %get3A_7 = vector.load %arg0[%get3A_4, %get3A_5, %get3A_6] : memref<2x1264x128xf32, #tpu.memory_space<vmem>>, vector<1x1264x128xf32>
    %get3A_8 = vector.shape_cast %get3A_7 : vector<1x1264x128xf32> to vector<1264x128xf32>
    %add3A = arith.addf %get3A_3, %get3A_8 : vector<1264x128xf32>
    %get3A_9 = arith.constant 0 : index
    %get3A_10 = arith.constant 0 : index
    %get3A_11 = vector.load %arg1[%get3A_9, %get3A_10] : memref<1264x128xf32, #tpu.memory_space<vmem>>, vector<1264x128xf32>
    %add3A_12 = arith.addf %add3A, %get3A_11 : vector<1264x128xf32>
    %get3A_13 = arith.constant 0 : index
    %get3A_14 = arith.constant 0 : index
    %get3A_15 = vector.load %arg2[%get3A_13, %get3A_14] : memref<1264x128xf32, #tpu.memory_space<vmem>>, vector<1264x128xf32>
    %mul3A = arith.mulf %get3A_15, %add3A_12 : vector<1264x128xf32>
    %get3A_16 = arith.constant 0 : index
    %get3A_17 = arith.constant 0 : index
    %get3A_18 = vector.load %arg5[%get3A_16, %get3A_17] : memref<1x128xf32, #tpu.memory_space<vmem>>, vector<1x128xf32>
    %add3A_19 = vector.broadcast %get3A_18 : vector<1x128xf32> to vector<1264x128xf32>
    %add3A_20 = arith.addf %mul3A, %add3A_19 : vector<1264x128xf32>
    %max3A = arith.constant 0.000000e+00 : f32
    %max3A_21 = vector.broadcast %max3A : f32 to vector<1264x128xf32>
    %max3A_22 = arith.maximumf %add3A_20, %max3A_21 : vector<1264x128xf32>
    %get3A_23 = arith.constant 0 : index
    %get3A_24 = arith.constant 0 : index
    %get3A_25 = vector.load %arg4[%get3A_23, %get3A_24] : memref<128x128xf32, #tpu.memory_space<vmem>>, vector<128x128xf32>
    %dot_general3A = arith.constant dense<0.000000e+00> : vector<1264x128xf32>
    %dot_general3A_26 = tpu.matmul %max3A_22, %get3A_25, %dot_general3A {dimension_numbers = #tpu.dot_dimension_numbers<[1], [0], [0], [1], [0, 0, 1, 1], [], []>, precision = #tpu.contract_precision<fp32>, transpose_lhs_hint = false} : vector<1264x128xf32>, vector<128x128xf32>, vector<1264x128xf32> -> vector<1264x128xf32>
    %reshape3A = vector.shape_cast %dot_general3A_26 : vector<1264x128xf32> to vector<632x256xf32>
    %get3A_27 = arith.constant 0 : index
    %get3A_28 = arith.constant 0 : index
    %get3A_29 = vector.load %arg6[%get3A_27, %get3A_28] : memref<256x128xf32, #tpu.memory_space<vmem>>, vector<256x128xf32>
    %dot_general3A_30 = arith.constant dense<0.000000e+00> : vector<632x128xf32>
    %dot_general3A_31 = tpu.matmul %reshape3A, %get3A_29, %dot_general3A_30 {dimension_numbers = #tpu.dot_dimension_numbers<[1], [0], [0], [1], [0, 0, 1, 1], [], []>, precision = #tpu.contract_precision<fp32>, transpose_lhs_hint = false} : vector<632x256xf32>, vector<256x128xf32>, vector<632x128xf32> -> vector<632x128xf32>
    %get3A_32 = arith.constant 0 : index
    %get3A_33 = arith.constant 0 : index
    %get3A_34 = vector.load %arg3[%get3A_32, %get3A_33] : memref<632x128xf32, #tpu.memory_space<vmem>>, vector<632x128xf32>
    %mul3A_35 = arith.mulf %dot_general3A_31, %get3A_34 : vector<632x128xf32>
    %swap3A = arith.constant 0 : index
    %swap3A_36 = arith.constant 0 : index
    %swap3A_37 = vector.load %arg7[%swap3A, %swap3A_36] : memref<632x128xf32, #tpu.memory_space<vmem>>, vector<632x128xf32>
    tpu.vector_store %arg7[%swap3A, %swap3A_36], %mul3A_35 {strides = array<i32>} : memref<632x128xf32, #tpu.memory_space<vmem>>, vector<632x128xf32>,
    return
  }
}

module attributes {stable_mosaic.version = 14 : i64} {
  func.func @body(%arg0: memref<2x632x128xf32, #tpu.memory_space<vmem>>, %arg1: memref<632x128xf32, #tpu.memory_space<vmem>>, %arg2: memref<632x128xf32, #tpu.memory_space<vmem>>, %arg3: memref<1x128xf32, #tpu.memory_space<vmem>>, %arg4: memref<1x128xf32, #tpu.memory_space<vmem>>, %arg5: memref<128x128xf32, #tpu.memory_space<vmem>>, %arg6: memref<632x128xf32, #tpu.memory_space<vmem>>) attributes {dimension_semantics = [], scalar_prefetch = 0 : i64, scratch_operands = 0 : i64, tpu.core_type = #tpu.core_type<tc>} {
    %get3A = arith.constant 0 : index
    %get3A_0 = arith.constant 0 : index
    %get3A_1 = vector.load %arg2[%get3A, %get3A_0] : memref<632x128xf32, #tpu.memory_space<vmem>>, vector<632x128xf32>
    %get3A_2 = arith.constant 0 : index
    %get3A_3 = arith.constant 0 : index
    %get3A_4 = arith.constant 0 : index
    %get3A_5 = vector.load %arg0[%get3A_2, %get3A_3, %get3A_4] : memref<2x632x128xf32, #tpu.memory_space<vmem>>, vector<1x632x128xf32>
    %get3A_6 = vector.shape_cast %get3A_5 : vector<1x632x128xf32> to vector<632x128xf32>
    %get3A_7 = arith.constant 1 : index
    %get3A_8 = arith.constant 0 : index
    %get3A_9 = arith.constant 0 : index
    %get3A_10 = vector.load %arg0[%get3A_7, %get3A_8, %get3A_9] : memref<2x632x128xf32, #tpu.memory_space<vmem>>, vector<1x632x128xf32>
    %get3A_11 = vector.shape_cast %get3A_10 : vector<1x632x128xf32> to vector<632x128xf32>
    %add3A = arith.addf %get3A_6, %get3A_11 : vector<632x128xf32>
    %get3A_12 = arith.constant 0 : index
    %get3A_13 = arith.constant 0 : index
    %get3A_14 = vector.load %arg1[%get3A_12, %get3A_13] : memref<632x128xf32, #tpu.memory_space<vmem>>, vector<632x128xf32>
    %add3A_15 = arith.addf %add3A, %get3A_14 : vector<632x128xf32>
    %mul3A = arith.mulf %get3A_1, %add3A_15 : vector<632x128xf32>
    %get3A_16 = arith.constant 0 : index
    %get3A_17 = arith.constant 0 : index
    %get3A_18 = vector.load %arg3[%get3A_16, %get3A_17] : memref<1x128xf32, #tpu.memory_space<vmem>>, vector<1x128xf32>
    %add3A_19 = vector.broadcast %get3A_18 : vector<1x128xf32> to vector<632x128xf32>
    %add3A_20 = arith.addf %mul3A, %add3A_19 : vector<632x128xf32>
    %exp3A = math.exp %add3A_20 : vector<632x128xf32>
    %get3A_21 = arith.constant 0 : index
    %get3A_22 = arith.constant 0 : index
    %get3A_23 = vector.load %arg4[%get3A_21, %get3A_22] : memref<1x128xf32, #tpu.memory_space<vmem>>, vector<1x128xf32>
    %mul3A_24 = vector.broadcast %get3A_23 : vector<1x128xf32> to vector<632x128xf32>
    %mul3A_25 = arith.mulf %exp3A, %mul3A_24 : vector<632x128xf32>
    %get3A_26 = arith.constant 0 : index
    %get3A_27 = arith.constant 0 : index
    %get3A_28 = vector.load %arg5[%get3A_26, %get3A_27] : memref<128x128xf32, #tpu.memory_space<vmem>>, vector<128x128xf32>
    %dot_general3A = arith.constant dense<0.000000e+00> : vector<632x128xf32>
    %dot_general3A_29 = tpu.matmul %mul3A_25, %get3A_28, %dot_general3A {dimension_numbers = #tpu.dot_dimension_numbers<[1], [0], [0], [1], [0, 0, 1, 1], [], []>, precision = #tpu.contract_precision<fp32>, transpose_lhs_hint = false} : vector<632x128xf32>, vector<128x128xf32>, vector<632x128xf32> -> vector<632x128xf32>
    %log3A = math.log %dot_general3A_29 : vector<632x128xf32>
    %sub3A = arith.subf %add3A_20, %log3A : vector<632x128xf32>
    %swap3A = arith.constant 0 : index
    %swap3A_30 = arith.constant 0 : index
    %swap3A_31 = vector.load %arg6[%swap3A, %swap3A_30] : memref<632x128xf32, #tpu.memory_space<vmem>>, vector<632x128xf32>
    tpu.vector_store %arg6[%swap3A, %swap3A_30], %sub3A {strides = array<i32>} : memref<632x128xf32, #tpu.memory_space<vmem>>, vector<632x128xf32>,
    return
  }
}

</mosaic_0001>

<sc_bundles>
// kernel: kernel.11.cloned.1.call-start
scs
__scs_entry_jumppad:
0x0: {  	(pc) =	sbr.rel $0x88, $3  }
0x1: {  	(tag) =	ssettag $0x0;
	lr =	simm.s32 $0x1  }
0x2: {  	[smem:$0x3F9B] =	sst lr;
	_ =	strace $0xD0000000  }
0x3: {  	_ = 	snop  }
0x4: {  	_ = 	snop  }
0x5: {  	_ = 	snop  }
0x6: {  	_ = 	snop  }
0x7: {  	_ = 	snop  }
__scs_overlays_trampoline_lowered:
0x8: {  	[smem:$0x3FAA] =	sst s0  }
0x9: {  	[smem:$0x3FAB] =	sst s1  }
0xa: {  	[smem:$0x3FAC] =	sst s2  }
0xb: {  	[smem:$0x3FAD] =	sst s3  }
0xc: {  	[smem:$0x3FAE] =	sst s4  }
0xd: {  	[smem:$0x3FAF] =	sst s5  }
0xe: {  	[smem:$0x3FB0] =	sst s6  }
0xf: {  	[smem:$0x3FB1] =	sst s7  }
0x10: {  	[smem:$0x3FB2] =	sst s8  }
0x11: {  	[smem:$0x3FB3] =	sst s9;
	s0 =	simm.s32 @!p0 $0x0  }
0x12: {  	s1 =	sld [smem:$0x3F99];
	s0 =	simm.s32 @p0 $0x1  }
0x13: {  	[smem:$0x3FB4] =	sst s0;
	s0 =	simm.s32 @!p1 $0x0  }
0x14: {  	s2 =	sld [smem:$0x3F98];
	s0 =	simm.s32 @p1 $0x1  }
0x15: {  	[smem:$0x3FB5] =	sst s0;
	s0 =	simm.s32 @!p2 $0x0  }
0x16: {  	s3 =	sld [smem:$0x3FDB];
	s0 =	simm.s32 @p2 $0x1  }
0x17: {  	s4 =	simm.s32 $0x1BF5;
	[smem:$0x3FB7] =	sst s0  }
0x18: {  	s0 =	sld [smem:$0x3F9A];
	_ =	swait.ge [sflag:s4], $0x0  }
0x19: {  	s7 =	sld [smem:$0x3F9B]  }
0x1a: {  	s8 =	sadd.s32 $0xFFFFE003, lr  }
0x1b: {  	s9 =	sadd.s32 $0xFFFFFEF7, lr;
	s5 =	simm.s32 $0xFFFFFFFF;
	p2 =	slt.u32 s8, $0xFFFFF086  }
0x1c: {  	p1 =	slt.u32 s9, $0xF7A;
	s5 =	simm.s32 @!p2 $0x0  }
0x1d: {  	s5 =	simm.s32 @p1 $0x1;
	p0 =	seq.s32 s7, s2  }
0x1e: {  	s7 =	smul.u32 @!p0 $0xF7A, s2;
	p2 =	seq.s32 @!p0 s5, $0x0  }
0x1f: {  	s9 =	smul.u32 $0xF7A, s1;
	s8 =	simm.s32 @!p0 $0x1BF5;
	p2 =	por !p2, p0  }
0x20: {  	[sflag:s8] =	ssyncset.s32 @!p0 $0xFFFFF086;
	s6 =	sadd.s32 @!p0 s3, s7;
	s7 =	simm.s32 @!p0 $0x108  }
0x21: {  	s3 =	sadd.s32 s3, s9;
	s6 =	sadd.s32 @!p0 $0x88, s6;
	s7 =	simm.s32 @p2 $0x1082  }
0x22: {  	[simem:s7], [sflag:s8] =	dma.local @!p0 [hbm:s6], $0xF7A  }
0x23: {  	s9 =	sor.u32 $0xD0000000, s2;
	s6 =	simm.s32 $0x108;
	_ =	swait.ge @!p0 [sflag:s8], $0x0  }
0x24: {  	s3 =	sadd.s32 $0x88, s3;
	s6 =	simm.s32 @!p1 $0x1082;
	[sflag:s4] =	ssyncset.s32 $0xFFFFF086  }
0x25: {  	[simem:s6], [sflag:s4] =	dma.local [hbm:s3], $0xF7A  }
0x26: {  	[smem:$0x3F9B] =	sst s1;
	(tag) =	ssettag s2;
	_ =	strace s9  }
0x27: {  	s1 =	sld [smem:$0x3FAB]  }
0x28: {  	s2 =	sld [smem:$0x3FAC]  }
0x29: {  	s4 =	sld [smem:$0x3FAE]  }
0x2a: {  	p0 =	seq.s32 s5, $0x0;
	s5 =	sld [smem:$0x3FAF]  }
0x2b: {  	s6 =	sld [smem:$0x3FB0]  }
0x2c: {  	s7 =	sld [smem:$0x3FB1]  }
0x2d: {  	s3 =	simm.s32 $0x108;
	s8 =	sld [smem:$0x3FB2]  }
0x2e: {  	s3 =	simm.s32 @!p0 $0x1082;
	s9 =	sld [smem:$0x3FB3]  }
0x2f: {  	lr =	sadd.s32 s0, s3;
	s0 =	sld [smem:$0x3FAA]  }
0x30: {  	s3 =	sld [smem:$0x3FAD]  }
0x31: {  	[smem:$0x3FB6] =	sst s10  }
0x32: {  	s10 =	sld [smem:$0x3FB4];
	_ =	sdelay $0x3  }
0x33: {  	p0 =	seq.s32 s10, $0x1;
	s10 =	sld [smem:$0x3FB6];
	_ =	sdelay $0x3  }
0x34: {  	[smem:$0x3FB6] =	sst s10  }
0x35: {  	s10 =	sld [smem:$0x3FB5];
	_ =	sdelay $0x3  }
0x36: {  	p1 =	seq.s32 s10, $0x1;
	s10 =	sld [smem:$0x3FB6];
	_ =	sdelay $0x3  }
0x37: {  	[smem:$0x3FB6] =	sst s10  }
0x38: {  	s10 =	sld [smem:$0x3FB7]  }
0x39: {  	_ = 	snop;
	(pc) =	sbr.ind lr, $3  }
0x3a: {  	_ = 	snop  }
0x3b: {  	_ = 	snop  }
0x3c: {  	p2 =	seq.s32 s10, $0x1;
	s10 =	sld [smem:$0x3FB6]  }
0x3d: {  	_ =	shalt  }
0x3e: {  	_ =	shalt  }
0x3f: {  	_ =	shalt  }
0x40: {  	_ =	shalt  }
0x41: {  	_ =	shalt  }
0x42: {  	_ =	shalt  }
0x43: {  	_ =	shalt  }
0x44: {  	_ =	shalt  }
0x45: {  	_ =	shalt  }
0x46: {  	_ =	shalt  }
0x47: {  	_ =	shalt  }
0x48: {  	_ =	shalt  }
0x49: {  	_ =	shalt  }
0x4a: {  	_ =	shalt  }
0x4b: {  	_ =	shalt  }
0x4c: {  	_ =	shalt  }
0x4d: {  	_ =	shalt  }
0x4e: {  	_ =	shalt  }
0x4f: {  	_ =	shalt  }
0x50: {  	_ =	shalt  }
0x51: {  	_ =	shalt  }
0x52: {  	_ =	shalt  }
0x53: {  	_ =	shalt  }
0x54: {  	_ =	shalt  }
0x55: {  	_ =	shalt  }
0x56: {  	_ =	shalt  }
0x57: {  	_ =	shalt  }
0x58: {  	_ =	shalt  }
0x59: {  	_ =	shalt  }
0x5a: {  	_ =	shalt  }
0x5b: {  	_ =	shalt  }
0x5c: {  	_ =	shalt  }
0x5d: {  	_ =	shalt  }
0x5e: {  	_ =	shalt  }
0x5f: {  	_ =	shalt  }
0x60: {  	_ =	shalt  }
0x61: {  	_ =	shalt  }
0x62: {  	_ =	shalt  }
0x63: {  	_ =	shalt  }
0x64: {  	_ =	shalt  }
0x65: {  	_ =	shalt  }
0x66: {  	_ =	shalt  }
0x67: {  	_ =	shalt  }
0x68: {  	_ =	shalt  }
0x69: {  	_ =	shalt  }
0x6a: {  	_ =	shalt  }
0x6b: {  	_ =	shalt  }
0x6c: {  	_ =	shalt  }
0x6d: {  	_ =	shalt  }
0x6e: {  	_ =	shalt  }
0x6f: {  	_ =	shalt  }
0x70: {  	_ =	shalt  }
0x71: {  	_ =	shalt  }
0x72: {  	_ =	shalt  }
0x73: {  	_ =	shalt  }
0x74: {  	_ =	shalt  }
0x75: {  	_ =	shalt  }
0x76: {  	_ =	shalt  }
0x77: {  	_ =	shalt  }
0x78: {  	_ =	shalt  }
0x79: {  	_ =	shalt  }
0x7a: {  	_ =	shalt  }
0x7b: {  	_ =	shalt  }
0x7c: {  	_ =	shalt  }
0x7d: {  	_ =	shalt  }
0x7e: {  	_ =	shalt  }
0x7f: {  	_ =	shalt  }
0x80: {  	_ =	shalt  }
0x81: {  	_ =	shalt  }
0x82: {  	_ =	shalt  }
0x83: {  	_ =	shalt  }
0x84: {  	_ =	shalt  }
0x85: {  	_ =	shalt  }
0x86: {  	_ =	shalt  }
0x87: {  	_ =	shalt  }
.Lfunc_end0:
.L_simem_size_0:
called_computation.1_lowered:
.L_overlay_start_0:
0x88: {  	s2 =	sld [smem:$0x3FD9]  }
0x89: {  	s3 =	sld [smem:$0x3FFE];
	_ =	sdelay $0x1  }
0x8a: {  	s1 =	srdreg.scid  }
0x8b: {  	s0 =	sand.u32 $0x1, s1  }
0x8c: {  	s16 =	sshll.u32 s0, $0xA;
	s2 =	sadd.s32 s3, s2  }
0x8d: {  	s2 =	sadd.s32 s2, s16  }
0x8e: {  	[smem:$0x3FC2] =	sst s2  }
0x8f: {  	_ = 	snop  }
0x90: {  	(tm) =	ssettm $0x1  }
0x91: {  	s17 =	sld [smem:$0x3FFB];
	_ =	sdelay $0x3  }
0x92: {  	_ =	strace s17  }
0x93: {  	s2 =	sld [smem:$0x3FFC];
	_ =	sdelay $0x3  }
0x94: {  	_ =	strace s2  }
0x95: {  	s2 =	sld [smem:$0x3FFD];
	_ =	sdelay $0x3  }
0x96: {  	_ =	strace s2  }
0x97: {  	_ =	strace $0x8FFFFFFF  }
0x98: {  	s18 =	sld [smem:$0x3FDB];
	_ =	sdelay $0x1  }
0x99: {  	s19 =	simm.s32 $_scs_section_size  }
0x9a: {  	s4 =	simm.s32 $_size__tile_overlayer_lowered;
	s5 =	simm.s32 $_tile_overlayer_lowered  }
0x9b: {  	s22 =	simm.s32 $0x1BFF;
	s21 =	sshll.u32 s5, $0x1;
	s2 =	sadd.s32 s19, s18  }
0x9c: {  	s6 =	simm.s32 $0x0;
	s20 =	sshll.u32 s4, $0x1;
	s4 =	sadd.s32 s21, s2  }
0x9d: {  	[timem:s6], [sflag:s22] =	dma.local [hbm:s4], s20  }
0x9e: {  	_ =	swait.ge [sflag:s22], s20  }
0x9f: {  	s3 =	ssub.s32 $0x0, s20;
	[sflag:s22] =	ssyncset.done $0x0  }
0xa0: {  	[sflag:s22] =	ssyncadd.s32 s3;
	_ =	sdelay $0x1  }
0xa1: {  	s23 =	simm.s32 $0x1B8B  }
0xa2: {  	_ =	swait.ge [sflag:s23], $0x1  }
0xa3: {  	[sflag:s23] =	ssyncset.done $0x0  }
0xa4: {  	s25 =	simm.s32 $0x1B8E;
	s24 =	sld [smem:$0x3FFE];
	[sflag:s23] =	ssyncadd.s32 $0xFFFFFFFF  }
0xa5: {  	s26 =	simm.s32 $execute0_lowered;
	[smem:$0x3FD2] =	sst s25  }
0xa6: {  	s4 =	sshll.u32 s26, $0x1;
	_ =	strace $0x80000049;
	[dreg:$0x1] =	wrdreg $0xFFFFFFFF  }
0xa7: {  	s28 =	simm.s32 $_size_execute0_lowered;
	s2 =	sadd.s32 s2, s4;
	[dreg:$0x0] =	wrdreg $0x0  }
0xa8: {  	s4 =	sshll.u32 s28, $0x1;
	[dreg:$0x2] =	wrdreg s2  }
0xa9: {  	[dreg:$0x3] =	wrdreg s4  }
0xaa: {  	[dreg:$0x4] =	wrdreg $0xC0  }
0xab: {  	_ =	task [dreg:s6], $0x5FFFF  }
0xac: {  	[dreg:$0x1] =	wrdreg $0xFFFFFFFF  }
0xad: {  	[dreg:$0x0] =	wrdreg $0x60  }
0xae: {  	[dreg:$0x2] =	wrdreg s24  }
0xaf: {  	[dreg:$0x3] =	wrdreg $0xB7800  }
0xb0: {  	[dreg:$0x4] =	wrdreg $0x90000  }
0xb1: {  	[dreg:$0x5] =	wrdreg $0x9  }
0xb2: {  	_ =	task.clear_ibuf [dreg:s6], $0x6FFFF;
	_ =	strace $0x90000049  }
0xb3: {  	s29 =	simm.s32 $0x9;
	_ =	strace $0x8000004B  }
0xb4: {  	_ =	swait.ge [sflag:s29], $0x1  }
0xb5: {  	[sflag:s29] =	ssyncadd.s32 $0xFFFFFFFF  }
0xb6: {  	_ =	strace $0x9000004B  }
0xb7: {  	_ =	sfence  }
0xb8: {  	s30 =	sld [smem:$0x0];
	_ =	sdelay $0x2  }
0xb9: {  	s31 =	sshll.u32 s1, $0xD;
	s1 =	sshrl.u32 s1, $0x2  }
0xba: {  	s3 =	sand.u32 $0x4000, s31;
	s1 =	sadd.s32 s1, s30  }
0xbb: {  	s0 =	sor.u32 s3, s0;
	s1 =	sshll.u32 s1, $0x11  }
0xbc: {  	s0 =	sor.u32 s1, s0  }
0xbd: {  	s0 =	sadd.s32 $0x8F2B, s0  }
0xbe: {  	[sflag:s0] =	ssyncadd.remote.s32 $0x1  }
0xbf: {  	_ =	sfence.sel $0xFFFF  }
0xc0: {  	[dreg:$0x0] =	wrdreg $0xFFFFFFFF;
	(pc) =	sbr.abs _section_cstart, $3  }
0xc1: {  	[dreg:$0x1] =	wrdreg $0xFFFFFFFF  }
0xc2: {  	_ =	task.clear_ibuf [dreg:s6], $0x2FFFF;
	_ =	strace $0x9FFFFFFF  }
0xc3: {  	(tm) =	ssettm $0x7FFFFFFF  }
tec
execute0_lowered:
.L_overlay_start_1:
0x0: {  	(tag) =	ssettag $0x1  }
0x1: {  	s1 =	rddreg [dreg:$0x0]  }
0x2: {  	s2 =	rddreg [dreg:$0x1]  }
0x3: {  	s3 =	rddreg [dreg:$0x2]  }
0x4: {  	s14 =	stileid.u32;
	s0 =	srdreg.scid  }
0x5: {  	s4 =	simm.s32 $0x0;
	s15 =	simm.s32 $0x480;
	s17 =	simm.s32 $0x500  }
0x6: {  	s19 =	simm.s32 $0x580;
	s20 =	simm.s32 $0x600;
	s21 =	simm.s32 $0x680  }
0x7: {  	s22 =	simm.s32 $0x700;
	s24 =	simm.s32 $0x780;
	[smem:$0x7FF] =	sst s4  }
0x8: {  	s28 =	simm.s32 $0x3000;
	_ =	strace $0x8000004A;
	[dreg:$0x8] =	wrdreg s15  }
0x9: {  	s30 =	simm.s32 $0x3800;
	s5 =	smul.u32 $0x2780, s14;
	[dreg:$0x9] =	wrdreg s17  }
0xa: {  	s6 =	sand.u32 $0x1, s0;
	s7 =	smul.u32 $0xA0, s14;
	[dreg:$0xa] =	wrdreg s19  }
0xb: {  	s9 =	sadd.s32 $0x3000, s1;
	s31 =	sshll.u32 s14, $0x1;
	[dreg:$0xb] =	wrdreg s20  }
0xc: {  	s18 =	sshll.u32 s14, $0x6;
	s8 =	smul.u32 $0x50, s6;
	[dreg:$0xc] =	wrdreg s21  }
0xd: {  	s14 =	simm.s32 $0xA00;
	s10 =	smul.u32 $0x4F00, s6;
	[dreg:$0xd] =	wrdreg s22  }
0xe: {  	s11 =	ssub.s32 $0x2, s6;
	s6 =	sor.u32 s6, s31;
	[dreg:$0xe] =	wrdreg s24  }
0xf: {  	s23 =	sor.u32 $0x1C02, s18;
	[dreg:$0x12] =	wrdreg s14;
	s17 =	simm.s32 $0xB00  }
0x10: {  	s31 =	sadd.s32 $0xD080, s1;
	s14 =	simm.s32 $0x2;
	[dreg:$0x14] =	wrdreg s17  }
0x11: {  	s18 =	simm.s32 $0xB80;
	s20 =	simm.s32 $0xC80;
	[smem:$0x7F9] =	sst s31  }
0x12: {  	s21 =	simm.s32 $0xD00;
	s22 =	simm.s32 $0xD80;
	[dreg:$0x15] =	wrdreg s18  }
0x13: {  	s24 =	simm.s32 $0xE00;
	s0 =	sshrl.u32 s5, $0x3;
	[dreg:$0x16] =	wrdreg s20  }
0x14: {  	s12 =	sshrl.u32 s11, $0x1;
	s6 =	smul.u32 $0x500, s6;
	[dreg:$0x17] =	wrdreg s21  }
0x15: {  	s17 =	simm.s32 $0x800;
	s18 =	simm.s32 $0x80;
	[dreg:$0x18] =	wrdreg s22  }
0x16: {  	s20 =	simm.s32 $0x1800;
	[dreg:$0x19] =	wrdreg s24;
	s26 =	sadd.s32 s0, s1  }
0x17: {  	s22 =	simm.s32 $0x2000;
	[smem:$0x7FC] =	sst s23;
	s16 =	sadd.s32 $0x17200, s26  }
0x18: {  	s7 =	sadd.s32 s8, s7;
	s8 =	sadd.s32 $0x1C200, s26;
	[dreg:$0x1f] =	wrdreg s16  }
0x19: {  	s11 =	ssub.s32 s11, s12;
	s25 =	sadd.s32 s9, s6;
	[smem:$0x7F5] =	sst s8  }
0x1a: {  	s12 =	sadd.s32 s5, s2;
	s26 =	simm.s32 $0x880;
	[smem:$0x7F6] =	sst s25  }
0x1b: {  	s24 =	simm.s32 $0x7800;
	s15 =	sshrl.u32 s12, $0x3;
	[dreg:$0xf] =	wrdreg s26  }
0x1c: {  	s10 =	sadd.s32 s10, s1;
	s19 =	sadd.s32 s6, s31;
	[smem:$0x7F8] =	sst s15  }
0x1d: {  	s5 =	sadd.s32 s5, s3;
	s31 =	simm.s32 $0xF80;
	[smem:$0x7FA] =	sst s19  }
0x1e: {  	s7 =	sshll.u32 s7, $0x4;
	s29 =	sshrl.u32 s5, $0x3;
	[dreg:$0x1c] =	wrdreg s31  }
0x1f: {  	s1 =	simm.s32 $0x0;
	s13 =	sadd.s32 $0x100, s7;
	[smem:$0x7FD] =	sst s29  }
0x20: {  	s5 =	simm.s32 $0x400;
	s7 =	sor.u32 $0x80, s7;
	[dreg:$0x1d] =	wrdreg s13  }
0x21: {  	s6 =	simm.s32 $0xC00;
	s16 =	simm.s32 $0xA80;
	[dreg:$0x1e] =	wrdreg s7  }
0x22: {  	s12 =	simm.s32 $0x6000;
	s25 =	simm.s32 $0xE80;
	[dreg:$0x13] =	wrdreg s16  }
0x23: {  	s19 =	simm.s32 $0x1000;
	s26 =	simm.s32 $0xF00;
	[dreg:$0x1a] =	wrdreg s25  }
0x24: {  	s15 =	simm.s32 $0x8800;
	s13 =	sadd.s32 s13, s9;
	[dreg:$0x1b] =	wrdreg s26  }
0x25: {  	s8 =	simm.s32 $0x1;
	s7 =	sadd.s32 s7, s9;
	[dreg:$0x4] =	wrdreg s13  }
0x26: {  	s9 =	simm.s32 $0x900;
	s25 =	simm.s32 $0x2800;
	[dreg:$0x5] =	wrdreg s7  }
0x27: {  	s16 =	simm.s32 $0x7000;
	[dreg:$0x10] =	wrdreg s9;
	s13 =	smax.u32 s11, $0x1  }
0x28: {  	s7 =	sadd.s32 $0x21200, s10;
	s10 =	simm.s32 $0x980;
	[smem:$0x7F7] =	sst s13  }
0x29: {  	s9 =	simm.s32 $0x5000;
	s11 =	simm.s32 $0x8000;
	[dreg:$0x11] =	wrdreg s10  }
0x2a: {  	s0 =	sadd.s32 s0, s7;
	s7 =	simm.s32 $0x4800;
	s10 =	simm.s32 $0x5800  }
0x2b: {  	s13 =	simm.s32 $0x6800;
	[smem:$0x7FB] =	sst s0;
	s0 =	simm.s32 $0x4000  }
.LBB2_1:
0x2c: {  	s26 =	sld [smem:$0x7F8]  }
0x2d: {  	[smem:$0x7F4] =	sst s1  }
0x2e: {  	s21 =	rddreg [dreg:$0x1f]  }
0x2f: {  	[spmem:s26], [sflag:s23] =	dma.local [hbm:s21], $0x4F0  }
0x30: {  	_ =	swait.ge [sflag:s14], $0x4F0  }
0x31: {  	s31 =	sld [smem:$0x7F5]  }
0x32: {  	[sflag:s14] =	ssyncset.done $0x0  }
0x33: {  	[sflag:s14] =	ssyncadd.s32 $0xFFFFFB10  }
0x34: {  	[spmem:s29], [sflag:s23] =	dma.local [hbm:s31], $0x4F0  }
0x35: {  	_ =	swait.ge [sflag:s14], $0x4F0  }
0x36: {  	[sflag:s14] =	ssyncset.done $0x0  }
0x37: {  	[sflag:s14] =	ssyncadd.s32 $0xFFFFFB10  }
0x38: {  	[bflag:$0x0] =	sbarrier.arrive $0xFFFF  }
0x39: {  	s1 =	sld [smem:$0x7F6];
	_ =	sdelay $0x2  }
0x3a: {  	[tilespmem:s4], [sflag:$0x2] =	stream.linear.gather [hbm4b:s1+s4], $0x400, $0x38;
	[tilespmem:$0xDF00] =	vst v63  }
0x3b: {  	_ =	swait.ge [sflag:s14], $0x400  }
0x3c: {  	s23 =	sld [smem:$0x7FA]  }
0x3d: {  	[sflag:s14] =	ssyncset.done $0x0  }
0x3e: {  	[sflag:s14] =	ssyncadd.s32 $0xFFFFFC00  }
0x3f: {  	[tilespmem:s17], [sflag:$0x2] =	stream.linear.gather [hbm4b:s23+s4], $0x400, $0x38;
	[tilespmem:$0xDF00] =	vst v63  }
0x40: {  	_ =	swait.ge [sflag:s14], $0x400  }
0x41: {  	[sflag:s14] =	ssyncset.done $0x0  }
0x42: {  	[sflag:s14] =	ssyncadd.s32 $0xFFFFFC00  }
0x43: {  	[tilespmem:s19], [sflag:$0x1] =	stream.indirect.gather [spmem:s2], $0x10, s4, s18, $0xb8;
	[tilespmem:$0xDF00] =	vst v63  }
0x44: {  	_ = 	snop  }
0x45: {  	[tilespmem:s20], [sflag:$0x1] =	stream.indirect.gather [spmem:s2], $0x10, s18, s18, $0xb8;
	[tilespmem:$0xDF00] =	vst v63  }
0x46: {  	s29 =	simm.s32 $0x100  }
0x47: {  	[tilespmem:s22], [sflag:$0x1] =	stream.indirect.gather [spmem:s2], $0x10, s29, s18, $0xb8;
	[tilespmem:$0xDF00] =	vst v63  }
0x48: {  	s31 =	simm.s32 $0x180  }
0x49: {  	[tilespmem:s25], [sflag:$0x1] =	stream.indirect.gather [spmem:s2], $0x10, s31, s18, $0xb8;
	[tilespmem:$0xDF00] =	vst v63  }
0x4a: {  	s26 =	simm.s32 $0x200  }
0x4b: {  	[tilespmem:s28], [sflag:$0x1] =	stream.indirect.gather [spmem:s2], $0x10, s26, s18, $0xb8;
	[tilespmem:$0xDF00] =	vst v63  }
0x4c: {  	s21 =	simm.s32 $0x280  }
0x4d: {  	[tilespmem:s30], [sflag:$0x1] =	stream.indirect.gather [spmem:s2], $0x10, s21, s18, $0xb8;
	[tilespmem:$0xDF00] =	vst v63  }
0x4e: {  	s23 =	simm.s32 $0x300  }
0x4f: {  	[tilespmem:s0], [sflag:$0x1] =	stream.indirect.gather [spmem:s2], $0x10, s23, s18, $0xb8;
	[tilespmem:$0xDF00] =	vst v63  }
0x50: {  	s26 =	simm.s32 $0x380;
	s21 =	rddreg [dreg:$0x5]  }
0x51: {  	[tilespmem:s7], [sflag:$0x1] =	stream.indirect.gather [spmem:s2], $0x10, s26, s18, $0xb8;
	[tilespmem:$0xDF00] =	vst v63  }
0x52: {  	s26 =	sld [smem:$0x7F9]  }
0x53: {  	s1 =	rddreg [dreg:$0x1d];
	s21 =	sadd.s32 $0x0, s21  }
0x54: {  	[tilespmem:s5], [sflag:$0x2] =	stream.linear.gather [hbm4b:s21+s4], $0x400, $0x38;
	[tilespmem:$0xDF00] =	vst v63  }
0x55: {  	s23 =	sadd.s32 s26, s1;
	s1 =	rddreg [dreg:$0x1e]  }
0x56: {  	[dreg:$0x6] =	wrdreg s23;
	s23 =	sadd.s32 s26, s1  }
0x57: {  	[dreg:$0x7] =	wrdreg s23  }
0x58: {  	_ =	swait.ge [sflag:s14], $0x400  }
0x59: {  	s1 =	rddreg [dreg:$0x7];
	[sflag:s14] =	ssyncset.done $0x0  }
0x5a: {  	[sflag:s14] =	ssyncadd.s32 $0xFFFFFC00;
	s21 =	sadd.s32 $0x0, s1  }
0x5b: {  	[tilespmem:s6], [sflag:$0x2] =	stream.linear.gather [hbm4b:s21+s4], $0x400, $0x38;
	[tilespmem:$0xDF00] =	vst v63  }
0x5c: {  	_ =	swait.ge [sflag:s14], $0x400  }
0x5d: {  	[sflag:s14] =	ssyncset.done $0x0  }
0x5e: {  	[sflag:s14] =	ssyncadd.s32 $0xFFFFFC00  }
0x5f: {  	[tilespmem:s9], [sflag:$0x1] =	stream.indirect.gather [spmem:s2], $0x10, s5, s18, $0xb8;
	[tilespmem:$0xDF00] =	vst v63  }
0x60: {  	s23 =	rddreg [dreg:$0x8]  }
0x61: {  	[tilespmem:s10], [sflag:$0x1] =	stream.indirect.gather [spmem:s2], $0x10, s23, s18, $0xb8;
	[tilespmem:$0xDF00] =	vst v63  }
0x62: {  	s26 =	rddreg [dreg:$0x9]  }
0x63: {  	[tilespmem:s12], [sflag:$0x1] =	stream.indirect.gather [spmem:s2], $0x10, s26, s18, $0xb8;
	[tilespmem:$0xDF00] =	vst v63  }
0x64: {  	s1 =	rddreg [dreg:$0xa]  }
0x65: {  	[tilespmem:s13], [sflag:$0x1] =	stream.indirect.gather [spmem:s2], $0x10, s1, s18, $0xb8;
	[tilespmem:$0xDF00] =	vst v63  }
0x66: {  	s26 =	rddreg [dreg:$0xb]  }
0x67: {  	[tilespmem:s16], [sflag:$0x1] =	stream.indirect.gather [spmem:s2], $0x10, s26, s18, $0xb8;
	[tilespmem:$0xDF00] =	vst v63  }
0x68: {  	s1 =	rddreg [dreg:$0xc]  }
0x69: {  	[tilespmem:s24], [sflag:$0x1] =	stream.indirect.gather [spmem:s2], $0x10, s1, s18, $0xb8;
	[tilespmem:$0xDF00] =	vst v63  }
0x6a: {  	s26 =	rddreg [dreg:$0xd]  }
0x6b: {  	[tilespmem:s11], [sflag:$0x1] =	stream.indirect.gather [spmem:s2], $0x10, s26, s18, $0xb8;
	[tilespmem:$0xDF00] =	vst v63  }
0x6c: {  	s1 =	rddreg [dreg:$0xe]  }
0x6d: {  	[tilespmem:s15], [sflag:$0x1] =	stream.indirect.gather [spmem:s2], $0x10, s1, s18, $0xb8;
	[tilespmem:$0xDF00] =	vst v63  }
0x6e: {  	_ =	swait.ge [sflag:s8], $0x4000  }
0x6f: {  	[sflag:s8] =	ssyncset.done $0x0  }
0x70: {  	[sflag:s8] =	ssyncadd.s32 $0xFFFFC000  }
0x71: {  	[spmem:s3] =	stream.indirect.scatter.add.f32 [tilespmem:s19], [sflag:$0x2], $0x10, s17, s18, $0xb8;
	[tilespmem:$0xDF00] =	vst v63  }
0x72: {  	_ =	swait.ge [sflag:s14], $0x800  }
0x73: {  	[sflag:s14] =	ssyncset.done $0x0  }
0x74: {  	s26 =	rddreg [dreg:$0xf];
	[sflag:s14] =	ssyncadd.s32 $0xFFFFF800  }
0x75: {  	[spmem:s3] =	stream.indirect.scatter.add.f32 [tilespmem:s20], [sflag:$0x2], $0x10, s26, s18, $0xb8;
	[tilespmem:$0xDF00] =	vst v63  }
0x76: {  	_ =	swait.ge [sflag:s14], $0x800  }
0x77: {  	[sflag:s14] =	ssyncset.done $0x0  }
0x78: {  	s1 =	rddreg [dreg:$0x10];
	[sflag:s14] =	ssyncadd.s32 $0xFFFFF800  }
0x79: {  	[spmem:s3] =	stream.indirect.scatter.add.f32 [tilespmem:s22], [sflag:$0x2], $0x10, s1, s18, $0xb8;
	[tilespmem:$0xDF00] =	vst v63  }
0x7a: {  	_ =	swait.ge [sflag:s14], $0x800  }
0x7b: {  	[sflag:s14] =	ssyncset.done $0x0  }
0x7c: {  	s23 =	rddreg [dreg:$0x11];
	[sflag:s14] =	ssyncadd.s32 $0xFFFFF800  }
0x7d: {  	[spmem:s3] =	stream.indirect.scatter.add.f32 [tilespmem:s25], [sflag:$0x2], $0x10, s23, s18, $0xb8;
	[tilespmem:$0xDF00] =	vst v63  }
0x7e: {  	_ =	swait.ge [sflag:s14], $0x800  }
0x7f: {  	[sflag:s14] =	ssyncset.done $0x0  }
0x80: {  	s26 =	rddreg [dreg:$0x12];
	[sflag:s14] =	ssyncadd.s32 $0xFFFFF800  }
0x81: {  	[spmem:s3] =	stream.indirect.scatter.add.f32 [tilespmem:s28], [sflag:$0x2], $0x10, s26, s18, $0xb8;
	[tilespmem:$0xDF00] =	vst v63  }
0x82: {  	_ =	swait.ge [sflag:s14], $0x800  }
0x83: {  	[sflag:s14] =	ssyncset.done $0x0  }
0x84: {  	s1 =	rddreg [dreg:$0x13];
	[sflag:s14] =	ssyncadd.s32 $0xFFFFF800  }
0x85: {  	[spmem:s3] =	stream.indirect.scatter.add.f32 [tilespmem:s30], [sflag:$0x2], $0x10, s1, s18, $0xb8;
	[tilespmem:$0xDF00] =	vst v63  }
0x86: {  	_ =	swait.ge [sflag:s14], $0x800  }
0x87: {  	[sflag:s14] =	ssyncset.done $0x0  }
0x88: {  	s23 =	rddreg [dreg:$0x14];
	[sflag:s14] =	ssyncadd.s32 $0xFFFFF800  }
0x89: {  	[spmem:s3] =	stream.indirect.scatter.add.f32 [tilespmem:s0], [sflag:$0x2], $0x10, s23, s18, $0xb8;
	[tilespmem:$0xDF00] =	vst v63  }
0x8a: {  	_ =	swait.ge [sflag:s14], $0x800  }
0x8b: {  	[sflag:s14] =	ssyncset.done $0x0  }
0x8c: {  	s26 =	rddreg [dreg:$0x15];
	[sflag:s14] =	ssyncadd.s32 $0xFFFFF800  }
0x8d: {  	[spmem:s3] =	stream.indirect.scatter.add.f32 [tilespmem:s7], [sflag:$0x2], $0x10, s26, s18, $0xb8;
	[tilespmem:$0xDF00] =	vst v63  }
0x8e: {  	_ =	swait.ge [sflag:s14], $0x800  }
0x8f: {  	s1 =	rddreg [dreg:$0x4];
	[sflag:s14] =	ssyncset.done $0x0  }
0x90: {  	[sflag:s14] =	ssyncadd.s32 $0xFFFFF800;
	s21 =	sadd.s32 $0x0, s1  }
0x91: {  	[tilespmem:s4], [sflag:$0x2] =	stream.linear.gather [hbm4b:s21+s4], $0x400, $0x38;
	[tilespmem:$0xDF00] =	vst v63  }
0x92: {  	_ =	swait.ge [sflag:s14], $0x400  }
0x93: {  	s23 =	rddreg [dreg:$0x6];
	[sflag:s14] =	ssyncset.done $0x0  }
0x94: {  	[sflag:s14] =	ssyncadd.s32 $0xFFFFFC00;
	s21 =	sadd.s32 $0x0, s23  }
0x95: {  	[tilespmem:s17], [sflag:$0x2] =	stream.linear.gather [hbm4b:s21+s4], $0x400, $0x38;
	[tilespmem:$0xDF00] =	vst v63  }
0x96: {  	_ =	swait.ge [sflag:s14], $0x400  }
0x97: {  	[sflag:s14] =	ssyncset.done $0x0  }
0x98: {  	[sflag:s14] =	ssyncadd.s32 $0xFFFFFC00  }
0x99: {  	[tilespmem:s19], [sflag:$0x1] =	stream.indirect.gather [spmem:s2], $0x10, s4, s18, $0xb8;
	[tilespmem:$0xDF00] =	vst v63  }
0x9a: {  	_ = 	snop  }
0x9b: {  	[tilespmem:s20], [sflag:$0x1] =	stream.indirect.gather [spmem:s2], $0x10, s18, s18, $0xb8;
	[tilespmem:$0xDF00] =	vst v63  }
0x9c: {  	_ = 	snop  }
0x9d: {  	[tilespmem:s22], [sflag:$0x1] =	stream.indirect.gather [spmem:s2], $0x10, s29, s18, $0xb8;
	[tilespmem:$0xDF00] =	vst v63  }
0x9e: {  	_ = 	snop  }
0x9f: {  	[tilespmem:s25], [sflag:$0x1] =	stream.indirect.gather [spmem:s2], $0x10, s31, s18, $0xb8;
	[tilespmem:$0xDF00] =	vst v63  }
0xa0: {  	s26 =	simm.s32 $0x200  }
0xa1: {  	[tilespmem:s28], [sflag:$0x1] =	stream.indirect.gather [spmem:s2], $0x10, s26, s18, $0xb8;
	[tilespmem:$0xDF00] =	vst v63  }
0xa2: {  	s31 =	simm.s32 $0x280  }
0xa3: {  	[tilespmem:s30], [sflag:$0x1] =	stream.indirect.gather [spmem:s2], $0x10, s31, s18, $0xb8;
	[tilespmem:$0xDF00] =	vst v63  }
0xa4: {  	s23 =	simm.s32 $0x300  }
0xa5: {  	[tilespmem:s0], [sflag:$0x1] =	stream.indirect.gather [spmem:s2], $0x10, s23, s18, $0xb8;
	[tilespmem:$0xDF00] =	vst v63  }
0xa6: {  	s26 =	simm.s32 $0x380  }
0xa7: {  	[tilespmem:s7], [sflag:$0x1] =	stream.indirect.gather [spmem:s2], $0x10, s26, s18, $0xb8;
	[tilespmem:$0xDF00] =	vst v63  }
0xa8: {  	_ =	swait.ge [sflag:s8], $0x4000  }
0xa9: {  	[sflag:s8] =	ssyncset.done $0x0  }
0xaa: {  	[sflag:s8] =	ssyncadd.s32 $0xFFFFC000  }
0xab: {  	[spmem:s3] =	stream.indirect.scatter.add.f32 [tilespmem:s9], [sflag:$0x2], $0x10, s6, s18, $0xb8;
	[tilespmem:$0xDF00] =	vst v63  }
0xac: {  	_ =	swait.ge [sflag:s14], $0x800  }
0xad: {  	[sflag:s14] =	ssyncset.done $0x0  }
0xae: {  	s31 =	rddreg [dreg:$0x16];
	[sflag:s14] =	ssyncadd.s32 $0xFFFFF800  }
0xaf: {  	[spmem:s3] =	stream.indirect.scatter.add.f32 [tilespmem:s10], [sflag:$0x2], $0x10, s31, s18, $0xb8;
	[tilespmem:$0xDF00] =	vst v63  }
0xb0: {  	_ =	swait.ge [sflag:s14], $0x800  }
0xb1: {  	[sflag:s14] =	ssyncset.done $0x0  }
0xb2: {  	s23 =	rddreg [dreg:$0x17];
	[sflag:s14] =	ssyncadd.s32 $0xFFFFF800  }
0xb3: {  	[spmem:s3] =	stream.indirect.scatter.add.f32 [tilespmem:s12], [sflag:$0x2], $0x10, s23, s18, $0xb8;
	[tilespmem:$0xDF00] =	vst v63  }
0xb4: {  	_ =	swait.ge [sflag:s14], $0x800  }
0xb5: {  	[sflag:s14] =	ssyncset.done $0x0  }
0xb6: {  	s26 =	rddreg [dreg:$0x18];
	[sflag:s14] =	ssyncadd.s32 $0xFFFFF800  }
0xb7: {  	[spmem:s3] =	stream.indirect.scatter.add.f32 [tilespmem:s13], [sflag:$0x2], $0x10, s26, s18, $0xb8;
	[tilespmem:$0xDF00] =	vst v63  }
0xb8: {  	_ =	swait.ge [sflag:s14], $0x800  }
0xb9: {  	[sflag:s14] =	ssyncset.done $0x0  }
0xba: {  	s31 =	rddreg [dreg:$0x19];
	[sflag:s14] =	ssyncadd.s32 $0xFFFFF800  }
0xbb: {  	[spmem:s3] =	stream.indirect.scatter.add.f32 [tilespmem:s16], [sflag:$0x2], $0x10, s31, s18, $0xb8;
	[tilespmem:$0xDF00] =	vst v63  }
0xbc: {  	_ =	swait.ge [sflag:s14], $0x800  }
0xbd: {  	[sflag:s14] =	ssyncset.done $0x0  }
0xbe: {  	s23 =	rddreg [dreg:$0x1a];
	[sflag:s14] =	ssyncadd.s32 $0xFFFFF800  }
0xbf: {  	[spmem:s3] =	stream.indirect.scatter.add.f32 [tilespmem:s24], [sflag:$0x2], $0x10, s23, s18, $0xb8;
	[tilespmem:$0xDF00] =	vst v63  }
0xc0: {  	_ =	swait.ge [sflag:s14], $0x800  }
0xc1: {  	[sflag:s14] =	ssyncset.done $0x0  }
0xc2: {  	s26 =	rddreg [dreg:$0x1b];
	[sflag:s14] =	ssyncadd.s32 $0xFFFFF800  }
0xc3: {  	[spmem:s3] =	stream.indirect.scatter.add.f32 [tilespmem:s11], [sflag:$0x2], $0x10, s26, s18, $0xb8;
	[tilespmem:$0xDF00] =	vst v63  }
0xc4: {  	_ =	swait.ge [sflag:s14], $0x800  }
0xc5: {  	[sflag:s14] =	ssyncset.done $0x0  }
0xc6: {  	s31 =	rddreg [dreg:$0x1c];
	[sflag:s14] =	ssyncadd.s32 $0xFFFFF800  }
0xc7: {  	[spmem:s3] =	stream.indirect.scatter.add.f32 [tilespmem:s15], [sflag:$0x2], $0x10, s31, s18, $0xb8;
	[tilespmem:$0xDF00] =	vst v63  }
0xc8: {  	s1 =	simm.s32 $0x100;
	s21 =	simm.s32 $0x100;
	_ =	swait.ge [sflag:s14], $0x800  }
0xc9: {  	s23 =	simm.s32 $0x200;
	s29 =	rddreg [dreg:$0x5];
	[sflag:s14] =	ssyncset.done $0x0  }
.LBB2_2:
0xca: {  	[sflag:s14] =	ssyncadd.s32 $0xFFFFF800;
	s29 =	sadd.s32 s21, s29  }
0xcb: {  	[tilespmem:s5], [sflag:$0x2] =	stream.linear.gather [hbm4b:s29+s4], $0x400, $0x38;
	[tilespmem:$0xDF00] =	vst v63  }
0xcc: {  	_ =	swait.ge [sflag:s14], $0x400  }
0xcd: {  	s29 =	rddreg [dreg:$0x7];
	[sflag:s14] =	ssyncset.done $0x0  }
0xce: {  	[sflag:s14] =	ssyncadd.s32 $0xFFFFFC00;
	s29 =	sadd.s32 s21, s29  }
0xcf: {  	[tilespmem:s6], [sflag:$0x2] =	stream.linear.gather [hbm4b:s29+s4], $0x400, $0x38;
	[tilespmem:$0xDF00] =	vst v63  }
0xd0: {  	_ =	swait.ge [sflag:s14], $0x400  }
0xd1: {  	[sflag:s14] =	ssyncset.done $0x0  }
0xd2: {  	[sflag:s14] =	ssyncadd.s32 $0xFFFFFC00  }
0xd3: {  	[tilespmem:s9], [sflag:$0x1] =	stream.indirect.gather [spmem:s2], $0x10, s5, s18, $0xb8;
	[tilespmem:$0xDF00] =	vst v63  }
0xd4: {  	s29 =	rddreg [dreg:$0x8]  }
0xd5: {  	[tilespmem:s10], [sflag:$0x1] =	stream.indirect.gather [spmem:s2], $0x10, s29, s18, $0xb8;
	[tilespmem:$0xDF00] =	vst v63  }
0xd6: {  	s31 =	rddreg [dreg:$0x9]  }
0xd7: {  	[tilespmem:s12], [sflag:$0x1] =	stream.indirect.gather [spmem:s2], $0x10, s31, s18, $0xb8;
	[tilespmem:$0xDF00] =	vst v63  }
0xd8: {  	s29 =	rddreg [dreg:$0xa]  }
0xd9: {  	[tilespmem:s13], [sflag:$0x1] =	stream.indirect.gather [spmem:s2], $0x10, s29, s18, $0xb8;
	[tilespmem:$0xDF00] =	vst v63  }
0xda: {  	s31 =	rddreg [dreg:$0xb]  }
0xdb: {  	[tilespmem:s16], [sflag:$0x1] =	stream.indirect.gather [spmem:s2], $0x10, s31, s18, $0xb8;
	[tilespmem:$0xDF00] =	vst v63  }
0xdc: {  	s29 =	rddreg [dreg:$0xc]  }
0xdd: {  	[tilespmem:s24], [sflag:$0x1] =	stream.indirect.gather [spmem:s2], $0x10, s29, s18, $0xb8;
	[tilespmem:$0xDF00] =	vst v63  }
0xde: {  	s31 =	rddreg [dreg:$0xd]  }
0xdf: {  	[tilespmem:s11], [sflag:$0x1] =	stream.indirect.gather [spmem:s2], $0x10, s31, s18, $0xb8;
	[tilespmem:$0xDF00] =	vst v63  }
0xe0: {  	s29 =	rddreg [dreg:$0xe]  }
0xe1: {  	[tilespmem:s15], [sflag:$0x1] =	stream.indirect.gather [spmem:s2], $0x10, s29, s18, $0xb8;
	[tilespmem:$0xDF00] =	vst v63  }
0xe2: {  	_ =	swait.ge [sflag:s8], $0x4000  }
0xe3: {  	[sflag:s8] =	ssyncset.done $0x0  }
0xe4: {  	[sflag:s8] =	ssyncadd.s32 $0xFFFFC000  }
0xe5: {  	[spmem:s3] =	stream.indirect.scatter.add.f32 [tilespmem:s19], [sflag:$0x2], $0x10, s17, s18, $0xb8;
	[tilespmem:$0xDF00] =	vst v63  }
0xe6: {  	_ =	swait.ge [sflag:s14], $0x800  }
0xe7: {  	[sflag:s14] =	ssyncset.done $0x0  }
0xe8: {  	s29 =	rddreg [dreg:$0xf];
	[sflag:s14] =	ssyncadd.s32 $0xFFFFF800  }
0xe9: {  	[spmem:s3] =	stream.indirect.scatter.add.f32 [tilespmem:s20], [sflag:$0x2], $0x10, s29, s18, $0xb8;
	[tilespmem:$0xDF00] =	vst v63  }
0xea: {  	_ =	swait.ge [sflag:s14], $0x800  }
0xeb: {  	[sflag:s14] =	ssyncset.done $0x0  }
0xec: {  	s29 =	rddreg [dreg:$0x10];
	[sflag:s14] =	ssyncadd.s32 $0xFFFFF800  }
0xed: {  	[spmem:s3] =	stream.indirect.scatter.add.f32 [tilespmem:s22], [sflag:$0x2], $0x10, s29, s18, $0xb8;
	[tilespmem:$0xDF00] =	vst v63  }
0xee: {  	_ =	swait.ge [sflag:s14], $0x800  }
0xef: {  	[sflag:s14] =	ssyncset.done $0x0  }
0xf0: {  	s29 =	rddreg [dreg:$0x11];
	[sflag:s14] =	ssyncadd.s32 $0xFFFFF800  }
0xf1: {  	[spmem:s3] =	stream.indirect.scatter.add.f32 [tilespmem:s25], [sflag:$0x2], $0x10, s29, s18, $0xb8;
	[tilespmem:$0xDF00] =	vst v63  }
0xf2: {  	_ =	swait.ge [sflag:s14], $0x800  }
0xf3: {  	[sflag:s14] =	ssyncset.done $0x0  }
0xf4: {  	s29 =	rddreg [dreg:$0x12];
	[sflag:s14] =	ssyncadd.s32 $0xFFFFF800  }
0xf5: {  	[spmem:s3] =	stream.indirect.scatter.add.f32 [tilespmem:s28], [sflag:$0x2], $0x10, s29, s18, $0xb8;
	[tilespmem:$0xDF00] =	vst v63  }
0xf6: {  	_ =	swait.ge [sflag:s14], $0x800  }
0xf7: {  	[sflag:s14] =	ssyncset.done $0x0  }
0xf8: {  	s29 =	rddreg [dreg:$0x13];
	[sflag:s14] =	ssyncadd.s32 $0xFFFFF800  }
0xf9: {  	[spmem:s3] =	stream.indirect.scatter.add.f32 [tilespmem:s30], [sflag:$0x2], $0x10, s29, s18, $0xb8;
	[tilespmem:$0xDF00] =	vst v63  }
0xfa: {  	_ =	swait.ge [sflag:s14], $0x800  }
0xfb: {  	[sflag:s14] =	ssyncset.done $0x0  }
0xfc: {  	s29 =	rddreg [dreg:$0x14];
	[sflag:s14] =	ssyncadd.s32 $0xFFFFF800  }
0xfd: {  	[spmem:s3] =	stream.indirect.scatter.add.f32 [tilespmem:s0], [sflag:$0x2], $0x10, s29, s18, $0xb8;
	[tilespmem:$0xDF00] =	vst v63  }
0xfe: {  	_ =	swait.ge [sflag:s14], $0x800  }
0xff: {  	[sflag:s14] =	ssyncset.done $0x0  }
0x100: {  	s29 =	rddreg [dreg:$0x15];
	[sflag:s14] =	ssyncadd.s32 $0xFFFFF800  }
0x101: {  	[spmem:s3] =	stream.indirect.scatter.add.f32 [tilespmem:s7], [sflag:$0x2], $0x10, s29, s18, $0xb8;
	[tilespmem:$0xDF00] =	vst v63  }
0x102: {  	_ =	swait.ge [sflag:s14], $0x800  }
0x103: {  	s29 =	rddreg [dreg:$0x4];
	[sflag:s14] =	ssyncset.done $0x0  }
0x104: {  	[sflag:s14] =	ssyncadd.s32 $0xFFFFF800;
	s29 =	sadd.s32 s21, s29  }
0x105: {  	[tilespmem:s4], [sflag:$0x2] =	stream.linear.gather [hbm4b:s29+s4], $0x400, $0x38;
	[tilespmem:$0xDF00] =	vst v63  }
0x106: {  	_ =	swait.ge [sflag:s14], $0x400  }
0x107: {  	s29 =	rddreg [dreg:$0x6];
	[sflag:s14] =	ssyncset.done $0x0  }
0x108: {  	[sflag:s14] =	ssyncadd.s32 $0xFFFFFC00;
	s29 =	sadd.s32 s21, s29  }
0x109: {  	[tilespmem:s17], [sflag:$0x2] =	stream.linear.gather [hbm4b:s29+s4], $0x400, $0x38;
	[tilespmem:$0xDF00] =	vst v63  }
0x10a: {  	_ =	swait.ge [sflag:s14], $0x400  }
0x10b: {  	[sflag:s14] =	ssyncset.done $0x0  }
0x10c: {  	[sflag:s14] =	ssyncadd.s32 $0xFFFFFC00  }
0x10d: {  	[tilespmem:s19], [sflag:$0x1] =	stream.indirect.gather [spmem:s2], $0x10, s4, s18, $0xb8;
	[tilespmem:$0xDF00] =	vst v63  }
0x10e: {  	_ = 	snop  }
0x10f: {  	[tilespmem:s20], [sflag:$0x1] =	stream.indirect.gather [spmem:s2], $0x10, s18, s18, $0xb8;
	[tilespmem:$0xDF00] =	vst v63  }
0x110: {  	_ = 	snop  }
0x111: {  	[tilespmem:s22], [sflag:$0x1] =	stream.indirect.gather [spmem:s2], $0x10, s1, s18, $0xb8;
	[tilespmem:$0xDF00] =	vst v63  }
0x112: {  	s31 =	simm.s32 $0x180  }
0x113: {  	[tilespmem:s25], [sflag:$0x1] =	stream.indirect.gather [spmem:s2], $0x10, s31, s18, $0xb8;
	[tilespmem:$0xDF00] =	vst v63  }
0x114: {  	s31 =	simm.s32 $0x200  }
0x115: {  	[tilespmem:s28], [sflag:$0x1] =	stream.indirect.gather [spmem:s2], $0x10, s31, s18, $0xb8;
	[tilespmem:$0xDF00] =	vst v63  }
0x116: {  	s31 =	simm.s32 $0x280  }
0x117: {  	[tilespmem:s30], [sflag:$0x1] =	stream.indirect.gather [spmem:s2], $0x10, s31, s18, $0xb8;
	[tilespmem:$0xDF00] =	vst v63  }
0x118: {  	s31 =	simm.s32 $0x300  }
0x119: {  	[tilespmem:s0], [sflag:$0x1] =	stream.indirect.gather [spmem:s2], $0x10, s31, s18, $0xb8;
	[tilespmem:$0xDF00] =	vst v63  }
0x11a: {  	s31 =	simm.s32 $0x380  }
0x11b: {  	[tilespmem:s7], [sflag:$0x1] =	stream.indirect.gather [spmem:s2], $0x10, s31, s18, $0xb8;
	[tilespmem:$0xDF00] =	vst v63  }
0x11c: {  	_ =	swait.ge [sflag:s8], $0x4000  }
0x11d: {  	[sflag:s8] =	ssyncset.done $0x0  }
0x11e: {  	[sflag:s8] =	ssyncadd.s32 $0xFFFFC000  }
0x11f: {  	[spmem:s3] =	stream.indirect.scatter.add.f32 [tilespmem:s9], [sflag:$0x2], $0x10, s6, s18, $0xb8;
	[tilespmem:$0xDF00] =	vst v63  }
0x120: {  	_ =	swait.ge [sflag:s14], $0x800  }
0x121: {  	[sflag:s14] =	ssyncset.done $0x0  }
0x122: {  	s31 =	rddreg [dreg:$0x16];
	[sflag:s14] =	ssyncadd.s32 $0xFFFFF800  }
0x123: {  	[spmem:s3] =	stream.indirect.scatter.add.f32 [tilespmem:s10], [sflag:$0x2], $0x10, s31, s18, $0xb8;
	[tilespmem:$0xDF00] =	vst v63  }
0x124: {  	_ =	swait.ge [sflag:s14], $0x800  }
0x125: {  	[sflag:s14] =	ssyncset.done $0x0  }
0x126: {  	s31 =	rddreg [dreg:$0x17];
	[sflag:s14] =	ssyncadd.s32 $0xFFFFF800  }
0x127: {  	[spmem:s3] =	stream.indirect.scatter.add.f32 [tilespmem:s12], [sflag:$0x2], $0x10, s31, s18, $0xb8;
	[tilespmem:$0xDF00] =	vst v63  }
0x128: {  	_ =	swait.ge [sflag:s14], $0x800  }
0x129: {  	[sflag:s14] =	ssyncset.done $0x0  }
0x12a: {  	s31 =	rddreg [dreg:$0x18];
	[sflag:s14] =	ssyncadd.s32 $0xFFFFF800  }
0x12b: {  	[spmem:s3] =	stream.indirect.scatter.add.f32 [tilespmem:s13], [sflag:$0x2], $0x10, s31, s18, $0xb8;
	[tilespmem:$0xDF00] =	vst v63  }
0x12c: {  	_ =	swait.ge [sflag:s14], $0x800  }
0x12d: {  	[sflag:s14] =	ssyncset.done $0x0  }
0x12e: {  	s31 =	rddreg [dreg:$0x19];
	[sflag:s14] =	ssyncadd.s32 $0xFFFFF800  }
0x12f: {  	[spmem:s3] =	stream.indirect.scatter.add.f32 [tilespmem:s16], [sflag:$0x2], $0x10, s31, s18, $0xb8;
	[tilespmem:$0xDF00] =	vst v63  }
0x130: {  	_ =	swait.ge [sflag:s14], $0x800  }
0x131: {  	[sflag:s14] =	ssyncset.done $0x0  }
0x132: {  	s31 =	rddreg [dreg:$0x1a];
	[sflag:s14] =	ssyncadd.s32 $0xFFFFF800  }
0x133: {  	[spmem:s3] =	stream.indirect.scatter.add.f32 [tilespmem:s24], [sflag:$0x2], $0x10, s31, s18, $0xb8;
	[tilespmem:$0xDF00] =	vst v63  }
0x134: {  	_ =	swait.ge [sflag:s14], $0x800  }
0x135: {  	[sflag:s14] =	ssyncset.done $0x0  }
0x136: {  	s31 =	rddreg [dreg:$0x1b];
	[sflag:s14] =	ssyncadd.s32 $0xFFFFF800  }
0x137: {  	[spmem:s3] =	stream.indirect.scatter.add.f32 [tilespmem:s11], [sflag:$0x2], $0x10, s31, s18, $0xb8;
	[tilespmem:$0xDF00] =	vst v63  }
0x138: {  	p0 =	sne.s32 s23, $0x400;
	_ =	swait.ge [sflag:s14], $0x800  }
.Ltmp0:
0x139: {  	[sflag:s14] =	ssyncset.done $0x0;
	(pc) =	sbr.rel @p0 .LBB2_2-.Ltmp0, $4  }
0x13a: {  	s31 =	rddreg [dreg:$0x1c];
	[sflag:s14] =	ssyncadd.s32 $0xFFFFF800  }
0x13b: {  	[spmem:s3] =	stream.indirect.scatter.add.f32 [tilespmem:s15], [sflag:$0x2], $0x10, s31, s18, $0xb8;
	[tilespmem:$0xDF00] =	vst v63  }
0x13c: {  	s26 =	smov.u32 s23;
	s23 =	sadd.s32 $0x100, s23;
	_ =	swait.ge [sflag:s14], $0x800  }
0x13d: {  	s21 =	smov.u32 s26;
	s29 =	rddreg [dreg:$0x5];
	[sflag:s14] =	ssyncset.done $0x0  }
0x13e: {  	[sflag:s14] =	ssyncadd.s32 $0xFFFFF800;
	s23 =	sadd.s32 s21, s29  }
0x13f: {  	[tilespmem:s5], [sflag:$0x2] =	stream.linear.gather [hbm4b:s23+s4], $0x400, $0x38;
	[tilespmem:$0xDF00] =	vst v63  }
0x140: {  	_ =	swait.ge [sflag:s14], $0x400  }
0x141: {  	s26 =	rddreg [dreg:$0x7];
	[sflag:s14] =	ssyncset.done $0x0  }
0x142: {  	[sflag:s14] =	ssyncadd.s32 $0xFFFFFC00;
	s23 =	sadd.s32 s21, s26  }
0x143: {  	[tilespmem:s6], [sflag:$0x2] =	stream.linear.gather [hbm4b:s23+s4], $0x400, $0x38;
	[tilespmem:$0xDF00] =	vst v63  }
0x144: {  	_ =	swait.ge [sflag:s14], $0x400  }
0x145: {  	[sflag:s14] =	ssyncset.done $0x0  }
0x146: {  	[sflag:s14] =	ssyncadd.s32 $0xFFFFFC00  }
0x147: {  	[tilespmem:s9], [sflag:$0x1] =	stream.indirect.gather [spmem:s2], $0x10, s5, s18, $0xb8;
	[tilespmem:$0xDF00] =	vst v63  }
0x148: {  	s31 =	rddreg [dreg:$0x8]  }
0x149: {  	[tilespmem:s10], [sflag:$0x1] =	stream.indirect.gather [spmem:s2], $0x10, s31, s18, $0xb8;
	[tilespmem:$0xDF00] =	vst v63  }
0x14a: {  	s26 =	rddreg [dreg:$0x9]  }
0x14b: {  	[tilespmem:s12], [sflag:$0x1] =	stream.indirect.gather [spmem:s2], $0x10, s26, s18, $0xb8;
	[tilespmem:$0xDF00] =	vst v63  }
0x14c: {  	s31 =	rddreg [dreg:$0xa]  }
0x14d: {  	[tilespmem:s13], [sflag:$0x1] =	stream.indirect.gather [spmem:s2], $0x10, s31, s18, $0xb8;
	[tilespmem:$0xDF00] =	vst v63  }
0x14e: {  	s26 =	rddreg [dreg:$0xb]  }
0x14f: {  	[tilespmem:s16], [sflag:$0x1] =	stream.indirect.gather [spmem:s2], $0x10, s26, s18, $0xb8;
	[tilespmem:$0xDF00] =	vst v63  }
0x150: {  	s31 =	rddreg [dreg:$0xc]  }
0x151: {  	[tilespmem:s24], [sflag:$0x1] =	stream.indirect.gather [spmem:s2], $0x10, s31, s18, $0xb8;
	[tilespmem:$0xDF00] =	vst v63  }
0x152: {  	s26 =	rddreg [dreg:$0xd]  }
0x153: {  	[tilespmem:s11], [sflag:$0x1] =	stream.indirect.gather [spmem:s2], $0x10, s26, s18, $0xb8;
	[tilespmem:$0xDF00] =	vst v63  }
0x154: {  	s31 =	rddreg [dreg:$0xe]  }
0x155: {  	[tilespmem:s15], [sflag:$0x1] =	stream.indirect.gather [spmem:s2], $0x10, s31, s18, $0xb8;
	[tilespmem:$0xDF00] =	vst v63  }
0x156: {  	_ =	swait.ge [sflag:s8], $0x4000  }
0x157: {  	[sflag:s8] =	ssyncset.done $0x0  }
0x158: {  	[sflag:s8] =	ssyncadd.s32 $0xFFFFC000  }
0x159: {  	[spmem:s3] =	stream.indirect.scatter.add.f32 [tilespmem:s19], [sflag:$0x2], $0x10, s17, s18, $0xb8;
	[tilespmem:$0xDF00] =	vst v63  }
0x15a: {  	_ =	swait.ge [sflag:s14], $0x800  }
0x15b: {  	[sflag:s14] =	ssyncset.done $0x0  }
0x15c: {  	s26 =	rddreg [dreg:$0xf];
	[sflag:s14] =	ssyncadd.s32 $0xFFFFF800  }
0x15d: {  	[spmem:s3] =	stream.indirect.scatter.add.f32 [tilespmem:s20], [sflag:$0x2], $0x10, s26, s18, $0xb8;
	[tilespmem:$0xDF00] =	vst v63  }
0x15e: {  	_ =	swait.ge [sflag:s14], $0x800  }
0x15f: {  	[sflag:s14] =	ssyncset.done $0x0  }
0x160: {  	s31 =	rddreg [dreg:$0x10];
	[sflag:s14] =	ssyncadd.s32 $0xFFFFF800  }
0x161: {  	[spmem:s3] =	stream.indirect.scatter.add.f32 [tilespmem:s22], [sflag:$0x2], $0x10, s31, s18, $0xb8;
	[tilespmem:$0xDF00] =	vst v63  }
0x162: {  	_ =	swait.ge [sflag:s14], $0x800  }
0x163: {  	[sflag:s14] =	ssyncset.done $0x0  }
0x164: {  	s26 =	rddreg [dreg:$0x11];
	[sflag:s14] =	ssyncadd.s32 $0xFFFFF800  }
0x165: {  	[spmem:s3] =	stream.indirect.scatter.add.f32 [tilespmem:s25], [sflag:$0x2], $0x10, s26, s18, $0xb8;
	[tilespmem:$0xDF00] =	vst v63  }
0x166: {  	_ =	swait.ge [sflag:s14], $0x800  }
0x167: {  	[sflag:s14] =	ssyncset.done $0x0  }
0x168: {  	s31 =	rddreg [dreg:$0x12];
	[sflag:s14] =	ssyncadd.s32 $0xFFFFF800  }
0x169: {  	[spmem:s3] =	stream.indirect.scatter.add.f32 [tilespmem:s28], [sflag:$0x2], $0x10, s31, s18, $0xb8;
	[tilespmem:$0xDF00] =	vst v63  }
0x16a: {  	_ =	swait.ge [sflag:s14], $0x800  }
0x16b: {  	[sflag:s14] =	ssyncset.done $0x0  }
0x16c: {  	s26 =	rddreg [dreg:$0x13];
	[sflag:s14] =	ssyncadd.s32 $0xFFFFF800  }
0x16d: {  	[spmem:s3] =	stream.indirect.scatter.add.f32 [tilespmem:s30], [sflag:$0x2], $0x10, s26, s18, $0xb8;
	[tilespmem:$0xDF00] =	vst v63  }
0x16e: {  	_ =	swait.ge [sflag:s14], $0x800  }
0x16f: {  	[sflag:s14] =	ssyncset.done $0x0  }
0x170: {  	s31 =	rddreg [dreg:$0x14];
	[sflag:s14] =	ssyncadd.s32 $0xFFFFF800  }
0x171: {  	[spmem:s3] =	stream.indirect.scatter.add.f32 [tilespmem:s0], [sflag:$0x2], $0x10, s31, s18, $0xb8;
	[tilespmem:$0xDF00] =	vst v63  }
0x172: {  	_ =	swait.ge [sflag:s14], $0x800  }
0x173: {  	[sflag:s14] =	ssyncset.done $0x0  }
0x174: {  	s26 =	rddreg [dreg:$0x15];
	[sflag:s14] =	ssyncadd.s32 $0xFFFFF800  }
0x175: {  	[spmem:s3] =	stream.indirect.scatter.add.f32 [tilespmem:s7], [sflag:$0x2], $0x10, s26, s18, $0xb8;
	[tilespmem:$0xDF00] =	vst v63  }
0x176: {  	_ =	swait.ge [sflag:s14], $0x800  }
0x177: {  	s31 =	rddreg [dreg:$0x4];
	[sflag:s14] =	ssyncset.done $0x0  }
0x178: {  	[sflag:s14] =	ssyncadd.s32 $0xFFFFF800;
	s23 =	sadd.s32 s21, s31  }
0x179: {  	[tilespmem:s4], [sflag:$0x2] =	stream.linear.gather [hbm4b:s23+s4], $0x400, $0x38;
	[tilespmem:$0xDF00] =	vst v63  }
0x17a: {  	_ =	swait.ge [sflag:s14], $0x400  }
0x17b: {  	s26 =	rddreg [dreg:$0x6];
	[sflag:s14] =	ssyncset.done $0x0  }
0x17c: {  	s31 =	sadd.s32 s21, s26;
	[sflag:s14] =	ssyncadd.s32 $0xFFFFFC00  }
0x17d: {  	[tilespmem:s17], [sflag:$0x2] =	stream.linear.gather [hbm4b:s31+s4], $0x400, $0x38;
	[tilespmem:$0xDF00] =	vst v63  }
0x17e: {  	_ =	swait.ge [sflag:s14], $0x400  }
0x17f: {  	[sflag:s14] =	ssyncset.done $0x0  }
0x180: {  	[sflag:s14] =	ssyncadd.s32 $0xFFFFFC00  }
0x181: {  	[tilespmem:s19], [sflag:$0x1] =	stream.indirect.gather [spmem:s2], $0x10, s4, s18, $0xb8;
	[tilespmem:$0xDF00] =	vst v63  }
0x182: {  	_ = 	snop  }
0x183: {  	[tilespmem:s20], [sflag:$0x1] =	stream.indirect.gather [spmem:s2], $0x10, s18, s18, $0xb8;
	[tilespmem:$0xDF00] =	vst v63  }
0x184: {  	_ = 	snop  }
0x185: {  	[tilespmem:s22], [sflag:$0x1] =	stream.indirect.gather [spmem:s2], $0x10, s1, s18, $0xb8;
	[tilespmem:$0xDF00] =	vst v63  }
0x186: {  	s23 =	simm.s32 $0x180  }
0x187: {  	[tilespmem:s25], [sflag:$0x1] =	stream.indirect.gather [spmem:s2], $0x10, s23, s18, $0xb8;
	[tilespmem:$0xDF00] =	vst v63  }
0x188: {  	s26 =	simm.s32 $0x200  }
0x189: {  	[tilespmem:s28], [sflag:$0x1] =	stream.indirect.gather [spmem:s2], $0x10, s26, s18, $0xb8;
	[tilespmem:$0xDF00] =	vst v63  }
0x18a: {  	s31 =	simm.s32 $0x280  }
0x18b: {  	[tilespmem:s30], [sflag:$0x1] =	stream.indirect.gather [spmem:s2], $0x10, s31, s18, $0xb8;
	[tilespmem:$0xDF00] =	vst v63  }
0x18c: {  	s21 =	simm.s32 $0x300  }
0x18d: {  	[tilespmem:s0], [sflag:$0x1] =	stream.indirect.gather [spmem:s2], $0x10, s21, s18, $0xb8;
	[tilespmem:$0xDF00] =	vst v63  }
0x18e: {  	s23 =	simm.s32 $0x380  }
0x18f: {  	[tilespmem:s7], [sflag:$0x1] =	stream.indirect.gather [spmem:s2], $0x10, s23, s18, $0xb8;
	[tilespmem:$0xDF00] =	vst v63  }
0x190: {  	_ =	swait.ge [sflag:s8], $0x4000  }
0x191: {  	[sflag:s8] =	ssyncset.done $0x0  }
0x192: {  	[sflag:s8] =	ssyncadd.s32 $0xFFFFC000  }
0x193: {  	[spmem:s3] =	stream.indirect.scatter.add.f32 [tilespmem:s9], [sflag:$0x2], $0x10, s6, s18, $0xb8;
	[tilespmem:$0xDF00] =	vst v63  }
0x194: {  	_ =	swait.ge [sflag:s14], $0x800  }
0x195: {  	[sflag:s14] =	ssyncset.done $0x0  }
0x196: {  	s26 =	rddreg [dreg:$0x16];
	[sflag:s14] =	ssyncadd.s32 $0xFFFFF800  }
0x197: {  	[spmem:s3] =	stream.indirect.scatter.add.f32 [tilespmem:s10], [sflag:$0x2], $0x10, s26, s18, $0xb8;
	[tilespmem:$0xDF00] =	vst v63  }
0x198: {  	_ =	swait.ge [sflag:s14], $0x800  }
0x199: {  	[sflag:s14] =	ssyncset.done $0x0  }
0x19a: {  	s31 =	rddreg [dreg:$0x17];
	[sflag:s14] =	ssyncadd.s32 $0xFFFFF800  }
0x19b: {  	[spmem:s3] =	stream.indirect.scatter.add.f32 [tilespmem:s12], [sflag:$0x2], $0x10, s31, s18, $0xb8;
	[tilespmem:$0xDF00] =	vst v63  }
0x19c: {  	_ =	swait.ge [sflag:s14], $0x800  }
0x19d: {  	[sflag:s14] =	ssyncset.done $0x0  }
0x19e: {  	s1 =	rddreg [dreg:$0x18];
	[sflag:s14] =	ssyncadd.s32 $0xFFFFF800  }
0x19f: {  	[spmem:s3] =	stream.indirect.scatter.add.f32 [tilespmem:s13], [sflag:$0x2], $0x10, s1, s18, $0xb8;
	[tilespmem:$0xDF00] =	vst v63  }
0x1a0: {  	_ =	swait.ge [sflag:s14], $0x800  }
0x1a1: {  	[sflag:s14] =	ssyncset.done $0x0  }
0x1a2: {  	s23 =	rddreg [dreg:$0x19];
	[sflag:s14] =	ssyncadd.s32 $0xFFFFF800  }
0x1a3: {  	[spmem:s3] =	stream.indirect.scatter.add.f32 [tilespmem:s16], [sflag:$0x2], $0x10, s23, s18, $0xb8;
	[tilespmem:$0xDF00] =	vst v63  }
0x1a4: {  	_ =	swait.ge [sflag:s14], $0x800  }
0x1a5: {  	[sflag:s14] =	ssyncset.done $0x0  }
0x1a6: {  	s26 =	rddreg [dreg:$0x1a];
	[sflag:s14] =	ssyncadd.s32 $0xFFFFF800  }
0x1a7: {  	[spmem:s3] =	stream.indirect.scatter.add.f32 [tilespmem:s24], [sflag:$0x2], $0x10, s26, s18, $0xb8;
	[tilespmem:$0xDF00] =	vst v63  }
0x1a8: {  	_ =	swait.ge [sflag:s14], $0x800  }
0x1a9: {  	[sflag:s14] =	ssyncset.done $0x0  }
0x1aa: {  	s31 =	rddreg [dreg:$0x1b];
	[sflag:s14] =	ssyncadd.s32 $0xFFFFF800  }
0x1ab: {  	[spmem:s3] =	stream.indirect.scatter.add.f32 [tilespmem:s11], [sflag:$0x2], $0x10, s31, s18, $0xb8;
	[tilespmem:$0xDF00] =	vst v63  }
0x1ac: {  	_ =	swait.ge [sflag:s14], $0x800  }
0x1ad: {  	[sflag:s14] =	ssyncset.done $0x0  }
0x1ae: {  	s1 =	rddreg [dreg:$0x1c];
	[sflag:s14] =	ssyncadd.s32 $0xFFFFF800  }
0x1af: {  	[spmem:s3] =	stream.indirect.scatter.add.f32 [tilespmem:s15], [sflag:$0x2], $0x10, s1, s18, $0xb8;
	[tilespmem:$0xDF00] =	vst v63  }
0x1b0: {  	_ =	swait.ge [sflag:s14], $0x800  }
0x1b1: {  	[sflag:s14] =	ssyncset.done $0x0  }
0x1b2: {  	[sflag:s14] =	ssyncadd.s32 $0xFFFFF800  }
0x1b3: {  	_ =	swait.ge [sflag:s8], $0x4000  }
0x1b4: {  	[sflag:s8] =	ssyncset.done $0x0  }
0x1b5: {  	[sflag:s8] =	ssyncadd.s32 $0xFFFFC000  }
0x1b6: {  	[bflag:$0x0] =	sbarrier.arrive $0xFFFF  }
0x1b7: {  	s23 =	sld [smem:$0x7FC]  }
0x1b8: {  	s29 =	sld [smem:$0x7FD]  }
0x1b9: {  	s21 =	sld [smem:$0x7FB];
	_ =	sdelay $0x2  }
0x1ba: {  	[hbm:s21], [sflag:s23] =	dma.local [spmem:s29], $0x4F0  }
0x1bb: {  	_ =	swait.ge [sflag:s14], $0x4F0  }
0x1bc: {  	s26 =	sld [smem:$0x7F4]  }
0x1bd: {  	s31 =	sld [smem:$0x7F7];
	_ =	sdelay $0x1  }
0x1be: {  	s1 =	sadd.s32 $0x1, s26  }
0x1bf: {  	p0 =	sne.s32 s1, s31  }
.Ltmp1:
0x1c0: {  	_ = 	snop;
	(pc) =	sbr.rel @p0 .LBB2_1-.Ltmp1, $3  }
0x1c1: {  	_ =	sdelay $0x1  }
0x1c2: {  	[sflag:s14] =	ssyncset.done $0x0  }
0x1c3: {  	[sflag:s14] =	ssyncadd.s32 $0xFFFFFB10  }
0x1c4: {  	_ =	sfence.sel $0x180000  }
0x1c5: {  	[bflag:$0x0] =	sbarrier.arrive $0xFFFF  }
0x1c6: {  	_ =	strace $0x9000004A  }
0x1c7: {  	s0 =	stileid.u32;
	[bflag:$0x2] =	sbarrier.arrive $0xFFFF  }
0x1c8: {  	p0 =	sne.s32 s0, $0x0;
	s0 =	rddreg [dreg:$0x3]  }
0x1c9: {  	s0 =	sadd.s32 @!p0 $0x100000, s0  }
0x1ca: {  	[sflag:s0] =	ssyncadd.tile.s32 @!p0 $0x1;
	_ =	shalt  }
.Lfunc_end2:
_tile_overlayer_lowered:
.L_overlay_start_2:
0x1cb: {  	(tag) =	ssettag $0x2  }
0x1cc: {  	s0 =	rddreg [dreg:$0x0];
	s2 =	stileid.u32  }
0x1cd: {  	s1 =	rddreg [dreg:$0x1];
	p0 =	sne.s32 s2, $0x0  }
0x1ce: {  	s3 =	rddreg [dreg:$0x2];
	[bflag:$0x3] =	sbarrier.arrive $0xFFFF;
	s2 =	simm.s32 @!p0 $0x1C02  }
0x1cf: {  	[timem:s3], [sflag:s2] =	dma.local @!p0 [hbm:s0], s1  }
0x1d0: {  	s0 =	simm.s32 @!p0 $0x2  }
0x1d1: {  	_ =	swait.ge @!p0 [sflag:s0], s1  }
0x1d2: {  	s1 =	ssub.s32 @!p0 $0x0, s1;
	[sflag:s0] =	ssyncset.done @!p0 $0x0  }
0x1d3: {  	[sflag:s0] =	ssyncadd.s32 @!p0 s1  }
0x1d4: {  	[bflag:$0x3] =	sbarrier.arrive $0xFFFF  }
0x1d5: {  	_ =	shalt  }

// kernel: kernel.14.cloned.1.call-start
scs
__scs_entry_jumppad:
0x0: {  	(pc) =	sbr.rel $0x88, $3  }
0x1: {  	(tag) =	ssettag $0x0;
	lr =	simm.s32 $0x1  }
0x2: {  	[smem:$0x3F9B] =	sst lr;
	_ =	strace $0xD0000000  }
0x3: {  	_ = 	snop  }
0x4: {  	_ = 	snop  }
0x5: {  	_ = 	snop  }
0x6: {  	_ = 	snop  }
0x7: {  	_ = 	snop  }
__scs_overlays_trampoline_lowered:
0x8: {  	[smem:$0x3FAA] =	sst s0  }
0x9: {  	[smem:$0x3FAB] =	sst s1  }
0xa: {  	[smem:$0x3FAC] =	sst s2  }
0xb: {  	[smem:$0x3FAD] =	sst s3  }
0xc: {  	[smem:$0x3FAE] =	sst s4  }
0xd: {  	[smem:$0x3FAF] =	sst s5  }
0xe: {  	[smem:$0x3FB0] =	sst s6  }
0xf: {  	[smem:$0x3FB1] =	sst s7  }
0x10: {  	[smem:$0x3FB2] =	sst s8  }
0x11: {  	[smem:$0x3FB3] =	sst s9;
	s0 =	simm.s32 @!p0 $0x0  }
0x12: {  	s1 =	sld [smem:$0x3F99];
	s0 =	simm.s32 @p0 $0x1  }
0x13: {  	[smem:$0x3FB4] =	sst s0;
	s0 =	simm.s32 @!p1 $0x0  }
0x14: {  	s2 =	sld [smem:$0x3F98];
	s0 =	simm.s32 @p1 $0x1  }
0x15: {  	[smem:$0x3FB5] =	sst s0;
	s0 =	simm.s32 @!p2 $0x0  }
0x16: {  	s3 =	sld [smem:$0x3FDB];
	s0 =	simm.s32 @p2 $0x1  }
0x17: {  	s4 =	simm.s32 $0x1BF5;
	[smem:$0x3FB7] =	sst s0  }
0x18: {  	s0 =	sld [smem:$0x3F9A];
	_ =	swait.ge [sflag:s4], $0x0  }
0x19: {  	s7 =	sld [smem:$0x3F9B]  }
0x1a: {  	s8 =	sadd.s32 $0xFFFFE003, lr  }
0x1b: {  	s9 =	sadd.s32 $0xFFFFFEF7, lr;
	s5 =	simm.s32 $0xFFFFFFFF;
	p2 =	slt.u32 s8, $0xFFFFF086  }
0x1c: {  	p1 =	slt.u32 s9, $0xF7A;
	s5 =	simm.s32 @!p2 $0x0  }
0x1d: {  	s5 =	simm.s32 @p1 $0x1;
	p0 =	seq.s32 s7, s2  }
0x1e: {  	s7 =	smul.u32 @!p0 $0xF7A, s2;
	p2 =	seq.s32 @!p0 s5, $0x0  }
0x1f: {  	s9 =	smul.u32 $0xF7A, s1;
	s8 =	simm.s32 @!p0 $0x1BF5;
	p2 =	por !p2, p0  }
0x20: {  	[sflag:s8] =	ssyncset.s32 @!p0 $0xFFFFF086;
	s6 =	sadd.s32 @!p0 s3, s7;
	s7 =	simm.s32 @!p0 $0x108  }
0x21: {  	s3 =	sadd.s32 s3, s9;
	s6 =	sadd.s32 @!p0 $0x88, s6;
	s7 =	simm.s32 @p2 $0x1082  }
0x22: {  	[simem:s7], [sflag:s8] =	dma.local @!p0 [hbm:s6], $0xF7A  }
0x23: {  	s9 =	sor.u32 $0xD0000000, s2;
	s6 =	simm.s32 $0x108;
	_ =	swait.ge @!p0 [sflag:s8], $0x0  }
0x24: {  	s3 =	sadd.s32 $0x88, s3;
	s6 =	simm.s32 @!p1 $0x1082;
	[sflag:s4] =	ssyncset.s32 $0xFFFFF086  }
0x25: {  	[simem:s6], [sflag:s4] =	dma.local [hbm:s3], $0xF7A  }
0x26: {  	[smem:$0x3F9B] =	sst s1;
	(tag) =	ssettag s2;
	_ =	strace s9  }
0x27: {  	s1 =	sld [smem:$0x3FAB]  }
0x28: {  	s2 =	sld [smem:$0x3FAC]  }
0x29: {  	s4 =	sld [smem:$0x3FAE]  }
0x2a: {  	p0 =	seq.s32 s5, $0x0;
	s5 =	sld [smem:$0x3FAF]  }
0x2b: {  	s6 =	sld [smem:$0x3FB0]  }
0x2c: {  	s7 =	sld [smem:$0x3FB1]  }
0x2d: {  	s3 =	simm.s32 $0x108;
	s8 =	sld [smem:$0x3FB2]  }
0x2e: {  	s3 =	simm.s32 @!p0 $0x1082;
	s9 =	sld [smem:$0x3FB3]  }
0x2f: {  	lr =	sadd.s32 s0, s3;
	s0 =	sld [smem:$0x3FAA]  }
0x30: {  	s3 =	sld [smem:$0x3FAD]  }
0x31: {  	[smem:$0x3FB6] =	sst s10  }
0x32: {  	s10 =	sld [smem:$0x3FB4];
	_ =	sdelay $0x3  }
0x33: {  	p0 =	seq.s32 s10, $0x1;
	s10 =	sld [smem:$0x3FB6];
	_ =	sdelay $0x3  }
0x34: {  	[smem:$0x3FB6] =	sst s10  }
0x35: {  	s10 =	sld [smem:$0x3FB5];
	_ =	sdelay $0x3  }
0x36: {  	p1 =	seq.s32 s10, $0x1;
	s10 =	sld [smem:$0x3FB6];
	_ =	sdelay $0x3  }
0x37: {  	[smem:$0x3FB6] =	sst s10  }
0x38: {  	s10 =	sld [smem:$0x3FB7]  }
0x39: {  	_ = 	snop;
	(pc) =	sbr.ind lr, $3  }
0x3a: {  	_ = 	snop  }
0x3b: {  	_ = 	snop  }
0x3c: {  	p2 =	seq.s32 s10, $0x1;
	s10 =	sld [smem:$0x3FB6]  }
0x3d: {  	_ =	shalt  }
0x3e: {  	_ =	shalt  }
0x3f: {  	_ =	shalt  }
0x40: {  	_ =	shalt  }
0x41: {  	_ =	shalt  }
0x42: {  	_ =	shalt  }
0x43: {  	_ =	shalt  }
0x44: {  	_ =	shalt  }
0x45: {  	_ =	shalt  }
0x46: {  	_ =	shalt  }
0x47: {  	_ =	shalt  }
0x48: {  	_ =	shalt  }
0x49: {  	_ =	shalt  }
0x4a: {  	_ =	shalt  }
0x4b: {  	_ =	shalt  }
0x4c: {  	_ =	shalt  }
0x4d: {  	_ =	shalt  }
0x4e: {  	_ =	shalt  }
0x4f: {  	_ =	shalt  }
0x50: {  	_ =	shalt  }
0x51: {  	_ =	shalt  }
0x52: {  	_ =	shalt  }
0x53: {  	_ =	shalt  }
0x54: {  	_ =	shalt  }
0x55: {  	_ =	shalt  }
0x56: {  	_ =	shalt  }
0x57: {  	_ =	shalt  }
0x58: {  	_ =	shalt  }
0x59: {  	_ =	shalt  }
0x5a: {  	_ =	shalt  }
0x5b: {  	_ =	shalt  }
0x5c: {  	_ =	shalt  }
0x5d: {  	_ =	shalt  }
0x5e: {  	_ =	shalt  }
0x5f: {  	_ =	shalt  }
0x60: {  	_ =	shalt  }
0x61: {  	_ =	shalt  }
0x62: {  	_ =	shalt  }
0x63: {  	_ =	shalt  }
0x64: {  	_ =	shalt  }
0x65: {  	_ =	shalt  }
0x66: {  	_ =	shalt  }
0x67: {  	_ =	shalt  }
0x68: {  	_ =	shalt  }
0x69: {  	_ =	shalt  }
0x6a: {  	_ =	shalt  }
0x6b: {  	_ =	shalt  }
0x6c: {  	_ =	shalt  }
0x6d: {  	_ =	shalt  }
0x6e: {  	_ =	shalt  }
0x6f: {  	_ =	shalt  }
0x70: {  	_ =	shalt  }
0x71: {  	_ =	shalt  }
0x72: {  	_ =	shalt  }
0x73: {  	_ =	shalt  }
0x74: {  	_ =	shalt  }
0x75: {  	_ =	shalt  }
0x76: {  	_ =	shalt  }
0x77: {  	_ =	shalt  }
0x78: {  	_ =	shalt  }
0x79: {  	_ =	shalt  }
0x7a: {  	_ =	shalt  }
0x7b: {  	_ =	shalt  }
0x7c: {  	_ =	shalt  }
0x7d: {  	_ =	shalt  }
0x7e: {  	_ =	shalt  }
0x7f: {  	_ =	shalt  }
0x80: {  	_ =	shalt  }
0x81: {  	_ =	shalt  }
0x82: {  	_ =	shalt  }
0x83: {  	_ =	shalt  }
0x84: {  	_ =	shalt  }
0x85: {  	_ =	shalt  }
0x86: {  	_ =	shalt  }
0x87: {  	_ =	shalt  }
.Lfunc_end0:
.L_simem_size_0:
called_computation.2_lowered:
.L_overlay_start_0:
0x88: {  	s2 =	sld [smem:$0x3FD9]  }
0x89: {  	s3 =	sld [smem:$0x3FFE];
	_ =	sdelay $0x1  }
0x8a: {  	s1 =	srdreg.scid  }
0x8b: {  	s0 =	sand.u32 $0x1, s1  }
0x8c: {  	s17 =	sshll.u32 s0, $0xA;
	s2 =	sadd.s32 s3, s2  }
0x8d: {  	s2 =	sadd.s32 s2, s17  }
0x8e: {  	[smem:$0x3FC2] =	sst s2  }
0x8f: {  	_ = 	snop  }
0x90: {  	s2 =	sld [smem:$0x3FD0];
	(tm) =	ssettm $0x1  }
0x91: {  	s18 =	sld [smem:$0x3FFB];
	_ =	sdelay $0x3  }
0x92: {  	_ =	strace s18  }
0x93: {  	s3 =	sld [smem:$0x3FFC];
	_ =	sdelay $0x3  }
0x94: {  	_ =	strace s3  }
0x95: {  	s3 =	sld [smem:$0x3FFD];
	_ =	sdelay $0x3  }
0x96: {  	_ =	strace s3  }
0x97: {  	_ =	strace $0x8FFFFFFF  }
0x98: {  	s19 =	sld [smem:$0x3FDB];
	_ =	sdelay $0x1  }
0x99: {  	s4 =	simm.s32 $_scs_section_size  }
0x9a: {  	s5 =	simm.s32 $_size__tile_overlayer_lowered;
	s6 =	simm.s32 $_tile_overlayer_lowered  }
0x9b: {  	s22 =	simm.s32 $0x1BFF;
	s21 =	sshll.u32 s6, $0x1;
	s3 =	sadd.s32 s4, s19  }
0x9c: {  	s7 =	simm.s32 $0x0;
	s20 =	sshll.u32 s5, $0x1;
	s5 =	sadd.s32 s21, s3  }
0x9d: {  	[timem:s7], [sflag:s22] =	dma.local [hbm:s5], s20  }
0x9e: {  	_ =	swait.ge [sflag:s22], s20  }
0x9f: {  	s4 =	ssub.s32 $0x0, s20;
	[sflag:s22] =	ssyncset.done $0x0  }
0xa0: {  	[sflag:s22] =	ssyncadd.s32 s4;
	_ =	sdelay $0x1  }
0xa1: {  	s23 =	simm.s32 $0x1B8B  }
0xa2: {  	_ =	swait.ge [sflag:s23], $0x1  }
0xa3: {  	[sflag:s23] =	ssyncset.done $0x0  }
0xa4: {  	s25 =	simm.s32 $0x1B8E;
	s24 =	sld [smem:$0x3FFE];
	[sflag:s23] =	ssyncadd.s32 $0xFFFFFFFF  }
0xa5: {  	s26 =	simm.s32 $execute0_lowered;
	[smem:$0x3FD2] =	sst s25  }
0xa6: {  	s5 =	sshll.u32 s26, $0x1;
	_ =	strace $0x8000004C;
	[dreg:$0x1] =	wrdreg $0xFFFFFFFF  }
0xa7: {  	s28 =	simm.s32 $_size_execute0_lowered;
	s3 =	sadd.s32 s3, s5;
	[dreg:$0x0] =	wrdreg $0x0  }
0xa8: {  	s5 =	sshll.u32 s28, $0x1;
	[dreg:$0x2] =	wrdreg s3  }
0xa9: {  	[dreg:$0x3] =	wrdreg s5  }
0xaa: {  	[dreg:$0x4] =	wrdreg $0xC0  }
0xab: {  	_ =	task [dreg:s7], $0x5FFFF  }
0xac: {  	[dreg:$0x1] =	wrdreg $0xFFFFFFFF  }
0xad: {  	[dreg:$0x0] =	wrdreg $0x60  }
0xae: {  	[dreg:$0x2] =	wrdreg s24  }
0xaf: {  	[dreg:$0x3] =	wrdreg s2  }
0xb0: {  	[dreg:$0x4] =	wrdreg $0x63C00  }
0xb1: {  	[dreg:$0x5] =	wrdreg $0x50000  }
0xb2: {  	[dreg:$0x6] =	wrdreg $0x9  }
0xb3: {  	_ =	task.clear_ibuf [dreg:s7], $0x7FFFF;
	_ =	strace $0x9000004C  }
0xb4: {  	s29 =	simm.s32 $0x9;
	_ =	strace $0x8000004E  }
0xb5: {  	_ =	swait.ge [sflag:s29], $0x1  }
0xb6: {  	[sflag:s29] =	ssyncadd.s32 $0xFFFFFFFF  }
0xb7: {  	_ =	strace $0x9000004E  }
0xb8: {  	_ =	sfence  }
0xb9: {  	s30 =	sld [smem:$0x0];
	_ =	sdelay $0x2  }
0xba: {  	s31 =	sshll.u32 s1, $0xD;
	s1 =	sshrl.u32 s1, $0x2  }
0xbb: {  	s3 =	sand.u32 $0x4000, s31;
	s1 =	sadd.s32 s1, s30  }
0xbc: {  	s0 =	sor.u32 s3, s0;
	s1 =	sshll.u32 s1, $0x11  }
0xbd: {  	s0 =	sor.u32 s1, s0  }
0xbe: {  	s0 =	sadd.s32 $0x8F2B, s0  }
0xbf: {  	[sflag:s0] =	ssyncadd.remote.s32 $0x1  }
0xc0: {  	_ =	sfence.sel $0xFFFF  }
0xc1: {  	[dreg:$0x0] =	wrdreg $0xFFFFFFFF;
	(pc) =	sbr.abs _section_cstart, $3  }
0xc2: {  	[dreg:$0x1] =	wrdreg $0xFFFFFFFF  }
0xc3: {  	_ =	task.clear_ibuf [dreg:s7], $0x2FFFF;
	_ =	strace $0x9FFFFFFF  }
0xc4: {  	(tm) =	ssettm $0x7FFFFFFF  }
0xc5: {  	_ =	shalt  }
tec
execute0_lowered:
.L_overlay_start_1:
0x0: {  	(tag) =	ssettag $0x1  }
0x1: {  	s1 =	rddreg [dreg:$0x0]  }
0x2: {  	s5 =	rddreg [dreg:$0x1]  }
0x3: {  	s2 =	rddreg [dreg:$0x2]  }
0x4: {  	s3 =	rddreg [dreg:$0x3]  }
0x5: {  	s15 =	stileid.u32;
	s0 =	srdreg.scid  }
0x6: {  	s4 =	simm.s32 $0x0;
	s16 =	simm.s32 $0x480;
	s17 =	simm.s32 $0x500  }
0x7: {  	s19 =	simm.s32 $0x580;
	s20 =	simm.s32 $0x600;
	s21 =	simm.s32 $0x680  }
0x8: {  	s22 =	simm.s32 $0x700;
	s24 =	simm.s32 $0x780;
	[smem:$0x7FF] =	sst s4  }
0x9: {  	s28 =	simm.s32 $0x2000;
	_ =	strace $0x8000004D;
	[dreg:$0x9] =	wrdreg s16  }
0xa: {  	s30 =	simm.s32 $0x2400;
	s6 =	smul.u32 $0x13C0, s15;
	[dreg:$0xa] =	wrdreg s17  }
0xb: {  	s7 =	sand.u32 $0x1, s0;
	s8 =	smul.u32 $0xA0, s15;
	[dreg:$0xb] =	wrdreg s19  }
0xc: {  	s10 =	sadd.s32 $0x3000, s1;
	s31 =	sshll.u32 s15, $0x1;
	[dreg:$0xc] =	wrdreg s20  }
0xd: {  	s18 =	sshll.u32 s15, $0x6;
	s9 =	smul.u32 $0x50, s7;
	[dreg:$0xd] =	wrdreg s21  }
0xe: {  	s11 =	smul.u32 $0x2780, s7;
	s12 =	ssub.s32 $0x2, s7;
	[dreg:$0xe] =	wrdreg s22  }
0xf: {  	s7 =	sor.u32 s7, s31;
	[dreg:$0xf] =	wrdreg s24;
	s16 =	simm.s32 $0xA80  }
0x10: {  	s23 =	sor.u32 $0x1C02, s18;
	s17 =	simm.s32 $0xB00;
	[dreg:$0x14] =	wrdreg s16  }
0x11: {  	s31 =	sadd.s32 $0xD080, s1;
	s18 =	simm.s32 $0xB80;
	[dreg:$0x15] =	wrdreg s17  }
0x12: {  	s20 =	simm.s32 $0xC80;
	s21 =	simm.s32 $0xD00;
	[smem:$0x7F9] =	sst s31  }
0x13: {  	s22 =	simm.s32 $0xD80;
	s24 =	simm.s32 $0xE00;
	[dreg:$0x16] =	wrdreg s18  }
0x14: {  	s0 =	sshrl.u32 s6, $0x3;
	s13 =	sshrl.u32 s12, $0x1;
	[dreg:$0x17] =	wrdreg s20  }
0x15: {  	s7 =	smul.u32 $0x500, s7;
	s17 =	simm.s32 $0x800;
	[dreg:$0x18] =	wrdreg s21  }
0x16: {  	s18 =	simm.s32 $0x80;
	[dreg:$0x19] =	wrdreg s22;
	s20 =	simm.s32 $0x1400  }
0x17: {  	[dreg:$0x1a] =	wrdreg s24;
	s22 =	simm.s32 $0x1800;
	s16 =	simm.s32 $0x4000  }
0x18: {  	[smem:$0x7FC] =	sst s23;
	s26 =	sadd.s32 s0, s1;
	s5 =	sadd.s32 s5, s0  }
0x19: {  	s8 =	sadd.s32 s9, s8;
	s9 =	sadd.s32 $0x17200, s26;
	[smem:$0x7F5] =	sst s5  }
0x1a: {  	s24 =	simm.s32 $0x4400;
	s25 =	sadd.s32 s10, s7;
	[smem:$0x7F4] =	sst s9  }
0x1b: {  	s12 =	ssub.s32 s12, s13;
	s26 =	simm.s32 $0x880;
	[smem:$0x7F6] =	sst s25  }
0x1c: {  	s13 =	sadd.s32 s6, s2;
	s12 =	smax.u32 s12, $0x1;
	[dreg:$0x10] =	wrdreg s26  }
0x1d: {  	s11 =	sadd.s32 s11, s1;
	s15 =	sshrl.u32 s13, $0x3;
	[smem:$0x7F7] =	sst s12  }
0x1e: {  	s6 =	sadd.s32 s6, s3;
	s19 =	sadd.s32 s7, s31;
	[smem:$0x7F8] =	sst s15  }
0x1f: {  	s1 =	simm.s32 $0x0;
	s31 =	simm.s32 $0xF80;
	[smem:$0x7FA] =	sst s19  }
0x20: {  	s8 =	sshll.u32 s8, $0x4;
	s29 =	sshrl.u32 s6, $0x3;
	[dreg:$0x1d] =	wrdreg s31  }
0x21: {  	s7 =	simm.s32 $0x2C00;
	s14 =	sadd.s32 $0x100, s8;
	[smem:$0x7FD] =	sst s29  }
0x22: {  	s5 =	simm.s32 $0x400;
	s8 =	sor.u32 $0x80, s8;
	[dreg:$0x1e] =	wrdreg s14  }
0x23: {  	s6 =	simm.s32 $0xC00;
	s9 =	simm.s32 $0x900;
	[dreg:$0x1f] =	wrdreg s8  }
0x24: {  	s13 =	simm.s32 $0x3C00;
	s25 =	simm.s32 $0xE80;
	[dreg:$0x11] =	wrdreg s9  }
0x25: {  	s19 =	simm.s32 $0x1000;
	s26 =	simm.s32 $0xF00;
	[dreg:$0x1b] =	wrdreg s25  }
0x26: {  	s12 =	simm.s32 $0x3800;
	s14 =	sadd.s32 s14, s10;
	[dreg:$0x1c] =	wrdreg s26  }
0x27: {  	s15 =	simm.s32 $0x4C00;
	s8 =	sadd.s32 s8, s10;
	[dreg:$0x5] =	wrdreg s14  }
0x28: {  	s10 =	sadd.s32 $0x19A00, s11;
	s11 =	simm.s32 $0x980;
	[dreg:$0x6] =	wrdreg s8  }
0x29: {  	s25 =	simm.s32 $0x1C00;
	s9 =	simm.s32 $0x3000;
	[dreg:$0x12] =	wrdreg s11  }
0x2a: {  	s14 =	simm.s32 $0xA00;
	s0 =	sadd.s32 s0, s10;
	s10 =	simm.s32 $0x3400  }
0x2b: {  	s11 =	simm.s32 $0x4800;
	s8 =	simm.s32 $0x1;
	[dreg:$0x13] =	wrdreg s14  }
0x2c: {  	s14 =	simm.s32 $0x2;
	[smem:$0x7FB] =	sst s0;
	s0 =	simm.s32 $0x2800  }
.LBB2_1:
0x2d: {  	s21 =	sld [smem:$0x7F4]  }
0x2e: {  	s26 =	sld [smem:$0x7F8];
	_ =	sdelay $0x1  }
0x2f: {  	[smem:$0x7F3] =	sst s1  }
0x30: {  	[spmem:s26], [sflag:s23] =	dma.local [hbm:s21], $0x278  }
0x31: {  	_ =	swait.ge [sflag:s14], $0x278  }
0x32: {  	s31 =	sld [smem:$0x7F5]  }
0x33: {  	[sflag:s14] =	ssyncset.done $0x0  }
0x34: {  	[sflag:s14] =	ssyncadd.s32 $0xFFFFFD88  }
0x35: {  	[spmem:s29], [sflag:s23] =	dma.local [hbm:s31], $0x278  }
0x36: {  	_ =	swait.ge [sflag:s14], $0x278  }
0x37: {  	[sflag:s14] =	ssyncset.done $0x0  }
0x38: {  	[sflag:s14] =	ssyncadd.s32 $0xFFFFFD88  }
0x39: {  	[bflag:$0x0] =	sbarrier.arrive $0xFFFF  }
0x3a: {  	s1 =	sld [smem:$0x7F6];
	_ =	sdelay $0x2  }
0x3b: {  	[tilespmem:s4], [sflag:$0x2] =	stream.linear.gather [hbm4b:s1+s4], $0x400, $0x38;
	[tilespmem:$0x7780] =	vst v63  }
0x3c: {  	_ =	swait.ge [sflag:s14], $0x400  }
0x3d: {  	s23 =	sld [smem:$0x7FA]  }
0x3e: {  	[sflag:s14] =	ssyncset.done $0x0  }
0x3f: {  	[sflag:s14] =	ssyncadd.s32 $0xFFFFFC00  }
0x40: {  	[tilespmem:s17], [sflag:$0x2] =	stream.linear.gather [hbm4b:s23+s4], $0x400, $0x38;
	[tilespmem:$0x7780] =	vst v63  }
0x41: {  	_ =	swait.ge [sflag:s14], $0x400  }
0x42: {  	[sflag:s14] =	ssyncset.done $0x0  }
0x43: {  	[sflag:s14] =	ssyncadd.s32 $0xFFFFFC00  }
0x44: {  	[tilespmem:s19], [sflag:$0x1] =	stream.indirect.gather [spmem:s2], $0x8, s4, s18, $0xb8;
	[tilespmem:$0x7780] =	vst v63  }
0x45: {  	_ = 	snop  }
0x46: {  	[tilespmem:s20], [sflag:$0x1] =	stream.indirect.gather [spmem:s2], $0x8, s18, s18, $0xb8;
	[tilespmem:$0x7780] =	vst v63  }
0x47: {  	s29 =	simm.s32 $0x100  }
0x48: {  	[tilespmem:s22], [sflag:$0x1] =	stream.indirect.gather [spmem:s2], $0x8, s29, s18, $0xb8;
	[tilespmem:$0x7780] =	vst v63  }
0x49: {  	s31 =	simm.s32 $0x180  }
0x4a: {  	[tilespmem:s25], [sflag:$0x1] =	stream.indirect.gather [spmem:s2], $0x8, s31, s18, $0xb8;
	[tilespmem:$0x7780] =	vst v63  }
0x4b: {  	s26 =	simm.s32 $0x200  }
0x4c: {  	[tilespmem:s28], [sflag:$0x1] =	stream.indirect.gather [spmem:s2], $0x8, s26, s18, $0xb8;
	[tilespmem:$0x7780] =	vst v63  }
0x4d: {  	s21 =	simm.s32 $0x280  }
0x4e: {  	[tilespmem:s30], [sflag:$0x1] =	stream.indirect.gather [spmem:s2], $0x8, s21, s18, $0xb8;
	[tilespmem:$0x7780] =	vst v63  }
0x4f: {  	s23 =	simm.s32 $0x300  }
0x50: {  	[tilespmem:s0], [sflag:$0x1] =	stream.indirect.gather [spmem:s2], $0x8, s23, s18, $0xb8;
	[tilespmem:$0x7780] =	vst v63  }
0x51: {  	s26 =	simm.s32 $0x380;
	s21 =	rddreg [dreg:$0x6]  }
0x52: {  	[tilespmem:s7], [sflag:$0x1] =	stream.indirect.gather [spmem:s2], $0x8, s26, s18, $0xb8;
	[tilespmem:$0x7780] =	vst v63  }
0x53: {  	s26 =	sld [smem:$0x7F9]  }
0x54: {  	s1 =	rddreg [dreg:$0x1e];
	s21 =	sadd.s32 $0x0, s21  }
0x55: {  	[tilespmem:s5], [sflag:$0x2] =	stream.linear.gather [hbm4b:s21+s4], $0x400, $0x38;
	[tilespmem:$0x7780] =	vst v63  }
0x56: {  	s23 =	sadd.s32 s26, s1;
	s1 =	rddreg [dreg:$0x1f]  }
0x57: {  	[dreg:$0x7] =	wrdreg s23;
	s23 =	sadd.s32 s26, s1  }
0x58: {  	[dreg:$0x8] =	wrdreg s23  }
0x59: {  	_ =	swait.ge [sflag:s14], $0x400  }
0x5a: {  	s1 =	rddreg [dreg:$0x8];
	[sflag:s14] =	ssyncset.done $0x0  }
0x5b: {  	[sflag:s14] =	ssyncadd.s32 $0xFFFFFC00;
	s21 =	sadd.s32 $0x0, s1  }
0x5c: {  	[tilespmem:s6], [sflag:$0x2] =	stream.linear.gather [hbm4b:s21+s4], $0x400, $0x38;
	[tilespmem:$0x7780] =	vst v63  }
0x5d: {  	_ =	swait.ge [sflag:s14], $0x400  }
0x5e: {  	[sflag:s14] =	ssyncset.done $0x0  }
0x5f: {  	[sflag:s14] =	ssyncadd.s32 $0xFFFFFC00  }
0x60: {  	[tilespmem:s9], [sflag:$0x1] =	stream.indirect.gather [spmem:s2], $0x8, s5, s18, $0xb8;
	[tilespmem:$0x7780] =	vst v63  }
0x61: {  	s23 =	rddreg [dreg:$0x9]  }
0x62: {  	[tilespmem:s10], [sflag:$0x1] =	stream.indirect.gather [spmem:s2], $0x8, s23, s18, $0xb8;
	[tilespmem:$0x7780] =	vst v63  }
0x63: {  	s26 =	rddreg [dreg:$0xa]  }
0x64: {  	[tilespmem:s12], [sflag:$0x1] =	stream.indirect.gather [spmem:s2], $0x8, s26, s18, $0xb8;
	[tilespmem:$0x7780] =	vst v63  }
0x65: {  	s1 =	rddreg [dreg:$0xb]  }
0x66: {  	[tilespmem:s13], [sflag:$0x1] =	stream.indirect.gather [spmem:s2], $0x8, s1, s18, $0xb8;
	[tilespmem:$0x7780] =	vst v63  }
0x67: {  	s26 =	rddreg [dreg:$0xc]  }
0x68: {  	[tilespmem:s16], [sflag:$0x1] =	stream.indirect.gather [spmem:s2], $0x8, s26, s18, $0xb8;
	[tilespmem:$0x7780] =	vst v63  }
0x69: {  	s1 =	rddreg [dreg:$0xd]  }
0x6a: {  	[tilespmem:s24], [sflag:$0x1] =	stream.indirect.gather [spmem:s2], $0x8, s1, s18, $0xb8;
	[tilespmem:$0x7780] =	vst v63  }
0x6b: {  	s26 =	rddreg [dreg:$0xe]  }
0x6c: {  	[tilespmem:s11], [sflag:$0x1] =	stream.indirect.gather [spmem:s2], $0x8, s26, s18, $0xb8;
	[tilespmem:$0x7780] =	vst v63  }
0x6d: {  	s1 =	rddreg [dreg:$0xf]  }
0x6e: {  	[tilespmem:s15], [sflag:$0x1] =	stream.indirect.gather [spmem:s2], $0x8, s1, s18, $0xb8;
	[tilespmem:$0x7780] =	vst v63  }
0x6f: {  	_ =	swait.ge [sflag:s8], $0x2000  }
0x70: {  	[sflag:s8] =	ssyncset.done $0x0  }
0x71: {  	[sflag:s8] =	ssyncadd.s32 $0xFFFFE000  }
0x72: {  	[spmem:s3] =	stream.indirect.scatter.add.f32 [tilespmem:s19], [sflag:$0x2], $0x8, s17, s18, $0xb8;
	[tilespmem:$0x7780] =	vst v63  }
0x73: {  	_ =	swait.ge [sflag:s14], $0x400  }
0x74: {  	[sflag:s14] =	ssyncset.done $0x0  }
0x75: {  	s26 =	rddreg [dreg:$0x10];
	[sflag:s14] =	ssyncadd.s32 $0xFFFFFC00  }
0x76: {  	[spmem:s3] =	stream.indirect.scatter.add.f32 [tilespmem:s20], [sflag:$0x2], $0x8, s26, s18, $0xb8;
	[tilespmem:$0x7780] =	vst v63  }
0x77: {  	_ =	swait.ge [sflag:s14], $0x400  }
0x78: {  	[sflag:s14] =	ssyncset.done $0x0  }
0x79: {  	s1 =	rddreg [dreg:$0x11];
	[sflag:s14] =	ssyncadd.s32 $0xFFFFFC00  }
0x7a: {  	[spmem:s3] =	stream.indirect.scatter.add.f32 [tilespmem:s22], [sflag:$0x2], $0x8, s1, s18, $0xb8;
	[tilespmem:$0x7780] =	vst v63  }
0x7b: {  	_ =	swait.ge [sflag:s14], $0x400  }
0x7c: {  	[sflag:s14] =	ssyncset.done $0x0  }
0x7d: {  	s23 =	rddreg [dreg:$0x12];
	[sflag:s14] =	ssyncadd.s32 $0xFFFFFC00  }
0x7e: {  	[spmem:s3] =	stream.indirect.scatter.add.f32 [tilespmem:s25], [sflag:$0x2], $0x8, s23, s18, $0xb8;
	[tilespmem:$0x7780] =	vst v63  }
0x7f: {  	_ =	swait.ge [sflag:s14], $0x400  }
0x80: {  	[sflag:s14] =	ssyncset.done $0x0  }
0x81: {  	s26 =	rddreg [dreg:$0x13];
	[sflag:s14] =	ssyncadd.s32 $0xFFFFFC00  }
0x82: {  	[spmem:s3] =	stream.indirect.scatter.add.f32 [tilespmem:s28], [sflag:$0x2], $0x8, s26, s18, $0xb8;
	[tilespmem:$0x7780] =	vst v63  }
0x83: {  	_ =	swait.ge [sflag:s14], $0x400  }
0x84: {  	[sflag:s14] =	ssyncset.done $0x0  }
0x85: {  	s1 =	rddreg [dreg:$0x14];
	[sflag:s14] =	ssyncadd.s32 $0xFFFFFC00  }
0x86: {  	[spmem:s3] =	stream.indirect.scatter.add.f32 [tilespmem:s30], [sflag:$0x2], $0x8, s1, s18, $0xb8;
	[tilespmem:$0x7780] =	vst v63  }
0x87: {  	_ =	swait.ge [sflag:s14], $0x400  }
0x88: {  	[sflag:s14] =	ssyncset.done $0x0  }
0x89: {  	s23 =	rddreg [dreg:$0x15];
	[sflag:s14] =	ssyncadd.s32 $0xFFFFFC00  }
0x8a: {  	[spmem:s3] =	stream.indirect.scatter.add.f32 [tilespmem:s0], [sflag:$0x2], $0x8, s23, s18, $0xb8;
	[tilespmem:$0x7780] =	vst v63  }
0x8b: {  	_ =	swait.ge [sflag:s14], $0x400  }
0x8c: {  	[sflag:s14] =	ssyncset.done $0x0  }
0x8d: {  	s26 =	rddreg [dreg:$0x16];
	[sflag:s14] =	ssyncadd.s32 $0xFFFFFC00  }
0x8e: {  	[spmem:s3] =	stream.indirect.scatter.add.f32 [tilespmem:s7], [sflag:$0x2], $0x8, s26, s18, $0xb8;
	[tilespmem:$0x7780] =	vst v63  }
0x8f: {  	_ =	swait.ge [sflag:s14], $0x400  }
0x90: {  	s1 =	rddreg [dreg:$0x5];
	[sflag:s14] =	ssyncset.done $0x0  }
0x91: {  	[sflag:s14] =	ssyncadd.s32 $0xFFFFFC00;
	s21 =	sadd.s32 $0x0, s1  }
0x92: {  	[tilespmem:s4], [sflag:$0x2] =	stream.linear.gather [hbm4b:s21+s4], $0x400, $0x38;
	[tilespmem:$0x7780] =	vst v63  }
0x93: {  	_ =	swait.ge [sflag:s14], $0x400  }
0x94: {  	s23 =	rddreg [dreg:$0x7];
	[sflag:s14] =	ssyncset.done $0x0  }
0x95: {  	[sflag:s14] =	ssyncadd.s32 $0xFFFFFC00;
	s21 =	sadd.s32 $0x0, s23  }
0x96: {  	[tilespmem:s17], [sflag:$0x2] =	stream.linear.gather [hbm4b:s21+s4], $0x400, $0x38;
	[tilespmem:$0x7780] =	vst v63  }
0x97: {  	_ =	swait.ge [sflag:s14], $0x400  }
0x98: {  	[sflag:s14] =	ssyncset.done $0x0  }
0x99: {  	[sflag:s14] =	ssyncadd.s32 $0xFFFFFC00  }
0x9a: {  	[tilespmem:s19], [sflag:$0x1] =	stream.indirect.gather [spmem:s2], $0x8, s4, s18, $0xb8;
	[tilespmem:$0x7780] =	vst v63  }
0x9b: {  	_ = 	snop  }
0x9c: {  	[tilespmem:s20], [sflag:$0x1] =	stream.indirect.gather [spmem:s2], $0x8, s18, s18, $0xb8;
	[tilespmem:$0x7780] =	vst v63  }
0x9d: {  	_ = 	snop  }
0x9e: {  	[tilespmem:s22], [sflag:$0x1] =	stream.indirect.gather [spmem:s2], $0x8, s29, s18, $0xb8;
	[tilespmem:$0x7780] =	vst v63  }
0x9f: {  	_ = 	snop  }
0xa0: {  	[tilespmem:s25], [sflag:$0x1] =	stream.indirect.gather [spmem:s2], $0x8, s31, s18, $0xb8;
	[tilespmem:$0x7780] =	vst v63  }
0xa1: {  	s26 =	simm.s32 $0x200  }
0xa2: {  	[tilespmem:s28], [sflag:$0x1] =	stream.indirect.gather [spmem:s2], $0x8, s26, s18, $0xb8;
	[tilespmem:$0x7780] =	vst v63  }
0xa3: {  	s31 =	simm.s32 $0x280  }
0xa4: {  	[tilespmem:s30], [sflag:$0x1] =	stream.indirect.gather [spmem:s2], $0x8, s31, s18, $0xb8;
	[tilespmem:$0x7780] =	vst v63  }
0xa5: {  	s23 =	simm.s32 $0x300  }
0xa6: {  	[tilespmem:s0], [sflag:$0x1] =	stream.indirect.gather [spmem:s2], $0x8, s23, s18, $0xb8;
	[tilespmem:$0x7780] =	vst v63  }
0xa7: {  	s26 =	simm.s32 $0x380  }
0xa8: {  	[tilespmem:s7], [sflag:$0x1] =	stream.indirect.gather [spmem:s2], $0x8, s26, s18, $0xb8;
	[tilespmem:$0x7780] =	vst v63  }
0xa9: {  	_ =	swait.ge [sflag:s8], $0x2000  }
0xaa: {  	[sflag:s8] =	ssyncset.done $0x0  }
0xab: {  	[sflag:s8] =	ssyncadd.s32 $0xFFFFE000  }
0xac: {  	[spmem:s3] =	stream.indirect.scatter.add.f32 [tilespmem:s9], [sflag:$0x2], $0x8, s6, s18, $0xb8;
	[tilespmem:$0x7780] =	vst v63  }
0xad: {  	_ =	swait.ge [sflag:s14], $0x400  }
0xae: {  	[sflag:s14] =	ssyncset.done $0x0  }
0xaf: {  	s31 =	rddreg [dreg:$0x17];
	[sflag:s14] =	ssyncadd.s32 $0xFFFFFC00  }
0xb0: {  	[spmem:s3] =	stream.indirect.scatter.add.f32 [tilespmem:s10], [sflag:$0x2], $0x8, s31, s18, $0xb8;
	[tilespmem:$0x7780] =	vst v63  }
0xb1: {  	_ =	swait.ge [sflag:s14], $0x400  }
0xb2: {  	[sflag:s14] =	ssyncset.done $0x0  }
0xb3: {  	s23 =	rddreg [dreg:$0x18];
	[sflag:s14] =	ssyncadd.s32 $0xFFFFFC00  }
0xb4: {  	[spmem:s3] =	stream.indirect.scatter.add.f32 [tilespmem:s12], [sflag:$0x2], $0x8, s23, s18, $0xb8;
	[tilespmem:$0x7780] =	vst v63  }
0xb5: {  	_ =	swait.ge [sflag:s14], $0x400  }
0xb6: {  	[sflag:s14] =	ssyncset.done $0x0  }
0xb7: {  	s26 =	rddreg [dreg:$0x19];
	[sflag:s14] =	ssyncadd.s32 $0xFFFFFC00  }
0xb8: {  	[spmem:s3] =	stream.indirect.scatter.add.f32 [tilespmem:s13], [sflag:$0x2], $0x8, s26, s18, $0xb8;
	[tilespmem:$0x7780] =	vst v63  }
0xb9: {  	_ =	swait.ge [sflag:s14], $0x400  }
0xba: {  	[sflag:s14] =	ssyncset.done $0x0  }
0xbb: {  	s31 =	rddreg [dreg:$0x1a];
	[sflag:s14] =	ssyncadd.s32 $0xFFFFFC00  }
0xbc: {  	[spmem:s3] =	stream.indirect.scatter.add.f32 [tilespmem:s16], [sflag:$0x2], $0x8, s31, s18, $0xb8;
	[tilespmem:$0x7780] =	vst v63  }
0xbd: {  	_ =	swait.ge [sflag:s14], $0x400  }
0xbe: {  	[sflag:s14] =	ssyncset.done $0x0  }
0xbf: {  	s23 =	rddreg [dreg:$0x1b];
	[sflag:s14] =	ssyncadd.s32 $0xFFFFFC00  }
0xc0: {  	[spmem:s3] =	stream.indirect.scatter.add.f32 [tilespmem:s24], [sflag:$0x2], $0x8, s23, s18, $0xb8;
	[tilespmem:$0x7780] =	vst v63  }
0xc1: {  	_ =	swait.ge [sflag:s14], $0x400  }
0xc2: {  	[sflag:s14] =	ssyncset.done $0x0  }
0xc3: {  	s26 =	rddreg [dreg:$0x1c];
	[sflag:s14] =	ssyncadd.s32 $0xFFFFFC00  }
0xc4: {  	[spmem:s3] =	stream.indirect.scatter.add.f32 [tilespmem:s11], [sflag:$0x2], $0x8, s26, s18, $0xb8;
	[tilespmem:$0x7780] =	vst v63  }
0xc5: {  	_ =	swait.ge [sflag:s14], $0x400  }
0xc6: {  	[sflag:s14] =	ssyncset.done $0x0  }
0xc7: {  	s31 =	rddreg [dreg:$0x1d];
	[sflag:s14] =	ssyncadd.s32 $0xFFFFFC00  }
0xc8: {  	[spmem:s3] =	stream.indirect.scatter.add.f32 [tilespmem:s15], [sflag:$0x2], $0x8, s31, s18, $0xb8;
	[tilespmem:$0x7780] =	vst v63  }
0xc9: {  	s1 =	simm.s32 $0x100;
	s21 =	simm.s32 $0x100;
	_ =	swait.ge [sflag:s14], $0x400  }
0xca: {  	s23 =	simm.s32 $0x200;
	s29 =	rddreg [dreg:$0x6];
	[sflag:s14] =	ssyncset.done $0x0  }
.LBB2_2:
0xcb: {  	[sflag:s14] =	ssyncadd.s32 $0xFFFFFC00;
	s29 =	sadd.s32 s21, s29  }
0xcc: {  	[tilespmem:s5], [sflag:$0x2] =	stream.linear.gather [hbm4b:s29+s4], $0x400, $0x38;
	[tilespmem:$0x7780] =	vst v63  }
0xcd: {  	_ =	swait.ge [sflag:s14], $0x400  }
0xce: {  	s29 =	rddreg [dreg:$0x8];
	[sflag:s14] =	ssyncset.done $0x0  }
0xcf: {  	[sflag:s14] =	ssyncadd.s32 $0xFFFFFC00;
	s29 =	sadd.s32 s21, s29  }
0xd0: {  	[tilespmem:s6], [sflag:$0x2] =	stream.linear.gather [hbm4b:s29+s4], $0x400, $0x38;
	[tilespmem:$0x7780] =	vst v63  }
0xd1: {  	_ =	swait.ge [sflag:s14], $0x400  }
0xd2: {  	[sflag:s14] =	ssyncset.done $0x0  }
0xd3: {  	[sflag:s14] =	ssyncadd.s32 $0xFFFFFC00  }
0xd4: {  	[tilespmem:s9], [sflag:$0x1] =	stream.indirect.gather [spmem:s2], $0x8, s5, s18, $0xb8;
	[tilespmem:$0x7780] =	vst v63  }
0xd5: {  	s29 =	rddreg [dreg:$0x9]  }
0xd6: {  	[tilespmem:s10], [sflag:$0x1] =	stream.indirect.gather [spmem:s2], $0x8, s29, s18, $0xb8;
	[tilespmem:$0x7780] =	vst v63  }
0xd7: {  	s31 =	rddreg [dreg:$0xa]  }
0xd8: {  	[tilespmem:s12], [sflag:$0x1] =	stream.indirect.gather [spmem:s2], $0x8, s31, s18, $0xb8;
	[tilespmem:$0x7780] =	vst v63  }
0xd9: {  	s29 =	rddreg [dreg:$0xb]  }
0xda: {  	[tilespmem:s13], [sflag:$0x1] =	stream.indirect.gather [spmem:s2], $0x8, s29, s18, $0xb8;
	[tilespmem:$0x7780] =	vst v63  }
0xdb: {  	s31 =	rddreg [dreg:$0xc]  }
0xdc: {  	[tilespmem:s16], [sflag:$0x1] =	stream.indirect.gather [spmem:s2], $0x8, s31, s18, $0xb8;
	[tilespmem:$0x7780] =	vst v63  }
0xdd: {  	s29 =	rddreg [dreg:$0xd]  }
0xde: {  	[tilespmem:s24], [sflag:$0x1] =	stream.indirect.gather [spmem:s2], $0x8, s29, s18, $0xb8;
	[tilespmem:$0x7780] =	vst v63  }
0xdf: {  	s31 =	rddreg [dreg:$0xe]  }
0xe0: {  	[tilespmem:s11], [sflag:$0x1] =	stream.indirect.gather [spmem:s2], $0x8, s31, s18, $0xb8;
	[tilespmem:$0x7780] =	vst v63  }
0xe1: {  	s29 =	rddreg [dreg:$0xf]  }
0xe2: {  	[tilespmem:s15], [sflag:$0x1] =	stream.indirect.gather [spmem:s2], $0x8, s29, s18, $0xb8;
	[tilespmem:$0x7780] =	vst v63  }
0xe3: {  	_ =	swait.ge [sflag:s8], $0x2000  }
0xe4: {  	[sflag:s8] =	ssyncset.done $0x0  }
0xe5: {  	[sflag:s8] =	ssyncadd.s32 $0xFFFFE000  }
0xe6: {  	[spmem:s3] =	stream.indirect.scatter.add.f32 [tilespmem:s19], [sflag:$0x2], $0x8, s17, s18, $0xb8;
	[tilespmem:$0x7780] =	vst v63  }
0xe7: {  	_ =	swait.ge [sflag:s14], $0x400  }
0xe8: {  	[sflag:s14] =	ssyncset.done $0x0  }
0xe9: {  	s29 =	rddreg [dreg:$0x10];
	[sflag:s14] =	ssyncadd.s32 $0xFFFFFC00  }
0xea: {  	[spmem:s3] =	stream.indirect.scatter.add.f32 [tilespmem:s20], [sflag:$0x2], $0x8, s29, s18, $0xb8;
	[tilespmem:$0x7780] =	vst v63  }
0xeb: {  	_ =	swait.ge [sflag:s14], $0x400  }
0xec: {  	[sflag:s14] =	ssyncset.done $0x0  }
0xed: {  	s29 =	rddreg [dreg:$0x11];
	[sflag:s14] =	ssyncadd.s32 $0xFFFFFC00  }
0xee: {  	[spmem:s3] =	stream.indirect.scatter.add.f32 [tilespmem:s22], [sflag:$0x2], $0x8, s29, s18, $0xb8;
	[tilespmem:$0x7780] =	vst v63  }
0xef: {  	_ =	swait.ge [sflag:s14], $0x400  }
0xf0: {  	[sflag:s14] =	ssyncset.done $0x0  }
0xf1: {  	s29 =	rddreg [dreg:$0x12];
	[sflag:s14] =	ssyncadd.s32 $0xFFFFFC00  }
0xf2: {  	[spmem:s3] =	stream.indirect.scatter.add.f32 [tilespmem:s25], [sflag:$0x2], $0x8, s29, s18, $0xb8;
	[tilespmem:$0x7780] =	vst v63  }
0xf3: {  	_ =	swait.ge [sflag:s14], $0x400  }
0xf4: {  	[sflag:s14] =	ssyncset.done $0x0  }
0xf5: {  	s29 =	rddreg [dreg:$0x13];
	[sflag:s14] =	ssyncadd.s32 $0xFFFFFC00  }
0xf6: {  	[spmem:s3] =	stream.indirect.scatter.add.f32 [tilespmem:s28], [sflag:$0x2], $0x8, s29, s18, $0xb8;
	[tilespmem:$0x7780] =	vst v63  }
0xf7: {  	_ =	swait.ge [sflag:s14], $0x400  }
0xf8: {  	[sflag:s14] =	ssyncset.done $0x0  }
0xf9: {  	s29 =	rddreg [dreg:$0x14];
	[sflag:s14] =	ssyncadd.s32 $0xFFFFFC00  }
0xfa: {  	[spmem:s3] =	stream.indirect.scatter.add.f32 [tilespmem:s30], [sflag:$0x2], $0x8, s29, s18, $0xb8;
	[tilespmem:$0x7780] =	vst v63  }
0xfb: {  	_ =	swait.ge [sflag:s14], $0x400  }
0xfc: {  	[sflag:s14] =	ssyncset.done $0x0  }
0xfd: {  	s29 =	rddreg [dreg:$0x15];
	[sflag:s14] =	ssyncadd.s32 $0xFFFFFC00  }
0xfe: {  	[spmem:s3] =	stream.indirect.scatter.add.f32 [tilespmem:s0], [sflag:$0x2], $0x8, s29, s18, $0xb8;
	[tilespmem:$0x7780] =	vst v63  }
0xff: {  	_ =	swait.ge [sflag:s14], $0x400  }
0x100: {  	[sflag:s14] =	ssyncset.done $0x0  }
0x101: {  	s29 =	rddreg [dreg:$0x16];
	[sflag:s14] =	ssyncadd.s32 $0xFFFFFC00  }
0x102: {  	[spmem:s3] =	stream.indirect.scatter.add.f32 [tilespmem:s7], [sflag:$0x2], $0x8, s29, s18, $0xb8;
	[tilespmem:$0x7780] =	vst v63  }
0x103: {  	_ =	swait.ge [sflag:s14], $0x400  }
0x104: {  	s29 =	rddreg [dreg:$0x5];
	[sflag:s14] =	ssyncset.done $0x0  }
0x105: {  	[sflag:s14] =	ssyncadd.s32 $0xFFFFFC00;
	s29 =	sadd.s32 s21, s29  }
0x106: {  	[tilespmem:s4], [sflag:$0x2] =	stream.linear.gather [hbm4b:s29+s4], $0x400, $0x38;
	[tilespmem:$0x7780] =	vst v63  }
0x107: {  	_ =	swait.ge [sflag:s14], $0x400  }
0x108: {  	s29 =	rddreg [dreg:$0x7];
	[sflag:s14] =	ssyncset.done $0x0  }
0x109: {  	[sflag:s14] =	ssyncadd.s32 $0xFFFFFC00;
	s29 =	sadd.s32 s21, s29  }
0x10a: {  	[tilespmem:s17], [sflag:$0x2] =	stream.linear.gather [hbm4b:s29+s4], $0x400, $0x38;
	[tilespmem:$0x7780] =	vst v63  }
0x10b: {  	_ =	swait.ge [sflag:s14], $0x400  }
0x10c: {  	[sflag:s14] =	ssyncset.done $0x0  }
0x10d: {  	[sflag:s14] =	ssyncadd.s32 $0xFFFFFC00  }
0x10e: {  	[tilespmem:s19], [sflag:$0x1] =	stream.indirect.gather [spmem:s2], $0x8, s4, s18, $0xb8;
	[tilespmem:$0x7780] =	vst v63  }
0x10f: {  	_ = 	snop  }
0x110: {  	[tilespmem:s20], [sflag:$0x1] =	stream.indirect.gather [spmem:s2], $0x8, s18, s18, $0xb8;
	[tilespmem:$0x7780] =	vst v63  }
0x111: {  	_ = 	snop  }
0x112: {  	[tilespmem:s22], [sflag:$0x1] =	stream.indirect.gather [spmem:s2], $0x8, s1, s18, $0xb8;
	[tilespmem:$0x7780] =	vst v63  }
0x113: {  	s31 =	simm.s32 $0x180  }
0x114: {  	[tilespmem:s25], [sflag:$0x1] =	stream.indirect.gather [spmem:s2], $0x8, s31, s18, $0xb8;
	[tilespmem:$0x7780] =	vst v63  }
0x115: {  	s31 =	simm.s32 $0x200  }
0x116: {  	[tilespmem:s28], [sflag:$0x1] =	stream.indirect.gather [spmem:s2], $0x8, s31, s18, $0xb8;
	[tilespmem:$0x7780] =	vst v63  }
0x117: {  	s31 =	simm.s32 $0x280  }
0x118: {  	[tilespmem:s30], [sflag:$0x1] =	stream.indirect.gather [spmem:s2], $0x8, s31, s18, $0xb8;
	[tilespmem:$0x7780] =	vst v63  }
0x119: {  	s31 =	simm.s32 $0x300  }
0x11a: {  	[tilespmem:s0], [sflag:$0x1] =	stream.indirect.gather [spmem:s2], $0x8, s31, s18, $0xb8;
	[tilespmem:$0x7780] =	vst v63  }
0x11b: {  	s31 =	simm.s32 $0x380  }
0x11c: {  	[tilespmem:s7], [sflag:$0x1] =	stream.indirect.gather [spmem:s2], $0x8, s31, s18, $0xb8;
	[tilespmem:$0x7780] =	vst v63  }
0x11d: {  	_ =	swait.ge [sflag:s8], $0x2000  }
0x11e: {  	[sflag:s8] =	ssyncset.done $0x0  }
0x11f: {  	[sflag:s8] =	ssyncadd.s32 $0xFFFFE000  }
0x120: {  	[spmem:s3] =	stream.indirect.scatter.add.f32 [tilespmem:s9], [sflag:$0x2], $0x8, s6, s18, $0xb8;
	[tilespmem:$0x7780] =	vst v63  }
0x121: {  	_ =	swait.ge [sflag:s14], $0x400  }
0x122: {  	[sflag:s14] =	ssyncset.done $0x0  }
0x123: {  	s31 =	rddreg [dreg:$0x17];
	[sflag:s14] =	ssyncadd.s32 $0xFFFFFC00  }
0x124: {  	[spmem:s3] =	stream.indirect.scatter.add.f32 [tilespmem:s10], [sflag:$0x2], $0x8, s31, s18, $0xb8;
	[tilespmem:$0x7780] =	vst v63  }
0x125: {  	_ =	swait.ge [sflag:s14], $0x400  }
0x126: {  	[sflag:s14] =	ssyncset.done $0x0  }
0x127: {  	s31 =	rddreg [dreg:$0x18];
	[sflag:s14] =	ssyncadd.s32 $0xFFFFFC00  }
0x128: {  	[spmem:s3] =	stream.indirect.scatter.add.f32 [tilespmem:s12], [sflag:$0x2], $0x8, s31, s18, $0xb8;
	[tilespmem:$0x7780] =	vst v63  }
0x129: {  	_ =	swait.ge [sflag:s14], $0x400  }
0x12a: {  	[sflag:s14] =	ssyncset.done $0x0  }
0x12b: {  	s31 =	rddreg [dreg:$0x19];
	[sflag:s14] =	ssyncadd.s32 $0xFFFFFC00  }
0x12c: {  	[spmem:s3] =	stream.indirect.scatter.add.f32 [tilespmem:s13], [sflag:$0x2], $0x8, s31, s18, $0xb8;
	[tilespmem:$0x7780] =	vst v63  }
0x12d: {  	_ =	swait.ge [sflag:s14], $0x400  }
0x12e: {  	[sflag:s14] =	ssyncset.done $0x0  }
0x12f: {  	s31 =	rddreg [dreg:$0x1a];
	[sflag:s14] =	ssyncadd.s32 $0xFFFFFC00  }
0x130: {  	[spmem:s3] =	stream.indirect.scatter.add.f32 [tilespmem:s16], [sflag:$0x2], $0x8, s31, s18, $0xb8;
	[tilespmem:$0x7780] =	vst v63  }
0x131: {  	_ =	swait.ge [sflag:s14], $0x400  }
0x132: {  	[sflag:s14] =	ssyncset.done $0x0  }
0x133: {  	s31 =	rddreg [dreg:$0x1b];
	[sflag:s14] =	ssyncadd.s32 $0xFFFFFC00  }
0x134: {  	[spmem:s3] =	stream.indirect.scatter.add.f32 [tilespmem:s24], [sflag:$0x2], $0x8, s31, s18, $0xb8;
	[tilespmem:$0x7780] =	vst v63  }
0x135: {  	_ =	swait.ge [sflag:s14], $0x400  }
0x136: {  	[sflag:s14] =	ssyncset.done $0x0  }
0x137: {  	s31 =	rddreg [dreg:$0x1c];
	[sflag:s14] =	ssyncadd.s32 $0xFFFFFC00  }
0x138: {  	[spmem:s3] =	stream.indirect.scatter.add.f32 [tilespmem:s11], [sflag:$0x2], $0x8, s31, s18, $0xb8;
	[tilespmem:$0x7780] =	vst v63  }
0x139: {  	p0 =	sne.s32 s23, $0x400;
	_ =	swait.ge [sflag:s14], $0x400  }
.Ltmp0:
0x13a: {  	[sflag:s14] =	ssyncset.done $0x0;
	(pc) =	sbr.rel @p0 .LBB2_2-.Ltmp0, $4  }
0x13b: {  	s31 =	rddreg [dreg:$0x1d];
	[sflag:s14] =	ssyncadd.s32 $0xFFFFFC00  }
0x13c: {  	[spmem:s3] =	stream.indirect.scatter.add.f32 [tilespmem:s15], [sflag:$0x2], $0x8, s31, s18, $0xb8;
	[tilespmem:$0x7780] =	vst v63  }
0x13d: {  	s26 =	smov.u32 s23;
	s23 =	sadd.s32 $0x100, s23;
	_ =	swait.ge [sflag:s14], $0x400  }
0x13e: {  	s21 =	smov.u32 s26;
	s29 =	rddreg [dreg:$0x6];
	[sflag:s14] =	ssyncset.done $0x0  }
0x13f: {  	[sflag:s14] =	ssyncadd.s32 $0xFFFFFC00;
	s23 =	sadd.s32 s21, s29  }
0x140: {  	[tilespmem:s5], [sflag:$0x2] =	stream.linear.gather [hbm4b:s23+s4], $0x400, $0x38;
	[tilespmem:$0x7780] =	vst v63  }
0x141: {  	_ =	swait.ge [sflag:s14], $0x400  }
0x142: {  	s26 =	rddreg [dreg:$0x8];
	[sflag:s14] =	ssyncset.done $0x0  }
0x143: {  	[sflag:s14] =	ssyncadd.s32 $0xFFFFFC00;
	s23 =	sadd.s32 s21, s26  }
0x144: {  	[tilespmem:s6], [sflag:$0x2] =	stream.linear.gather [hbm4b:s23+s4], $0x400, $0x38;
	[tilespmem:$0x7780] =	vst v63  }
0x145: {  	_ =	swait.ge [sflag:s14], $0x400  }
0x146: {  	[sflag:s14] =	ssyncset.done $0x0  }
0x147: {  	[sflag:s14] =	ssyncadd.s32 $0xFFFFFC00  }
0x148: {  	[tilespmem:s9], [sflag:$0x1] =	stream.indirect.gather [spmem:s2], $0x8, s5, s18, $0xb8;
	[tilespmem:$0x7780] =	vst v63  }
0x149: {  	s31 =	rddreg [dreg:$0x9]  }
0x14a: {  	[tilespmem:s10], [sflag:$0x1] =	stream.indirect.gather [spmem:s2], $0x8, s31, s18, $0xb8;
	[tilespmem:$0x7780] =	vst v63  }
0x14b: {  	s26 =	rddreg [dreg:$0xa]  }
0x14c: {  	[tilespmem:s12], [sflag:$0x1] =	stream.indirect.gather [spmem:s2], $0x8, s26, s18, $0xb8;
	[tilespmem:$0x7780] =	vst v63  }
0x14d: {  	s31 =	rddreg [dreg:$0xb]  }
0x14e: {  	[tilespmem:s13], [sflag:$0x1] =	stream.indirect.gather [spmem:s2], $0x8, s31, s18, $0xb8;
	[tilespmem:$0x7780] =	vst v63  }
0x14f: {  	s26 =	rddreg [dreg:$0xc]  }
0x150: {  	[tilespmem:s16], [sflag:$0x1] =	stream.indirect.gather [spmem:s2], $0x8, s26, s18, $0xb8;
	[tilespmem:$0x7780] =	vst v63  }
0x151: {  	s31 =	rddreg [dreg:$0xd]  }
0x152: {  	[tilespmem:s24], [sflag:$0x1] =	stream.indirect.gather [spmem:s2], $0x8, s31, s18, $0xb8;
	[tilespmem:$0x7780] =	vst v63  }
0x153: {  	s26 =	rddreg [dreg:$0xe]  }
0x154: {  	[tilespmem:s11], [sflag:$0x1] =	stream.indirect.gather [spmem:s2], $0x8, s26, s18, $0xb8;
	[tilespmem:$0x7780] =	vst v63  }
0x155: {  	s31 =	rddreg [dreg:$0xf]  }
0x156: {  	[tilespmem:s15], [sflag:$0x1] =	stream.indirect.gather [spmem:s2], $0x8, s31, s18, $0xb8;
	[tilespmem:$0x7780] =	vst v63  }
0x157: {  	_ =	swait.ge [sflag:s8], $0x2000  }
0x158: {  	[sflag:s8] =	ssyncset.done $0x0  }
0x159: {  	[sflag:s8] =	ssyncadd.s32 $0xFFFFE000  }
0x15a: {  	[spmem:s3] =	stream.indirect.scatter.add.f32 [tilespmem:s19], [sflag:$0x2], $0x8, s17, s18, $0xb8;
	[tilespmem:$0x7780] =	vst v63  }
0x15b: {  	_ =	swait.ge [sflag:s14], $0x400  }
0x15c: {  	[sflag:s14] =	ssyncset.done $0x0  }
0x15d: {  	s26 =	rddreg [dreg:$0x10];
	[sflag:s14] =	ssyncadd.s32 $0xFFFFFC00  }
0x15e: {  	[spmem:s3] =	stream.indirect.scatter.add.f32 [tilespmem:s20], [sflag:$0x2], $0x8, s26, s18, $0xb8;
	[tilespmem:$0x7780] =	vst v63  }
0x15f: {  	_ =	swait.ge [sflag:s14], $0x400  }
0x160: {  	[sflag:s14] =	ssyncset.done $0x0  }
0x161: {  	s31 =	rddreg [dreg:$0x11];
	[sflag:s14] =	ssyncadd.s32 $0xFFFFFC00  }
0x162: {  	[spmem:s3] =	stream.indirect.scatter.add.f32 [tilespmem:s22], [sflag:$0x2], $0x8, s31, s18, $0xb8;
	[tilespmem:$0x7780] =	vst v63  }
0x163: {  	_ =	swait.ge [sflag:s14], $0x400  }
0x164: {  	[sflag:s14] =	ssyncset.done $0x0  }
0x165: {  	s26 =	rddreg [dreg:$0x12];
	[sflag:s14] =	ssyncadd.s32 $0xFFFFFC00  }
0x166: {  	[spmem:s3] =	stream.indirect.scatter.add.f32 [tilespmem:s25], [sflag:$0x2], $0x8, s26, s18, $0xb8;
	[tilespmem:$0x7780] =	vst v63  }
0x167: {  	_ =	swait.ge [sflag:s14], $0x400  }
0x168: {  	[sflag:s14] =	ssyncset.done $0x0  }
0x169: {  	s31 =	rddreg [dreg:$0x13];
	[sflag:s14] =	ssyncadd.s32 $0xFFFFFC00  }
0x16a: {  	[spmem:s3] =	stream.indirect.scatter.add.f32 [tilespmem:s28], [sflag:$0x2], $0x8, s31, s18, $0xb8;
	[tilespmem:$0x7780] =	vst v63  }
0x16b: {  	_ =	swait.ge [sflag:s14], $0x400  }
0x16c: {  	[sflag:s14] =	ssyncset.done $0x0  }
0x16d: {  	s26 =	rddreg [dreg:$0x14];
	[sflag:s14] =	ssyncadd.s32 $0xFFFFFC00  }
0x16e: {  	[spmem:s3] =	stream.indirect.scatter.add.f32 [tilespmem:s30], [sflag:$0x2], $0x8, s26, s18, $0xb8;
	[tilespmem:$0x7780] =	vst v63  }
0x16f: {  	_ =	swait.ge [sflag:s14], $0x400  }
0x170: {  	[sflag:s14] =	ssyncset.done $0x0  }
0x171: {  	s31 =	rddreg [dreg:$0x15];
	[sflag:s14] =	ssyncadd.s32 $0xFFFFFC00  }
0x172: {  	[spmem:s3] =	stream.indirect.scatter.add.f32 [tilespmem:s0], [sflag:$0x2], $0x8, s31, s18, $0xb8;
	[tilespmem:$0x7780] =	vst v63  }
0x173: {  	_ =	swait.ge [sflag:s14], $0x400  }
0x174: {  	[sflag:s14] =	ssyncset.done $0x0  }
0x175: {  	s26 =	rddreg [dreg:$0x16];
	[sflag:s14] =	ssyncadd.s32 $0xFFFFFC00  }
0x176: {  	[spmem:s3] =	stream.indirect.scatter.add.f32 [tilespmem:s7], [sflag:$0x2], $0x8, s26, s18, $0xb8;
	[tilespmem:$0x7780] =	vst v63  }
0x177: {  	_ =	swait.ge [sflag:s14], $0x400  }
0x178: {  	s31 =	rddreg [dreg:$0x5];
	[sflag:s14] =	ssyncset.done $0x0  }
0x179: {  	[sflag:s14] =	ssyncadd.s32 $0xFFFFFC00;
	s23 =	sadd.s32 s21, s31  }
0x17a: {  	[tilespmem:s4], [sflag:$0x2] =	stream.linear.gather [hbm4b:s23+s4], $0x400, $0x38;
	[tilespmem:$0x7780] =	vst v63  }
0x17b: {  	_ =	swait.ge [sflag:s14], $0x400  }
0x17c: {  	s26 =	rddreg [dreg:$0x7];
	[sflag:s14] =	ssyncset.done $0x0  }
0x17d: {  	s31 =	sadd.s32 s21, s26;
	[sflag:s14] =	ssyncadd.s32 $0xFFFFFC00  }
0x17e: {  	[tilespmem:s17], [sflag:$0x2] =	stream.linear.gather [hbm4b:s31+s4], $0x400, $0x38;
	[tilespmem:$0x7780] =	vst v63  }
0x17f: {  	_ =	swait.ge [sflag:s14], $0x400  }
0x180: {  	[sflag:s14] =	ssyncset.done $0x0  }
0x181: {  	[sflag:s14] =	ssyncadd.s32 $0xFFFFFC00  }
0x182: {  	[tilespmem:s19], [sflag:$0x1] =	stream.indirect.gather [spmem:s2], $0x8, s4, s18, $0xb8;
	[tilespmem:$0x7780] =	vst v63  }
0x183: {  	_ = 	snop  }
0x184: {  	[tilespmem:s20], [sflag:$0x1] =	stream.indirect.gather [spmem:s2], $0x8, s18, s18, $0xb8;
	[tilespmem:$0x7780] =	vst v63  }
0x185: {  	_ = 	snop  }
0x186: {  	[tilespmem:s22], [sflag:$0x1] =	stream.indirect.gather [spmem:s2], $0x8, s1, s18, $0xb8;
	[tilespmem:$0x7780] =	vst v63  }
0x187: {  	s23 =	simm.s32 $0x180  }
0x188: {  	[tilespmem:s25], [sflag:$0x1] =	stream.indirect.gather [spmem:s2], $0x8, s23, s18, $0xb8;
	[tilespmem:$0x7780] =	vst v63  }
0x189: {  	s26 =	simm.s32 $0x200  }
0x18a: {  	[tilespmem:s28], [sflag:$0x1] =	stream.indirect.gather [spmem:s2], $0x8, s26, s18, $0xb8;
	[tilespmem:$0x7780] =	vst v63  }
0x18b: {  	s31 =	simm.s32 $0x280  }
0x18c: {  	[tilespmem:s30], [sflag:$0x1] =	stream.indirect.gather [spmem:s2], $0x8, s31, s18, $0xb8;
	[tilespmem:$0x7780] =	vst v63  }
0x18d: {  	s21 =	simm.s32 $0x300  }
0x18e: {  	[tilespmem:s0], [sflag:$0x1] =	stream.indirect.gather [spmem:s2], $0x8, s21, s18, $0xb8;
	[tilespmem:$0x7780] =	vst v63  }
0x18f: {  	s23 =	simm.s32 $0x380  }
0x190: {  	[tilespmem:s7], [sflag:$0x1] =	stream.indirect.gather [spmem:s2], $0x8, s23, s18, $0xb8;
	[tilespmem:$0x7780] =	vst v63  }
0x191: {  	_ =	swait.ge [sflag:s8], $0x2000  }
0x192: {  	[sflag:s8] =	ssyncset.done $0x0  }
0x193: {  	[sflag:s8] =	ssyncadd.s32 $0xFFFFE000  }
0x194: {  	[spmem:s3] =	stream.indirect.scatter.add.f32 [tilespmem:s9], [sflag:$0x2], $0x8, s6, s18, $0xb8;
	[tilespmem:$0x7780] =	vst v63  }
0x195: {  	_ =	swait.ge [sflag:s14], $0x400  }
0x196: {  	[sflag:s14] =	ssyncset.done $0x0  }
0x197: {  	s26 =	rddreg [dreg:$0x17];
	[sflag:s14] =	ssyncadd.s32 $0xFFFFFC00  }
0x198: {  	[spmem:s3] =	stream.indirect.scatter.add.f32 [tilespmem:s10], [sflag:$0x2], $0x8, s26, s18, $0xb8;
	[tilespmem:$0x7780] =	vst v63  }
0x199: {  	_ =	swait.ge [sflag:s14], $0x400  }
0x19a: {  	[sflag:s14] =	ssyncset.done $0x0  }
0x19b: {  	s31 =	rddreg [dreg:$0x18];
	[sflag:s14] =	ssyncadd.s32 $0xFFFFFC00  }
0x19c: {  	[spmem:s3] =	stream.indirect.scatter.add.f32 [tilespmem:s12], [sflag:$0x2], $0x8, s31, s18, $0xb8;
	[tilespmem:$0x7780] =	vst v63  }
0x19d: {  	_ =	swait.ge [sflag:s14], $0x400  }
0x19e: {  	[sflag:s14] =	ssyncset.done $0x0  }
0x19f: {  	s1 =	rddreg [dreg:$0x19];
	[sflag:s14] =	ssyncadd.s32 $0xFFFFFC00  }
0x1a0: {  	[spmem:s3] =	stream.indirect.scatter.add.f32 [tilespmem:s13], [sflag:$0x2], $0x8, s1, s18, $0xb8;
	[tilespmem:$0x7780] =	vst v63  }
0x1a1: {  	_ =	swait.ge [sflag:s14], $0x400  }
0x1a2: {  	[sflag:s14] =	ssyncset.done $0x0  }
0x1a3: {  	s23 =	rddreg [dreg:$0x1a];
	[sflag:s14] =	ssyncadd.s32 $0xFFFFFC00  }
0x1a4: {  	[spmem:s3] =	stream.indirect.scatter.add.f32 [tilespmem:s16], [sflag:$0x2], $0x8, s23, s18, $0xb8;
	[tilespmem:$0x7780] =	vst v63  }
0x1a5: {  	_ =	swait.ge [sflag:s14], $0x400  }
0x1a6: {  	[sflag:s14] =	ssyncset.done $0x0  }
0x1a7: {  	s26 =	rddreg [dreg:$0x1b];
	[sflag:s14] =	ssyncadd.s32 $0xFFFFFC00  }
0x1a8: {  	[spmem:s3] =	stream.indirect.scatter.add.f32 [tilespmem:s24], [sflag:$0x2], $0x8, s26, s18, $0xb8;
	[tilespmem:$0x7780] =	vst v63  }
0x1a9: {  	_ =	swait.ge [sflag:s14], $0x400  }
0x1aa: {  	[sflag:s14] =	ssyncset.done $0x0  }
0x1ab: {  	s31 =	rddreg [dreg:$0x1c];
	[sflag:s14] =	ssyncadd.s32 $0xFFFFFC00  }
0x1ac: {  	[spmem:s3] =	stream.indirect.scatter.add.f32 [tilespmem:s11], [sflag:$0x2], $0x8, s31, s18, $0xb8;
	[tilespmem:$0x7780] =	vst v63  }
0x1ad: {  	_ =	swait.ge [sflag:s14], $0x400  }
0x1ae: {  	[sflag:s14] =	ssyncset.done $0x0  }
0x1af: {  	s1 =	rddreg [dreg:$0x1d];
	[sflag:s14] =	ssyncadd.s32 $0xFFFFFC00  }
0x1b0: {  	[spmem:s3] =	stream.indirect.scatter.add.f32 [tilespmem:s15], [sflag:$0x2], $0x8, s1, s18, $0xb8;
	[tilespmem:$0x7780] =	vst v63  }
0x1b1: {  	_ =	swait.ge [sflag:s14], $0x400  }
0x1b2: {  	[sflag:s14] =	ssyncset.done $0x0  }
0x1b3: {  	[sflag:s14] =	ssyncadd.s32 $0xFFFFFC00  }
0x1b4: {  	_ =	swait.ge [sflag:s8], $0x2000  }
0x1b5: {  	[sflag:s8] =	ssyncset.done $0x0  }
0x1b6: {  	[sflag:s8] =	ssyncadd.s32 $0xFFFFE000  }
0x1b7: {  	[bflag:$0x0] =	sbarrier.arrive $0xFFFF  }
0x1b8: {  	s23 =	sld [smem:$0x7FC]  }
0x1b9: {  	s29 =	sld [smem:$0x7FD]  }
0x1ba: {  	s21 =	sld [smem:$0x7FB];
	_ =	sdelay $0x2  }
0x1bb: {  	[hbm:s21], [sflag:s23] =	dma.local [spmem:s29], $0x278  }
0x1bc: {  	_ =	swait.ge [sflag:s14], $0x278  }
0x1bd: {  	s26 =	sld [smem:$0x7F3]  }
0x1be: {  	s31 =	sld [smem:$0x7F7];
	_ =	sdelay $0x1  }
0x1bf: {  	s1 =	sadd.s32 $0x1, s26  }
0x1c0: {  	p0 =	sne.s32 s1, s31  }
.Ltmp1:
0x1c1: {  	_ = 	snop;
	(pc) =	sbr.rel @p0 .LBB2_1-.Ltmp1, $3  }
0x1c2: {  	_ =	sdelay $0x1  }
0x1c3: {  	[sflag:s14] =	ssyncset.done $0x0  }
0x1c4: {  	[sflag:s14] =	ssyncadd.s32 $0xFFFFFD88  }
0x1c5: {  	_ =	sfence.sel $0x180000  }
0x1c6: {  	[bflag:$0x0] =	sbarrier.arrive $0xFFFF  }
0x1c7: {  	_ =	strace $0x9000004D  }
0x1c8: {  	s0 =	stileid.u32;
	[bflag:$0x2] =	sbarrier.arrive $0xFFFF  }
0x1c9: {  	p0 =	sne.s32 s0, $0x0;
	s0 =	rddreg [dreg:$0x4]  }
0x1ca: {  	s0 =	sadd.s32 @!p0 $0x100000, s0  }
0x1cb: {  	[sflag:s0] =	ssyncadd.tile.s32 @!p0 $0x1;
	_ =	shalt  }
.Lfunc_end2:
_tile_overlayer_lowered:
.L_overlay_start_2:
0x1cc: {  	(tag) =	ssettag $0x2  }
0x1cd: {  	s0 =	rddreg [dreg:$0x0];
	s2 =	stileid.u32  }
0x1ce: {  	s1 =	rddreg [dreg:$0x1];
	p0 =	sne.s32 s2, $0x0  }
0x1cf: {  	s3 =	rddreg [dreg:$0x2];
	[bflag:$0x3] =	sbarrier.arrive $0xFFFF;
	s2 =	simm.s32 @!p0 $0x1C02  }
0x1d0: {  	[timem:s3], [sflag:s2] =	dma.local @!p0 [hbm:s0], s1  }
0x1d1: {  	s0 =	simm.s32 @!p0 $0x2  }
0x1d2: {  	_ =	swait.ge @!p0 [sflag:s0], s1  }
0x1d3: {  	s1 =	ssub.s32 @!p0 $0x0, s1;
	[sflag:s0] =	ssyncset.done @!p0 $0x0  }
0x1d4: {  	[sflag:s0] =	ssyncadd.s32 @!p0 s1  }
0x1d5: {  	[bflag:$0x3] =	sbarrier.arrive $0xFFFF  }
0x1d6: {  	_ =	shalt  }

// kernel: kernel.8.cloned.1.call-start
scs
__scs_entry_jumppad:
0x0: {  	(pc) =	sbr.rel $0x88, $3  }
0x1: {  	(tag) =	ssettag $0x0;
	lr =	simm.s32 $0x1  }
0x2: {  	[smem:$0x3F9B] =	sst lr;
	_ =	strace $0xD0000000  }
0x3: {  	_ = 	snop  }
0x4: {  	_ = 	snop  }
0x5: {  	_ = 	snop  }
0x6: {  	_ = 	snop  }
0x7: {  	_ = 	snop  }
__scs_overlays_trampoline_lowered:
0x8: {  	[smem:$0x3FAA] =	sst s0  }
0x9: {  	[smem:$0x3FAB] =	sst s1  }
0xa: {  	[smem:$0x3FAC] =	sst s2  }
0xb: {  	[smem:$0x3FAD] =	sst s3  }
0xc: {  	[smem:$0x3FAE] =	sst s4  }
0xd: {  	[smem:$0x3FAF] =	sst s5  }
0xe: {  	[smem:$0x3FB0] =	sst s6  }
0xf: {  	[smem:$0x3FB1] =	sst s7  }
0x10: {  	[smem:$0x3FB2] =	sst s8  }
0x11: {  	[smem:$0x3FB3] =	sst s9;
	s0 =	simm.s32 @!p0 $0x0  }
0x12: {  	s1 =	sld [smem:$0x3F99];
	s0 =	simm.s32 @p0 $0x1  }
0x13: {  	[smem:$0x3FB4] =	sst s0;
	s0 =	simm.s32 @!p1 $0x0  }
0x14: {  	s2 =	sld [smem:$0x3F98];
	s0 =	simm.s32 @p1 $0x1  }
0x15: {  	[smem:$0x3FB5] =	sst s0;
	s0 =	simm.s32 @!p2 $0x0  }
0x16: {  	s3 =	sld [smem:$0x3FDB];
	s0 =	simm.s32 @p2 $0x1  }
0x17: {  	s4 =	simm.s32 $0x1BF5;
	[smem:$0x3FB7] =	sst s0  }
0x18: {  	s0 =	sld [smem:$0x3F9A];
	_ =	swait.ge [sflag:s4], $0x0  }
0x19: {  	s7 =	sld [smem:$0x3F9B]  }
0x1a: {  	s8 =	sadd.s32 $0xFFFFE003, lr  }
0x1b: {  	s9 =	sadd.s32 $0xFFFFFEF7, lr;
	s5 =	simm.s32 $0xFFFFFFFF;
	p2 =	slt.u32 s8, $0xFFFFF086  }
0x1c: {  	p1 =	slt.u32 s9, $0xF7A;
	s5 =	simm.s32 @!p2 $0x0  }
0x1d: {  	s5 =	simm.s32 @p1 $0x1;
	p0 =	seq.s32 s7, s2  }
0x1e: {  	s7 =	smul.u32 @!p0 $0xF7A, s2;
	p2 =	seq.s32 @!p0 s5, $0x0  }
0x1f: {  	s9 =	smul.u32 $0xF7A, s1;
	s8 =	simm.s32 @!p0 $0x1BF5;
	p2 =	por !p2, p0  }
0x20: {  	[sflag:s8] =	ssyncset.s32 @!p0 $0xFFFFF086;
	s6 =	sadd.s32 @!p0 s3, s7;
	s7 =	simm.s32 @!p0 $0x108  }
0x21: {  	s3 =	sadd.s32 s3, s9;
	s6 =	sadd.s32 @!p0 $0x88, s6;
	s7 =	simm.s32 @p2 $0x1082  }
0x22: {  	[simem:s7], [sflag:s8] =	dma.local @!p0 [hbm:s6], $0xF7A  }
0x23: {  	s9 =	sor.u32 $0xD0000000, s2;
	s6 =	simm.s32 $0x108;
	_ =	swait.ge @!p0 [sflag:s8], $0x0  }
0x24: {  	s3 =	sadd.s32 $0x88, s3;
	s6 =	simm.s32 @!p1 $0x1082;
	[sflag:s4] =	ssyncset.s32 $0xFFFFF086  }
0x25: {  	[simem:s6], [sflag:s4] =	dma.local [hbm:s3], $0xF7A  }
0x26: {  	[smem:$0x3F9B] =	sst s1;
	(tag) =	ssettag s2;
	_ =	strace s9  }
0x27: {  	s1 =	sld [smem:$0x3FAB]  }
0x28: {  	s2 =	sld [smem:$0x3FAC]  }
0x29: {  	s4 =	sld [smem:$0x3FAE]  }
0x2a: {  	p0 =	seq.s32 s5, $0x0;
	s5 =	sld [smem:$0x3FAF]  }
0x2b: {  	s6 =	sld [smem:$0x3FB0]  }
0x2c: {  	s7 =	sld [smem:$0x3FB1]  }
0x2d: {  	s3 =	simm.s32 $0x108;
	s8 =	sld [smem:$0x3FB2]  }
0x2e: {  	s3 =	simm.s32 @!p0 $0x1082;
	s9 =	sld [smem:$0x3FB3]  }
0x2f: {  	lr =	sadd.s32 s0, s3;
	s0 =	sld [smem:$0x3FAA]  }
0x30: {  	s3 =	sld [smem:$0x3FAD]  }
0x31: {  	[smem:$0x3FB6] =	sst s10  }
0x32: {  	s10 =	sld [smem:$0x3FB4];
	_ =	sdelay $0x3  }
0x33: {  	p0 =	seq.s32 s10, $0x1;
	s10 =	sld [smem:$0x3FB6];
	_ =	sdelay $0x3  }
0x34: {  	[smem:$0x3FB6] =	sst s10  }
0x35: {  	s10 =	sld [smem:$0x3FB5];
	_ =	sdelay $0x3  }
0x36: {  	p1 =	seq.s32 s10, $0x1;
	s10 =	sld [smem:$0x3FB6];
	_ =	sdelay $0x3  }
0x37: {  	[smem:$0x3FB6] =	sst s10  }
0x38: {  	s10 =	sld [smem:$0x3FB7]  }
0x39: {  	_ = 	snop;
	(pc) =	sbr.ind lr, $3  }
0x3a: {  	_ = 	snop  }
0x3b: {  	_ = 	snop  }
0x3c: {  	p2 =	seq.s32 s10, $0x1;
	s10 =	sld [smem:$0x3FB6]  }
0x3d: {  	_ =	shalt  }
0x3e: {  	_ =	shalt  }
0x3f: {  	_ =	shalt  }
0x40: {  	_ =	shalt  }
0x41: {  	_ =	shalt  }
0x42: {  	_ =	shalt  }
0x43: {  	_ =	shalt  }
0x44: {  	_ =	shalt  }
0x45: {  	_ =	shalt  }
0x46: {  	_ =	shalt  }
0x47: {  	_ =	shalt  }
0x48: {  	_ =	shalt  }
0x49: {  	_ =	shalt  }
0x4a: {  	_ =	shalt  }
0x4b: {  	_ =	shalt  }
0x4c: {  	_ =	shalt  }
0x4d: {  	_ =	shalt  }
0x4e: {  	_ =	shalt  }
0x4f: {  	_ =	shalt  }
0x50: {  	_ =	shalt  }
0x51: {  	_ =	shalt  }
0x52: {  	_ =	shalt  }
0x53: {  	_ =	shalt  }
0x54: {  	_ =	shalt  }
0x55: {  	_ =	shalt  }
0x56: {  	_ =	shalt  }
0x57: {  	_ =	shalt  }
0x58: {  	_ =	shalt  }
0x59: {  	_ =	shalt  }
0x5a: {  	_ =	shalt  }
0x5b: {  	_ =	shalt  }
0x5c: {  	_ =	shalt  }
0x5d: {  	_ =	shalt  }
0x5e: {  	_ =	shalt  }
0x5f: {  	_ =	shalt  }
0x60: {  	_ =	shalt  }
0x61: {  	_ =	shalt  }
0x62: {  	_ =	shalt  }
0x63: {  	_ =	shalt  }
0x64: {  	_ =	shalt  }
0x65: {  	_ =	shalt  }
0x66: {  	_ =	shalt  }
0x67: {  	_ =	shalt  }
0x68: {  	_ =	shalt  }
0x69: {  	_ =	shalt  }
0x6a: {  	_ =	shalt  }
0x6b: {  	_ =	shalt  }
0x6c: {  	_ =	shalt  }
0x6d: {  	_ =	shalt  }
0x6e: {  	_ =	shalt  }
0x6f: {  	_ =	shalt  }
0x70: {  	_ =	shalt  }
0x71: {  	_ =	shalt  }
0x72: {  	_ =	shalt  }
0x73: {  	_ =	shalt  }
0x74: {  	_ =	shalt  }
0x75: {  	_ =	shalt  }
0x76: {  	_ =	shalt  }
0x77: {  	_ =	shalt  }
0x78: {  	_ =	shalt  }
0x79: {  	_ =	shalt  }
0x7a: {  	_ =	shalt  }
0x7b: {  	_ =	shalt  }
0x7c: {  	_ =	shalt  }
0x7d: {  	_ =	shalt  }
0x7e: {  	_ =	shalt  }
0x7f: {  	_ =	shalt  }
0x80: {  	_ =	shalt  }
0x81: {  	_ =	shalt  }
0x82: {  	_ =	shalt  }
0x83: {  	_ =	shalt  }
0x84: {  	_ =	shalt  }
0x85: {  	_ =	shalt  }
0x86: {  	_ =	shalt  }
0x87: {  	_ =	shalt  }
.Lfunc_end0:
.L_simem_size_0:
called_computation_lowered:
.L_overlay_start_0:
0x88: {  	s2 =	sld [smem:$0x3FD9]  }
0x89: {  	s3 =	sld [smem:$0x3FFE];
	_ =	sdelay $0x1  }
0x8a: {  	s1 =	srdreg.scid  }
0x8b: {  	s0 =	sand.u32 $0x1, s1  }
0x8c: {  	s17 =	sshll.u32 s0, $0xA;
	s2 =	sadd.s32 s3, s2  }
0x8d: {  	s2 =	sadd.s32 s2, s17  }
0x8e: {  	[smem:$0x3FC2] =	sst s2  }
0x8f: {  	_ = 	snop  }
0x90: {  	s2 =	sld [smem:$0x3FD0];
	(tm) =	ssettm $0x1  }
0x91: {  	s18 =	sld [smem:$0x3FFB];
	_ =	sdelay $0x3  }
0x92: {  	_ =	strace s18  }
0x93: {  	s3 =	sld [smem:$0x3FFC];
	_ =	sdelay $0x3  }
0x94: {  	_ =	strace s3  }
0x95: {  	s3 =	sld [smem:$0x3FFD];
	_ =	sdelay $0x3  }
0x96: {  	_ =	strace s3  }
0x97: {  	_ =	strace $0x8FFFFFFF  }
0x98: {  	s19 =	sld [smem:$0x3FDB];
	_ =	sdelay $0x1  }
0x99: {  	s4 =	simm.s32 $_scs_section_size  }
0x9a: {  	s5 =	simm.s32 $_size__tile_overlayer_lowered;
	s6 =	simm.s32 $_tile_overlayer_lowered  }
0x9b: {  	s22 =	simm.s32 $0x1BFF;
	s21 =	sshll.u32 s6, $0x1;
	s3 =	sadd.s32 s4, s19  }
0x9c: {  	s7 =	simm.s32 $0x0;
	s20 =	sshll.u32 s5, $0x1;
	s5 =	sadd.s32 s21, s3  }
0x9d: {  	[timem:s7], [sflag:s22] =	dma.local [hbm:s5], s20  }
0x9e: {  	_ =	swait.ge [sflag:s22], s20  }
0x9f: {  	s4 =	ssub.s32 $0x0, s20;
	[sflag:s22] =	ssyncset.done $0x0  }
0xa0: {  	[sflag:s22] =	ssyncadd.s32 s4;
	_ =	sdelay $0x1  }
0xa1: {  	s23 =	simm.s32 $0x1B8B  }
0xa2: {  	_ =	swait.ge [sflag:s23], $0x1  }
0xa3: {  	[sflag:s23] =	ssyncset.done $0x0  }
0xa4: {  	s25 =	simm.s32 $0x1B8E;
	s24 =	sld [smem:$0x3FFE];
	[sflag:s23] =	ssyncadd.s32 $0xFFFFFFFF  }
0xa5: {  	s26 =	simm.s32 $execute0_lowered;
	[smem:$0x3FD2] =	sst s25  }
0xa6: {  	s5 =	sshll.u32 s26, $0x1;
	_ =	strace $0x80000046;
	[dreg:$0x1] =	wrdreg $0xFFFFFFFF  }
0xa7: {  	s28 =	simm.s32 $_size_execute0_lowered;
	s3 =	sadd.s32 s3, s5;
	[dreg:$0x0] =	wrdreg $0x0  }
0xa8: {  	s5 =	sshll.u32 s28, $0x1;
	[dreg:$0x2] =	wrdreg s3  }
0xa9: {  	[dreg:$0x3] =	wrdreg s5  }
0xaa: {  	[dreg:$0x4] =	wrdreg $0xC0  }
0xab: {  	_ =	task [dreg:s7], $0x5FFFF  }
0xac: {  	[dreg:$0x1] =	wrdreg $0xFFFFFFFF  }
0xad: {  	[dreg:$0x0] =	wrdreg $0x60  }
0xae: {  	[dreg:$0x2] =	wrdreg s24  }
0xaf: {  	[dreg:$0x3] =	wrdreg s2  }
0xb0: {  	[dreg:$0x4] =	wrdreg $0x8000  }
0xb1: {  	[dreg:$0x5] =	wrdreg $0x9  }
0xb2: {  	_ =	task.clear_ibuf [dreg:s7], $0x6FFFF;
	_ =	strace $0x90000046  }
0xb3: {  	s29 =	simm.s32 $0x9;
	_ =	strace $0x80000048  }
0xb4: {  	_ =	swait.ge [sflag:s29], $0x1  }
0xb5: {  	[sflag:s29] =	ssyncadd.s32 $0xFFFFFFFF  }
0xb6: {  	_ =	strace $0x90000048  }
0xb7: {  	_ =	sfence  }
0xb8: {  	s30 =	sld [smem:$0x0];
	_ =	sdelay $0x2  }
0xb9: {  	s31 =	sshll.u32 s1, $0xD;
	s1 =	sshrl.u32 s1, $0x2  }
0xba: {  	s3 =	sand.u32 $0x4000, s31;
	s1 =	sadd.s32 s1, s30  }
0xbb: {  	s0 =	sor.u32 s3, s0;
	s1 =	sshll.u32 s1, $0x11  }
0xbc: {  	s0 =	sor.u32 s1, s0  }
0xbd: {  	s0 =	sadd.s32 $0x8F2B, s0  }
0xbe: {  	[sflag:s0] =	ssyncadd.remote.s32 $0x1  }
0xbf: {  	_ =	sfence.sel $0xFFFF  }
0xc0: {  	[dreg:$0x0] =	wrdreg $0xFFFFFFFF;
	(pc) =	sbr.abs _section_cstart, $3  }
0xc1: {  	[dreg:$0x1] =	wrdreg $0xFFFFFFFF  }
0xc2: {  	_ =	task.clear_ibuf [dreg:s7], $0x2FFFF;
	_ =	strace $0x9FFFFFFF  }
0xc3: {  	(tm) =	ssettm $0x7FFFFFFF  }
tec
execute0_lowered:
.L_overlay_start_1:
0x0: {  	(tag) =	ssettag $0x1  }
0x1: {  	s6 =	rddreg [dreg:$0x0]  }
0x2: {  	s5 =	rddreg [dreg:$0x1]  }
0x3: {  	s1 =	rddreg [dreg:$0x2]  }
0x4: {  	s0 =	rddreg [dreg:$0x3];
	s2 =	simm.s32 $0x0;
	s3 =	srdreg.scid  }
0x5: {  	s14 =	simm.s32 $0x180;
	s15 =	simm.s32 $0x200;
	s16 =	simm.s32 $0x280  }
0x6: {  	s17 =	simm.s32 $0x300;
	[smem:$0x7FF] =	sst s2;
	s7 =	sand.u32 $0x1, s3  }
0x7: {  	s18 =	simm.s32 $0x380;
	s3 =	stileid.u32;
	s8 =	smul.u32 $0x2780, s7  }
0x8: {  	s4 =	sadd.s32 $0x17200, s6;
	s13 =	sadd.s32 $0xD080, s6;
	s9 =	smul.u32 $0x13C0, s3  }
0x9: {  	_ =	strace $0x80000047;
	s10 =	ssub.s32 $0x2, s7;
	s11 =	smul.u32 $0x5000, s3  }
0xa: {  	s7 =	smul.u32 $0x2800, s7;
	s31 =	sshll.u32 s3, $0x6;
	s12 =	sshrl.u32 s10, $0x1  }
0xb: {  	s8 =	sadd.s32 s8, s6;
	s10 =	ssub.s32 s10, s12;
	s30 =	sadd.s32 s9, s1  }
0xc: {  	s19 =	sshrl.u32 s9, $0x3;
	s7 =	sadd.s32 s7, s11;
	s9 =	sor.u32 $0x1C01, s31  }
0xd: {  	s12 =	simm.s32 $0x80;
	s5 =	sadd.s32 s5, s19;
	s20 =	sadd.s32 $0x17400, s8  }
0xe: {  	s6 =	smax.u32 s10, $0x1;
	s11 =	sshrl.u32 s7, $0x3;
	s7 =	simm.s32 $0x400  }
0xf: {  	s8 =	simm.s32 $0x1;
	s10 =	sshrl.u32 s30, $0x3;
	s11 =	sadd.s32 s13, s11  }
0x10: {  	s13 =	simm.s32 $0x100;
	s19 =	sadd.s32 s19, s20;
	s20 =	simm.s32 $0x0  }
.LBB2_1:
0x11: {  	[tilespmem:s7], [sflag:$0x1] =	stream.linear.gather [hbm4b:s4+s2], $0x400, $0x38;
	[tilespmem:$0x1BC0] =	vst v63  }
0x12: {  	_ =	swait.ge [sflag:s8], $0x400  }
0x13: {  	[sflag:s8] =	ssyncset.done $0x0  }
0x14: {  	[sflag:s8] =	ssyncadd.s32 $0xFFFFFC00  }
0x15: {  	[spmem:s10], [sflag:s9] =	dma.local [hbm:s5], $0x278  }
0x16: {  	_ =	swait.ge [sflag:s8], $0x278  }
0x17: {  	[sflag:s8] =	ssyncset.done $0x0  }
0x18: {  	[sflag:s8] =	ssyncadd.s32 $0xFFFFFD88  }
0x19: {  	s21 =	sadd.s32 $0x0, s11;
	[bflag:$0x0] =	sbarrier.arrive $0xFFFF  }
0x1a: {  	[tilespmem:s2], [sflag:$0x1] =	stream.linear.gather [hbm4b:s21+s2], $0x400, $0x38;
	[tilespmem:$0x1BC0] =	vst v63  }
0x1b: {  	_ =	swait.ge [sflag:s8], $0x400  }
0x1c: {  	[sflag:s8] =	ssyncset.done $0x0  }
0x1d: {  	[sflag:s8] =	ssyncadd.s32 $0xFFFFFC00  }
0x1e: {  	[spmem:s1] =	stream.indirect.scatter.add.f32 [tilespmem:s7], [sflag:$0x1], $0x8, s2, s12, $0xb8;
	[tilespmem:$0x1BC0] =	vst v63  }
0x1f: {  	_ =	swait.ge [sflag:s8], $0x400  }
0x20: {  	[sflag:s8] =	ssyncset.done $0x0  }
0x21: {  	[sflag:s8] =	ssyncadd.s32 $0xFFFFFC00  }
0x22: {  	[spmem:s1] =	stream.indirect.scatter.add.f32 [tilespmem:s7], [sflag:$0x1], $0x8, s12, s12, $0xb8;
	[tilespmem:$0x1BC0] =	vst v63  }
0x23: {  	_ =	swait.ge [sflag:s8], $0x400  }
0x24: {  	[sflag:s8] =	ssyncset.done $0x0  }
0x25: {  	[sflag:s8] =	ssyncadd.s32 $0xFFFFFC00  }
0x26: {  	[spmem:s1] =	stream.indirect.scatter.add.f32 [tilespmem:s7], [sflag:$0x1], $0x8, s13, s12, $0xb8;
	[tilespmem:$0x1BC0] =	vst v63  }
0x27: {  	_ =	swait.ge [sflag:s8], $0x400  }
0x28: {  	[sflag:s8] =	ssyncset.done $0x0  }
0x29: {  	[sflag:s8] =	ssyncadd.s32 $0xFFFFFC00  }
0x2a: {  	[spmem:s1] =	stream.indirect.scatter.add.f32 [tilespmem:s7], [sflag:$0x1], $0x8, s14, s12, $0xb8;
	[tilespmem:$0x1BC0] =	vst v63  }
0x2b: {  	_ =	swait.ge [sflag:s8], $0x400  }
0x2c: {  	[sflag:s8] =	ssyncset.done $0x0  }
0x2d: {  	[sflag:s8] =	ssyncadd.s32 $0xFFFFFC00  }
0x2e: {  	[spmem:s1] =	stream.indirect.scatter.add.f32 [tilespmem:s7], [sflag:$0x1], $0x8, s15, s12, $0xb8;
	[tilespmem:$0x1BC0] =	vst v63  }
0x2f: {  	_ =	swait.ge [sflag:s8], $0x400  }
0x30: {  	[sflag:s8] =	ssyncset.done $0x0  }
0x31: {  	[sflag:s8] =	ssyncadd.s32 $0xFFFFFC00  }
0x32: {  	[spmem:s1] =	stream.indirect.scatter.add.f32 [tilespmem:s7], [sflag:$0x1], $0x8, s16, s12, $0xb8;
	[tilespmem:$0x1BC0] =	vst v63  }
0x33: {  	_ =	swait.ge [sflag:s8], $0x400  }
0x34: {  	[sflag:s8] =	ssyncset.done $0x0  }
0x35: {  	[sflag:s8] =	ssyncadd.s32 $0xFFFFFC00  }
0x36: {  	[spmem:s1] =	stream.indirect.scatter.add.f32 [tilespmem:s7], [sflag:$0x1], $0x8, s17, s12, $0xb8;
	[tilespmem:$0x1BC0] =	vst v63  }
0x37: {  	_ =	swait.ge [sflag:s8], $0x400  }
0x38: {  	[sflag:s8] =	ssyncset.done $0x0  }
0x39: {  	[sflag:s8] =	ssyncadd.s32 $0xFFFFFC00  }
0x3a: {  	[spmem:s1] =	stream.indirect.scatter.add.f32 [tilespmem:s7], [sflag:$0x1], $0x8, s18, s12, $0xb8;
	[tilespmem:$0x1BC0] =	vst v63  }
0x3b: {  	_ =	swait.ge [sflag:s8], $0x400  }
0x3c: {  	s23 =	simm.s32 $0x100;
	s21 =	simm.s32 $0x80;
	[sflag:s8] =	ssyncset.done $0x0  }
.LBB2_2:
0x3d: {  	s24 =	sadd.s32 s21, s11  }
0x3e: {  	[sflag:s8] =	ssyncadd.s32 $0xFFFFFC00;
	s21 =	smov.u32 s23;
	s22 =	sadd.s32 $0x80, s23  }
0x3f: {  	[tilespmem:s2], [sflag:$0x1] =	stream.linear.gather [hbm4b:s24+s2], $0x400, $0x38;
	[tilespmem:$0x1BC0] =	vst v63  }
0x40: {  	p0 =	sne.s32 s23, $0x480;
	_ =	swait.ge [sflag:s8], $0x400  }
0x41: {  	[sflag:s8] =	ssyncset.done $0x0  }
0x42: {  	[sflag:s8] =	ssyncadd.s32 $0xFFFFFC00  }
0x43: {  	[spmem:s1] =	stream.indirect.scatter.add.f32 [tilespmem:s7], [sflag:$0x1], $0x8, s2, s12, $0xb8;
	[tilespmem:$0x1BC0] =	vst v63  }
0x44: {  	_ =	swait.ge [sflag:s8], $0x400  }
0x45: {  	[sflag:s8] =	ssyncset.done $0x0  }
0x46: {  	[sflag:s8] =	ssyncadd.s32 $0xFFFFFC00  }
0x47: {  	[spmem:s1] =	stream.indirect.scatter.add.f32 [tilespmem:s7], [sflag:$0x1], $0x8, s12, s12, $0xb8;
	[tilespmem:$0x1BC0] =	vst v63  }
0x48: {  	_ =	swait.ge [sflag:s8], $0x400  }
0x49: {  	[sflag:s8] =	ssyncset.done $0x0  }
0x4a: {  	[sflag:s8] =	ssyncadd.s32 $0xFFFFFC00  }
0x4b: {  	[spmem:s1] =	stream.indirect.scatter.add.f32 [tilespmem:s7], [sflag:$0x1], $0x8, s13, s12, $0xb8;
	[tilespmem:$0x1BC0] =	vst v63  }
0x4c: {  	_ =	swait.ge [sflag:s8], $0x400  }
0x4d: {  	[sflag:s8] =	ssyncset.done $0x0  }
0x4e: {  	[sflag:s8] =	ssyncadd.s32 $0xFFFFFC00  }
0x4f: {  	[spmem:s1] =	stream.indirect.scatter.add.f32 [tilespmem:s7], [sflag:$0x1], $0x8, s14, s12, $0xb8;
	[tilespmem:$0x1BC0] =	vst v63  }
0x50: {  	_ =	swait.ge [sflag:s8], $0x400  }
0x51: {  	[sflag:s8] =	ssyncset.done $0x0  }
0x52: {  	[sflag:s8] =	ssyncadd.s32 $0xFFFFFC00  }
0x53: {  	[spmem:s1] =	stream.indirect.scatter.add.f32 [tilespmem:s7], [sflag:$0x1], $0x8, s15, s12, $0xb8;
	[tilespmem:$0x1BC0] =	vst v63  }
0x54: {  	_ =	swait.ge [sflag:s8], $0x400  }
0x55: {  	[sflag:s8] =	ssyncset.done $0x0  }
0x56: {  	[sflag:s8] =	ssyncadd.s32 $0xFFFFFC00  }
0x57: {  	[spmem:s1] =	stream.indirect.scatter.add.f32 [tilespmem:s7], [sflag:$0x1], $0x8, s16, s12, $0xb8;
	[tilespmem:$0x1BC0] =	vst v63  }
0x58: {  	_ =	swait.ge [sflag:s8], $0x400  }
0x59: {  	[sflag:s8] =	ssyncset.done $0x0  }
0x5a: {  	[sflag:s8] =	ssyncadd.s32 $0xFFFFFC00  }
0x5b: {  	[spmem:s1] =	stream.indirect.scatter.add.f32 [tilespmem:s7], [sflag:$0x1], $0x8, s17, s12, $0xb8;
	[tilespmem:$0x1BC0] =	vst v63  }
0x5c: {  	_ =	swait.ge [sflag:s8], $0x400  }
.Ltmp0:
0x5d: {  	[sflag:s8] =	ssyncset.done $0x0;
	(pc) =	sbr.rel @p0 .LBB2_2-.Ltmp0, $4  }
0x5e: {  	[sflag:s8] =	ssyncadd.s32 $0xFFFFFC00  }
0x5f: {  	[spmem:s1] =	stream.indirect.scatter.add.f32 [tilespmem:s7], [sflag:$0x1], $0x8, s18, s12, $0xb8;
	[tilespmem:$0x1BC0] =	vst v63  }
0x60: {  	_ =	swait.ge [sflag:s8], $0x400  }
0x61: {  	s23 =	smov.u32 s22;
	[sflag:s8] =	ssyncset.done $0x0  }
0x62: {  	s21 =	sadd.s32 s21, s11;
	[sflag:s8] =	ssyncadd.s32 $0xFFFFFC00  }
0x63: {  	[tilespmem:s2], [sflag:$0x1] =	stream.linear.gather [hbm4b:s21+s2], $0x400, $0x38;
	[tilespmem:$0x1BC0] =	vst v63  }
0x64: {  	_ =	swait.ge [sflag:s8], $0x400  }
0x65: {  	[sflag:s8] =	ssyncset.done $0x0  }
0x66: {  	[sflag:s8] =	ssyncadd.s32 $0xFFFFFC00  }
0x67: {  	[spmem:s1] =	stream.indirect.scatter.add.f32 [tilespmem:s7], [sflag:$0x1], $0x8, s2, s12, $0xb8;
	[tilespmem:$0x1BC0] =	vst v63  }
0x68: {  	_ =	swait.ge [sflag:s8], $0x400  }
0x69: {  	[sflag:s8] =	ssyncset.done $0x0  }
0x6a: {  	[sflag:s8] =	ssyncadd.s32 $0xFFFFFC00  }
0x6b: {  	[spmem:s1] =	stream.indirect.scatter.add.f32 [tilespmem:s7], [sflag:$0x1], $0x8, s12, s12, $0xb8;
	[tilespmem:$0x1BC0] =	vst v63  }
0x6c: {  	_ =	swait.ge [sflag:s8], $0x400  }
0x6d: {  	[sflag:s8] =	ssyncset.done $0x0  }
0x6e: {  	[sflag:s8] =	ssyncadd.s32 $0xFFFFFC00  }
0x6f: {  	[spmem:s1] =	stream.indirect.scatter.add.f32 [tilespmem:s7], [sflag:$0x1], $0x8, s13, s12, $0xb8;
	[tilespmem:$0x1BC0] =	vst v63  }
0x70: {  	_ =	swait.ge [sflag:s8], $0x400  }
0x71: {  	[sflag:s8] =	ssyncset.done $0x0  }
0x72: {  	[sflag:s8] =	ssyncadd.s32 $0xFFFFFC00  }
0x73: {  	[spmem:s1] =	stream.indirect.scatter.add.f32 [tilespmem:s7], [sflag:$0x1], $0x8, s14, s12, $0xb8;
	[tilespmem:$0x1BC0] =	vst v63  }
0x74: {  	_ =	swait.ge [sflag:s8], $0x400  }
0x75: {  	[sflag:s8] =	ssyncset.done $0x0  }
0x76: {  	[sflag:s8] =	ssyncadd.s32 $0xFFFFFC00  }
0x77: {  	[spmem:s1] =	stream.indirect.scatter.add.f32 [tilespmem:s7], [sflag:$0x1], $0x8, s15, s12, $0xb8;
	[tilespmem:$0x1BC0] =	vst v63  }
0x78: {  	_ =	swait.ge [sflag:s8], $0x400  }
0x79: {  	[sflag:s8] =	ssyncset.done $0x0  }
0x7a: {  	[sflag:s8] =	ssyncadd.s32 $0xFFFFFC00  }
0x7b: {  	[spmem:s1] =	stream.indirect.scatter.add.f32 [tilespmem:s7], [sflag:$0x1], $0x8, s16, s12, $0xb8;
	[tilespmem:$0x1BC0] =	vst v63  }
0x7c: {  	_ =	swait.ge [sflag:s8], $0x400  }
0x7d: {  	[sflag:s8] =	ssyncset.done $0x0  }
0x7e: {  	[sflag:s8] =	ssyncadd.s32 $0xFFFFFC00  }
0x7f: {  	[spmem:s1] =	stream.indirect.scatter.add.f32 [tilespmem:s7], [sflag:$0x1], $0x8, s17, s12, $0xb8;
	[tilespmem:$0x1BC0] =	vst v63  }
0x80: {  	_ =	swait.ge [sflag:s8], $0x400  }
0x81: {  	[sflag:s8] =	ssyncset.done $0x0  }
0x82: {  	[sflag:s8] =	ssyncadd.s32 $0xFFFFFC00  }
0x83: {  	[spmem:s1] =	stream.indirect.scatter.add.f32 [tilespmem:s7], [sflag:$0x1], $0x8, s18, s12, $0xb8;
	[tilespmem:$0x1BC0] =	vst v63  }
0x84: {  	_ =	swait.ge [sflag:s8], $0x400  }
0x85: {  	s20 =	sadd.s32 $0x1, s20;
	[sflag:s8] =	ssyncset.done $0x0  }
0x86: {  	p0 =	sne.s32 s20, s6;
	[sflag:s8] =	ssyncadd.s32 $0xFFFFFC00  }
.Ltmp1:
0x87: {  	[bflag:$0x0] =	sbarrier.arrive $0xFFFF;
	(pc) =	sbr.rel @p0 .LBB2_1-.Ltmp1, $4  }
0x88: {  	[hbm:s19], [sflag:s9] =	dma.local [spmem:s10], $0x278  }
0x89: {  	_ =	swait.ge [sflag:s8], $0x278  }
0x8a: {  	[sflag:s8] =	ssyncset.done $0x0  }
0x8b: {  	[sflag:s8] =	ssyncadd.s32 $0xFFFFFD88  }
0x8c: {  	_ =	sfence.sel $0x180000  }
0x8d: {  	[bflag:$0x0] =	sbarrier.arrive $0xFFFF  }
0x8e: {  	p0 =	sne.s32 s3, $0x0;
	_ =	strace $0x90000047  }
0x8f: {  	s0 =	sadd.s32 @!p0 $0x100000, s0;
	[bflag:$0x2] =	sbarrier.arrive $0xFFFF  }
0x90: {  	[sflag:s0] =	ssyncadd.tile.s32 @!p0 $0x1;
	_ =	shalt  }
.Lfunc_end2:
_tile_overlayer_lowered:
.L_overlay_start_2:
0x91: {  	(tag) =	ssettag $0x2  }
0x92: {  	s0 =	rddreg [dreg:$0x0];
	s2 =	stileid.u32  }
0x93: {  	s1 =	rddreg [dreg:$0x1];
	p0 =	sne.s32 s2, $0x0  }
0x94: {  	s3 =	rddreg [dreg:$0x2];
	[bflag:$0x3] =	sbarrier.arrive $0xFFFF;
	s2 =	simm.s32 @!p0 $0x1C01  }
0x95: {  	[timem:s3], [sflag:s2] =	dma.local @!p0 [hbm:s0], s1  }
0x96: {  	s0 =	simm.s32 @!p0 $0x1  }
0x97: {  	_ =	swait.ge @!p0 [sflag:s0], s1  }
0x98: {  	s1 =	ssub.s32 @!p0 $0x0, s1;
	[sflag:s0] =	ssyncset.done @!p0 $0x0  }
0x99: {  	[sflag:s0] =	ssyncadd.s32 @!p0 s1  }
0x9a: {  	[bflag:$0x3] =	sbarrier.arrive $0xFFFF  }
0x9b: {  	_ =	shalt  }

</sc_bundles>
